<compile_context>
chip_gen: v7x
topology: tpu7x:2x2x1
jax: 0.10.2.dev20260603
libtpu: 0.0.44.dev20260713+nightly
codegen_flags: <defaults>
</compile_context>

<pallas_src>
import jax
import jax.numpy as jnp
from jax import lax
from jax.experimental import pallas as pl
from jax.experimental.pallas import tpu as pltpu
from jax.experimental.pallas import tpu_sc as plsc

N = 50000
E = 800000
NODE_DIM = 7
EDGE_DIM = 5
H = 64
HH = H // 2

NP = 50048
STRIPE = NP // 16
TILE_EP = NP
E_PAD = 16 * TILE_EP
SB = 128
NSB = TILE_EP // SB

_C = 0.7978845608028654
_K1 = -2.0 * _C
_K2 = -2.0 * _C * 0.044715


def _ln(x, g, b):
    m = jnp.mean(x, axis=-1, keepdims=True)
    v = jnp.mean((x - m) ** 2, axis=-1, keepdims=True)
    return (x - m) * jax.lax.rsqrt(v + 1e-5) * g + b



_NODE_BLK = 3128


def _pre_body(x_ref, w_in_ref, b_in_ref, g1_ref, b1_ref, w1_ref, w2_ref,
              h_ref, a_ref, b_ref):
    h = jnp.dot(x_ref[...], w_in_ref[...], preferred_element_type=jnp.float32)
    h = h + b_in_ref[...]
    h = _ln(h, g1_ref[...], b1_ref[...])
    h = 0.5 * h * (1.0 + lax.erf(h * 0.7071067811865476))
    h_ref[...] = h
    a = jnp.dot(h, w1_ref[...], preferred_element_type=jnp.float32)
    b = jnp.dot(h, w2_ref[...], preferred_element_type=jnp.float32)
    a_ref[0] = a[:, :HH]
    a_ref[1] = a[:, HH:]
    b_ref[0] = b[:, :HH]
    b_ref[1] = b[:, HH:]


def _tc_pre(x_pad, W_in, b_in, g1, b1, W1, W2):
    grid = (NP // _NODE_BLK,)
    return pl.pallas_call(
        _pre_body,
        grid=grid,
        in_specs=[
            pl.BlockSpec((_NODE_BLK, NODE_DIM), lambda i: (i, 0)),
            pl.BlockSpec((NODE_DIM, H), lambda i: (0, 0)),
            pl.BlockSpec((1, H), lambda i: (0, 0)),
            pl.BlockSpec((1, H), lambda i: (0, 0)),
            pl.BlockSpec((1, H), lambda i: (0, 0)),
            pl.BlockSpec((H, H), lambda i: (0, 0)),
            pl.BlockSpec((H, H), lambda i: (0, 0)),
        ],
        out_specs=[
            pl.BlockSpec((_NODE_BLK, H), lambda i: (i, 0)),
            pl.BlockSpec((2, _NODE_BLK, HH), lambda i: (0, i, 0)),
            pl.BlockSpec((2, _NODE_BLK, HH), lambda i: (0, i, 0)),
        ],
        out_shape=[
            jax.ShapeDtypeStruct((NP, H), jnp.float32),
            jax.ShapeDtypeStruct((2, NP, HH), jnp.float32),
            jax.ShapeDtypeStruct((2, NP, HH), jnp.float32),
        ],
    )(x_pad, W_in, b_in, g1, b1, W1, W2)


def _cproj_body(ea4_ref, w0_ref, w1_ref, b0_ref, b1_ref, c_ref):
    ea4 = ea4_ref[...]
    c_ref[0] = jnp.dot(ea4, w0_ref[...],
                       preferred_element_type=jnp.float32) + b0_ref[...]
    c_ref[1] = jnp.dot(ea4, w1_ref[...],
                       preferred_element_type=jnp.float32) + b1_ref[...]


_EBLK4 = 2000


def _tc_cproj(ea4, W3_0, W3_1, b4_0, b4_1):
    grid = (E // 4 // _EBLK4,)
    return pl.pallas_call(
        _cproj_body,
        grid=grid,
        in_specs=[
            pl.BlockSpec((_EBLK4, 4 * EDGE_DIM), lambda i: (i, 0)),
            pl.BlockSpec((4 * EDGE_DIM, 4 * HH), lambda i: (0, 0)),
            pl.BlockSpec((4 * EDGE_DIM, 4 * HH), lambda i: (0, 0)),
            pl.BlockSpec((1, 4 * HH), lambda i: (0, 0)),
            pl.BlockSpec((1, 4 * HH), lambda i: (0, 0)),
        ],
        out_specs=pl.BlockSpec((2, _EBLK4, 4 * HH), lambda i: (0, i, 0)),
        out_shape=jax.ShapeDtypeStruct((2, E_PAD // 4, 4 * HH), jnp.float32),
    )(ea4, W3_0, W3_1, b4_0, b4_1)


def _post_body(h_ref, g0_ref, g1_ref, wu_ref, bu_ref, ln_g_ref, ln_b_ref,
               o_ref):
    wu = wu_ref[...]
    upd = jnp.dot(g0_ref[0], wu[:HH, :], preferred_element_type=jnp.float32)
    upd = upd + jnp.dot(g1_ref[0], wu[HH:, :],
                        preferred_element_type=jnp.float32)
    upd = upd + bu_ref[...]
    o_ref[...] = _ln(h_ref[...] + upd, ln_g_ref[...], ln_b_ref[...])


def _tc_post(h_pad, agg, W_upd, b_upd, g2, b2):
    grid = (N // 2000,)
    return pl.pallas_call(
        _post_body,
        grid=grid,
        in_specs=[
            pl.BlockSpec((2000, H), lambda i: (i, 0)),
            pl.BlockSpec((1, 2000, HH), lambda i: (0, i, 0)),
            pl.BlockSpec((1, 2000, HH), lambda i: (1, i, 0)),
            pl.BlockSpec((H, H), lambda i: (0, 0)),
            pl.BlockSpec((1, H), lambda i: (0, 0)),
            pl.BlockSpec((1, H), lambda i: (0, 0)),
            pl.BlockSpec((1, H), lambda i: (0, 0)),
        ],
        out_specs=pl.BlockSpec((2000, H), lambda i: (i, 0)),
        out_shape=jax.ShapeDtypeStruct((N, H), jnp.float32),
    )(h_pad, agg, agg, W_upd, b_upd, g2, b2)




_GC = (3.9828342073e-01, -6.5184417508e-02, 9.0751180176e-03,
       -8.8165705090e-04, 5.5490604605e-05, -2.0070767524e-06,
       3.1365727279e-08)


def _gelu_poly(s):
    t = jnp.minimum(jnp.maximum(s, -3.8), 3.8)
    u = t * t
    p = jnp.float32(_GC[6])
    for c in _GC[5::-1]:
        p = p * u + jnp.float32(c)
    return s * (0.5 + t * p)


def _sc_edge_body(a_hbm, b_hbm, c_hbm, src_hbm, dst_hbm, out_hbm,
                  sidx0, bidx0, lidx0, sidx1, bidx1, lidx1,
                  ra0, rb0, rc0, ra1, rb1, rc1, mb0, agg_sh,
                  si0, sd0, sa0, sba0, sca0, si1, sd1, sa1, sba1, sca1):
    cid = lax.axis_index("c")
    sid = lax.axis_index("s")
    rbase = cid * NP
    soff = sid * STRIPE
    ebase = sid * TILE_EP
    cbase4 = cid * (E_PAD // 4) + sid * (TILE_EP // 4)

    zero16 = jnp.zeros((16,), jnp.float32)

    def _zb(i, _):
        mb0[i, pl.ds(0, 16)] = zero16
        mb0[i, pl.ds(16, 16)] = zero16
        return 0

    lax.fori_loop(0, SB, _zb, 0)
    for k in range(STRIPE // SB):
        pltpu.sync_copy(mb0, agg_sh.at[pl.ds(soff + k * SB, SB)])
    pltpu.sync_copy(mb0.at[pl.ds(0, STRIPE % SB)],
                    agg_sh.at[pl.ds(soff + (STRIPE // SB) * SB, STRIPE % SB)])
    plsc.subcore_barrier()

    slot0 = (sidx0, bidx0, lidx0, ra0, rb0, rc0, mb0, si0, sd0, sa0, sba0, sca0)
    slot1 = (sidx1, bidx1, lidx1, ra1, rb1, rc1, mb0, si1, sd1, sa1, sba1, sca1)
    last = NSB - 1

    def s1(sl, t):
        sidx, bidx, lidx, ra, rb, rc, mb, s_i, s_d, sa, sbm, scm = sl
        off = pl.multiple_of(ebase + t * SB, 128)
        pltpu.async_copy(src_hbm.at[pl.ds(off, SB)], sidx, s_i)
        pltpu.async_copy(dst_hbm.at[pl.ds(off, SB)], lidx, s_d)

    def s2(sl, t):
        sidx, bidx, lidx, ra, rb, rc, mb, s_i, s_d, sa, sbm, scm = sl
        pltpu.make_async_copy(src_hbm.at[pl.ds(0, SB)], sidx, s_i).wait()
        pltpu.make_async_copy(dst_hbm.at[pl.ds(0, SB)], lidx, s_d).wait()
        for k in range(SB // 16):
            ssl = pl.ds(k * 16, 16)
            sidx[ssl] = sidx[ssl] + rbase
            bidx[ssl] = lidx[ssl] + rbase
        pltpu.async_copy(a_hbm.at[sidx], ra, sa)
        pltpu.async_copy(b_hbm.at[bidx], rb, sbm)
        pltpu.async_copy(c_hbm.at[pl.ds(cbase4 + t * (SB // 4), SB // 4)],
                         rc, scm)

    def s3(sl):
        sidx, bidx, lidx, ra, rb, rc, mb, s_i, s_d, sa, sbm, scm = sl
        pltpu.make_async_copy(a_hbm.at[pl.ds(0, SB)], ra, sa).wait()
        pltpu.make_async_copy(b_hbm.at[pl.ds(0, SB)], rb, sbm).wait()
        pltpu.make_async_copy(c_hbm.at[pl.ds(0, SB // 4)], rc, scm).wait()

        def _g4(g4, _):
            for q in range(4):
                for j in range(HH // 16):
                    sl16 = pl.ds(j * 16, 16)
                    s = (ra[g4 * 4 + q, sl16] + rb[g4 * 4 + q, sl16]
                         + rc[g4, pl.ds(q * HH + j * 16, 16)])
                    mb[g4 * 4 + q, sl16] = _gelu_poly(s)
            return 0

        lax.fori_loop(0, SB // 4, _g4, 0)
        pltpu.sync_copy(mb, agg_sh.at[lidx], add=True)

    s1(slot0, 0)
    s2(slot0, 0)
    s1(slot1, 1)

    def _pair(g, _):
        s2(slot1, 2 * g + 1)
        s3(slot0)
        s1(slot0, jnp.minimum(2 * g + 2, last))
        s2(slot0, 2 * g + 2)
        s3(slot1)
        s1(slot1, jnp.minimum(2 * g + 3, last))
        return 0

    lax.fori_loop(0, (NSB - 1) // 2, _pair, 0)
    s3(slot0)
    pltpu.make_async_copy(src_hbm.at[pl.ds(0, SB)], sidx1, si1).wait()
    pltpu.make_async_copy(dst_hbm.at[pl.ds(0, SB)], lidx1, sd1).wait()

    plsc.subcore_barrier()
    pltpu.sync_copy(agg_sh.at[pl.ds(soff, STRIPE)],
                    out_hbm.at[cid, pl.ds(soff, STRIPE)])


def _sc_edge(A, B, C4, src_pad, dst_pad):
    mesh = plsc.VectorSubcoreMesh(core_axis_name="c", subcore_axis_name="s")
    fn = pl.kernel(
        _sc_edge_body, mesh=mesh,
        out_type=jax.ShapeDtypeStruct((2, NP, HH), jnp.float32),
        compiler_params=pltpu.CompilerParams(use_tc_tiling_on_sc=False),
        scratch_types=(
            [pltpu.VMEM((SB,), jnp.int32)] * 6
            + [pltpu.VMEM((SB, HH), jnp.float32),
               pltpu.VMEM((SB, HH), jnp.float32),
               pltpu.VMEM((SB // 4, 4 * HH), jnp.float32),
               pltpu.VMEM((SB, HH), jnp.float32),
               pltpu.VMEM((SB, HH), jnp.float32),
               pltpu.VMEM((SB // 4, 4 * HH), jnp.float32),
               pltpu.VMEM((SB, HH), jnp.float32),
               pltpu.VMEM_SHARED((NP, HH), jnp.float32)]
            + [pltpu.SemaphoreType.DMA] * 10
        ),
    )
    return fn(A.reshape(2 * NP, HH), B.reshape(2 * NP, HH),
              C4.reshape(2 * (E_PAD // 4), 4 * HH), src_pad, dst_pad)




def kernel(x, edge_index, edge_attr, W_in, b_in, ln1_g, ln1_b,
           W_msg, b_msg, W_upd, b_upd, ln2_g, ln2_b):
    W1 = W_msg[:H]
    W2 = W_msg[H:2 * H]
    W3 = W_msg[2 * H:]
    x_pad = jnp.pad(x, ((0, NP - N), (0, 0)))
    src_pad = jnp.pad(edge_index[0], (0, E_PAD - E))
    dst_pad = jnp.pad(edge_index[1], (0, E_PAD - E), constant_values=N)
    ea4 = edge_attr.astype(jnp.float32).reshape(E // 4, 4 * EDGE_DIM)
    eye4 = jnp.eye(4, dtype=jnp.float32)
    W3_0 = jnp.kron(eye4, W3[:, :HH])
    W3_1 = jnp.kron(eye4, W3[:, HH:])
    b4_0 = jnp.tile(b_msg[:HH], 4).reshape(1, 4 * HH)
    b4_1 = jnp.tile(b_msg[HH:], 4).reshape(1, 4 * HH)
    h_pad, A, B = _tc_pre(x_pad, W_in, b_in.reshape(1, H),
                          ln1_g.reshape(1, H), ln1_b.reshape(1, H), W1, W2)
    C4 = _tc_cproj(ea4, W3_0, W3_1, b4_0, b4_1)
    agg = _sc_edge(A, B, C4, src_pad, dst_pad)
    return _tc_post(h_pad, agg, W_upd, b_upd.reshape(1, H),
                    ln2_g.reshape(1, H), ln2_b.reshape(1, H))

# --- scband reference (transcript-rebuilt; emitter-appended) ---
"""Pipeline reference for scband-shared-pixel-encoder-3719441678840 (READ-ONLY COPY).

The authoritative reference and input builder live on the scoring server;
editing this copy changes nothing except your own understanding.
"""

import jax, jax.numpy as jnp
import numpy as np

N = 50000
E = 800000
NODE_DIM = 7
EDGE_DIM = 5
H = 64


def _ln(x, g, b):
    m = jnp.mean(x, axis=-1, keepdims=True)
    v = jnp.mean((x - m) ** 2, axis=-1, keepdims=True)
    return (x - m) / jnp.sqrt(v + 1e-5) * g + b


def setup_inputs(seed: int = 0) -> dict:
    key = jax.random.key(seed)
    ks = jax.random.split(key, 8)
    x = jax.random.normal(ks[0], (N, NODE_DIM), dtype=jnp.float32)
    edge_index = jax.random.randint(ks[1], (2, E), 0, N, dtype=jnp.int32)
    edge_attr = jax.random.normal(ks[2], (E, EDGE_DIM), dtype=jnp.float32)
    W_in = jax.random.normal(ks[3], (NODE_DIM, H), dtype=jnp.float32) / np.sqrt(NODE_DIM)
    b_in = jnp.zeros((H,), dtype=jnp.float32)
    ln1_g = jnp.ones((H,), dtype=jnp.float32)
    ln1_b = jnp.zeros((H,), dtype=jnp.float32)
    W_msg = jax.random.normal(ks[4], (2 * H + EDGE_DIM, H), dtype=jnp.float32) / np.sqrt(2 * H + EDGE_DIM)
    b_msg = jnp.zeros((H,), dtype=jnp.float32)
    W_upd = jax.random.normal(ks[5], (H, H), dtype=jnp.float32) / np.sqrt(H)
    b_upd = jnp.zeros((H,), dtype=jnp.float32)
    ln2_g = jnp.ones((H,), dtype=jnp.float32)
    ln2_b = jnp.zeros((H,), dtype=jnp.float32)
    return {"x": x, "edge_index": edge_index, "edge_attr": edge_attr,
            "W_in": W_in, "b_in": b_in, "ln1_g": ln1_g, "ln1_b": ln1_b,
            "W_msg": W_msg, "b_msg": b_msg, "W_upd": W_upd, "b_upd": b_upd,
            "ln2_g": ln2_g, "ln2_b": ln2_b}


def reference(x, edge_index, edge_attr, W_in, b_in, ln1_g, ln1_b, W_msg, b_msg, W_upd, b_upd, ln2_g, ln2_b):
    # input_proj: Linear -> LayerNorm -> GELU (dropout is identity in eval)
    h = x.astype(jnp.float32) @ W_in + b_in
    h = _ln(h, ln1_g, ln1_b)
    h = jax.nn.gelu(h, approximate=False)
    # EdgeAwarePixelMessageLayer: edge-conditioned message passing with
    # scatter-add aggregation, linear update, residual + LayerNorm
    src = edge_index[0]
    dst = edge_index[1]
    h_src = jnp.take(h, src, axis=0)
    h_dst = jnp.take(h, dst, axis=0)
    m_in = jnp.concatenate([h_src, h_dst, edge_attr.astype(jnp.float32)], axis=-1)
    m = jax.nn.gelu(m_in @ W_msg + b_msg, approximate=False)
    agg = jax.ops.segment_sum(m, dst, num_segments=N)
    h = _ln(h + (agg @ W_upd + b_upd), ln2_g, ln2_b)
    return h

if __name__ == "__main__":
    import jax
    _d = setup_inputs()
    print(jax.jit(kernel)(*tuple(_d.values())))

</pallas_src>

<mosaic_0001>
#map = affine_map<(d0, d1) -> (0, 0)>
#map1 = affine_map<(d0, d1) -> (0)>
#map2 = affine_map<(d0, d1) -> (0, 0, 0)>
module attributes {stable_mosaic.version = 14 : i64} {
  func.func @_sc_edge_body(%arg0: i32, %arg1: i32, %arg2: memref<100096x32xf32, #tpu.memory_space<hbm>>, %arg3: memref<100096x32xf32, #tpu.memory_space<hbm>>, %arg4: memref<400384x128xf32, #tpu.memory_space<hbm>>, %arg5: memref<800768xi32, #tpu.memory_space<hbm>>, %arg6: memref<800768xi32, #tpu.memory_space<hbm>>, %arg7: memref<2x50048x32xf32, #tpu.memory_space<hbm>>, %arg8: memref<128xi32, #tpu.memory_space<vmem>>, %arg9: memref<128xi32, #tpu.memory_space<vmem>>, %arg10: memref<128xi32, #tpu.memory_space<vmem>>, %arg11: memref<128xi32, #tpu.memory_space<vmem>>, %arg12: memref<128xi32, #tpu.memory_space<vmem>>, %arg13: memref<128xi32, #tpu.memory_space<vmem>>, %arg14: memref<128x32xf32, #tpu.memory_space<vmem>>, %arg15: memref<128x32xf32, #tpu.memory_space<vmem>>, %arg16: memref<32x128xf32, #tpu.memory_space<vmem>>, %arg17: memref<128x32xf32, #tpu.memory_space<vmem>>, %arg18: memref<128x32xf32, #tpu.memory_space<vmem>>, %arg19: memref<32x128xf32, #tpu.memory_space<vmem>>, %arg20: memref<128x32xf32, #tpu.memory_space<vmem>>, %arg21: memref<50048x32xf32, #tpu.memory_space<vmem_shared>>, %arg22: memref<!tpu.dma_semaphore, #tpu.memory_space<semaphore_mem>>, %arg23: memref<!tpu.dma_semaphore, #tpu.memory_space<semaphore_mem>>, %arg24: memref<!tpu.dma_semaphore, #tpu.memory_space<semaphore_mem>>, %arg25: memref<!tpu.dma_semaphore, #tpu.memory_space<semaphore_mem>>, %arg26: memref<!tpu.dma_semaphore, #tpu.memory_space<semaphore_mem>>, %arg27: memref<!tpu.dma_semaphore, #tpu.memory_space<semaphore_mem>>, %arg28: memref<!tpu.dma_semaphore, #tpu.memory_space<semaphore_mem>>, %arg29: memref<!tpu.dma_semaphore, #tpu.memory_space<semaphore_mem>>, %arg30: memref<!tpu.dma_semaphore, #tpu.memory_space<semaphore_mem>>, %arg31: memref<!tpu.dma_semaphore, #tpu.memory_space<semaphore_mem>>) attributes {dimension_semantics = [#tpu.dimension_semantics<core_parallel>, #tpu.dimension_semantics<subcore_parallel>], iteration_bounds = array<i64: 2, 16>, scalar_prefetch = 0 : i64, scratch_operands = 24 : i64, tpu.core_type = #tpu.core_type<sc_vector_subcore>, window_params = [{transform_indices = #map}, {transform_indices = #map}, {transform_indices = #map}, {transform_indices = #map1}, {transform_indices = #map1}, {transform_indices = #map2}]} {
    %mul3A = arith.constant 50048 : i32
    %mul3A_0 = arith.muli %arg0, %mul3A : i32
    %mul3A_1 = arith.constant 3128 : i32
    %mul3A_2 = arith.muli %arg1, %mul3A_1 : i32
    %mul3A_3 = arith.constant 50048 : i32
    %mul3A_4 = arith.muli %arg1, %mul3A_3 : i32
    %mul3A_5 = arith.constant 200192 : i32
    %mul3A_6 = arith.muli %arg0, %mul3A_5 : i32
    %mul3A_7 = arith.constant 12512 : i32
    %mul3A_8 = arith.muli %arg1, %mul3A_7 : i32
    %add3A = arith.addi %mul3A_6, %mul3A_8 : i32
    %broadcast_in_dim3A = arith.constant 0.000000e+00 : f32
    %broadcast_in_dim3A_9 = vector.broadcast %broadcast_in_dim3A : f32 to vector<16xf32>
    %scan3A = arith.constant 0 : i32
    %scan3A_10 = arith.constant 0 : i32
    %scan3A_11 = arith.constant 128 : i32
    %scan3A_12 = arith.addi %scan3A_10, %scan3A_11 : i32
    %scan3A_13 = arith.constant 1 : i32
    %scan3A_14 = scf.for %scan3A_280 = %scan3A_10 to %scan3A_12 step %scan3A_13 iter_args(%scan3A_281 = %scan3A) -> (i32)  : i32 {
      %swap3A_282 = arith.index_cast %scan3A_280 : i32 to index
      %swap3A_283 = arith.constant 0 : index
      %swap3A_284 = tpu.vector_load %arg20[%swap3A_282, %swap3A_283] {strides = array<i32>} : memref<128x32xf32, #tpu.memory_space<vmem>>, vector<1x16xf32>,
      %swap3A_285 = vector.shape_cast %swap3A_284 : vector<1x16xf32> to vector<16xf32>
      %swap3A_286 = vector.shape_cast %broadcast_in_dim3A_9 : vector<16xf32> to vector<1x16xf32>
      tpu.vector_store %arg20[%swap3A_282, %swap3A_283], %swap3A_286 {strides = array<i32>} : memref<128x32xf32, #tpu.memory_space<vmem>>, vector<1x16xf32>,
      %swap3A_287 = arith.index_cast %scan3A_280 : i32 to index
      %swap3A_288 = arith.constant 16 : index
      %swap3A_289 = tpu.vector_load %arg20[%swap3A_287, %swap3A_288] {strides = array<i32>} : memref<128x32xf32, #tpu.memory_space<vmem>>, vector<1x16xf32>,
      %swap3A_290 = vector.shape_cast %swap3A_289 : vector<1x16xf32> to vector<16xf32>
      %swap3A_291 = vector.shape_cast %broadcast_in_dim3A_9 : vector<16xf32> to vector<1x16xf32>
      tpu.vector_store %arg20[%swap3A_287, %swap3A_288], %swap3A_291 {strides = array<i32>} : memref<128x32xf32, #tpu.memory_space<vmem>>, vector<1x16xf32>,
      %scan3A_292 = arith.constant 0 : i32
      scf.yield %scan3A_292 : i32
    }
    %scan3A_15 = arith.constant 128 : i32
    %add3A_16 = arith.constant 0 : i32
    %add3A_17 = arith.addi %mul3A_2, %add3A_16 : i32
    "tpu.region"() ({
      %run_scoped3A = tpu.sem_alloc : memref<!tpu.dma_semaphore, #tpu.memory_space<semaphore_mem>>
      %dma_start3A_280 = arith.constant 0 : i32
      %dma_start3A_281 = tpu.memref_slice %arg21[%add3A_17, %dma_start3A_280] : memref<50048x32xf32, #tpu.memory_space<vmem_shared>> -> memref<128x32xf32, #tpu.memory_space<vmem_shared>>
      %dma_start3A_282 = arith.constant 0 : i32
      %dma_start3A_283 = tpu.memref_slice %arg21[%add3A_17, %dma_start3A_282] : memref<50048x32xf32, #tpu.memory_space<vmem_shared>> -> memref<128x32xf32, #tpu.memory_space<vmem_shared>>
      tpu.enqueue_dma source(%arg20 : memref<128x32xf32, #tpu.memory_space<vmem>>) target(%dma_start3A_283 : memref<128x32xf32, #tpu.memory_space<vmem_shared>>) target_semaphore(%run_scoped3A : memref<!tpu.dma_semaphore, #tpu.memory_space<semaphore_mem>>)
      %dma_wait3A_284 = arith.constant 0 : i32
      %dma_wait3A_285 = tpu.memref_slice %arg21[%add3A_17, %dma_wait3A_284] : memref<50048x32xf32, #tpu.memory_space<vmem_shared>> -> memref<128x32xf32, #tpu.memory_space<vmem_shared>>
      %dma_wait3A_286 = arith.constant 0 : i32
      %dma_wait3A_287 = tpu.memref_slice %arg21[%add3A_17, %dma_wait3A_286] : memref<50048x32xf32, #tpu.memory_space<vmem_shared>> -> memref<128x32xf32, #tpu.memory_space<vmem_shared>>
      tpu.wait_dma2 semaphore(%run_scoped3A : memref<!tpu.dma_semaphore, #tpu.memory_space<semaphore_mem>>) src(%arg20 : memref<128x32xf32, #tpu.memory_space<vmem>>) dst(%dma_wait3A_287 : memref<128x32xf32, #tpu.memory_space<vmem_shared>>)
      tpu.yield
    }) : () -> ()
    %add3A_18 = arith.constant 128 : i32
    %add3A_19 = arith.addi %mul3A_2, %add3A_18 : i32
    "tpu.region"() ({
      %run_scoped3A = tpu.sem_alloc : memref<!tpu.dma_semaphore, #tpu.memory_space<semaphore_mem>>
      %dma_start3A_280 = arith.constant 0 : i32
      %dma_start3A_281 = tpu.memref_slice %arg21[%add3A_19, %dma_start3A_280] : memref<50048x32xf32, #tpu.memory_space<vmem_shared>> -> memref<128x32xf32, #tpu.memory_space<vmem_shared>>
      %dma_start3A_282 = arith.constant 0 : i32
      %dma_start3A_283 = tpu.memref_slice %arg21[%add3A_19, %dma_start3A_282] : memref<50048x32xf32, #tpu.memory_space<vmem_shared>> -> memref<128x32xf32, #tpu.memory_space<vmem_shared>>
      tpu.enqueue_dma source(%arg20 : memref<128x32xf32, #tpu.memory_space<vmem>>) target(%dma_start3A_283 : memref<128x32xf32, #tpu.memory_space<vmem_shared>>) target_semaphore(%run_scoped3A : memref<!tpu.dma_semaphore, #tpu.memory_space<semaphore_mem>>)
      %dma_wait3A_284 = arith.constant 0 : i32
      %dma_wait3A_285 = tpu.memref_slice %arg21[%add3A_19, %dma_wait3A_284] : memref<50048x32xf32, #tpu.memory_space<vmem_shared>> -> memref<128x32xf32, #tpu.memory_space<vmem_shared>>
      %dma_wait3A_286 = arith.constant 0 : i32
      %dma_wait3A_287 = tpu.memref_slice %arg21[%add3A_19, %dma_wait3A_286] : memref<50048x32xf32, #tpu.memory_space<vmem_shared>> -> memref<128x32xf32, #tpu.memory_space<vmem_shared>>
      tpu.wait_dma2 semaphore(%run_scoped3A : memref<!tpu.dma_semaphore, #tpu.memory_space<semaphore_mem>>) src(%arg20 : memref<128x32xf32, #tpu.memory_space<vmem>>) dst(%dma_wait3A_287 : memref<128x32xf32, #tpu.memory_space<vmem_shared>>)
      tpu.yield
    }) : () -> ()
    %add3A_20 = arith.constant 256 : i32
    %add3A_21 = arith.addi %mul3A_2, %add3A_20 : i32
    "tpu.region"() ({
      %run_scoped3A = tpu.sem_alloc : memref<!tpu.dma_semaphore, #tpu.memory_space<semaphore_mem>>
      %dma_start3A_280 = arith.constant 0 : i32
      %dma_start3A_281 = tpu.memref_slice %arg21[%add3A_21, %dma_start3A_280] : memref<50048x32xf32, #tpu.memory_space<vmem_shared>> -> memref<128x32xf32, #tpu.memory_space<vmem_shared>>
      %dma_start3A_282 = arith.constant 0 : i32
      %dma_start3A_283 = tpu.memref_slice %arg21[%add3A_21, %dma_start3A_282] : memref<50048x32xf32, #tpu.memory_space<vmem_shared>> -> memref<128x32xf32, #tpu.memory_space<vmem_shared>>
      tpu.enqueue_dma source(%arg20 : memref<128x32xf32, #tpu.memory_space<vmem>>) target(%dma_start3A_283 : memref<128x32xf32, #tpu.memory_space<vmem_shared>>) target_semaphore(%run_scoped3A : memref<!tpu.dma_semaphore, #tpu.memory_space<semaphore_mem>>)
      %dma_wait3A_284 = arith.constant 0 : i32
      %dma_wait3A_285 = tpu.memref_slice %arg21[%add3A_21, %dma_wait3A_284] : memref<50048x32xf32, #tpu.memory_space<vmem_shared>> -> memref<128x32xf32, #tpu.memory_space<vmem_shared>>
      %dma_wait3A_286 = arith.constant 0 : i32
      %dma_wait3A_287 = tpu.memref_slice %arg21[%add3A_21, %dma_wait3A_286] : memref<50048x32xf32, #tpu.memory_space<vmem_shared>> -> memref<128x32xf32, #tpu.memory_space<vmem_shared>>
      tpu.wait_dma2 semaphore(%run_scoped3A : memref<!tpu.dma_semaphore, #tpu.memory_space<semaphore_mem>>) src(%arg20 : memref<128x32xf32, #tpu.memory_space<vmem>>) dst(%dma_wait3A_287 : memref<128x32xf32, #tpu.memory_space<vmem_shared>>)
      tpu.yield
    }) : () -> ()
    %add3A_22 = arith.constant 384 : i32
    %add3A_23 = arith.addi %mul3A_2, %add3A_22 : i32
    "tpu.region"() ({
      %run_scoped3A = tpu.sem_alloc : memref<!tpu.dma_semaphore, #tpu.memory_space<semaphore_mem>>
      %dma_start3A_280 = arith.constant 0 : i32
      %dma_start3A_281 = tpu.memref_slice %arg21[%add3A_23, %dma_start3A_280] : memref<50048x32xf32, #tpu.memory_space<vmem_shared>> -> memref<128x32xf32, #tpu.memory_space<vmem_shared>>
      %dma_start3A_282 = arith.constant 0 : i32
      %dma_start3A_283 = tpu.memref_slice %arg21[%add3A_23, %dma_start3A_282] : memref<50048x32xf32, #tpu.memory_space<vmem_shared>> -> memref<128x32xf32, #tpu.memory_space<vmem_shared>>
      tpu.enqueue_dma source(%arg20 : memref<128x32xf32, #tpu.memory_space<vmem>>) target(%dma_start3A_283 : memref<128x32xf32, #tpu.memory_space<vmem_shared>>) target_semaphore(%run_scoped3A : memref<!tpu.dma_semaphore, #tpu.memory_space<semaphore_mem>>)
      %dma_wait3A_284 = arith.constant 0 : i32
      %dma_wait3A_285 = tpu.memref_slice %arg21[%add3A_23, %dma_wait3A_284] : memref<50048x32xf32, #tpu.memory_space<vmem_shared>> -> memref<128x32xf32, #tpu.memory_space<vmem_shared>>
      %dma_wait3A_286 = arith.constant 0 : i32
      %dma_wait3A_287 = tpu.memref_slice %arg21[%add3A_23, %dma_wait3A_286] : memref<50048x32xf32, #tpu.memory_space<vmem_shared>> -> memref<128x32xf32, #tpu.memory_space<vmem_shared>>
      tpu.wait_dma2 semaphore(%run_scoped3A : memref<!tpu.dma_semaphore, #tpu.memory_space<semaphore_mem>>) src(%arg20 : memref<128x32xf32, #tpu.memory_space<vmem>>) dst(%dma_wait3A_287 : memref<128x32xf32, #tpu.memory_space<vmem_shared>>)
      tpu.yield
    }) : () -> ()
    %add3A_24 = arith.constant 512 : i32
    %add3A_25 = arith.addi %mul3A_2, %add3A_24 : i32
    "tpu.region"() ({
      %run_scoped3A = tpu.sem_alloc : memref<!tpu.dma_semaphore, #tpu.memory_space<semaphore_mem>>
      %dma_start3A_280 = arith.constant 0 : i32
      %dma_start3A_281 = tpu.memref_slice %arg21[%add3A_25, %dma_start3A_280] : memref<50048x32xf32, #tpu.memory_space<vmem_shared>> -> memref<128x32xf32, #tpu.memory_space<vmem_shared>>
      %dma_start3A_282 = arith.constant 0 : i32
      %dma_start3A_283 = tpu.memref_slice %arg21[%add3A_25, %dma_start3A_282] : memref<50048x32xf32, #tpu.memory_space<vmem_shared>> -> memref<128x32xf32, #tpu.memory_space<vmem_shared>>
      tpu.enqueue_dma source(%arg20 : memref<128x32xf32, #tpu.memory_space<vmem>>) target(%dma_start3A_283 : memref<128x32xf32, #tpu.memory_space<vmem_shared>>) target_semaphore(%run_scoped3A : memref<!tpu.dma_semaphore, #tpu.memory_space<semaphore_mem>>)
      %dma_wait3A_284 = arith.constant 0 : i32
      %dma_wait3A_285 = tpu.memref_slice %arg21[%add3A_25, %dma_wait3A_284] : memref<50048x32xf32, #tpu.memory_space<vmem_shared>> -> memref<128x32xf32, #tpu.memory_space<vmem_shared>>
      %dma_wait3A_286 = arith.constant 0 : i32
      %dma_wait3A_287 = tpu.memref_slice %arg21[%add3A_25, %dma_wait3A_286] : memref<50048x32xf32, #tpu.memory_space<vmem_shared>> -> memref<128x32xf32, #tpu.memory_space<vmem_shared>>
      tpu.wait_dma2 semaphore(%run_scoped3A : memref<!tpu.dma_semaphore, #tpu.memory_space<semaphore_mem>>) src(%arg20 : memref<128x32xf32, #tpu.memory_space<vmem>>) dst(%dma_wait3A_287 : memref<128x32xf32, #tpu.memory_space<vmem_shared>>)
      tpu.yield
    }) : () -> ()
    %add3A_26 = arith.constant 640 : i32
    %add3A_27 = arith.addi %mul3A_2, %add3A_26 : i32
    "tpu.region"() ({
      %run_scoped3A = tpu.sem_alloc : memref<!tpu.dma_semaphore, #tpu.memory_space<semaphore_mem>>
      %dma_start3A_280 = arith.constant 0 : i32
      %dma_start3A_281 = tpu.memref_slice %arg21[%add3A_27, %dma_start3A_280] : memref<50048x32xf32, #tpu.memory_space<vmem_shared>> -> memref<128x32xf32, #tpu.memory_space<vmem_shared>>
      %dma_start3A_282 = arith.constant 0 : i32
      %dma_start3A_283 = tpu.memref_slice %arg21[%add3A_27, %dma_start3A_282] : memref<50048x32xf32, #tpu.memory_space<vmem_shared>> -> memref<128x32xf32, #tpu.memory_space<vmem_shared>>
      tpu.enqueue_dma source(%arg20 : memref<128x32xf32, #tpu.memory_space<vmem>>) target(%dma_start3A_283 : memref<128x32xf32, #tpu.memory_space<vmem_shared>>) target_semaphore(%run_scoped3A : memref<!tpu.dma_semaphore, #tpu.memory_space<semaphore_mem>>)
      %dma_wait3A_284 = arith.constant 0 : i32
      %dma_wait3A_285 = tpu.memref_slice %arg21[%add3A_27, %dma_wait3A_284] : memref<50048x32xf32, #tpu.memory_space<vmem_shared>> -> memref<128x32xf32, #tpu.memory_space<vmem_shared>>
      %dma_wait3A_286 = arith.constant 0 : i32
      %dma_wait3A_287 = tpu.memref_slice %arg21[%add3A_27, %dma_wait3A_286] : memref<50048x32xf32, #tpu.memory_space<vmem_shared>> -> memref<128x32xf32, #tpu.memory_space<vmem_shared>>
      tpu.wait_dma2 semaphore(%run_scoped3A : memref<!tpu.dma_semaphore, #tpu.memory_space<semaphore_mem>>) src(%arg20 : memref<128x32xf32, #tpu.memory_space<vmem>>) dst(%dma_wait3A_287 : memref<128x32xf32, #tpu.memory_space<vmem_shared>>)
      tpu.yield
    }) : () -> ()
    %add3A_28 = arith.constant 768 : i32
    %add3A_29 = arith.addi %mul3A_2, %add3A_28 : i32
    "tpu.region"() ({
      %run_scoped3A = tpu.sem_alloc : memref<!tpu.dma_semaphore, #tpu.memory_space<semaphore_mem>>
      %dma_start3A_280 = arith.constant 0 : i32
      %dma_start3A_281 = tpu.memref_slice %arg21[%add3A_29, %dma_start3A_280] : memref<50048x32xf32, #tpu.memory_space<vmem_shared>> -> memref<128x32xf32, #tpu.memory_space<vmem_shared>>
      %dma_start3A_282 = arith.constant 0 : i32
      %dma_start3A_283 = tpu.memref_slice %arg21[%add3A_29, %dma_start3A_282] : memref<50048x32xf32, #tpu.memory_space<vmem_shared>> -> memref<128x32xf32, #tpu.memory_space<vmem_shared>>
      tpu.enqueue_dma source(%arg20 : memref<128x32xf32, #tpu.memory_space<vmem>>) target(%dma_start3A_283 : memref<128x32xf32, #tpu.memory_space<vmem_shared>>) target_semaphore(%run_scoped3A : memref<!tpu.dma_semaphore, #tpu.memory_space<semaphore_mem>>)
      %dma_wait3A_284 = arith.constant 0 : i32
      %dma_wait3A_285 = tpu.memref_slice %arg21[%add3A_29, %dma_wait3A_284] : memref<50048x32xf32, #tpu.memory_space<vmem_shared>> -> memref<128x32xf32, #tpu.memory_space<vmem_shared>>
      %dma_wait3A_286 = arith.constant 0 : i32
      %dma_wait3A_287 = tpu.memref_slice %arg21[%add3A_29, %dma_wait3A_286] : memref<50048x32xf32, #tpu.memory_space<vmem_shared>> -> memref<128x32xf32, #tpu.memory_space<vmem_shared>>
      tpu.wait_dma2 semaphore(%run_scoped3A : memref<!tpu.dma_semaphore, #tpu.memory_space<semaphore_mem>>) src(%arg20 : memref<128x32xf32, #tpu.memory_space<vmem>>) dst(%dma_wait3A_287 : memref<128x32xf32, #tpu.memory_space<vmem_shared>>)
      tpu.yield
    }) : () -> ()
    %add3A_30 = arith.constant 896 : i32
    %add3A_31 = arith.addi %mul3A_2, %add3A_30 : i32
    "tpu.region"() ({
      %run_scoped3A = tpu.sem_alloc : memref<!tpu.dma_semaphore, #tpu.memory_space<semaphore_mem>>
      %dma_start3A_280 = arith.constant 0 : i32
      %dma_start3A_281 = tpu.memref_slice %arg21[%add3A_31, %dma_start3A_280] : memref<50048x32xf32, #tpu.memory_space<vmem_shared>> -> memref<128x32xf32, #tpu.memory_space<vmem_shared>>
      %dma_start3A_282 = arith.constant 0 : i32
      %dma_start3A_283 = tpu.memref_slice %arg21[%add3A_31, %dma_start3A_282] : memref<50048x32xf32, #tpu.memory_space<vmem_shared>> -> memref<128x32xf32, #tpu.memory_space<vmem_shared>>
      tpu.enqueue_dma source(%arg20 : memref<128x32xf32, #tpu.memory_space<vmem>>) target(%dma_start3A_283 : memref<128x32xf32, #tpu.memory_space<vmem_shared>>) target_semaphore(%run_scoped3A : memref<!tpu.dma_semaphore, #tpu.memory_space<semaphore_mem>>)
      %dma_wait3A_284 = arith.constant 0 : i32
      %dma_wait3A_285 = tpu.memref_slice %arg21[%add3A_31, %dma_wait3A_284] : memref<50048x32xf32, #tpu.memory_space<vmem_shared>> -> memref<128x32xf32, #tpu.memory_space<vmem_shared>>
      %dma_wait3A_286 = arith.constant 0 : i32
      %dma_wait3A_287 = tpu.memref_slice %arg21[%add3A_31, %dma_wait3A_286] : memref<50048x32xf32, #tpu.memory_space<vmem_shared>> -> memref<128x32xf32, #tpu.memory_space<vmem_shared>>
      tpu.wait_dma2 semaphore(%run_scoped3A : memref<!tpu.dma_semaphore, #tpu.memory_space<semaphore_mem>>) src(%arg20 : memref<128x32xf32, #tpu.memory_space<vmem>>) dst(%dma_wait3A_287 : memref<128x32xf32, #tpu.memory_space<vmem_shared>>)
      tpu.yield
    }) : () -> ()
    %add3A_32 = arith.constant 1024 : i32
    %add3A_33 = arith.addi %mul3A_2, %add3A_32 : i32
    "tpu.region"() ({
      %run_scoped3A = tpu.sem_alloc : memref<!tpu.dma_semaphore, #tpu.memory_space<semaphore_mem>>
      %dma_start3A_280 = arith.constant 0 : i32
      %dma_start3A_281 = tpu.memref_slice %arg21[%add3A_33, %dma_start3A_280] : memref<50048x32xf32, #tpu.memory_space<vmem_shared>> -> memref<128x32xf32, #tpu.memory_space<vmem_shared>>
      %dma_start3A_282 = arith.constant 0 : i32
      %dma_start3A_283 = tpu.memref_slice %arg21[%add3A_33, %dma_start3A_282] : memref<50048x32xf32, #tpu.memory_space<vmem_shared>> -> memref<128x32xf32, #tpu.memory_space<vmem_shared>>
      tpu.enqueue_dma source(%arg20 : memref<128x32xf32, #tpu.memory_space<vmem>>) target(%dma_start3A_283 : memref<128x32xf32, #tpu.memory_space<vmem_shared>>) target_semaphore(%run_scoped3A : memref<!tpu.dma_semaphore, #tpu.memory_space<semaphore_mem>>)
      %dma_wait3A_284 = arith.constant 0 : i32
      %dma_wait3A_285 = tpu.memref_slice %arg21[%add3A_33, %dma_wait3A_284] : memref<50048x32xf32, #tpu.memory_space<vmem_shared>> -> memref<128x32xf32, #tpu.memory_space<vmem_shared>>
      %dma_wait3A_286 = arith.constant 0 : i32
      %dma_wait3A_287 = tpu.memref_slice %arg21[%add3A_33, %dma_wait3A_286] : memref<50048x32xf32, #tpu.memory_space<vmem_shared>> -> memref<128x32xf32, #tpu.memory_space<vmem_shared>>
      tpu.wait_dma2 semaphore(%run_scoped3A : memref<!tpu.dma_semaphore, #tpu.memory_space<semaphore_mem>>) src(%arg20 : memref<128x32xf32, #tpu.memory_space<vmem>>) dst(%dma_wait3A_287 : memref<128x32xf32, #tpu.memory_space<vmem_shared>>)
      tpu.yield
    }) : () -> ()
    %add3A_34 = arith.constant 1152 : i32
    %add3A_35 = arith.addi %mul3A_2, %add3A_34 : i32
    "tpu.region"() ({
      %run_scoped3A = tpu.sem_alloc : memref<!tpu.dma_semaphore, #tpu.memory_space<semaphore_mem>>
      %dma_start3A_280 = arith.constant 0 : i32
      %dma_start3A_281 = tpu.memref_slice %arg21[%add3A_35, %dma_start3A_280] : memref<50048x32xf32, #tpu.memory_space<vmem_shared>> -> memref<128x32xf32, #tpu.memory_space<vmem_shared>>
      %dma_start3A_282 = arith.constant 0 : i32
      %dma_start3A_283 = tpu.memref_slice %arg21[%add3A_35, %dma_start3A_282] : memref<50048x32xf32, #tpu.memory_space<vmem_shared>> -> memref<128x32xf32, #tpu.memory_space<vmem_shared>>
      tpu.enqueue_dma source(%arg20 : memref<128x32xf32, #tpu.memory_space<vmem>>) target(%dma_start3A_283 : memref<128x32xf32, #tpu.memory_space<vmem_shared>>) target_semaphore(%run_scoped3A : memref<!tpu.dma_semaphore, #tpu.memory_space<semaphore_mem>>)
      %dma_wait3A_284 = arith.constant 0 : i32
      %dma_wait3A_285 = tpu.memref_slice %arg21[%add3A_35, %dma_wait3A_284] : memref<50048x32xf32, #tpu.memory_space<vmem_shared>> -> memref<128x32xf32, #tpu.memory_space<vmem_shared>>
      %dma_wait3A_286 = arith.constant 0 : i32
      %dma_wait3A_287 = tpu.memref_slice %arg21[%add3A_35, %dma_wait3A_286] : memref<50048x32xf32, #tpu.memory_space<vmem_shared>> -> memref<128x32xf32, #tpu.memory_space<vmem_shared>>
      tpu.wait_dma2 semaphore(%run_scoped3A : memref<!tpu.dma_semaphore, #tpu.memory_space<semaphore_mem>>) src(%arg20 : memref<128x32xf32, #tpu.memory_space<vmem>>) dst(%dma_wait3A_287 : memref<128x32xf32, #tpu.memory_space<vmem_shared>>)
      tpu.yield
    }) : () -> ()
    %add3A_36 = arith.constant 1280 : i32
    %add3A_37 = arith.addi %mul3A_2, %add3A_36 : i32
    "tpu.region"() ({
      %run_scoped3A = tpu.sem_alloc : memref<!tpu.dma_semaphore, #tpu.memory_space<semaphore_mem>>
      %dma_start3A_280 = arith.constant 0 : i32
      %dma_start3A_281 = tpu.memref_slice %arg21[%add3A_37, %dma_start3A_280] : memref<50048x32xf32, #tpu.memory_space<vmem_shared>> -> memref<128x32xf32, #tpu.memory_space<vmem_shared>>
      %dma_start3A_282 = arith.constant 0 : i32
      %dma_start3A_283 = tpu.memref_slice %arg21[%add3A_37, %dma_start3A_282] : memref<50048x32xf32, #tpu.memory_space<vmem_shared>> -> memref<128x32xf32, #tpu.memory_space<vmem_shared>>
      tpu.enqueue_dma source(%arg20 : memref<128x32xf32, #tpu.memory_space<vmem>>) target(%dma_start3A_283 : memref<128x32xf32, #tpu.memory_space<vmem_shared>>) target_semaphore(%run_scoped3A : memref<!tpu.dma_semaphore, #tpu.memory_space<semaphore_mem>>)
      %dma_wait3A_284 = arith.constant 0 : i32
      %dma_wait3A_285 = tpu.memref_slice %arg21[%add3A_37, %dma_wait3A_284] : memref<50048x32xf32, #tpu.memory_space<vmem_shared>> -> memref<128x32xf32, #tpu.memory_space<vmem_shared>>
      %dma_wait3A_286 = arith.constant 0 : i32
      %dma_wait3A_287 = tpu.memref_slice %arg21[%add3A_37, %dma_wait3A_286] : memref<50048x32xf32, #tpu.memory_space<vmem_shared>> -> memref<128x32xf32, #tpu.memory_space<vmem_shared>>
      tpu.wait_dma2 semaphore(%run_scoped3A : memref<!tpu.dma_semaphore, #tpu.memory_space<semaphore_mem>>) src(%arg20 : memref<128x32xf32, #tpu.memory_space<vmem>>) dst(%dma_wait3A_287 : memref<128x32xf32, #tpu.memory_space<vmem_shared>>)
      tpu.yield
    }) : () -> ()
    %add3A_38 = arith.constant 1408 : i32
    %add3A_39 = arith.addi %mul3A_2, %add3A_38 : i32
    "tpu.region"() ({
      %run_scoped3A = tpu.sem_alloc : memref<!tpu.dma_semaphore, #tpu.memory_space<semaphore_mem>>
      %dma_start3A_280 = arith.constant 0 : i32
      %dma_start3A_281 = tpu.memref_slice %arg21[%add3A_39, %dma_start3A_280] : memref<50048x32xf32, #tpu.memory_space<vmem_shared>> -> memref<128x32xf32, #tpu.memory_space<vmem_shared>>
      %dma_start3A_282 = arith.constant 0 : i32
      %dma_start3A_283 = tpu.memref_slice %arg21[%add3A_39, %dma_start3A_282] : memref<50048x32xf32, #tpu.memory_space<vmem_shared>> -> memref<128x32xf32, #tpu.memory_space<vmem_shared>>
      tpu.enqueue_dma source(%arg20 : memref<128x32xf32, #tpu.memory_space<vmem>>) target(%dma_start3A_283 : memref<128x32xf32, #tpu.memory_space<vmem_shared>>) target_semaphore(%run_scoped3A : memref<!tpu.dma_semaphore, #tpu.memory_space<semaphore_mem>>)
      %dma_wait3A_284 = arith.constant 0 : i32
      %dma_wait3A_285 = tpu.memref_slice %arg21[%add3A_39, %dma_wait3A_284] : memref<50048x32xf32, #tpu.memory_space<vmem_shared>> -> memref<128x32xf32, #tpu.memory_space<vmem_shared>>
      %dma_wait3A_286 = arith.constant 0 : i32
      %dma_wait3A_287 = tpu.memref_slice %arg21[%add3A_39, %dma_wait3A_286] : memref<50048x32xf32, #tpu.memory_space<vmem_shared>> -> memref<128x32xf32, #tpu.memory_space<vmem_shared>>
      tpu.wait_dma2 semaphore(%run_scoped3A : memref<!tpu.dma_semaphore, #tpu.memory_space<semaphore_mem>>) src(%arg20 : memref<128x32xf32, #tpu.memory_space<vmem>>) dst(%dma_wait3A_287 : memref<128x32xf32, #tpu.memory_space<vmem_shared>>)
      tpu.yield
    }) : () -> ()
    %add3A_40 = arith.constant 1536 : i32
    %add3A_41 = arith.addi %mul3A_2, %add3A_40 : i32
    "tpu.region"() ({
      %run_scoped3A = tpu.sem_alloc : memref<!tpu.dma_semaphore, #tpu.memory_space<semaphore_mem>>
      %dma_start3A_280 = arith.constant 0 : i32
      %dma_start3A_281 = tpu.memref_slice %arg21[%add3A_41, %dma_start3A_280] : memref<50048x32xf32, #tpu.memory_space<vmem_shared>> -> memref<128x32xf32, #tpu.memory_space<vmem_shared>>
      %dma_start3A_282 = arith.constant 0 : i32
      %dma_start3A_283 = tpu.memref_slice %arg21[%add3A_41, %dma_start3A_282] : memref<50048x32xf32, #tpu.memory_space<vmem_shared>> -> memref<128x32xf32, #tpu.memory_space<vmem_shared>>
      tpu.enqueue_dma source(%arg20 : memref<128x32xf32, #tpu.memory_space<vmem>>) target(%dma_start3A_283 : memref<128x32xf32, #tpu.memory_space<vmem_shared>>) target_semaphore(%run_scoped3A : memref<!tpu.dma_semaphore, #tpu.memory_space<semaphore_mem>>)
      %dma_wait3A_284 = arith.constant 0 : i32
      %dma_wait3A_285 = tpu.memref_slice %arg21[%add3A_41, %dma_wait3A_284] : memref<50048x32xf32, #tpu.memory_space<vmem_shared>> -> memref<128x32xf32, #tpu.memory_space<vmem_shared>>
      %dma_wait3A_286 = arith.constant 0 : i32
      %dma_wait3A_287 = tpu.memref_slice %arg21[%add3A_41, %dma_wait3A_286] : memref<50048x32xf32, #tpu.memory_space<vmem_shared>> -> memref<128x32xf32, #tpu.memory_space<vmem_shared>>
      tpu.wait_dma2 semaphore(%run_scoped3A : memref<!tpu.dma_semaphore, #tpu.memory_space<semaphore_mem>>) src(%arg20 : memref<128x32xf32, #tpu.memory_space<vmem>>) dst(%dma_wait3A_287 : memref<128x32xf32, #tpu.memory_space<vmem_shared>>)
      tpu.yield
    }) : () -> ()
    %add3A_42 = arith.constant 1664 : i32
    %add3A_43 = arith.addi %mul3A_2, %add3A_42 : i32
    "tpu.region"() ({
      %run_scoped3A = tpu.sem_alloc : memref<!tpu.dma_semaphore, #tpu.memory_space<semaphore_mem>>
      %dma_start3A_280 = arith.constant 0 : i32
      %dma_start3A_281 = tpu.memref_slice %arg21[%add3A_43, %dma_start3A_280] : memref<50048x32xf32, #tpu.memory_space<vmem_shared>> -> memref<128x32xf32, #tpu.memory_space<vmem_shared>>
      %dma_start3A_282 = arith.constant 0 : i32
      %dma_start3A_283 = tpu.memref_slice %arg21[%add3A_43, %dma_start3A_282] : memref<50048x32xf32, #tpu.memory_space<vmem_shared>> -> memref<128x32xf32, #tpu.memory_space<vmem_shared>>
      tpu.enqueue_dma source(%arg20 : memref<128x32xf32, #tpu.memory_space<vmem>>) target(%dma_start3A_283 : memref<128x32xf32, #tpu.memory_space<vmem_shared>>) target_semaphore(%run_scoped3A : memref<!tpu.dma_semaphore, #tpu.memory_space<semaphore_mem>>)
      %dma_wait3A_284 = arith.constant 0 : i32
      %dma_wait3A_285 = tpu.memref_slice %arg21[%add3A_43, %dma_wait3A_284] : memref<50048x32xf32, #tpu.memory_space<vmem_shared>> -> memref<128x32xf32, #tpu.memory_space<vmem_shared>>
      %dma_wait3A_286 = arith.constant 0 : i32
      %dma_wait3A_287 = tpu.memref_slice %arg21[%add3A_43, %dma_wait3A_286] : memref<50048x32xf32, #tpu.memory_space<vmem_shared>> -> memref<128x32xf32, #tpu.memory_space<vmem_shared>>
      tpu.wait_dma2 semaphore(%run_scoped3A : memref<!tpu.dma_semaphore, #tpu.memory_space<semaphore_mem>>) src(%arg20 : memref<128x32xf32, #tpu.memory_space<vmem>>) dst(%dma_wait3A_287 : memref<128x32xf32, #tpu.memory_space<vmem_shared>>)
      tpu.yield
    }) : () -> ()
    %add3A_44 = arith.constant 1792 : i32
    %add3A_45 = arith.addi %mul3A_2, %add3A_44 : i32
    "tpu.region"() ({
      %run_scoped3A = tpu.sem_alloc : memref<!tpu.dma_semaphore, #tpu.memory_space<semaphore_mem>>
      %dma_start3A_280 = arith.constant 0 : i32
      %dma_start3A_281 = tpu.memref_slice %arg21[%add3A_45, %dma_start3A_280] : memref<50048x32xf32, #tpu.memory_space<vmem_shared>> -> memref<128x32xf32, #tpu.memory_space<vmem_shared>>
      %dma_start3A_282 = arith.constant 0 : i32
      %dma_start3A_283 = tpu.memref_slice %arg21[%add3A_45, %dma_start3A_282] : memref<50048x32xf32, #tpu.memory_space<vmem_shared>> -> memref<128x32xf32, #tpu.memory_space<vmem_shared>>
      tpu.enqueue_dma source(%arg20 : memref<128x32xf32, #tpu.memory_space<vmem>>) target(%dma_start3A_283 : memref<128x32xf32, #tpu.memory_space<vmem_shared>>) target_semaphore(%run_scoped3A : memref<!tpu.dma_semaphore, #tpu.memory_space<semaphore_mem>>)
      %dma_wait3A_284 = arith.constant 0 : i32
      %dma_wait3A_285 = tpu.memref_slice %arg21[%add3A_45, %dma_wait3A_284] : memref<50048x32xf32, #tpu.memory_space<vmem_shared>> -> memref<128x32xf32, #tpu.memory_space<vmem_shared>>
      %dma_wait3A_286 = arith.constant 0 : i32
      %dma_wait3A_287 = tpu.memref_slice %arg21[%add3A_45, %dma_wait3A_286] : memref<50048x32xf32, #tpu.memory_space<vmem_shared>> -> memref<128x32xf32, #tpu.memory_space<vmem_shared>>
      tpu.wait_dma2 semaphore(%run_scoped3A : memref<!tpu.dma_semaphore, #tpu.memory_space<semaphore_mem>>) src(%arg20 : memref<128x32xf32, #tpu.memory_space<vmem>>) dst(%dma_wait3A_287 : memref<128x32xf32, #tpu.memory_space<vmem_shared>>)
      tpu.yield
    }) : () -> ()
    %add3A_46 = arith.constant 1920 : i32
    %add3A_47 = arith.addi %mul3A_2, %add3A_46 : i32
    "tpu.region"() ({
      %run_scoped3A = tpu.sem_alloc : memref<!tpu.dma_semaphore, #tpu.memory_space<semaphore_mem>>
      %dma_start3A_280 = arith.constant 0 : i32
      %dma_start3A_281 = tpu.memref_slice %arg21[%add3A_47, %dma_start3A_280] : memref<50048x32xf32, #tpu.memory_space<vmem_shared>> -> memref<128x32xf32, #tpu.memory_space<vmem_shared>>
      %dma_start3A_282 = arith.constant 0 : i32
      %dma_start3A_283 = tpu.memref_slice %arg21[%add3A_47, %dma_start3A_282] : memref<50048x32xf32, #tpu.memory_space<vmem_shared>> -> memref<128x32xf32, #tpu.memory_space<vmem_shared>>
      tpu.enqueue_dma source(%arg20 : memref<128x32xf32, #tpu.memory_space<vmem>>) target(%dma_start3A_283 : memref<128x32xf32, #tpu.memory_space<vmem_shared>>) target_semaphore(%run_scoped3A : memref<!tpu.dma_semaphore, #tpu.memory_space<semaphore_mem>>)
      %dma_wait3A_284 = arith.constant 0 : i32
      %dma_wait3A_285 = tpu.memref_slice %arg21[%add3A_47, %dma_wait3A_284] : memref<50048x32xf32, #tpu.memory_space<vmem_shared>> -> memref<128x32xf32, #tpu.memory_space<vmem_shared>>
      %dma_wait3A_286 = arith.constant 0 : i32
      %dma_wait3A_287 = tpu.memref_slice %arg21[%add3A_47, %dma_wait3A_286] : memref<50048x32xf32, #tpu.memory_space<vmem_shared>> -> memref<128x32xf32, #tpu.memory_space<vmem_shared>>
      tpu.wait_dma2 semaphore(%run_scoped3A : memref<!tpu.dma_semaphore, #tpu.memory_space<semaphore_mem>>) src(%arg20 : memref<128x32xf32, #tpu.memory_space<vmem>>) dst(%dma_wait3A_287 : memref<128x32xf32, #tpu.memory_space<vmem_shared>>)
      tpu.yield
    }) : () -> ()
    %add3A_48 = arith.constant 2048 : i32
    %add3A_49 = arith.addi %mul3A_2, %add3A_48 : i32
    "tpu.region"() ({
      %run_scoped3A = tpu.sem_alloc : memref<!tpu.dma_semaphore, #tpu.memory_space<semaphore_mem>>
      %dma_start3A_280 = arith.constant 0 : i32
      %dma_start3A_281 = tpu.memref_slice %arg21[%add3A_49, %dma_start3A_280] : memref<50048x32xf32, #tpu.memory_space<vmem_shared>> -> memref<128x32xf32, #tpu.memory_space<vmem_shared>>
      %dma_start3A_282 = arith.constant 0 : i32
      %dma_start3A_283 = tpu.memref_slice %arg21[%add3A_49, %dma_start3A_282] : memref<50048x32xf32, #tpu.memory_space<vmem_shared>> -> memref<128x32xf32, #tpu.memory_space<vmem_shared>>
      tpu.enqueue_dma source(%arg20 : memref<128x32xf32, #tpu.memory_space<vmem>>) target(%dma_start3A_283 : memref<128x32xf32, #tpu.memory_space<vmem_shared>>) target_semaphore(%run_scoped3A : memref<!tpu.dma_semaphore, #tpu.memory_space<semaphore_mem>>)
      %dma_wait3A_284 = arith.constant 0 : i32
      %dma_wait3A_285 = tpu.memref_slice %arg21[%add3A_49, %dma_wait3A_284] : memref<50048x32xf32, #tpu.memory_space<vmem_shared>> -> memref<128x32xf32, #tpu.memory_space<vmem_shared>>
      %dma_wait3A_286 = arith.constant 0 : i32
      %dma_wait3A_287 = tpu.memref_slice %arg21[%add3A_49, %dma_wait3A_286] : memref<50048x32xf32, #tpu.memory_space<vmem_shared>> -> memref<128x32xf32, #tpu.memory_space<vmem_shared>>
      tpu.wait_dma2 semaphore(%run_scoped3A : memref<!tpu.dma_semaphore, #tpu.memory_space<semaphore_mem>>) src(%arg20 : memref<128x32xf32, #tpu.memory_space<vmem>>) dst(%dma_wait3A_287 : memref<128x32xf32, #tpu.memory_space<vmem_shared>>)
      tpu.yield
    }) : () -> ()
    %add3A_50 = arith.constant 2176 : i32
    %add3A_51 = arith.addi %mul3A_2, %add3A_50 : i32
    "tpu.region"() ({
      %run_scoped3A = tpu.sem_alloc : memref<!tpu.dma_semaphore, #tpu.memory_space<semaphore_mem>>
      %dma_start3A_280 = arith.constant 0 : i32
      %dma_start3A_281 = tpu.memref_slice %arg21[%add3A_51, %dma_start3A_280] : memref<50048x32xf32, #tpu.memory_space<vmem_shared>> -> memref<128x32xf32, #tpu.memory_space<vmem_shared>>
      %dma_start3A_282 = arith.constant 0 : i32
      %dma_start3A_283 = tpu.memref_slice %arg21[%add3A_51, %dma_start3A_282] : memref<50048x32xf32, #tpu.memory_space<vmem_shared>> -> memref<128x32xf32, #tpu.memory_space<vmem_shared>>
      tpu.enqueue_dma source(%arg20 : memref<128x32xf32, #tpu.memory_space<vmem>>) target(%dma_start3A_283 : memref<128x32xf32, #tpu.memory_space<vmem_shared>>) target_semaphore(%run_scoped3A : memref<!tpu.dma_semaphore, #tpu.memory_space<semaphore_mem>>)
      %dma_wait3A_284 = arith.constant 0 : i32
      %dma_wait3A_285 = tpu.memref_slice %arg21[%add3A_51, %dma_wait3A_284] : memref<50048x32xf32, #tpu.memory_space<vmem_shared>> -> memref<128x32xf32, #tpu.memory_space<vmem_shared>>
      %dma_wait3A_286 = arith.constant 0 : i32
      %dma_wait3A_287 = tpu.memref_slice %arg21[%add3A_51, %dma_wait3A_286] : memref<50048x32xf32, #tpu.memory_space<vmem_shared>> -> memref<128x32xf32, #tpu.memory_space<vmem_shared>>
      tpu.wait_dma2 semaphore(%run_scoped3A : memref<!tpu.dma_semaphore, #tpu.memory_space<semaphore_mem>>) src(%arg20 : memref<128x32xf32, #tpu.memory_space<vmem>>) dst(%dma_wait3A_287 : memref<128x32xf32, #tpu.memory_space<vmem_shared>>)
      tpu.yield
    }) : () -> ()
    %add3A_52 = arith.constant 2304 : i32
    %add3A_53 = arith.addi %mul3A_2, %add3A_52 : i32
    "tpu.region"() ({
      %run_scoped3A = tpu.sem_alloc : memref<!tpu.dma_semaphore, #tpu.memory_space<semaphore_mem>>
      %dma_start3A_280 = arith.constant 0 : i32
      %dma_start3A_281 = tpu.memref_slice %arg21[%add3A_53, %dma_start3A_280] : memref<50048x32xf32, #tpu.memory_space<vmem_shared>> -> memref<128x32xf32, #tpu.memory_space<vmem_shared>>
      %dma_start3A_282 = arith.constant 0 : i32
      %dma_start3A_283 = tpu.memref_slice %arg21[%add3A_53, %dma_start3A_282] : memref<50048x32xf32, #tpu.memory_space<vmem_shared>> -> memref<128x32xf32, #tpu.memory_space<vmem_shared>>
      tpu.enqueue_dma source(%arg20 : memref<128x32xf32, #tpu.memory_space<vmem>>) target(%dma_start3A_283 : memref<128x32xf32, #tpu.memory_space<vmem_shared>>) target_semaphore(%run_scoped3A : memref<!tpu.dma_semaphore, #tpu.memory_space<semaphore_mem>>)
      %dma_wait3A_284 = arith.constant 0 : i32
      %dma_wait3A_285 = tpu.memref_slice %arg21[%add3A_53, %dma_wait3A_284] : memref<50048x32xf32, #tpu.memory_space<vmem_shared>> -> memref<128x32xf32, #tpu.memory_space<vmem_shared>>
      %dma_wait3A_286 = arith.constant 0 : i32
      %dma_wait3A_287 = tpu.memref_slice %arg21[%add3A_53, %dma_wait3A_286] : memref<50048x32xf32, #tpu.memory_space<vmem_shared>> -> memref<128x32xf32, #tpu.memory_space<vmem_shared>>
      tpu.wait_dma2 semaphore(%run_scoped3A : memref<!tpu.dma_semaphore, #tpu.memory_space<semaphore_mem>>) src(%arg20 : memref<128x32xf32, #tpu.memory_space<vmem>>) dst(%dma_wait3A_287 : memref<128x32xf32, #tpu.memory_space<vmem_shared>>)
      tpu.yield
    }) : () -> ()
    %add3A_54 = arith.constant 2432 : i32
    %add3A_55 = arith.addi %mul3A_2, %add3A_54 : i32
    "tpu.region"() ({
      %run_scoped3A = tpu.sem_alloc : memref<!tpu.dma_semaphore, #tpu.memory_space<semaphore_mem>>
      %dma_start3A_280 = arith.constant 0 : i32
      %dma_start3A_281 = tpu.memref_slice %arg21[%add3A_55, %dma_start3A_280] : memref<50048x32xf32, #tpu.memory_space<vmem_shared>> -> memref<128x32xf32, #tpu.memory_space<vmem_shared>>
      %dma_start3A_282 = arith.constant 0 : i32
      %dma_start3A_283 = tpu.memref_slice %arg21[%add3A_55, %dma_start3A_282] : memref<50048x32xf32, #tpu.memory_space<vmem_shared>> -> memref<128x32xf32, #tpu.memory_space<vmem_shared>>
      tpu.enqueue_dma source(%arg20 : memref<128x32xf32, #tpu.memory_space<vmem>>) target(%dma_start3A_283 : memref<128x32xf32, #tpu.memory_space<vmem_shared>>) target_semaphore(%run_scoped3A : memref<!tpu.dma_semaphore, #tpu.memory_space<semaphore_mem>>)
      %dma_wait3A_284 = arith.constant 0 : i32
      %dma_wait3A_285 = tpu.memref_slice %arg21[%add3A_55, %dma_wait3A_284] : memref<50048x32xf32, #tpu.memory_space<vmem_shared>> -> memref<128x32xf32, #tpu.memory_space<vmem_shared>>
      %dma_wait3A_286 = arith.constant 0 : i32
      %dma_wait3A_287 = tpu.memref_slice %arg21[%add3A_55, %dma_wait3A_286] : memref<50048x32xf32, #tpu.memory_space<vmem_shared>> -> memref<128x32xf32, #tpu.memory_space<vmem_shared>>
      tpu.wait_dma2 semaphore(%run_scoped3A : memref<!tpu.dma_semaphore, #tpu.memory_space<semaphore_mem>>) src(%arg20 : memref<128x32xf32, #tpu.memory_space<vmem>>) dst(%dma_wait3A_287 : memref<128x32xf32, #tpu.memory_space<vmem_shared>>)
      tpu.yield
    }) : () -> ()
    %add3A_56 = arith.constant 2560 : i32
    %add3A_57 = arith.addi %mul3A_2, %add3A_56 : i32
    "tpu.region"() ({
      %run_scoped3A = tpu.sem_alloc : memref<!tpu.dma_semaphore, #tpu.memory_space<semaphore_mem>>
      %dma_start3A_280 = arith.constant 0 : i32
      %dma_start3A_281 = tpu.memref_slice %arg21[%add3A_57, %dma_start3A_280] : memref<50048x32xf32, #tpu.memory_space<vmem_shared>> -> memref<128x32xf32, #tpu.memory_space<vmem_shared>>
      %dma_start3A_282 = arith.constant 0 : i32
      %dma_start3A_283 = tpu.memref_slice %arg21[%add3A_57, %dma_start3A_282] : memref<50048x32xf32, #tpu.memory_space<vmem_shared>> -> memref<128x32xf32, #tpu.memory_space<vmem_shared>>
      tpu.enqueue_dma source(%arg20 : memref<128x32xf32, #tpu.memory_space<vmem>>) target(%dma_start3A_283 : memref<128x32xf32, #tpu.memory_space<vmem_shared>>) target_semaphore(%run_scoped3A : memref<!tpu.dma_semaphore, #tpu.memory_space<semaphore_mem>>)
      %dma_wait3A_284 = arith.constant 0 : i32
      %dma_wait3A_285 = tpu.memref_slice %arg21[%add3A_57, %dma_wait3A_284] : memref<50048x32xf32, #tpu.memory_space<vmem_shared>> -> memref<128x32xf32, #tpu.memory_space<vmem_shared>>
      %dma_wait3A_286 = arith.constant 0 : i32
      %dma_wait3A_287 = tpu.memref_slice %arg21[%add3A_57, %dma_wait3A_286] : memref<50048x32xf32, #tpu.memory_space<vmem_shared>> -> memref<128x32xf32, #tpu.memory_space<vmem_shared>>
      tpu.wait_dma2 semaphore(%run_scoped3A : memref<!tpu.dma_semaphore, #tpu.memory_space<semaphore_mem>>) src(%arg20 : memref<128x32xf32, #tpu.memory_space<vmem>>) dst(%dma_wait3A_287 : memref<128x32xf32, #tpu.memory_space<vmem_shared>>)
      tpu.yield
    }) : () -> ()
    %add3A_58 = arith.constant 2688 : i32
    %add3A_59 = arith.addi %mul3A_2, %add3A_58 : i32
    "tpu.region"() ({
      %run_scoped3A = tpu.sem_alloc : memref<!tpu.dma_semaphore, #tpu.memory_space<semaphore_mem>>
      %dma_start3A_280 = arith.constant 0 : i32
      %dma_start3A_281 = tpu.memref_slice %arg21[%add3A_59, %dma_start3A_280] : memref<50048x32xf32, #tpu.memory_space<vmem_shared>> -> memref<128x32xf32, #tpu.memory_space<vmem_shared>>
      %dma_start3A_282 = arith.constant 0 : i32
      %dma_start3A_283 = tpu.memref_slice %arg21[%add3A_59, %dma_start3A_282] : memref<50048x32xf32, #tpu.memory_space<vmem_shared>> -> memref<128x32xf32, #tpu.memory_space<vmem_shared>>
      tpu.enqueue_dma source(%arg20 : memref<128x32xf32, #tpu.memory_space<vmem>>) target(%dma_start3A_283 : memref<128x32xf32, #tpu.memory_space<vmem_shared>>) target_semaphore(%run_scoped3A : memref<!tpu.dma_semaphore, #tpu.memory_space<semaphore_mem>>)
      %dma_wait3A_284 = arith.constant 0 : i32
      %dma_wait3A_285 = tpu.memref_slice %arg21[%add3A_59, %dma_wait3A_284] : memref<50048x32xf32, #tpu.memory_space<vmem_shared>> -> memref<128x32xf32, #tpu.memory_space<vmem_shared>>
      %dma_wait3A_286 = arith.constant 0 : i32
      %dma_wait3A_287 = tpu.memref_slice %arg21[%add3A_59, %dma_wait3A_286] : memref<50048x32xf32, #tpu.memory_space<vmem_shared>> -> memref<128x32xf32, #tpu.memory_space<vmem_shared>>
      tpu.wait_dma2 semaphore(%run_scoped3A : memref<!tpu.dma_semaphore, #tpu.memory_space<semaphore_mem>>) src(%arg20 : memref<128x32xf32, #tpu.memory_space<vmem>>) dst(%dma_wait3A_287 : memref<128x32xf32, #tpu.memory_space<vmem_shared>>)
      tpu.yield
    }) : () -> ()
    %add3A_60 = arith.constant 2816 : i32
    %add3A_61 = arith.addi %mul3A_2, %add3A_60 : i32
    "tpu.region"() ({
      %run_scoped3A = tpu.sem_alloc : memref<!tpu.dma_semaphore, #tpu.memory_space<semaphore_mem>>
      %dma_start3A_280 = arith.constant 0 : i32
      %dma_start3A_281 = tpu.memref_slice %arg21[%add3A_61, %dma_start3A_280] : memref<50048x32xf32, #tpu.memory_space<vmem_shared>> -> memref<128x32xf32, #tpu.memory_space<vmem_shared>>
      %dma_start3A_282 = arith.constant 0 : i32
      %dma_start3A_283 = tpu.memref_slice %arg21[%add3A_61, %dma_start3A_282] : memref<50048x32xf32, #tpu.memory_space<vmem_shared>> -> memref<128x32xf32, #tpu.memory_space<vmem_shared>>
      tpu.enqueue_dma source(%arg20 : memref<128x32xf32, #tpu.memory_space<vmem>>) target(%dma_start3A_283 : memref<128x32xf32, #tpu.memory_space<vmem_shared>>) target_semaphore(%run_scoped3A : memref<!tpu.dma_semaphore, #tpu.memory_space<semaphore_mem>>)
      %dma_wait3A_284 = arith.constant 0 : i32
      %dma_wait3A_285 = tpu.memref_slice %arg21[%add3A_61, %dma_wait3A_284] : memref<50048x32xf32, #tpu.memory_space<vmem_shared>> -> memref<128x32xf32, #tpu.memory_space<vmem_shared>>
      %dma_wait3A_286 = arith.constant 0 : i32
      %dma_wait3A_287 = tpu.memref_slice %arg21[%add3A_61, %dma_wait3A_286] : memref<50048x32xf32, #tpu.memory_space<vmem_shared>> -> memref<128x32xf32, #tpu.memory_space<vmem_shared>>
      tpu.wait_dma2 semaphore(%run_scoped3A : memref<!tpu.dma_semaphore, #tpu.memory_space<semaphore_mem>>) src(%arg20 : memref<128x32xf32, #tpu.memory_space<vmem>>) dst(%dma_wait3A_287 : memref<128x32xf32, #tpu.memory_space<vmem_shared>>)
      tpu.yield
    }) : () -> ()
    %add3A_62 = arith.constant 2944 : i32
    %add3A_63 = arith.addi %mul3A_2, %add3A_62 : i32
    "tpu.region"() ({
      %run_scoped3A = tpu.sem_alloc : memref<!tpu.dma_semaphore, #tpu.memory_space<semaphore_mem>>
      %dma_start3A_280 = arith.constant 0 : i32
      %dma_start3A_281 = tpu.memref_slice %arg21[%add3A_63, %dma_start3A_280] : memref<50048x32xf32, #tpu.memory_space<vmem_shared>> -> memref<128x32xf32, #tpu.memory_space<vmem_shared>>
      %dma_start3A_282 = arith.constant 0 : i32
      %dma_start3A_283 = tpu.memref_slice %arg21[%add3A_63, %dma_start3A_282] : memref<50048x32xf32, #tpu.memory_space<vmem_shared>> -> memref<128x32xf32, #tpu.memory_space<vmem_shared>>
      tpu.enqueue_dma source(%arg20 : memref<128x32xf32, #tpu.memory_space<vmem>>) target(%dma_start3A_283 : memref<128x32xf32, #tpu.memory_space<vmem_shared>>) target_semaphore(%run_scoped3A : memref<!tpu.dma_semaphore, #tpu.memory_space<semaphore_mem>>)
      %dma_wait3A_284 = arith.constant 0 : i32
      %dma_wait3A_285 = tpu.memref_slice %arg21[%add3A_63, %dma_wait3A_284] : memref<50048x32xf32, #tpu.memory_space<vmem_shared>> -> memref<128x32xf32, #tpu.memory_space<vmem_shared>>
      %dma_wait3A_286 = arith.constant 0 : i32
      %dma_wait3A_287 = tpu.memref_slice %arg21[%add3A_63, %dma_wait3A_286] : memref<50048x32xf32, #tpu.memory_space<vmem_shared>> -> memref<128x32xf32, #tpu.memory_space<vmem_shared>>
      tpu.wait_dma2 semaphore(%run_scoped3A : memref<!tpu.dma_semaphore, #tpu.memory_space<semaphore_mem>>) src(%arg20 : memref<128x32xf32, #tpu.memory_space<vmem>>) dst(%dma_wait3A_287 : memref<128x32xf32, #tpu.memory_space<vmem_shared>>)
      tpu.yield
    }) : () -> ()
    %add3A_64 = arith.constant 3072 : i32
    %add3A_65 = arith.addi %mul3A_2, %add3A_64 : i32
    "tpu.region"() ({
      %run_scoped3A = tpu.sem_alloc : memref<!tpu.dma_semaphore, #tpu.memory_space<semaphore_mem>>
      %dma_start3A_280 = arith.constant 0 : i32
      %dma_start3A_281 = arith.constant 0 : i32
      %dma_start3A_282 = tpu.memref_slice %arg20[%dma_start3A_280, %dma_start3A_281] : memref<128x32xf32, #tpu.memory_space<vmem>> -> memref<56x32xf32, #tpu.memory_space<vmem>>
      %dma_start3A_283 = arith.constant 0 : i32
      %dma_start3A_284 = tpu.memref_slice %arg21[%add3A_65, %dma_start3A_283] : memref<50048x32xf32, #tpu.memory_space<vmem_shared>> -> memref<56x32xf32, #tpu.memory_space<vmem_shared>>
      %dma_start3A_285 = arith.constant 0 : i32
      %dma_start3A_286 = tpu.memref_slice %arg21[%add3A_65, %dma_start3A_285] : memref<50048x32xf32, #tpu.memory_space<vmem_shared>> -> memref<56x32xf32, #tpu.memory_space<vmem_shared>>
      %dma_start3A_287 = arith.constant 0 : i32
      %dma_start3A_288 = arith.constant 0 : i32
      %dma_start3A_289 = tpu.memref_slice %arg20[%dma_start3A_287, %dma_start3A_288] : memref<128x32xf32, #tpu.memory_space<vmem>> -> memref<56x32xf32, #tpu.memory_space<vmem>>
      tpu.enqueue_dma source(%dma_start3A_289 : memref<56x32xf32, #tpu.memory_space<vmem>>) target(%dma_start3A_286 : memref<56x32xf32, #tpu.memory_space<vmem_shared>>) target_semaphore(%run_scoped3A : memref<!tpu.dma_semaphore, #tpu.memory_space<semaphore_mem>>)
      %dma_wait3A_290 = arith.constant 0 : i32
      %dma_wait3A_291 = arith.constant 0 : i32
      %dma_wait3A_292 = tpu.memref_slice %arg20[%dma_wait3A_290, %dma_wait3A_291] : memref<128x32xf32, #tpu.memory_space<vmem>> -> memref<56x32xf32, #tpu.memory_space<vmem>>
      %dma_wait3A_293 = arith.constant 0 : i32
      %dma_wait3A_294 = tpu.memref_slice %arg21[%add3A_65, %dma_wait3A_293] : memref<50048x32xf32, #tpu.memory_space<vmem_shared>> -> memref<56x32xf32, #tpu.memory_space<vmem_shared>>
      %dma_wait3A_295 = arith.constant 0 : i32
      %dma_wait3A_296 = tpu.memref_slice %arg21[%add3A_65, %dma_wait3A_295] : memref<50048x32xf32, #tpu.memory_space<vmem_shared>> -> memref<56x32xf32, #tpu.memory_space<vmem_shared>>
      %dma_wait3A_297 = arith.constant 0 : i32
      %dma_wait3A_298 = arith.constant 0 : i32
      %dma_wait3A_299 = tpu.memref_slice %arg20[%dma_wait3A_297, %dma_wait3A_298] : memref<128x32xf32, #tpu.memory_space<vmem>> -> memref<56x32xf32, #tpu.memory_space<vmem>>
      tpu.wait_dma2 semaphore(%run_scoped3A : memref<!tpu.dma_semaphore, #tpu.memory_space<semaphore_mem>>) src(%dma_wait3A_299 : memref<56x32xf32, #tpu.memory_space<vmem>>) dst(%dma_wait3A_296 : memref<56x32xf32, #tpu.memory_space<vmem_shared>>)
      tpu.yield
    }) : () -> ()
    %barrier3A = arith.constant 0 : index
    tpu.barrier barrier_id(%barrier3A)
    %add3A_66 = arith.constant 0 : i32
    %add3A_67 = arith.addi %mul3A_4, %add3A_66 : i32
    %multiple_of3A = tpu.assume_multiple %add3A_67, 128 : i32
    %dma_start3A = tpu.memref_slice %arg5[%multiple_of3A] : memref<800768xi32, #tpu.memory_space<hbm>> -> memref<128xi32, #tpu.memory_space<hbm>>
    %dma_start3A_68 = tpu.memref_slice %arg5[%multiple_of3A] : memref<800768xi32, #tpu.memory_space<hbm>> -> memref<128xi32, #tpu.memory_space<hbm>>
    tpu.enqueue_dma source(%dma_start3A_68 : memref<128xi32, #tpu.memory_space<hbm>>) target(%arg8 : memref<128xi32, #tpu.memory_space<vmem>>) target_semaphore(%arg22 : memref<!tpu.dma_semaphore, #tpu.memory_space<semaphore_mem>>)
    %dma_start3A_69 = tpu.memref_slice %arg6[%multiple_of3A] : memref<800768xi32, #tpu.memory_space<hbm>> -> memref<128xi32, #tpu.memory_space<hbm>>
    %dma_start3A_70 = tpu.memref_slice %arg6[%multiple_of3A] : memref<800768xi32, #tpu.memory_space<hbm>> -> memref<128xi32, #tpu.memory_space<hbm>>
    tpu.enqueue_dma source(%dma_start3A_70 : memref<128xi32, #tpu.memory_space<hbm>>) target(%arg10 : memref<128xi32, #tpu.memory_space<vmem>>) target_semaphore(%arg23 : memref<!tpu.dma_semaphore, #tpu.memory_space<semaphore_mem>>)
    %dma_wait3A = arith.constant 0 : i32
    %dma_wait3A_71 = tpu.memref_slice %arg5[%dma_wait3A] : memref<800768xi32, #tpu.memory_space<hbm>> -> memref<128xi32, #tpu.memory_space<hbm>>
    %dma_wait3A_72 = arith.constant 0 : i32
    %dma_wait3A_73 = tpu.memref_slice %arg5[%dma_wait3A_72] : memref<800768xi32, #tpu.memory_space<hbm>> -> memref<128xi32, #tpu.memory_space<hbm>>
    tpu.wait_dma2 semaphore(%arg22 : memref<!tpu.dma_semaphore, #tpu.memory_space<semaphore_mem>>) src(%dma_wait3A_73 : memref<128xi32, #tpu.memory_space<hbm>>) dst(%arg8 : memref<128xi32, #tpu.memory_space<vmem>>)
    %dma_wait3A_74 = arith.constant 0 : i32
    %dma_wait3A_75 = tpu.memref_slice %arg6[%dma_wait3A_74] : memref<800768xi32, #tpu.memory_space<hbm>> -> memref<128xi32, #tpu.memory_space<hbm>>
    %dma_wait3A_76 = arith.constant 0 : i32
    %dma_wait3A_77 = tpu.memref_slice %arg6[%dma_wait3A_76] : memref<800768xi32, #tpu.memory_space<hbm>> -> memref<128xi32, #tpu.memory_space<hbm>>
    tpu.wait_dma2 semaphore(%arg23 : memref<!tpu.dma_semaphore, #tpu.memory_space<semaphore_mem>>) src(%dma_wait3A_77 : memref<128xi32, #tpu.memory_space<hbm>>) dst(%arg10 : memref<128xi32, #tpu.memory_space<vmem>>)
    %get3A = arith.constant 0 : index
    %get3A_78 = tpu.vector_load %arg8[%get3A] {strides = array<i32>} : memref<128xi32, #tpu.memory_space<vmem>>, vector<16xi32>,
    %get3A_79 = vector.shape_cast %get3A_78 : vector<16xi32> to vector<16xi32>
    %add3A_80 = vector.broadcast %mul3A_0 : i32 to vector<16xi32>
    %add3A_81 = arith.addi %get3A_79, %add3A_80 : vector<16xi32>
    %swap3A = arith.constant 0 : index
    %swap3A_82 = tpu.vector_load %arg8[%swap3A] {strides = array<i32>} : memref<128xi32, #tpu.memory_space<vmem>>, vector<16xi32>,
    %swap3A_83 = vector.shape_cast %swap3A_82 : vector<16xi32> to vector<16xi32>
    %swap3A_84 = vector.shape_cast %add3A_81 : vector<16xi32> to vector<16xi32>
    tpu.vector_store %arg8[%swap3A], %swap3A_84 {strides = array<i32>} : memref<128xi32, #tpu.memory_space<vmem>>, vector<16xi32>,
    %get3A_85 = arith.constant 0 : index
    %get3A_86 = tpu.vector_load %arg10[%get3A_85] {strides = array<i32>} : memref<128xi32, #tpu.memory_space<vmem>>, vector<16xi32>,
    %get3A_87 = vector.shape_cast %get3A_86 : vector<16xi32> to vector<16xi32>
    %add3A_88 = vector.broadcast %mul3A_0 : i32 to vector<16xi32>
    %add3A_89 = arith.addi %get3A_87, %add3A_88 : vector<16xi32>
    %swap3A_90 = arith.constant 0 : index
    %swap3A_91 = tpu.vector_load %arg9[%swap3A_90] {strides = array<i32>} : memref<128xi32, #tpu.memory_space<vmem>>, vector<16xi32>,
    %swap3A_92 = vector.shape_cast %swap3A_91 : vector<16xi32> to vector<16xi32>
    %swap3A_93 = vector.shape_cast %add3A_89 : vector<16xi32> to vector<16xi32>
    tpu.vector_store %arg9[%swap3A_90], %swap3A_93 {strides = array<i32>} : memref<128xi32, #tpu.memory_space<vmem>>, vector<16xi32>,
    %get3A_94 = arith.constant 16 : index
    %get3A_95 = tpu.vector_load %arg8[%get3A_94] {strides = array<i32>} : memref<128xi32, #tpu.memory_space<vmem>>, vector<16xi32>,
    %get3A_96 = vector.shape_cast %get3A_95 : vector<16xi32> to vector<16xi32>
    %add3A_97 = vector.broadcast %mul3A_0 : i32 to vector<16xi32>
    %add3A_98 = arith.addi %get3A_96, %add3A_97 : vector<16xi32>
    %swap3A_99 = arith.constant 16 : index
    %swap3A_100 = tpu.vector_load %arg8[%swap3A_99] {strides = array<i32>} : memref<128xi32, #tpu.memory_space<vmem>>, vector<16xi32>,
    %swap3A_101 = vector.shape_cast %swap3A_100 : vector<16xi32> to vector<16xi32>
    %swap3A_102 = vector.shape_cast %add3A_98 : vector<16xi32> to vector<16xi32>
    tpu.vector_store %arg8[%swap3A_99], %swap3A_102 {strides = array<i32>} : memref<128xi32, #tpu.memory_space<vmem>>, vector<16xi32>,
    %get3A_103 = arith.constant 16 : index
    %get3A_104 = tpu.vector_load %arg10[%get3A_103] {strides = array<i32>} : memref<128xi32, #tpu.memory_space<vmem>>, vector<16xi32>,
    %get3A_105 = vector.shape_cast %get3A_104 : vector<16xi32> to vector<16xi32>
    %add3A_106 = vector.broadcast %mul3A_0 : i32 to vector<16xi32>
    %add3A_107 = arith.addi %get3A_105, %add3A_106 : vector<16xi32>
    %swap3A_108 = arith.constant 16 : index
    %swap3A_109 = tpu.vector_load %arg9[%swap3A_108] {strides = array<i32>} : memref<128xi32, #tpu.memory_space<vmem>>, vector<16xi32>,
    %swap3A_110 = vector.shape_cast %swap3A_109 : vector<16xi32> to vector<16xi32>
    %swap3A_111 = vector.shape_cast %add3A_107 : vector<16xi32> to vector<16xi32>
    tpu.vector_store %arg9[%swap3A_108], %swap3A_111 {strides = array<i32>} : memref<128xi32, #tpu.memory_space<vmem>>, vector<16xi32>,
    %get3A_112 = arith.constant 32 : index
    %get3A_113 = tpu.vector_load %arg8[%get3A_112] {strides = array<i32>} : memref<128xi32, #tpu.memory_space<vmem>>, vector<16xi32>,
    %get3A_114 = vector.shape_cast %get3A_113 : vector<16xi32> to vector<16xi32>
    %add3A_115 = vector.broadcast %mul3A_0 : i32 to vector<16xi32>
    %add3A_116 = arith.addi %get3A_114, %add3A_115 : vector<16xi32>
    %swap3A_117 = arith.constant 32 : index
    %swap3A_118 = tpu.vector_load %arg8[%swap3A_117] {strides = array<i32>} : memref<128xi32, #tpu.memory_space<vmem>>, vector<16xi32>,
    %swap3A_119 = vector.shape_cast %swap3A_118 : vector<16xi32> to vector<16xi32>
    %swap3A_120 = vector.shape_cast %add3A_116 : vector<16xi32> to vector<16xi32>
    tpu.vector_store %arg8[%swap3A_117], %swap3A_120 {strides = array<i32>} : memref<128xi32, #tpu.memory_space<vmem>>, vector<16xi32>,
    %get3A_121 = arith.constant 32 : index
    %get3A_122 = tpu.vector_load %arg10[%get3A_121] {strides = array<i32>} : memref<128xi32, #tpu.memory_space<vmem>>, vector<16xi32>,
    %get3A_123 = vector.shape_cast %get3A_122 : vector<16xi32> to vector<16xi32>
    %add3A_124 = vector.broadcast %mul3A_0 : i32 to vector<16xi32>
    %add3A_125 = arith.addi %get3A_123, %add3A_124 : vector<16xi32>
    %swap3A_126 = arith.constant 32 : index
    %swap3A_127 = tpu.vector_load %arg9[%swap3A_126] {strides = array<i32>} : memref<128xi32, #tpu.memory_space<vmem>>, vector<16xi32>,
    %swap3A_128 = vector.shape_cast %swap3A_127 : vector<16xi32> to vector<16xi32>
    %swap3A_129 = vector.shape_cast %add3A_125 : vector<16xi32> to vector<16xi32>
    tpu.vector_store %arg9[%swap3A_126], %swap3A_129 {strides = array<i32>} : memref<128xi32, #tpu.memory_space<vmem>>, vector<16xi32>,
    %get3A_130 = arith.constant 48 : index
    %get3A_131 = tpu.vector_load %arg8[%get3A_130] {strides = array<i32>} : memref<128xi32, #tpu.memory_space<vmem>>, vector<16xi32>,
    %get3A_132 = vector.shape_cast %get3A_131 : vector<16xi32> to vector<16xi32>
    %add3A_133 = vector.broadcast %mul3A_0 : i32 to vector<16xi32>
    %add3A_134 = arith.addi %get3A_132, %add3A_133 : vector<16xi32>
    %swap3A_135 = arith.constant 48 : index
    %swap3A_136 = tpu.vector_load %arg8[%swap3A_135] {strides = array<i32>} : memref<128xi32, #tpu.memory_space<vmem>>, vector<16xi32>,
    %swap3A_137 = vector.shape_cast %swap3A_136 : vector<16xi32> to vector<16xi32>
    %swap3A_138 = vector.shape_cast %add3A_134 : vector<16xi32> to vector<16xi32>
    tpu.vector_store %arg8[%swap3A_135], %swap3A_138 {strides = array<i32>} : memref<128xi32, #tpu.memory_space<vmem>>, vector<16xi32>,
    %get3A_139 = arith.constant 48 : index
    %get3A_140 = tpu.vector_load %arg10[%get3A_139] {strides = array<i32>} : memref<128xi32, #tpu.memory_space<vmem>>, vector<16xi32>,
    %get3A_141 = vector.shape_cast %get3A_140 : vector<16xi32> to vector<16xi32>
    %add3A_142 = vector.broadcast %mul3A_0 : i32 to vector<16xi32>
    %add3A_143 = arith.addi %get3A_141, %add3A_142 : vector<16xi32>
    %swap3A_144 = arith.constant 48 : index
    %swap3A_145 = tpu.vector_load %arg9[%swap3A_144] {strides = array<i32>} : memref<128xi32, #tpu.memory_space<vmem>>, vector<16xi32>,
    %swap3A_146 = vector.shape_cast %swap3A_145 : vector<16xi32> to vector<16xi32>
    %swap3A_147 = vector.shape_cast %add3A_143 : vector<16xi32> to vector<16xi32>
    tpu.vector_store %arg9[%swap3A_144], %swap3A_147 {strides = array<i32>} : memref<128xi32, #tpu.memory_space<vmem>>, vector<16xi32>,
    %get3A_148 = arith.constant 64 : index
    %get3A_149 = tpu.vector_load %arg8[%get3A_148] {strides = array<i32>} : memref<128xi32, #tpu.memory_space<vmem>>, vector<16xi32>,
    %get3A_150 = vector.shape_cast %get3A_149 : vector<16xi32> to vector<16xi32>
    %add3A_151 = vector.broadcast %mul3A_0 : i32 to vector<16xi32>
    %add3A_152 = arith.addi %get3A_150, %add3A_151 : vector<16xi32>
    %swap3A_153 = arith.constant 64 : index
    %swap3A_154 = tpu.vector_load %arg8[%swap3A_153] {strides = array<i32>} : memref<128xi32, #tpu.memory_space<vmem>>, vector<16xi32>,
    %swap3A_155 = vector.shape_cast %swap3A_154 : vector<16xi32> to vector<16xi32>
    %swap3A_156 = vector.shape_cast %add3A_152 : vector<16xi32> to vector<16xi32>
    tpu.vector_store %arg8[%swap3A_153], %swap3A_156 {strides = array<i32>} : memref<128xi32, #tpu.memory_space<vmem>>, vector<16xi32>,
    %get3A_157 = arith.constant 64 : index
    %get3A_158 = tpu.vector_load %arg10[%get3A_157] {strides = array<i32>} : memref<128xi32, #tpu.memory_space<vmem>>, vector<16xi32>,
    %get3A_159 = vector.shape_cast %get3A_158 : vector<16xi32> to vector<16xi32>
    %add3A_160 = vector.broadcast %mul3A_0 : i32 to vector<16xi32>
    %add3A_161 = arith.addi %get3A_159, %add3A_160 : vector<16xi32>
    %swap3A_162 = arith.constant 64 : index
    %swap3A_163 = tpu.vector_load %arg9[%swap3A_162] {strides = array<i32>} : memref<128xi32, #tpu.memory_space<vmem>>, vector<16xi32>,
    %swap3A_164 = vector.shape_cast %swap3A_163 : vector<16xi32> to vector<16xi32>
    %swap3A_165 = vector.shape_cast %add3A_161 : vector<16xi32> to vector<16xi32>
    tpu.vector_store %arg9[%swap3A_162], %swap3A_165 {strides = array<i32>} : memref<128xi32, #tpu.memory_space<vmem>>, vector<16xi32>,
    %get3A_166 = arith.constant 80 : index
    %get3A_167 = tpu.vector_load %arg8[%get3A_166] {strides = array<i32>} : memref<128xi32, #tpu.memory_space<vmem>>, vector<16xi32>,
    %get3A_168 = vector.shape_cast %get3A_167 : vector<16xi32> to vector<16xi32>
    %add3A_169 = vector.broadcast %mul3A_0 : i32 to vector<16xi32>
    %add3A_170 = arith.addi %get3A_168, %add3A_169 : vector<16xi32>
    %swap3A_171 = arith.constant 80 : index
    %swap3A_172 = tpu.vector_load %arg8[%swap3A_171] {strides = array<i32>} : memref<128xi32, #tpu.memory_space<vmem>>, vector<16xi32>,
    %swap3A_173 = vector.shape_cast %swap3A_172 : vector<16xi32> to vector<16xi32>
    %swap3A_174 = vector.shape_cast %add3A_170 : vector<16xi32> to vector<16xi32>
    tpu.vector_store %arg8[%swap3A_171], %swap3A_174 {strides = array<i32>} : memref<128xi32, #tpu.memory_space<vmem>>, vector<16xi32>,
    %get3A_175 = arith.constant 80 : index
    %get3A_176 = tpu.vector_load %arg10[%get3A_175] {strides = array<i32>} : memref<128xi32, #tpu.memory_space<vmem>>, vector<16xi32>,
    %get3A_177 = vector.shape_cast %get3A_176 : vector<16xi32> to vector<16xi32>
    %add3A_178 = vector.broadcast %mul3A_0 : i32 to vector<16xi32>
    %add3A_179 = arith.addi %get3A_177, %add3A_178 : vector<16xi32>
    %swap3A_180 = arith.constant 80 : index
    %swap3A_181 = tpu.vector_load %arg9[%swap3A_180] {strides = array<i32>} : memref<128xi32, #tpu.memory_space<vmem>>, vector<16xi32>,
    %swap3A_182 = vector.shape_cast %swap3A_181 : vector<16xi32> to vector<16xi32>
    %swap3A_183 = vector.shape_cast %add3A_179 : vector<16xi32> to vector<16xi32>
    tpu.vector_store %arg9[%swap3A_180], %swap3A_183 {strides = array<i32>} : memref<128xi32, #tpu.memory_space<vmem>>, vector<16xi32>,
    %get3A_184 = arith.constant 96 : index
    %get3A_185 = tpu.vector_load %arg8[%get3A_184] {strides = array<i32>} : memref<128xi32, #tpu.memory_space<vmem>>, vector<16xi32>,
    %get3A_186 = vector.shape_cast %get3A_185 : vector<16xi32> to vector<16xi32>
    %add3A_187 = vector.broadcast %mul3A_0 : i32 to vector<16xi32>
    %add3A_188 = arith.addi %get3A_186, %add3A_187 : vector<16xi32>
    %swap3A_189 = arith.constant 96 : index
    %swap3A_190 = tpu.vector_load %arg8[%swap3A_189] {strides = array<i32>} : memref<128xi32, #tpu.memory_space<vmem>>, vector<16xi32>,
    %swap3A_191 = vector.shape_cast %swap3A_190 : vector<16xi32> to vector<16xi32>
    %swap3A_192 = vector.shape_cast %add3A_188 : vector<16xi32> to vector<16xi32>
    tpu.vector_store %arg8[%swap3A_189], %swap3A_192 {strides = array<i32>} : memref<128xi32, #tpu.memory_space<vmem>>, vector<16xi32>,
    %get3A_193 = arith.constant 96 : index
    %get3A_194 = tpu.vector_load %arg10[%get3A_193] {strides = array<i32>} : memref<128xi32, #tpu.memory_space<vmem>>, vector<16xi32>,
    %get3A_195 = vector.shape_cast %get3A_194 : vector<16xi32> to vector<16xi32>
    %add3A_196 = vector.broadcast %mul3A_0 : i32 to vector<16xi32>
    %add3A_197 = arith.addi %get3A_195, %add3A_196 : vector<16xi32>
    %swap3A_198 = arith.constant 96 : index
    %swap3A_199 = tpu.vector_load %arg9[%swap3A_198] {strides = array<i32>} : memref<128xi32, #tpu.memory_space<vmem>>, vector<16xi32>,
    %swap3A_200 = vector.shape_cast %swap3A_199 : vector<16xi32> to vector<16xi32>
    %swap3A_201 = vector.shape_cast %add3A_197 : vector<16xi32> to vector<16xi32>
    tpu.vector_store %arg9[%swap3A_198], %swap3A_201 {strides = array<i32>} : memref<128xi32, #tpu.memory_space<vmem>>, vector<16xi32>,
    %get3A_202 = arith.constant 112 : index
    %get3A_203 = tpu.vector_load %arg8[%get3A_202] {strides = array<i32>} : memref<128xi32, #tpu.memory_space<vmem>>, vector<16xi32>,
    %get3A_204 = vector.shape_cast %get3A_203 : vector<16xi32> to vector<16xi32>
    %add3A_205 = vector.broadcast %mul3A_0 : i32 to vector<16xi32>
    %add3A_206 = arith.addi %get3A_204, %add3A_205 : vector<16xi32>
    %swap3A_207 = arith.constant 112 : index
    %swap3A_208 = tpu.vector_load %arg8[%swap3A_207] {strides = array<i32>} : memref<128xi32, #tpu.memory_space<vmem>>, vector<16xi32>,
    %swap3A_209 = vector.shape_cast %swap3A_208 : vector<16xi32> to vector<16xi32>
    %swap3A_210 = vector.shape_cast %add3A_206 : vector<16xi32> to vector<16xi32>
    tpu.vector_store %arg8[%swap3A_207], %swap3A_210 {strides = array<i32>} : memref<128xi32, #tpu.memory_space<vmem>>, vector<16xi32>,
    %get3A_211 = arith.constant 112 : index
    %get3A_212 = tpu.vector_load %arg10[%get3A_211] {strides = array<i32>} : memref<128xi32, #tpu.memory_space<vmem>>, vector<16xi32>,
    %get3A_213 = vector.shape_cast %get3A_212 : vector<16xi32> to vector<16xi32>
    %add3A_214 = vector.broadcast %mul3A_0 : i32 to vector<16xi32>
    %add3A_215 = arith.addi %get3A_213, %add3A_214 : vector<16xi32>
    %swap3A_216 = arith.constant 112 : index
    %swap3A_217 = tpu.vector_load %arg9[%swap3A_216] {strides = array<i32>} : memref<128xi32, #tpu.memory_space<vmem>>, vector<16xi32>,
    %swap3A_218 = vector.shape_cast %swap3A_217 : vector<16xi32> to vector<16xi32>
    %swap3A_219 = vector.shape_cast %add3A_215 : vector<16xi32> to vector<16xi32>
    tpu.vector_store %arg9[%swap3A_216], %swap3A_219 {strides = array<i32>} : memref<128xi32, #tpu.memory_space<vmem>>, vector<16xi32>,
    %dma_start3A_220 = arith.constant 0 : i32
    %dma_start3A_221 = arith.constant 0 : i32
    %dma_start3A_222 = tpu.memref_slice %arg2[%dma_start3A_220, %dma_start3A_221] : memref<100096x32xf32, #tpu.memory_space<hbm>> -> memref<100096x32xf32, #tpu.memory_space<hbm>>
    tpu.enqueue_indirect_dma source(%dma_start3A_222 : memref<100096x32xf32, #tpu.memory_space<hbm>>) target(%arg14 : memref<128x32xf32, #tpu.memory_space<vmem>>) offsets(%arg8 : memref<128xi32, #tpu.memory_space<vmem>>) semaphore(%arg24 : memref<!tpu.dma_semaphore, #tpu.memory_space<semaphore_mem>>)
    %dma_start3A_223 = arith.constant 0 : i32
    %dma_start3A_224 = arith.constant 0 : i32
    %dma_start3A_225 = tpu.memref_slice %arg3[%dma_start3A_223, %dma_start3A_224] : memref<100096x32xf32, #tpu.memory_space<hbm>> -> memref<100096x32xf32, #tpu.memory_space<hbm>>
    tpu.enqueue_indirect_dma source(%dma_start3A_225 : memref<100096x32xf32, #tpu.memory_space<hbm>>) target(%arg15 : memref<128x32xf32, #tpu.memory_space<vmem>>) offsets(%arg9 : memref<128xi32, #tpu.memory_space<vmem>>) semaphore(%arg25 : memref<!tpu.dma_semaphore, #tpu.memory_space<semaphore_mem>>)
    %add3A_226 = arith.constant 0 : i32
    %add3A_227 = arith.addi %add3A, %add3A_226 : i32
    %dma_start3A_228 = arith.constant 0 : i32
    %dma_start3A_229 = tpu.memref_slice %arg4[%add3A_227, %dma_start3A_228] : memref<400384x128xf32, #tpu.memory_space<hbm>> -> memref<32x128xf32, #tpu.memory_space<hbm>>
    %dma_start3A_230 = arith.constant 0 : i32
    %dma_start3A_231 = tpu.memref_slice %arg4[%add3A_227, %dma_start3A_230] : memref<400384x128xf32, #tpu.memory_space<hbm>> -> memref<32x128xf32, #tpu.memory_space<hbm>>
    tpu.enqueue_dma source(%dma_start3A_231 : memref<32x128xf32, #tpu.memory_space<hbm>>) target(%arg16 : memref<32x128xf32, #tpu.memory_space<vmem>>) target_semaphore(%arg26 : memref<!tpu.dma_semaphore, #tpu.memory_space<semaphore_mem>>)
    %add3A_232 = arith.constant 128 : i32
    %add3A_233 = arith.addi %mul3A_4, %add3A_232 : i32
    %multiple_of3A_234 = tpu.assume_multiple %add3A_233, 128 : i32
    %dma_start3A_235 = tpu.memref_slice %arg5[%multiple_of3A_234] : memref<800768xi32, #tpu.memory_space<hbm>> -> memref<128xi32, #tpu.memory_space<hbm>>
    %dma_start3A_236 = tpu.memref_slice %arg5[%multiple_of3A_234] : memref<800768xi32, #tpu.memory_space<hbm>> -> memref<128xi32, #tpu.memory_space<hbm>>
    tpu.enqueue_dma source(%dma_start3A_236 : memref<128xi32, #tpu.memory_space<hbm>>) target(%arg11 : memref<128xi32, #tpu.memory_space<vmem>>) target_semaphore(%arg27 : memref<!tpu.dma_semaphore, #tpu.memory_space<semaphore_mem>>)
    %dma_start3A_237 = tpu.memref_slice %arg6[%multiple_of3A_234] : memref<800768xi32, #tpu.memory_space<hbm>> -> memref<128xi32, #tpu.memory_space<hbm>>
    %dma_start3A_238 = tpu.memref_slice %arg6[%multiple_of3A_234] : memref<800768xi32, #tpu.memory_space<hbm>> -> memref<128xi32, #tpu.memory_space<hbm>>
    tpu.enqueue_dma source(%dma_start3A_238 : memref<128xi32, #tpu.memory_space<hbm>>) target(%arg13 : memref<128xi32, #tpu.memory_space<vmem>>) target_semaphore(%arg28 : memref<!tpu.dma_semaphore, #tpu.memory_space<semaphore_mem>>)
    %scan3A_239 = arith.constant 0 : i32
    %scan3A_240 = arith.constant 0 : i32
    %scan3A_241 = arith.constant 195 : i32
    %scan3A_242 = arith.addi %scan3A_240, %scan3A_241 : i32
    %scan3A_243 = arith.constant 1 : i32
    %scan3A_244 = scf.for %scan3A_280 = %scan3A_240 to %scan3A_242 step %scan3A_243 iter_args(%scan3A_281 = %scan3A_239) -> (i32)  : i32 {
      %mul3A_282 = arith.constant 2 : i32
      %mul3A_283 = arith.muli %mul3A_282, %scan3A_280 : i32
      %add3A_284 = arith.constant 1 : i32
      %add3A_285 = arith.addi %mul3A_283, %add3A_284 : i32
      %dma_wait3A_286 = arith.constant 0 : i32
      %dma_wait3A_287 = tpu.memref_slice %arg5[%dma_wait3A_286] : memref<800768xi32, #tpu.memory_space<hbm>> -> memref<128xi32, #tpu.memory_space<hbm>>
      %dma_wait3A_288 = arith.constant 0 : i32
      %dma_wait3A_289 = tpu.memref_slice %arg5[%dma_wait3A_288] : memref<800768xi32, #tpu.memory_space<hbm>> -> memref<128xi32, #tpu.memory_space<hbm>>
      tpu.wait_dma2 semaphore(%arg27 : memref<!tpu.dma_semaphore, #tpu.memory_space<semaphore_mem>>) src(%dma_wait3A_289 : memref<128xi32, #tpu.memory_space<hbm>>) dst(%arg11 : memref<128xi32, #tpu.memory_space<vmem>>)
      %dma_wait3A_290 = arith.constant 0 : i32
      %dma_wait3A_291 = tpu.memref_slice %arg6[%dma_wait3A_290] : memref<800768xi32, #tpu.memory_space<hbm>> -> memref<128xi32, #tpu.memory_space<hbm>>
      %dma_wait3A_292 = arith.constant 0 : i32
      %dma_wait3A_293 = tpu.memref_slice %arg6[%dma_wait3A_292] : memref<800768xi32, #tpu.memory_space<hbm>> -> memref<128xi32, #tpu.memory_space<hbm>>
      tpu.wait_dma2 semaphore(%arg28 : memref<!tpu.dma_semaphore, #tpu.memory_space<semaphore_mem>>) src(%dma_wait3A_293 : memref<128xi32, #tpu.memory_space<hbm>>) dst(%arg13 : memref<128xi32, #tpu.memory_space<vmem>>)
      %get3A_294 = arith.constant 0 : index
      %get3A_295 = tpu.vector_load %arg11[%get3A_294] {strides = array<i32>} : memref<128xi32, #tpu.memory_space<vmem>>, vector<16xi32>,
      %get3A_296 = vector.shape_cast %get3A_295 : vector<16xi32> to vector<16xi32>
      %add3A_297 = vector.broadcast %mul3A_0 : i32 to vector<16xi32>
      %add3A_298 = arith.addi %get3A_296, %add3A_297 : vector<16xi32>
      %swap3A_299 = arith.constant 0 : index
      %swap3A_300 = tpu.vector_load %arg11[%swap3A_299] {strides = array<i32>} : memref<128xi32, #tpu.memory_space<vmem>>, vector<16xi32>,
      %swap3A_301 = vector.shape_cast %swap3A_300 : vector<16xi32> to vector<16xi32>
      %swap3A_302 = vector.shape_cast %add3A_298 : vector<16xi32> to vector<16xi32>
      tpu.vector_store %arg11[%swap3A_299], %swap3A_302 {strides = array<i32>} : memref<128xi32, #tpu.memory_space<vmem>>, vector<16xi32>,
      %get3A_303 = arith.constant 0 : index
      %get3A_304 = tpu.vector_load %arg13[%get3A_303] {strides = array<i32>} : memref<128xi32, #tpu.memory_space<vmem>>, vector<16xi32>,
      %get3A_305 = vector.shape_cast %get3A_304 : vector<16xi32> to vector<16xi32>
      %add3A_306 = vector.broadcast %mul3A_0 : i32 to vector<16xi32>
      %add3A_307 = arith.addi %get3A_305, %add3A_306 : vector<16xi32>
      %swap3A_308 = arith.constant 0 : index
      %swap3A_309 = tpu.vector_load %arg12[%swap3A_308] {strides = array<i32>} : memref<128xi32, #tpu.memory_space<vmem>>, vector<16xi32>,
      %swap3A_310 = vector.shape_cast %swap3A_309 : vector<16xi32> to vector<16xi32>
      %swap3A_311 = vector.shape_cast %add3A_307 : vector<16xi32> to vector<16xi32>
      tpu.vector_store %arg12[%swap3A_308], %swap3A_311 {strides = array<i32>} : memref<128xi32, #tpu.memory_space<vmem>>, vector<16xi32>,
      %get3A_312 = arith.constant 16 : index
      %get3A_313 = tpu.vector_load %arg11[%get3A_312] {strides = array<i32>} : memref<128xi32, #tpu.memory_space<vmem>>, vector<16xi32>,
      %get3A_314 = vector.shape_cast %get3A_313 : vector<16xi32> to vector<16xi32>
      %add3A_315 = vector.broadcast %mul3A_0 : i32 to vector<16xi32>
      %add3A_316 = arith.addi %get3A_314, %add3A_315 : vector<16xi32>
      %swap3A_317 = arith.constant 16 : index
      %swap3A_318 = tpu.vector_load %arg11[%swap3A_317] {strides = array<i32>} : memref<128xi32, #tpu.memory_space<vmem>>, vector<16xi32>,
      %swap3A_319 = vector.shape_cast %swap3A_318 : vector<16xi32> to vector<16xi32>
      %swap3A_320 = vector.shape_cast %add3A_316 : vector<16xi32> to vector<16xi32>
      tpu.vector_store %arg11[%swap3A_317], %swap3A_320 {strides = array<i32>} : memref<128xi32, #tpu.memory_space<vmem>>, vector<16xi32>,
      %get3A_321 = arith.constant 16 : index
      %get3A_322 = tpu.vector_load %arg13[%get3A_321] {strides = array<i32>} : memref<128xi32, #tpu.memory_space<vmem>>, vector<16xi32>,
      %get3A_323 = vector.shape_cast %get3A_322 : vector<16xi32> to vector<16xi32>
      %add3A_324 = vector.broadcast %mul3A_0 : i32 to vector<16xi32>
      %add3A_325 = arith.addi %get3A_323, %add3A_324 : vector<16xi32>
      %swap3A_326 = arith.constant 16 : index
      %swap3A_327 = tpu.vector_load %arg12[%swap3A_326] {strides = array<i32>} : memref<128xi32, #tpu.memory_space<vmem>>, vector<16xi32>,
      %swap3A_328 = vector.shape_cast %swap3A_327 : vector<16xi32> to vector<16xi32>
      %swap3A_329 = vector.shape_cast %add3A_325 : vector<16xi32> to vector<16xi32>
      tpu.vector_store %arg12[%swap3A_326], %swap3A_329 {strides = array<i32>} : memref<128xi32, #tpu.memory_space<vmem>>, vector<16xi32>,
      %get3A_330 = arith.constant 32 : index
      %get3A_331 = tpu.vector_load %arg11[%get3A_330] {strides = array<i32>} : memref<128xi32, #tpu.memory_space<vmem>>, vector<16xi32>,
      %get3A_332 = vector.shape_cast %get3A_331 : vector<16xi32> to vector<16xi32>
      %add3A_333 = vector.broadcast %mul3A_0 : i32 to vector<16xi32>
      %add3A_334 = arith.addi %get3A_332, %add3A_333 : vector<16xi32>
      %swap3A_335 = arith.constant 32 : index
      %swap3A_336 = tpu.vector_load %arg11[%swap3A_335] {strides = array<i32>} : memref<128xi32, #tpu.memory_space<vmem>>, vector<16xi32>,
      %swap3A_337 = vector.shape_cast %swap3A_336 : vector<16xi32> to vector<16xi32>
      %swap3A_338 = vector.shape_cast %add3A_334 : vector<16xi32> to vector<16xi32>
      tpu.vector_store %arg11[%swap3A_335], %swap3A_338 {strides = array<i32>} : memref<128xi32, #tpu.memory_space<vmem>>, vector<16xi32>,
      %get3A_339 = arith.constant 32 : index
      %get3A_340 = tpu.vector_load %arg13[%get3A_339] {strides = array<i32>} : memref<128xi32, #tpu.memory_space<vmem>>, vector<16xi32>,
      %get3A_341 = vector.shape_cast %get3A_340 : vector<16xi32> to vector<16xi32>
      %add3A_342 = vector.broadcast %mul3A_0 : i32 to vector<16xi32>
      %add3A_343 = arith.addi %get3A_341, %add3A_342 : vector<16xi32>
      %swap3A_344 = arith.constant 32 : index
      %swap3A_345 = tpu.vector_load %arg12[%swap3A_344] {strides = array<i32>} : memref<128xi32, #tpu.memory_space<vmem>>, vector<16xi32>,
      %swap3A_346 = vector.shape_cast %swap3A_345 : vector<16xi32> to vector<16xi32>
      %swap3A_347 = vector.shape_cast %add3A_343 : vector<16xi32> to vector<16xi32>
      tpu.vector_store %arg12[%swap3A_344], %swap3A_347 {strides = array<i32>} : memref<128xi32, #tpu.memory_space<vmem>>, vector<16xi32>,
      %get3A_348 = arith.constant 48 : index
      %get3A_349 = tpu.vector_load %arg11[%get3A_348] {strides = array<i32>} : memref<128xi32, #tpu.memory_space<vmem>>, vector<16xi32>,
      %get3A_350 = vector.shape_cast %get3A_349 : vector<16xi32> to vector<16xi32>
      %add3A_351 = vector.broadcast %mul3A_0 : i32 to vector<16xi32>
      %add3A_352 = arith.addi %get3A_350, %add3A_351 : vector<16xi32>
      %swap3A_353 = arith.constant 48 : index
      %swap3A_354 = tpu.vector_load %arg11[%swap3A_353] {strides = array<i32>} : memref<128xi32, #tpu.memory_space<vmem>>, vector<16xi32>,
      %swap3A_355 = vector.shape_cast %swap3A_354 : vector<16xi32> to vector<16xi32>
      %swap3A_356 = vector.shape_cast %add3A_352 : vector<16xi32> to vector<16xi32>
      tpu.vector_store %arg11[%swap3A_353], %swap3A_356 {strides = array<i32>} : memref<128xi32, #tpu.memory_space<vmem>>, vector<16xi32>,
      %get3A_357 = arith.constant 48 : index
      %get3A_358 = tpu.vector_load %arg13[%get3A_357] {strides = array<i32>} : memref<128xi32, #tpu.memory_space<vmem>>, vector<16xi32>,
      %get3A_359 = vector.shape_cast %get3A_358 : vector<16xi32> to vector<16xi32>
      %add3A_360 = vector.broadcast %mul3A_0 : i32 to vector<16xi32>
      %add3A_361 = arith.addi %get3A_359, %add3A_360 : vector<16xi32>
      %swap3A_362 = arith.constant 48 : index
      %swap3A_363 = tpu.vector_load %arg12[%swap3A_362] {strides = array<i32>} : memref<128xi32, #tpu.memory_space<vmem>>, vector<16xi32>,
      %swap3A_364 = vector.shape_cast %swap3A_363 : vector<16xi32> to vector<16xi32>
      %swap3A_365 = vector.shape_cast %add3A_361 : vector<16xi32> to vector<16xi32>
      tpu.vector_store %arg12[%swap3A_362], %swap3A_365 {strides = array<i32>} : memref<128xi32, #tpu.memory_space<vmem>>, vector<16xi32>,
      %get3A_366 = arith.constant 64 : index
      %get3A_367 = tpu.vector_load %arg11[%get3A_366] {strides = array<i32>} : memref<128xi32, #tpu.memory_space<vmem>>, vector<16xi32>,
      %get3A_368 = vector.shape_cast %get3A_367 : vector<16xi32> to vector<16xi32>
      %add3A_369 = vector.broadcast %mul3A_0 : i32 to vector<16xi32>
      %add3A_370 = arith.addi %get3A_368, %add3A_369 : vector<16xi32>
      %swap3A_371 = arith.constant 64 : index
      %swap3A_372 = tpu.vector_load %arg11[%swap3A_371] {strides = array<i32>} : memref<128xi32, #tpu.memory_space<vmem>>, vector<16xi32>,
      %swap3A_373 = vector.shape_cast %swap3A_372 : vector<16xi32> to vector<16xi32>
      %swap3A_374 = vector.shape_cast %add3A_370 : vector<16xi32> to vector<16xi32>
      tpu.vector_store %arg11[%swap3A_371], %swap3A_374 {strides = array<i32>} : memref<128xi32, #tpu.memory_space<vmem>>, vector<16xi32>,
      %get3A_375 = arith.constant 64 : index
      %get3A_376 = tpu.vector_load %arg13[%get3A_375] {strides = array<i32>} : memref<128xi32, #tpu.memory_space<vmem>>, vector<16xi32>,
      %get3A_377 = vector.shape_cast %get3A_376 : vector<16xi32> to vector<16xi32>
      %add3A_378 = vector.broadcast %mul3A_0 : i32 to vector<16xi32>
      %add3A_379 = arith.addi %get3A_377, %add3A_378 : vector<16xi32>
      %swap3A_380 = arith.constant 64 : index
      %swap3A_381 = tpu.vector_load %arg12[%swap3A_380] {strides = array<i32>} : memref<128xi32, #tpu.memory_space<vmem>>, vector<16xi32>,
      %swap3A_382 = vector.shape_cast %swap3A_381 : vector<16xi32> to vector<16xi32>
      %swap3A_383 = vector.shape_cast %add3A_379 : vector<16xi32> to vector<16xi32>
      tpu.vector_store %arg12[%swap3A_380], %swap3A_383 {strides = array<i32>} : memref<128xi32, #tpu.memory_space<vmem>>, vector<16xi32>,
      %get3A_384 = arith.constant 80 : index
      %get3A_385 = tpu.vector_load %arg11[%get3A_384] {strides = array<i32>} : memref<128xi32, #tpu.memory_space<vmem>>, vector<16xi32>,
      %get3A_386 = vector.shape_cast %get3A_385 : vector<16xi32> to vector<16xi32>
      %add3A_387 = vector.broadcast %mul3A_0 : i32 to vector<16xi32>
      %add3A_388 = arith.addi %get3A_386, %add3A_387 : vector<16xi32>
      %swap3A_389 = arith.constant 80 : index
      %swap3A_390 = tpu.vector_load %arg11[%swap3A_389] {strides = array<i32>} : memref<128xi32, #tpu.memory_space<vmem>>, vector<16xi32>,
      %swap3A_391 = vector.shape_cast %swap3A_390 : vector<16xi32> to vector<16xi32>
      %swap3A_392 = vector.shape_cast %add3A_388 : vector<16xi32> to vector<16xi32>
      tpu.vector_store %arg11[%swap3A_389], %swap3A_392 {strides = array<i32>} : memref<128xi32, #tpu.memory_space<vmem>>, vector<16xi32>,
      %get3A_393 = arith.constant 80 : index
      %get3A_394 = tpu.vector_load %arg13[%get3A_393] {strides = array<i32>} : memref<128xi32, #tpu.memory_space<vmem>>, vector<16xi32>,
      %get3A_395 = vector.shape_cast %get3A_394 : vector<16xi32> to vector<16xi32>
      %add3A_396 = vector.broadcast %mul3A_0 : i32 to vector<16xi32>
      %add3A_397 = arith.addi %get3A_395, %add3A_396 : vector<16xi32>
      %swap3A_398 = arith.constant 80 : index
      %swap3A_399 = tpu.vector_load %arg12[%swap3A_398] {strides = array<i32>} : memref<128xi32, #tpu.memory_space<vmem>>, vector<16xi32>,
      %swap3A_400 = vector.shape_cast %swap3A_399 : vector<16xi32> to vector<16xi32>
      %swap3A_401 = vector.shape_cast %add3A_397 : vector<16xi32> to vector<16xi32>
      tpu.vector_store %arg12[%swap3A_398], %swap3A_401 {strides = array<i32>} : memref<128xi32, #tpu.memory_space<vmem>>, vector<16xi32>,
      %get3A_402 = arith.constant 96 : index
      %get3A_403 = tpu.vector_load %arg11[%get3A_402] {strides = array<i32>} : memref<128xi32, #tpu.memory_space<vmem>>, vector<16xi32>,
      %get3A_404 = vector.shape_cast %get3A_403 : vector<16xi32> to vector<16xi32>
      %add3A_405 = vector.broadcast %mul3A_0 : i32 to vector<16xi32>
      %add3A_406 = arith.addi %get3A_404, %add3A_405 : vector<16xi32>
      %swap3A_407 = arith.constant 96 : index
      %swap3A_408 = tpu.vector_load %arg11[%swap3A_407] {strides = array<i32>} : memref<128xi32, #tpu.memory_space<vmem>>, vector<16xi32>,
      %swap3A_409 = vector.shape_cast %swap3A_408 : vector<16xi32> to vector<16xi32>
      %swap3A_410 = vector.shape_cast %add3A_406 : vector<16xi32> to vector<16xi32>
      tpu.vector_store %arg11[%swap3A_407], %swap3A_410 {strides = array<i32>} : memref<128xi32, #tpu.memory_space<vmem>>, vector<16xi32>,
      %get3A_411 = arith.constant 96 : index
      %get3A_412 = tpu.vector_load %arg13[%get3A_411] {strides = array<i32>} : memref<128xi32, #tpu.memory_space<vmem>>, vector<16xi32>,
      %get3A_413 = vector.shape_cast %get3A_412 : vector<16xi32> to vector<16xi32>
      %add3A_414 = vector.broadcast %mul3A_0 : i32 to vector<16xi32>
      %add3A_415 = arith.addi %get3A_413, %add3A_414 : vector<16xi32>
      %swap3A_416 = arith.constant 96 : index
      %swap3A_417 = tpu.vector_load %arg12[%swap3A_416] {strides = array<i32>} : memref<128xi32, #tpu.memory_space<vmem>>, vector<16xi32>,
      %swap3A_418 = vector.shape_cast %swap3A_417 : vector<16xi32> to vector<16xi32>
      %swap3A_419 = vector.shape_cast %add3A_415 : vector<16xi32> to vector<16xi32>
      tpu.vector_store %arg12[%swap3A_416], %swap3A_419 {strides = array<i32>} : memref<128xi32, #tpu.memory_space<vmem>>, vector<16xi32>,
      %get3A_420 = arith.constant 112 : index
      %get3A_421 = tpu.vector_load %arg11[%get3A_420] {strides = array<i32>} : memref<128xi32, #tpu.memory_space<vmem>>, vector<16xi32>,
      %get3A_422 = vector.shape_cast %get3A_421 : vector<16xi32> to vector<16xi32>
      %add3A_423 = vector.broadcast %mul3A_0 : i32 to vector<16xi32>
      %add3A_424 = arith.addi %get3A_422, %add3A_423 : vector<16xi32>
      %swap3A_425 = arith.constant 112 : index
      %swap3A_426 = tpu.vector_load %arg11[%swap3A_425] {strides = array<i32>} : memref<128xi32, #tpu.memory_space<vmem>>, vector<16xi32>,
      %swap3A_427 = vector.shape_cast %swap3A_426 : vector<16xi32> to vector<16xi32>
      %swap3A_428 = vector.shape_cast %add3A_424 : vector<16xi32> to vector<16xi32>
      tpu.vector_store %arg11[%swap3A_425], %swap3A_428 {strides = array<i32>} : memref<128xi32, #tpu.memory_space<vmem>>, vector<16xi32>,
      %get3A_429 = arith.constant 112 : index
      %get3A_430 = tpu.vector_load %arg13[%get3A_429] {strides = array<i32>} : memref<128xi32, #tpu.memory_space<vmem>>, vector<16xi32>,
      %get3A_431 = vector.shape_cast %get3A_430 : vector<16xi32> to vector<16xi32>
      %add3A_432 = vector.broadcast %mul3A_0 : i32 to vector<16xi32>
      %add3A_433 = arith.addi %get3A_431, %add3A_432 : vector<16xi32>
      %swap3A_434 = arith.constant 112 : index
      %swap3A_435 = tpu.vector_load %arg12[%swap3A_434] {strides = array<i32>} : memref<128xi32, #tpu.memory_space<vmem>>, vector<16xi32>,
      %swap3A_436 = vector.shape_cast %swap3A_435 : vector<16xi32> to vector<16xi32>
      %swap3A_437 = vector.shape_cast %add3A_433 : vector<16xi32> to vector<16xi32>
      tpu.vector_store %arg12[%swap3A_434], %swap3A_437 {strides = array<i32>} : memref<128xi32, #tpu.memory_space<vmem>>, vector<16xi32>,
      %dma_start3A_438 = arith.constant 0 : i32
      %dma_start3A_439 = arith.constant 0 : i32
      %dma_start3A_440 = tpu.memref_slice %arg2[%dma_start3A_438, %dma_start3A_439] : memref<100096x32xf32, #tpu.memory_space<hbm>> -> memref<100096x32xf32, #tpu.memory_space<hbm>>
      tpu.enqueue_indirect_dma source(%dma_start3A_440 : memref<100096x32xf32, #tpu.memory_space<hbm>>) target(%arg17 : memref<128x32xf32, #tpu.memory_space<vmem>>) offsets(%arg11 : memref<128xi32, #tpu.memory_space<vmem>>) semaphore(%arg29 : memref<!tpu.dma_semaphore, #tpu.memory_space<semaphore_mem>>)
      %dma_start3A_441 = arith.constant 0 : i32
      %dma_start3A_442 = arith.constant 0 : i32
      %dma_start3A_443 = tpu.memref_slice %arg3[%dma_start3A_441, %dma_start3A_442] : memref<100096x32xf32, #tpu.memory_space<hbm>> -> memref<100096x32xf32, #tpu.memory_space<hbm>>
      tpu.enqueue_indirect_dma source(%dma_start3A_443 : memref<100096x32xf32, #tpu.memory_space<hbm>>) target(%arg18 : memref<128x32xf32, #tpu.memory_space<vmem>>) offsets(%arg12 : memref<128xi32, #tpu.memory_space<vmem>>) semaphore(%arg30 : memref<!tpu.dma_semaphore, #tpu.memory_space<semaphore_mem>>)
      %mul3A_444 = arith.constant 32 : i32
      %mul3A_445 = arith.muli %add3A_285, %mul3A_444 : i32
      %add3A_446 = arith.addi %add3A, %mul3A_445 : i32
      %dma_start3A_447 = arith.constant 0 : i32
      %dma_start3A_448 = tpu.memref_slice %arg4[%add3A_446, %dma_start3A_447] : memref<400384x128xf32, #tpu.memory_space<hbm>> -> memref<32x128xf32, #tpu.memory_space<hbm>>
      %dma_start3A_449 = arith.constant 0 : i32
      %dma_start3A_450 = tpu.memref_slice %arg4[%add3A_446, %dma_start3A_449] : memref<400384x128xf32, #tpu.memory_space<hbm>> -> memref<32x128xf32, #tpu.memory_space<hbm>>
      tpu.enqueue_dma source(%dma_start3A_450 : memref<32x128xf32, #tpu.memory_space<hbm>>) target(%arg19 : memref<32x128xf32, #tpu.memory_space<vmem>>) target_semaphore(%arg31 : memref<!tpu.dma_semaphore, #tpu.memory_space<semaphore_mem>>)
      %dma_wait3A_451 = arith.constant 0 : i32
      %dma_wait3A_452 = arith.constant 0 : i32
      %dma_wait3A_453 = tpu.memref_slice %arg2[%dma_wait3A_451, %dma_wait3A_452] : memref<100096x32xf32, #tpu.memory_space<hbm>> -> memref<128x32xf32, #tpu.memory_space<hbm>>
      %dma_wait3A_454 = arith.constant 0 : i32
      %dma_wait3A_455 = arith.constant 0 : i32
      %dma_wait3A_456 = tpu.memref_slice %arg2[%dma_wait3A_454, %dma_wait3A_455] : memref<100096x32xf32, #tpu.memory_space<hbm>> -> memref<128x32xf32, #tpu.memory_space<hbm>>
      tpu.wait_dma2 semaphore(%arg24 : memref<!tpu.dma_semaphore, #tpu.memory_space<semaphore_mem>>) src(%dma_wait3A_456 : memref<128x32xf32, #tpu.memory_space<hbm>>) dst(%arg14 : memref<128x32xf32, #tpu.memory_space<vmem>>)
      %dma_wait3A_457 = arith.constant 0 : i32
      %dma_wait3A_458 = arith.constant 0 : i32
      %dma_wait3A_459 = tpu.memref_slice %arg3[%dma_wait3A_457, %dma_wait3A_458] : memref<100096x32xf32, #tpu.memory_space<hbm>> -> memref<128x32xf32, #tpu.memory_space<hbm>>
      %dma_wait3A_460 = arith.constant 0 : i32
      %dma_wait3A_461 = arith.constant 0 : i32
      %dma_wait3A_462 = tpu.memref_slice %arg3[%dma_wait3A_460, %dma_wait3A_461] : memref<100096x32xf32, #tpu.memory_space<hbm>> -> memref<128x32xf32, #tpu.memory_space<hbm>>
      tpu.wait_dma2 semaphore(%arg25 : memref<!tpu.dma_semaphore, #tpu.memory_space<semaphore_mem>>) src(%dma_wait3A_462 : memref<128x32xf32, #tpu.memory_space<hbm>>) dst(%arg15 : memref<128x32xf32, #tpu.memory_space<vmem>>)
      %dma_wait3A_463 = arith.constant 0 : i32
      %dma_wait3A_464 = arith.constant 0 : i32
      %dma_wait3A_465 = tpu.memref_slice %arg4[%dma_wait3A_463, %dma_wait3A_464] : memref<400384x128xf32, #tpu.memory_space<hbm>> -> memref<32x128xf32, #tpu.memory_space<hbm>>
      %dma_wait3A_466 = arith.constant 0 : i32
      %dma_wait3A_467 = arith.constant 0 : i32
      %dma_wait3A_468 = tpu.memref_slice %arg4[%dma_wait3A_466, %dma_wait3A_467] : memref<400384x128xf32, #tpu.memory_space<hbm>> -> memref<32x128xf32, #tpu.memory_space<hbm>>
      tpu.wait_dma2 semaphore(%arg26 : memref<!tpu.dma_semaphore, #tpu.memory_space<semaphore_mem>>) src(%dma_wait3A_468 : memref<32x128xf32, #tpu.memory_space<hbm>>) dst(%arg16 : memref<32x128xf32, #tpu.memory_space<vmem>>)
      %scan3A_469 = arith.constant 0 : i32
      %scan3A_470 = arith.constant 0 : i32
      %scan3A_471 = arith.constant 32 : i32
      %scan3A_472 = arith.addi %scan3A_470, %scan3A_471 : i32
      %scan3A_473 = arith.constant 1 : i32
      %scan3A_474 = scf.for %scan3A_698 = %scan3A_470 to %scan3A_472 step %scan3A_473 iter_args(%scan3A_699 = %scan3A_469) -> (i32)  : i32 {
        %mul3A_700 = arith.constant 4 : i32
        %mul3A_701 = arith.muli %scan3A_698, %mul3A_700 : i32
        %add3A_702 = arith.constant 0 : i32
        %add3A_703 = arith.addi %mul3A_701, %add3A_702 : i32
        %get3A_704 = arith.index_cast %add3A_703 : i32 to index
        %get3A_705 = arith.constant 0 : index
        %get3A_706 = tpu.vector_load %arg14[%get3A_704, %get3A_705] {strides = array<i32>} : memref<128x32xf32, #tpu.memory_space<vmem>>, vector<1x16xf32>,
        %get3A_707 = vector.shape_cast %get3A_706 : vector<1x16xf32> to vector<16xf32>
        %mul3A_708 = arith.constant 4 : i32
        %mul3A_709 = arith.muli %scan3A_698, %mul3A_708 : i32
        %add3A_710 = arith.constant 0 : i32
        %add3A_711 = arith.addi %mul3A_709, %add3A_710 : i32
        %get3A_712 = arith.index_cast %add3A_711 : i32 to index
        %get3A_713 = arith.constant 0 : index
        %get3A_714 = tpu.vector_load %arg15[%get3A_712, %get3A_713] {strides = array<i32>} : memref<128x32xf32, #tpu.memory_space<vmem>>, vector<1x16xf32>,
        %get3A_715 = vector.shape_cast %get3A_714 : vector<1x16xf32> to vector<16xf32>
        %add3A_716 = arith.addf %get3A_707, %get3A_715 : vector<16xf32>
        %get3A_717 = arith.index_cast %scan3A_698 : i32 to index
        %get3A_718 = arith.constant 0 : index
        %get3A_719 = tpu.vector_load %arg16[%get3A_717, %get3A_718] {strides = array<i32>} : memref<32x128xf32, #tpu.memory_space<vmem>>, vector<1x16xf32>,
        %get3A_720 = vector.shape_cast %get3A_719 : vector<1x16xf32> to vector<16xf32>
        %add3A_721 = arith.addf %add3A_716, %get3A_720 : vector<16xf32>
        %max3A = arith.constant -3.800000e+00 : f32
        %max3A_722 = vector.broadcast %max3A : f32 to vector<16xf32>
        %max3A_723 = arith.maximumf %add3A_721, %max3A_722 : vector<16xf32>
        %min3A_724 = arith.constant 3.800000e+00 : f32
        %min3A_725 = vector.broadcast %min3A_724 : f32 to vector<16xf32>
        %min3A_726 = arith.minimumf %max3A_723, %min3A_725 : vector<16xf32>
        %mul3A_727 = arith.mulf %min3A_726, %min3A_726 : vector<16xf32>
        %mul3A_728 = arith.constant 3.1365726E-8 : f32
        %mul3A_729 = vector.broadcast %mul3A_728 : f32 to vector<16xf32>
        %mul3A_730 = arith.mulf %mul3A_729, %mul3A_727 : vector<16xf32>
        %add3A_731 = arith.constant -2.00707677E-6 : f32
        %add3A_732 = vector.broadcast %add3A_731 : f32 to vector<16xf32>
        %add3A_733 = arith.addf %mul3A_730, %add3A_732 : vector<16xf32>
        %mul3A_734 = arith.mulf %add3A_733, %mul3A_727 : vector<16xf32>
        %add3A_735 = arith.constant 5.54906037E-5 : f32
        %add3A_736 = vector.broadcast %add3A_735 : f32 to vector<16xf32>
        %add3A_737 = arith.addf %mul3A_734, %add3A_736 : vector<16xf32>
        %mul3A_738 = arith.mulf %add3A_737, %mul3A_727 : vector<16xf32>
        %add3A_739 = arith.constant -8.81657063E-4 : f32
        %add3A_740 = vector.broadcast %add3A_739 : f32 to vector<16xf32>
        %add3A_741 = arith.addf %mul3A_738, %add3A_740 : vector<16xf32>
        %mul3A_742 = arith.mulf %add3A_741, %mul3A_727 : vector<16xf32>
        %add3A_743 = arith.constant 0.00907511822 : f32
        %add3A_744 = vector.broadcast %add3A_743 : f32 to vector<16xf32>
        %add3A_745 = arith.addf %mul3A_742, %add3A_744 : vector<16xf32>
        %mul3A_746 = arith.mulf %add3A_745, %mul3A_727 : vector<16xf32>
        %add3A_747 = arith.constant -0.0651844144 : f32
        %add3A_748 = vector.broadcast %add3A_747 : f32 to vector<16xf32>
        %add3A_749 = arith.addf %mul3A_746, %add3A_748 : vector<16xf32>
        %mul3A_750 = arith.mulf %add3A_749, %mul3A_727 : vector<16xf32>
        %add3A_751 = arith.constant 0.398283422 : f32
        %add3A_752 = vector.broadcast %add3A_751 : f32 to vector<16xf32>
        %add3A_753 = arith.addf %mul3A_750, %add3A_752 : vector<16xf32>
        %mul3A_754 = arith.mulf %min3A_726, %add3A_753 : vector<16xf32>
        %add3A_755 = arith.constant 5.000000e-01 : f32
        %add3A_756 = vector.broadcast %add3A_755 : f32 to vector<16xf32>
        %add3A_757 = arith.addf %add3A_756, %mul3A_754 : vector<16xf32>
        %mul3A_758 = arith.mulf %add3A_721, %add3A_757 : vector<16xf32>
        %mul3A_759 = arith.constant 4 : i32
        %mul3A_760 = arith.muli %scan3A_698, %mul3A_759 : i32
        %add3A_761 = arith.constant 0 : i32
        %add3A_762 = arith.addi %mul3A_760, %add3A_761 : i32
        %swap3A_763 = arith.index_cast %add3A_762 : i32 to index
        %swap3A_764 = arith.constant 0 : index
        %swap3A_765 = tpu.vector_load %arg20[%swap3A_763, %swap3A_764] {strides = array<i32>} : memref<128x32xf32, #tpu.memory_space<vmem>>, vector<1x16xf32>,
        %swap3A_766 = vector.shape_cast %swap3A_765 : vector<1x16xf32> to vector<16xf32>
        %swap3A_767 = vector.shape_cast %mul3A_758 : vector<16xf32> to vector<1x16xf32>
        tpu.vector_store %arg20[%swap3A_763, %swap3A_764], %swap3A_767 {strides = array<i32>} : memref<128x32xf32, #tpu.memory_space<vmem>>, vector<1x16xf32>,
        %mul3A_768 = arith.constant 4 : i32
        %mul3A_769 = arith.muli %scan3A_698, %mul3A_768 : i32
        %add3A_770 = arith.constant 0 : i32
        %add3A_771 = arith.addi %mul3A_769, %add3A_770 : i32
        %get3A_772 = arith.index_cast %add3A_771 : i32 to index
        %get3A_773 = arith.constant 16 : index
        %get3A_774 = tpu.vector_load %arg14[%get3A_772, %get3A_773] {strides = array<i32>} : memref<128x32xf32, #tpu.memory_space<vmem>>, vector<1x16xf32>,
        %get3A_775 = vector.shape_cast %get3A_774 : vector<1x16xf32> to vector<16xf32>
        %mul3A_776 = arith.constant 4 : i32
        %mul3A_777 = arith.muli %scan3A_698, %mul3A_776 : i32
        %add3A_778 = arith.constant 0 : i32
        %add3A_779 = arith.addi %mul3A_777, %add3A_778 : i32
        %get3A_780 = arith.index_cast %add3A_779 : i32 to index
        %get3A_781 = arith.constant 16 : index
        %get3A_782 = tpu.vector_load %arg15[%get3A_780, %get3A_781] {strides = array<i32>} : memref<128x32xf32, #tpu.memory_space<vmem>>, vector<1x16xf32>,
        %get3A_783 = vector.shape_cast %get3A_782 : vector<1x16xf32> to vector<16xf32>
        %add3A_784 = arith.addf %get3A_775, %get3A_783 : vector<16xf32>
        %get3A_785 = arith.index_cast %scan3A_698 : i32 to index
        %get3A_786 = arith.constant 16 : index
        %get3A_787 = tpu.vector_load %arg16[%get3A_785, %get3A_786] {strides = array<i32>} : memref<32x128xf32, #tpu.memory_space<vmem>>, vector<1x16xf32>,
        %get3A_788 = vector.shape_cast %get3A_787 : vector<1x16xf32> to vector<16xf32>
        %add3A_789 = arith.addf %add3A_784, %get3A_788 : vector<16xf32>
        %max3A_790 = arith.constant -3.800000e+00 : f32
        %max3A_791 = vector.broadcast %max3A_790 : f32 to vector<16xf32>
        %max3A_792 = arith.maximumf %add3A_789, %max3A_791 : vector<16xf32>
        %min3A_793 = arith.constant 3.800000e+00 : f32
        %min3A_794 = vector.broadcast %min3A_793 : f32 to vector<16xf32>
        %min3A_795 = arith.minimumf %max3A_792, %min3A_794 : vector<16xf32>
        %mul3A_796 = arith.mulf %min3A_795, %min3A_795 : vector<16xf32>
        %mul3A_797 = arith.constant 3.1365726E-8 : f32
        %mul3A_798 = vector.broadcast %mul3A_797 : f32 to vector<16xf32>
        %mul3A_799 = arith.mulf %mul3A_798, %mul3A_796 : vector<16xf32>
        %add3A_800 = arith.constant -2.00707677E-6 : f32
        %add3A_801 = vector.broadcast %add3A_800 : f32 to vector<16xf32>
        %add3A_802 = arith.addf %mul3A_799, %add3A_801 : vector<16xf32>
        %mul3A_803 = arith.mulf %add3A_802, %mul3A_796 : vector<16xf32>
        %add3A_804 = arith.constant 5.54906037E-5 : f32
        %add3A_805 = vector.broadcast %add3A_804 : f32 to vector<16xf32>
        %add3A_806 = arith.addf %mul3A_803, %add3A_805 : vector<16xf32>
        %mul3A_807 = arith.mulf %add3A_806, %mul3A_796 : vector<16xf32>
        %add3A_808 = arith.constant -8.81657063E-4 : f32
        %add3A_809 = vector.broadcast %add3A_808 : f32 to vector<16xf32>
        %add3A_810 = arith.addf %mul3A_807, %add3A_809 : vector<16xf32>
        %mul3A_811 = arith.mulf %add3A_810, %mul3A_796 : vector<16xf32>
        %add3A_812 = arith.constant 0.00907511822 : f32
        %add3A_813 = vector.broadcast %add3A_812 : f32 to vector<16xf32>
        %add3A_814 = arith.addf %mul3A_811, %add3A_813 : vector<16xf32>
        %mul3A_815 = arith.mulf %add3A_814, %mul3A_796 : vector<16xf32>
        %add3A_816 = arith.constant -0.0651844144 : f32
        %add3A_817 = vector.broadcast %add3A_816 : f32 to vector<16xf32>
        %add3A_818 = arith.addf %mul3A_815, %add3A_817 : vector<16xf32>
        %mul3A_819 = arith.mulf %add3A_818, %mul3A_796 : vector<16xf32>
        %add3A_820 = arith.constant 0.398283422 : f32
        %add3A_821 = vector.broadcast %add3A_820 : f32 to vector<16xf32>
        %add3A_822 = arith.addf %mul3A_819, %add3A_821 : vector<16xf32>
        %mul3A_823 = arith.mulf %min3A_795, %add3A_822 : vector<16xf32>
        %add3A_824 = arith.constant 5.000000e-01 : f32
        %add3A_825 = vector.broadcast %add3A_824 : f32 to vector<16xf32>
        %add3A_826 = arith.addf %add3A_825, %mul3A_823 : vector<16xf32>
        %mul3A_827 = arith.mulf %add3A_789, %add3A_826 : vector<16xf32>
        %mul3A_828 = arith.constant 4 : i32
        %mul3A_829 = arith.muli %scan3A_698, %mul3A_828 : i32
        %add3A_830 = arith.constant 0 : i32
        %add3A_831 = arith.addi %mul3A_829, %add3A_830 : i32
        %swap3A_832 = arith.index_cast %add3A_831 : i32 to index
        %swap3A_833 = arith.constant 16 : index
        %swap3A_834 = tpu.vector_load %arg20[%swap3A_832, %swap3A_833] {strides = array<i32>} : memref<128x32xf32, #tpu.memory_space<vmem>>, vector<1x16xf32>,
        %swap3A_835 = vector.shape_cast %swap3A_834 : vector<1x16xf32> to vector<16xf32>
        %swap3A_836 = vector.shape_cast %mul3A_827 : vector<16xf32> to vector<1x16xf32>
        tpu.vector_store %arg20[%swap3A_832, %swap3A_833], %swap3A_836 {strides = array<i32>} : memref<128x32xf32, #tpu.memory_space<vmem>>, vector<1x16xf32>,
        %mul3A_837 = arith.constant 4 : i32
        %mul3A_838 = arith.muli %scan3A_698, %mul3A_837 : i32
        %add3A_839 = arith.constant 1 : i32
        %add3A_840 = arith.addi %mul3A_838, %add3A_839 : i32
        %get3A_841 = arith.index_cast %add3A_840 : i32 to index
        %get3A_842 = arith.constant 0 : index
        %get3A_843 = tpu.vector_load %arg14[%get3A_841, %get3A_842] {strides = array<i32>} : memref<128x32xf32, #tpu.memory_space<vmem>>, vector<1x16xf32>,
        %get3A_844 = vector.shape_cast %get3A_843 : vector<1x16xf32> to vector<16xf32>
        %mul3A_845 = arith.constant 4 : i32
        %mul3A_846 = arith.muli %scan3A_698, %mul3A_845 : i32
        %add3A_847 = arith.constant 1 : i32
        %add3A_848 = arith.addi %mul3A_846, %add3A_847 : i32
        %get3A_849 = arith.index_cast %add3A_848 : i32 to index
        %get3A_850 = arith.constant 0 : index
        %get3A_851 = tpu.vector_load %arg15[%get3A_849, %get3A_850] {strides = array<i32>} : memref<128x32xf32, #tpu.memory_space<vmem>>, vector<1x16xf32>,
        %get3A_852 = vector.shape_cast %get3A_851 : vector<1x16xf32> to vector<16xf32>
        %add3A_853 = arith.addf %get3A_844, %get3A_852 : vector<16xf32>
        %get3A_854 = arith.index_cast %scan3A_698 : i32 to index
        %get3A_855 = arith.constant 32 : index
        %get3A_856 = tpu.vector_load %arg16[%get3A_854, %get3A_855] {strides = array<i32>} : memref<32x128xf32, #tpu.memory_space<vmem>>, vector<1x16xf32>,
        %get3A_857 = vector.shape_cast %get3A_856 : vector<1x16xf32> to vector<16xf32>
        %add3A_858 = arith.addf %add3A_853, %get3A_857 : vector<16xf32>
        %max3A_859 = arith.constant -3.800000e+00 : f32
        %max3A_860 = vector.broadcast %max3A_859 : f32 to vector<16xf32>
        %max3A_861 = arith.maximumf %add3A_858, %max3A_860 : vector<16xf32>
        %min3A_862 = arith.constant 3.800000e+00 : f32
        %min3A_863 = vector.broadcast %min3A_862 : f32 to vector<16xf32>
        %min3A_864 = arith.minimumf %max3A_861, %min3A_863 : vector<16xf32>
        %mul3A_865 = arith.mulf %min3A_864, %min3A_864 : vector<16xf32>
        %mul3A_866 = arith.constant 3.1365726E-8 : f32
        %mul3A_867 = vector.broadcast %mul3A_866 : f32 to vector<16xf32>
        %mul3A_868 = arith.mulf %mul3A_867, %mul3A_865 : vector<16xf32>
        %add3A_869 = arith.constant -2.00707677E-6 : f32
        %add3A_870 = vector.broadcast %add3A_869 : f32 to vector<16xf32>
        %add3A_871 = arith.addf %mul3A_868, %add3A_870 : vector<16xf32>
        %mul3A_872 = arith.mulf %add3A_871, %mul3A_865 : vector<16xf32>
        %add3A_873 = arith.constant 5.54906037E-5 : f32
        %add3A_874 = vector.broadcast %add3A_873 : f32 to vector<16xf32>
        %add3A_875 = arith.addf %mul3A_872, %add3A_874 : vector<16xf32>
        %mul3A_876 = arith.mulf %add3A_875, %mul3A_865 : vector<16xf32>
        %add3A_877 = arith.constant -8.81657063E-4 : f32
        %add3A_878 = vector.broadcast %add3A_877 : f32 to vector<16xf32>
        %add3A_879 = arith.addf %mul3A_876, %add3A_878 : vector<16xf32>
        %mul3A_880 = arith.mulf %add3A_879, %mul3A_865 : vector<16xf32>
        %add3A_881 = arith.constant 0.00907511822 : f32
        %add3A_882 = vector.broadcast %add3A_881 : f32 to vector<16xf32>
        %add3A_883 = arith.addf %mul3A_880, %add3A_882 : vector<16xf32>
        %mul3A_884 = arith.mulf %add3A_883, %mul3A_865 : vector<16xf32>
        %add3A_885 = arith.constant -0.0651844144 : f32
        %add3A_886 = vector.broadcast %add3A_885 : f32 to vector<16xf32>
        %add3A_887 = arith.addf %mul3A_884, %add3A_886 : vector<16xf32>
        %mul3A_888 = arith.mulf %add3A_887, %mul3A_865 : vector<16xf32>
        %add3A_889 = arith.constant 0.398283422 : f32
        %add3A_890 = vector.broadcast %add3A_889 : f32 to vector<16xf32>
        %add3A_891 = arith.addf %mul3A_888, %add3A_890 : vector<16xf32>
        %mul3A_892 = arith.mulf %min3A_864, %add3A_891 : vector<16xf32>
        %add3A_893 = arith.constant 5.000000e-01 : f32
        %add3A_894 = vector.broadcast %add3A_893 : f32 to vector<16xf32>
        %add3A_895 = arith.addf %add3A_894, %mul3A_892 : vector<16xf32>
        %mul3A_896 = arith.mulf %add3A_858, %add3A_895 : vector<16xf32>
        %mul3A_897 = arith.constant 4 : i32
        %mul3A_898 = arith.muli %scan3A_698, %mul3A_897 : i32
        %add3A_899 = arith.constant 1 : i32
        %add3A_900 = arith.addi %mul3A_898, %add3A_899 : i32
        %swap3A_901 = arith.index_cast %add3A_900 : i32 to index
        %swap3A_902 = arith.constant 0 : index
        %swap3A_903 = tpu.vector_load %arg20[%swap3A_901, %swap3A_902] {strides = array<i32>} : memref<128x32xf32, #tpu.memory_space<vmem>>, vector<1x16xf32>,
        %swap3A_904 = vector.shape_cast %swap3A_903 : vector<1x16xf32> to vector<16xf32>
        %swap3A_905 = vector.shape_cast %mul3A_896 : vector<16xf32> to vector<1x16xf32>
        tpu.vector_store %arg20[%swap3A_901, %swap3A_902], %swap3A_905 {strides = array<i32>} : memref<128x32xf32, #tpu.memory_space<vmem>>, vector<1x16xf32>,
        %mul3A_906 = arith.constant 4 : i32
        %mul3A_907 = arith.muli %scan3A_698, %mul3A_906 : i32
        %add3A_908 = arith.constant 1 : i32
        %add3A_909 = arith.addi %mul3A_907, %add3A_908 : i32
        %get3A_910 = arith.index_cast %add3A_909 : i32 to index
        %get3A_911 = arith.constant 16 : index
        %get3A_912 = tpu.vector_load %arg14[%get3A_910, %get3A_911] {strides = array<i32>} : memref<128x32xf32, #tpu.memory_space<vmem>>, vector<1x16xf32>,
        %get3A_913 = vector.shape_cast %get3A_912 : vector<1x16xf32> to vector<16xf32>
        %mul3A_914 = arith.constant 4 : i32
        %mul3A_915 = arith.muli %scan3A_698, %mul3A_914 : i32
        %add3A_916 = arith.constant 1 : i32
        %add3A_917 = arith.addi %mul3A_915, %add3A_916 : i32
        %get3A_918 = arith.index_cast %add3A_917 : i32 to index
        %get3A_919 = arith.constant 16 : index
        %get3A_920 = tpu.vector_load %arg15[%get3A_918, %get3A_919] {strides = array<i32>} : memref<128x32xf32, #tpu.memory_space<vmem>>, vector<1x16xf32>,
        %get3A_921 = vector.shape_cast %get3A_920 : vector<1x16xf32> to vector<16xf32>
        %add3A_922 = arith.addf %get3A_913, %get3A_921 : vector<16xf32>
        %get3A_923 = arith.index_cast %scan3A_698 : i32 to index
        %get3A_924 = arith.constant 48 : index
        %get3A_925 = tpu.vector_load %arg16[%get3A_923, %get3A_924] {strides = array<i32>} : memref<32x128xf32, #tpu.memory_space<vmem>>, vector<1x16xf32>,
        %get3A_926 = vector.shape_cast %get3A_925 : vector<1x16xf32> to vector<16xf32>
        %add3A_927 = arith.addf %add3A_922, %get3A_926 : vector<16xf32>
        %max3A_928 = arith.constant -3.800000e+00 : f32
        %max3A_929 = vector.broadcast %max3A_928 : f32 to vector<16xf32>
        %max3A_930 = arith.maximumf %add3A_927, %max3A_929 : vector<16xf32>
        %min3A_931 = arith.constant 3.800000e+00 : f32
        %min3A_932 = vector.broadcast %min3A_931 : f32 to vector<16xf32>
        %min3A_933 = arith.minimumf %max3A_930, %min3A_932 : vector<16xf32>
        %mul3A_934 = arith.mulf %min3A_933, %min3A_933 : vector<16xf32>
        %mul3A_935 = arith.constant 3.1365726E-8 : f32
        %mul3A_936 = vector.broadcast %mul3A_935 : f32 to vector<16xf32>
        %mul3A_937 = arith.mulf %mul3A_936, %mul3A_934 : vector<16xf32>
        %add3A_938 = arith.constant -2.00707677E-6 : f32
        %add3A_939 = vector.broadcast %add3A_938 : f32 to vector<16xf32>
        %add3A_940 = arith.addf %mul3A_937, %add3A_939 : vector<16xf32>
        %mul3A_941 = arith.mulf %add3A_940, %mul3A_934 : vector<16xf32>
        %add3A_942 = arith.constant 5.54906037E-5 : f32
        %add3A_943 = vector.broadcast %add3A_942 : f32 to vector<16xf32>
        %add3A_944 = arith.addf %mul3A_941, %add3A_943 : vector<16xf32>
        %mul3A_945 = arith.mulf %add3A_944, %mul3A_934 : vector<16xf32>
        %add3A_946 = arith.constant -8.81657063E-4 : f32
        %add3A_947 = vector.broadcast %add3A_946 : f32 to vector<16xf32>
        %add3A_948 = arith.addf %mul3A_945, %add3A_947 : vector<16xf32>
        %mul3A_949 = arith.mulf %add3A_948, %mul3A_934 : vector<16xf32>
        %add3A_950 = arith.constant 0.00907511822 : f32
        %add3A_951 = vector.broadcast %add3A_950 : f32 to vector<16xf32>
        %add3A_952 = arith.addf %mul3A_949, %add3A_951 : vector<16xf32>
        %mul3A_953 = arith.mulf %add3A_952, %mul3A_934 : vector<16xf32>
        %add3A_954 = arith.constant -0.0651844144 : f32
        %add3A_955 = vector.broadcast %add3A_954 : f32 to vector<16xf32>
        %add3A_956 = arith.addf %mul3A_953, %add3A_955 : vector<16xf32>
        %mul3A_957 = arith.mulf %add3A_956, %mul3A_934 : vector<16xf32>
        %add3A_958 = arith.constant 0.398283422 : f32
        %add3A_959 = vector.broadcast %add3A_958 : f32 to vector<16xf32>
        %add3A_960 = arith.addf %mul3A_957, %add3A_959 : vector<16xf32>
        %mul3A_961 = arith.mulf %min3A_933, %add3A_960 : vector<16xf32>
        %add3A_962 = arith.constant 5.000000e-01 : f32
        %add3A_963 = vector.broadcast %add3A_962 : f32 to vector<16xf32>
        %add3A_964 = arith.addf %add3A_963, %mul3A_961 : vector<16xf32>
        %mul3A_965 = arith.mulf %add3A_927, %add3A_964 : vector<16xf32>
        %mul3A_966 = arith.constant 4 : i32
        %mul3A_967 = arith.muli %scan3A_698, %mul3A_966 : i32
        %add3A_968 = arith.constant 1 : i32
        %add3A_969 = arith.addi %mul3A_967, %add3A_968 : i32
        %swap3A_970 = arith.index_cast %add3A_969 : i32 to index
        %swap3A_971 = arith.constant 16 : index
        %swap3A_972 = tpu.vector_load %arg20[%swap3A_970, %swap3A_971] {strides = array<i32>} : memref<128x32xf32, #tpu.memory_space<vmem>>, vector<1x16xf32>,
        %swap3A_973 = vector.shape_cast %swap3A_972 : vector<1x16xf32> to vector<16xf32>
        %swap3A_974 = vector.shape_cast %mul3A_965 : vector<16xf32> to vector<1x16xf32>
        tpu.vector_store %arg20[%swap3A_970, %swap3A_971], %swap3A_974 {strides = array<i32>} : memref<128x32xf32, #tpu.memory_space<vmem>>, vector<1x16xf32>,
        %mul3A_975 = arith.constant 4 : i32
        %mul3A_976 = arith.muli %scan3A_698, %mul3A_975 : i32
        %add3A_977 = arith.constant 2 : i32
        %add3A_978 = arith.addi %mul3A_976, %add3A_977 : i32
        %get3A_979 = arith.index_cast %add3A_978 : i32 to index
        %get3A_980 = arith.constant 0 : index
        %get3A_981 = tpu.vector_load %arg14[%get3A_979, %get3A_980] {strides = array<i32>} : memref<128x32xf32, #tpu.memory_space<vmem>>, vector<1x16xf32>,
        %get3A_982 = vector.shape_cast %get3A_981 : vector<1x16xf32> to vector<16xf32>
        %mul3A_983 = arith.constant 4 : i32
        %mul3A_984 = arith.muli %scan3A_698, %mul3A_983 : i32
        %add3A_985 = arith.constant 2 : i32
        %add3A_986 = arith.addi %mul3A_984, %add3A_985 : i32
        %get3A_987 = arith.index_cast %add3A_986 : i32 to index
        %get3A_988 = arith.constant 0 : index
        %get3A_989 = tpu.vector_load %arg15[%get3A_987, %get3A_988] {strides = array<i32>} : memref<128x32xf32, #tpu.memory_space<vmem>>, vector<1x16xf32>,
        %get3A_990 = vector.shape_cast %get3A_989 : vector<1x16xf32> to vector<16xf32>
        %add3A_991 = arith.addf %get3A_982, %get3A_990 : vector<16xf32>
        %get3A_992 = arith.index_cast %scan3A_698 : i32 to index
        %get3A_993 = arith.constant 64 : index
        %get3A_994 = tpu.vector_load %arg16[%get3A_992, %get3A_993] {strides = array<i32>} : memref<32x128xf32, #tpu.memory_space<vmem>>, vector<1x16xf32>,
        %get3A_995 = vector.shape_cast %get3A_994 : vector<1x16xf32> to vector<16xf32>
        %add3A_996 = arith.addf %add3A_991, %get3A_995 : vector<16xf32>
        %max3A_997 = arith.constant -3.800000e+00 : f32
        %max3A_998 = vector.broadcast %max3A_997 : f32 to vector<16xf32>
        %max3A_999 = arith.maximumf %add3A_996, %max3A_998 : vector<16xf32>
        %min3A_1000 = arith.constant 3.800000e+00 : f32
        %min3A_1001 = vector.broadcast %min3A_1000 : f32 to vector<16xf32>
        %min3A_1002 = arith.minimumf %max3A_999, %min3A_1001 : vector<16xf32>
        %mul3A_1003 = arith.mulf %min3A_1002, %min3A_1002 : vector<16xf32>
        %mul3A_1004 = arith.constant 3.1365726E-8 : f32
        %mul3A_1005 = vector.broadcast %mul3A_1004 : f32 to vector<16xf32>
        %mul3A_1006 = arith.mulf %mul3A_1005, %mul3A_1003 : vector<16xf32>
        %add3A_1007 = arith.constant -2.00707677E-6 : f32
        %add3A_1008 = vector.broadcast %add3A_1007 : f32 to vector<16xf32>
        %add3A_1009 = arith.addf %mul3A_1006, %add3A_1008 : vector<16xf32>
        %mul3A_1010 = arith.mulf %add3A_1009, %mul3A_1003 : vector<16xf32>
        %add3A_1011 = arith.constant 5.54906037E-5 : f32
        %add3A_1012 = vector.broadcast %add3A_1011 : f32 to vector<16xf32>
        %add3A_1013 = arith.addf %mul3A_1010, %add3A_1012 : vector<16xf32>
        %mul3A_1014 = arith.mulf %add3A_1013, %mul3A_1003 : vector<16xf32>
        %add3A_1015 = arith.constant -8.81657063E-4 : f32
        %add3A_1016 = vector.broadcast %add3A_1015 : f32 to vector<16xf32>
        %add3A_1017 = arith.addf %mul3A_1014, %add3A_1016 : vector<16xf32>
        %mul3A_1018 = arith.mulf %add3A_1017, %mul3A_1003 : vector<16xf32>
        %add3A_1019 = arith.constant 0.00907511822 : f32
        %add3A_1020 = vector.broadcast %add3A_1019 : f32 to vector<16xf32>
        %add3A_1021 = arith.addf %mul3A_1018, %add3A_1020 : vector<16xf32>
        %mul3A_1022 = arith.mulf %add3A_1021, %mul3A_1003 : vector<16xf32>
        %add3A_1023 = arith.constant -0.0651844144 : f32
        %add3A_1024 = vector.broadcast %add3A_1023 : f32 to vector<16xf32>
        %add3A_1025 = arith.addf %mul3A_1022, %add3A_1024 : vector<16xf32>
        %mul3A_1026 = arith.mulf %add3A_1025, %mul3A_1003 : vector<16xf32>
        %add3A_1027 = arith.constant 0.398283422 : f32
        %add3A_1028 = vector.broadcast %add3A_1027 : f32 to vector<16xf32>
        %add3A_1029 = arith.addf %mul3A_1026, %add3A_1028 : vector<16xf32>
        %mul3A_1030 = arith.mulf %min3A_1002, %add3A_1029 : vector<16xf32>
        %add3A_1031 = arith.constant 5.000000e-01 : f32
        %add3A_1032 = vector.broadcast %add3A_1031 : f32 to vector<16xf32>
        %add3A_1033 = arith.addf %add3A_1032, %mul3A_1030 : vector<16xf32>
        %mul3A_1034 = arith.mulf %add3A_996, %add3A_1033 : vector<16xf32>
        %mul3A_1035 = arith.constant 4 : i32
        %mul3A_1036 = arith.muli %scan3A_698, %mul3A_1035 : i32
        %add3A_1037 = arith.constant 2 : i32
        %add3A_1038 = arith.addi %mul3A_1036, %add3A_1037 : i32
        %swap3A_1039 = arith.index_cast %add3A_1038 : i32 to index
        %swap3A_1040 = arith.constant 0 : index
        %swap3A_1041 = tpu.vector_load %arg20[%swap3A_1039, %swap3A_1040] {strides = array<i32>} : memref<128x32xf32, #tpu.memory_space<vmem>>, vector<1x16xf32>,
        %swap3A_1042 = vector.shape_cast %swap3A_1041 : vector<1x16xf32> to vector<16xf32>
        %swap3A_1043 = vector.shape_cast %mul3A_1034 : vector<16xf32> to vector<1x16xf32>
        tpu.vector_store %arg20[%swap3A_1039, %swap3A_1040], %swap3A_1043 {strides = array<i32>} : memref<128x32xf32, #tpu.memory_space<vmem>>, vector<1x16xf32>,
        %mul3A_1044 = arith.constant 4 : i32
        %mul3A_1045 = arith.muli %scan3A_698, %mul3A_1044 : i32
        %add3A_1046 = arith.constant 2 : i32
        %add3A_1047 = arith.addi %mul3A_1045, %add3A_1046 : i32
        %get3A_1048 = arith.index_cast %add3A_1047 : i32 to index
        %get3A_1049 = arith.constant 16 : index
        %get3A_1050 = tpu.vector_load %arg14[%get3A_1048, %get3A_1049] {strides = array<i32>} : memref<128x32xf32, #tpu.memory_space<vmem>>, vector<1x16xf32>,
        %get3A_1051 = vector.shape_cast %get3A_1050 : vector<1x16xf32> to vector<16xf32>
        %mul3A_1052 = arith.constant 4 : i32
        %mul3A_1053 = arith.muli %scan3A_698, %mul3A_1052 : i32
        %add3A_1054 = arith.constant 2 : i32
        %add3A_1055 = arith.addi %mul3A_1053, %add3A_1054 : i32
        %get3A_1056 = arith.index_cast %add3A_1055 : i32 to index
        %get3A_1057 = arith.constant 16 : index
        %get3A_1058 = tpu.vector_load %arg15[%get3A_1056, %get3A_1057] {strides = array<i32>} : memref<128x32xf32, #tpu.memory_space<vmem>>, vector<1x16xf32>,
        %get3A_1059 = vector.shape_cast %get3A_1058 : vector<1x16xf32> to vector<16xf32>
        %add3A_1060 = arith.addf %get3A_1051, %get3A_1059 : vector<16xf32>
        %get3A_1061 = arith.index_cast %scan3A_698 : i32 to index
        %get3A_1062 = arith.constant 80 : index
        %get3A_1063 = tpu.vector_load %arg16[%get3A_1061, %get3A_1062] {strides = array<i32>} : memref<32x128xf32, #tpu.memory_space<vmem>>, vector<1x16xf32>,
        %get3A_1064 = vector.shape_cast %get3A_1063 : vector<1x16xf32> to vector<16xf32>
        %add3A_1065 = arith.addf %add3A_1060, %get3A_1064 : vector<16xf32>
        %max3A_1066 = arith.constant -3.800000e+00 : f32
        %max3A_1067 = vector.broadcast %max3A_1066 : f32 to vector<16xf32>
        %max3A_1068 = arith.maximumf %add3A_1065, %max3A_1067 : vector<16xf32>
        %min3A_1069 = arith.constant 3.800000e+00 : f32
        %min3A_1070 = vector.broadcast %min3A_1069 : f32 to vector<16xf32>
        %min3A_1071 = arith.minimumf %max3A_1068, %min3A_1070 : vector<16xf32>
        %mul3A_1072 = arith.mulf %min3A_1071, %min3A_1071 : vector<16xf32>
        %mul3A_1073 = arith.constant 3.1365726E-8 : f32
        %mul3A_1074 = vector.broadcast %mul3A_1073 : f32 to vector<16xf32>
        %mul3A_1075 = arith.mulf %mul3A_1074, %mul3A_1072 : vector<16xf32>
        %add3A_1076 = arith.constant -2.00707677E-6 : f32
        %add3A_1077 = vector.broadcast %add3A_1076 : f32 to vector<16xf32>
        %add3A_1078 = arith.addf %mul3A_1075, %add3A_1077 : vector<16xf32>
        %mul3A_1079 = arith.mulf %add3A_1078, %mul3A_1072 : vector<16xf32>
        %add3A_1080 = arith.constant 5.54906037E-5 : f32
        %add3A_1081 = vector.broadcast %add3A_1080 : f32 to vector<16xf32>
        %add3A_1082 = arith.addf %mul3A_1079, %add3A_1081 : vector<16xf32>
        %mul3A_1083 = arith.mulf %add3A_1082, %mul3A_1072 : vector<16xf32>
        %add3A_1084 = arith.constant -8.81657063E-4 : f32
        %add3A_1085 = vector.broadcast %add3A_1084 : f32 to vector<16xf32>
        %add3A_1086 = arith.addf %mul3A_1083, %add3A_1085 : vector<16xf32>
        %mul3A_1087 = arith.mulf %add3A_1086, %mul3A_1072 : vector<16xf32>
        %add3A_1088 = arith.constant 0.00907511822 : f32
        %add3A_1089 = vector.broadcast %add3A_1088 : f32 to vector<16xf32>
        %add3A_1090 = arith.addf %mul3A_1087, %add3A_1089 : vector<16xf32>
        %mul3A_1091 = arith.mulf %add3A_1090, %mul3A_1072 : vector<16xf32>
        %add3A_1092 = arith.constant -0.0651844144 : f32
        %add3A_1093 = vector.broadcast %add3A_1092 : f32 to vector<16xf32>
        %add3A_1094 = arith.addf %mul3A_1091, %add3A_1093 : vector<16xf32>
        %mul3A_1095 = arith.mulf %add3A_1094, %mul3A_1072 : vector<16xf32>
        %add3A_1096 = arith.constant 0.398283422 : f32
        %add3A_1097 = vector.broadcast %add3A_1096 : f32 to vector<16xf32>
        %add3A_1098 = arith.addf %mul3A_1095, %add3A_1097 : vector<16xf32>
        %mul3A_1099 = arith.mulf %min3A_1071, %add3A_1098 : vector<16xf32>
        %add3A_1100 = arith.constant 5.000000e-01 : f32
        %add3A_1101 = vector.broadcast %add3A_1100 : f32 to vector<16xf32>
        %add3A_1102 = arith.addf %add3A_1101, %mul3A_1099 : vector<16xf32>
        %mul3A_1103 = arith.mulf %add3A_1065, %add3A_1102 : vector<16xf32>
        %mul3A_1104 = arith.constant 4 : i32
        %mul3A_1105 = arith.muli %scan3A_698, %mul3A_1104 : i32
        %add3A_1106 = arith.constant 2 : i32
        %add3A_1107 = arith.addi %mul3A_1105, %add3A_1106 : i32
        %swap3A_1108 = arith.index_cast %add3A_1107 : i32 to index
        %swap3A_1109 = arith.constant 16 : index
        %swap3A_1110 = tpu.vector_load %arg20[%swap3A_1108, %swap3A_1109] {strides = array<i32>} : memref<128x32xf32, #tpu.memory_space<vmem>>, vector<1x16xf32>,
        %swap3A_1111 = vector.shape_cast %swap3A_1110 : vector<1x16xf32> to vector<16xf32>
        %swap3A_1112 = vector.shape_cast %mul3A_1103 : vector<16xf32> to vector<1x16xf32>
        tpu.vector_store %arg20[%swap3A_1108, %swap3A_1109], %swap3A_1112 {strides = array<i32>} : memref<128x32xf32, #tpu.memory_space<vmem>>, vector<1x16xf32>,
        %mul3A_1113 = arith.constant 4 : i32
        %mul3A_1114 = arith.muli %scan3A_698, %mul3A_1113 : i32
        %add3A_1115 = arith.constant 3 : i32
        %add3A_1116 = arith.addi %mul3A_1114, %add3A_1115 : i32
        %get3A_1117 = arith.index_cast %add3A_1116 : i32 to index
        %get3A_1118 = arith.constant 0 : index
        %get3A_1119 = tpu.vector_load %arg14[%get3A_1117, %get3A_1118] {strides = array<i32>} : memref<128x32xf32, #tpu.memory_space<vmem>>, vector<1x16xf32>,
        %get3A_1120 = vector.shape_cast %get3A_1119 : vector<1x16xf32> to vector<16xf32>
        %mul3A_1121 = arith.constant 4 : i32
        %mul3A_1122 = arith.muli %scan3A_698, %mul3A_1121 : i32
        %add3A_1123 = arith.constant 3 : i32
        %add3A_1124 = arith.addi %mul3A_1122, %add3A_1123 : i32
        %get3A_1125 = arith.index_cast %add3A_1124 : i32 to index
        %get3A_1126 = arith.constant 0 : index
        %get3A_1127 = tpu.vector_load %arg15[%get3A_1125, %get3A_1126] {strides = array<i32>} : memref<128x32xf32, #tpu.memory_space<vmem>>, vector<1x16xf32>,
        %get3A_1128 = vector.shape_cast %get3A_1127 : vector<1x16xf32> to vector<16xf32>
        %add3A_1129 = arith.addf %get3A_1120, %get3A_1128 : vector<16xf32>
        %get3A_1130 = arith.index_cast %scan3A_698 : i32 to index
        %get3A_1131 = arith.constant 96 : index
        %get3A_1132 = tpu.vector_load %arg16[%get3A_1130, %get3A_1131] {strides = array<i32>} : memref<32x128xf32, #tpu.memory_space<vmem>>, vector<1x16xf32>,
        %get3A_1133 = vector.shape_cast %get3A_1132 : vector<1x16xf32> to vector<16xf32>
        %add3A_1134 = arith.addf %add3A_1129, %get3A_1133 : vector<16xf32>
        %max3A_1135 = arith.constant -3.800000e+00 : f32
        %max3A_1136 = vector.broadcast %max3A_1135 : f32 to vector<16xf32>
        %max3A_1137 = arith.maximumf %add3A_1134, %max3A_1136 : vector<16xf32>
        %min3A_1138 = arith.constant 3.800000e+00 : f32
        %min3A_1139 = vector.broadcast %min3A_1138 : f32 to vector<16xf32>
        %min3A_1140 = arith.minimumf %max3A_1137, %min3A_1139 : vector<16xf32>
        %mul3A_1141 = arith.mulf %min3A_1140, %min3A_1140 : vector<16xf32>
        %mul3A_1142 = arith.constant 3.1365726E-8 : f32
        %mul3A_1143 = vector.broadcast %mul3A_1142 : f32 to vector<16xf32>
        %mul3A_1144 = arith.mulf %mul3A_1143, %mul3A_1141 : vector<16xf32>
        %add3A_1145 = arith.constant -2.00707677E-6 : f32
        %add3A_1146 = vector.broadcast %add3A_1145 : f32 to vector<16xf32>
        %add3A_1147 = arith.addf %mul3A_1144, %add3A_1146 : vector<16xf32>
        %mul3A_1148 = arith.mulf %add3A_1147, %mul3A_1141 : vector<16xf32>
        %add3A_1149 = arith.constant 5.54906037E-5 : f32
        %add3A_1150 = vector.broadcast %add3A_1149 : f32 to vector<16xf32>
        %add3A_1151 = arith.addf %mul3A_1148, %add3A_1150 : vector<16xf32>
        %mul3A_1152 = arith.mulf %add3A_1151, %mul3A_1141 : vector<16xf32>
        %add3A_1153 = arith.constant -8.81657063E-4 : f32
        %add3A_1154 = vector.broadcast %add3A_1153 : f32 to vector<16xf32>
        %add3A_1155 = arith.addf %mul3A_1152, %add3A_1154 : vector<16xf32>
        %mul3A_1156 = arith.mulf %add3A_1155, %mul3A_1141 : vector<16xf32>
        %add3A_1157 = arith.constant 0.00907511822 : f32
        %add3A_1158 = vector.broadcast %add3A_1157 : f32 to vector<16xf32>
        %add3A_1159 = arith.addf %mul3A_1156, %add3A_1158 : vector<16xf32>
        %mul3A_1160 = arith.mulf %add3A_1159, %mul3A_1141 : vector<16xf32>
        %add3A_1161 = arith.constant -0.0651844144 : f32
        %add3A_1162 = vector.broadcast %add3A_1161 : f32 to vector<16xf32>
        %add3A_1163 = arith.addf %mul3A_1160, %add3A_1162 : vector<16xf32>
        %mul3A_1164 = arith.mulf %add3A_1163, %mul3A_1141 : vector<16xf32>
        %add3A_1165 = arith.constant 0.398283422 : f32
        %add3A_1166 = vector.broadcast %add3A_1165 : f32 to vector<16xf32>
        %add3A_1167 = arith.addf %mul3A_1164, %add3A_1166 : vector<16xf32>
        %mul3A_1168 = arith.mulf %min3A_1140, %add3A_1167 : vector<16xf32>
        %add3A_1169 = arith.constant 5.000000e-01 : f32
        %add3A_1170 = vector.broadcast %add3A_1169 : f32 to vector<16xf32>
        %add3A_1171 = arith.addf %add3A_1170, %mul3A_1168 : vector<16xf32>
        %mul3A_1172 = arith.mulf %add3A_1134, %add3A_1171 : vector<16xf32>
        %mul3A_1173 = arith.constant 4 : i32
        %mul3A_1174 = arith.muli %scan3A_698, %mul3A_1173 : i32
        %add3A_1175 = arith.constant 3 : i32
        %add3A_1176 = arith.addi %mul3A_1174, %add3A_1175 : i32
        %swap3A_1177 = arith.index_cast %add3A_1176 : i32 to index
        %swap3A_1178 = arith.constant 0 : index
        %swap3A_1179 = tpu.vector_load %arg20[%swap3A_1177, %swap3A_1178] {strides = array<i32>} : memref<128x32xf32, #tpu.memory_space<vmem>>, vector<1x16xf32>,
        %swap3A_1180 = vector.shape_cast %swap3A_1179 : vector<1x16xf32> to vector<16xf32>
        %swap3A_1181 = vector.shape_cast %mul3A_1172 : vector<16xf32> to vector<1x16xf32>
        tpu.vector_store %arg20[%swap3A_1177, %swap3A_1178], %swap3A_1181 {strides = array<i32>} : memref<128x32xf32, #tpu.memory_space<vmem>>, vector<1x16xf32>,
        %mul3A_1182 = arith.constant 4 : i32
        %mul3A_1183 = arith.muli %scan3A_698, %mul3A_1182 : i32
        %add3A_1184 = arith.constant 3 : i32
        %add3A_1185 = arith.addi %mul3A_1183, %add3A_1184 : i32
        %get3A_1186 = arith.index_cast %add3A_1185 : i32 to index
        %get3A_1187 = arith.constant 16 : index
        %get3A_1188 = tpu.vector_load %arg14[%get3A_1186, %get3A_1187] {strides = array<i32>} : memref<128x32xf32, #tpu.memory_space<vmem>>, vector<1x16xf32>,
        %get3A_1189 = vector.shape_cast %get3A_1188 : vector<1x16xf32> to vector<16xf32>
        %mul3A_1190 = arith.constant 4 : i32
        %mul3A_1191 = arith.muli %scan3A_698, %mul3A_1190 : i32
        %add3A_1192 = arith.constant 3 : i32
        %add3A_1193 = arith.addi %mul3A_1191, %add3A_1192 : i32
        %get3A_1194 = arith.index_cast %add3A_1193 : i32 to index
        %get3A_1195 = arith.constant 16 : index
        %get3A_1196 = tpu.vector_load %arg15[%get3A_1194, %get3A_1195] {strides = array<i32>} : memref<128x32xf32, #tpu.memory_space<vmem>>, vector<1x16xf32>,
        %get3A_1197 = vector.shape_cast %get3A_1196 : vector<1x16xf32> to vector<16xf32>
        %add3A_1198 = arith.addf %get3A_1189, %get3A_1197 : vector<16xf32>
        %get3A_1199 = arith.index_cast %scan3A_698 : i32 to index
        %get3A_1200 = arith.constant 112 : index
        %get3A_1201 = tpu.vector_load %arg16[%get3A_1199, %get3A_1200] {strides = array<i32>} : memref<32x128xf32, #tpu.memory_space<vmem>>, vector<1x16xf32>,
        %get3A_1202 = vector.shape_cast %get3A_1201 : vector<1x16xf32> to vector<16xf32>
        %add3A_1203 = arith.addf %add3A_1198, %get3A_1202 : vector<16xf32>
        %max3A_1204 = arith.constant -3.800000e+00 : f32
        %max3A_1205 = vector.broadcast %max3A_1204 : f32 to vector<16xf32>
        %max3A_1206 = arith.maximumf %add3A_1203, %max3A_1205 : vector<16xf32>
        %min3A_1207 = arith.constant 3.800000e+00 : f32
        %min3A_1208 = vector.broadcast %min3A_1207 : f32 to vector<16xf32>
        %min3A_1209 = arith.minimumf %max3A_1206, %min3A_1208 : vector<16xf32>
        %mul3A_1210 = arith.mulf %min3A_1209, %min3A_1209 : vector<16xf32>
        %mul3A_1211 = arith.constant 3.1365726E-8 : f32
        %mul3A_1212 = vector.broadcast %mul3A_1211 : f32 to vector<16xf32>
        %mul3A_1213 = arith.mulf %mul3A_1212, %mul3A_1210 : vector<16xf32>
        %add3A_1214 = arith.constant -2.00707677E-6 : f32
        %add3A_1215 = vector.broadcast %add3A_1214 : f32 to vector<16xf32>
        %add3A_1216 = arith.addf %mul3A_1213, %add3A_1215 : vector<16xf32>
        %mul3A_1217 = arith.mulf %add3A_1216, %mul3A_1210 : vector<16xf32>
        %add3A_1218 = arith.constant 5.54906037E-5 : f32
        %add3A_1219 = vector.broadcast %add3A_1218 : f32 to vector<16xf32>
        %add3A_1220 = arith.addf %mul3A_1217, %add3A_1219 : vector<16xf32>
        %mul3A_1221 = arith.mulf %add3A_1220, %mul3A_1210 : vector<16xf32>
        %add3A_1222 = arith.constant -8.81657063E-4 : f32
        %add3A_1223 = vector.broadcast %add3A_1222 : f32 to vector<16xf32>
        %add3A_1224 = arith.addf %mul3A_1221, %add3A_1223 : vector<16xf32>
        %mul3A_1225 = arith.mulf %add3A_1224, %mul3A_1210 : vector<16xf32>
        %add3A_1226 = arith.constant 0.00907511822 : f32
        %add3A_1227 = vector.broadcast %add3A_1226 : f32 to vector<16xf32>
        %add3A_1228 = arith.addf %mul3A_1225, %add3A_1227 : vector<16xf32>
        %mul3A_1229 = arith.mulf %add3A_1228, %mul3A_1210 : vector<16xf32>
        %add3A_1230 = arith.constant -0.0651844144 : f32
        %add3A_1231 = vector.broadcast %add3A_1230 : f32 to vector<16xf32>
        %add3A_1232 = arith.addf %mul3A_1229, %add3A_1231 : vector<16xf32>
        %mul3A_1233 = arith.mulf %add3A_1232, %mul3A_1210 : vector<16xf32>
        %add3A_1234 = arith.constant 0.398283422 : f32
        %add3A_1235 = vector.broadcast %add3A_1234 : f32 to vector<16xf32>
        %add3A_1236 = arith.addf %mul3A_1233, %add3A_1235 : vector<16xf32>
        %mul3A_1237 = arith.mulf %min3A_1209, %add3A_1236 : vector<16xf32>
        %add3A_1238 = arith.constant 5.000000e-01 : f32
        %add3A_1239 = vector.broadcast %add3A_1238 : f32 to vector<16xf32>
        %add3A_1240 = arith.addf %add3A_1239, %mul3A_1237 : vector<16xf32>
        %mul3A_1241 = arith.mulf %add3A_1203, %add3A_1240 : vector<16xf32>
        %mul3A_1242 = arith.constant 4 : i32
        %mul3A_1243 = arith.muli %scan3A_698, %mul3A_1242 : i32
        %add3A_1244 = arith.constant 3 : i32
        %add3A_1245 = arith.addi %mul3A_1243, %add3A_1244 : i32
        %swap3A_1246 = arith.index_cast %add3A_1245 : i32 to index
        %swap3A_1247 = arith.constant 16 : index
        %swap3A_1248 = tpu.vector_load %arg20[%swap3A_1246, %swap3A_1247] {strides = array<i32>} : memref<128x32xf32, #tpu.memory_space<vmem>>, vector<1x16xf32>,
        %swap3A_1249 = vector.shape_cast %swap3A_1248 : vector<1x16xf32> to vector<16xf32>
        %swap3A_1250 = vector.shape_cast %mul3A_1241 : vector<16xf32> to vector<1x16xf32>
        tpu.vector_store %arg20[%swap3A_1246, %swap3A_1247], %swap3A_1250 {strides = array<i32>} : memref<128x32xf32, #tpu.memory_space<vmem>>, vector<1x16xf32>,
        %scan3A_1251 = arith.constant 0 : i32
        scf.yield %scan3A_1251 : i32
      }
      %scan3A_475 = arith.constant 32 : i32
      "tpu.region"() ({
        %run_scoped3A = tpu.sem_alloc : memref<!tpu.dma_semaphore, #tpu.memory_space<semaphore_mem>>
        %dma_start3A_698 = arith.constant 0 : i32
        %dma_start3A_699 = arith.constant 0 : i32
        %dma_start3A_700 = tpu.memref_slice %arg21[%dma_start3A_698, %dma_start3A_699] : memref<50048x32xf32, #tpu.memory_space<vmem_shared>> -> memref<50048x32xf32, #tpu.memory_space<vmem_shared>>
        tpu.enqueue_indirect_dma source(%arg20 : memref<128x32xf32, #tpu.memory_space<vmem>>) target(%dma_start3A_700 : memref<50048x32xf32, #tpu.memory_space<vmem_shared>>) offsets(%arg10 : memref<128xi32, #tpu.memory_space<vmem>>) semaphore(%run_scoped3A : memref<!tpu.dma_semaphore, #tpu.memory_space<semaphore_mem>>) {add = true}
        %dma_wait3A_701 = arith.constant 0 : i32
        %dma_wait3A_702 = arith.constant 0 : i32
        %dma_wait3A_703 = tpu.memref_slice %arg21[%dma_wait3A_701, %dma_wait3A_702] : memref<50048x32xf32, #tpu.memory_space<vmem_shared>> -> memref<50048x32xf32, #tpu.memory_space<vmem_shared>>
        tpu.wait_indirect_dma semaphore(%run_scoped3A : memref<!tpu.dma_semaphore, #tpu.memory_space<semaphore_mem>>) src(%arg20 : memref<128x32xf32, #tpu.memory_space<vmem>>) dst(%dma_wait3A_703 : memref<50048x32xf32, #tpu.memory_space<vmem_shared>>)
        tpu.yield
      }) : () -> ()
      %mul3A_476 = arith.constant 2 : i32
      %mul3A_477 = arith.muli %mul3A_476, %scan3A_280 : i32
      %add3A_478 = arith.constant 2 : i32
      %add3A_479 = arith.addi %mul3A_477, %add3A_478 : i32
      %min3A = arith.constant 390 : i32
      %min3A_480 = arith.minsi %add3A_479, %min3A : i32
      %mul3A_481 = arith.constant 128 : i32
      %mul3A_482 = arith.muli %min3A_480, %mul3A_481 : i32
      %add3A_483 = arith.addi %mul3A_4, %mul3A_482 : i32
      %multiple_of3A_484 = tpu.assume_multiple %add3A_483, 128 : i32
      %dma_start3A_485 = tpu.memref_slice %arg5[%multiple_of3A_484] : memref<800768xi32, #tpu.memory_space<hbm>> -> memref<128xi32, #tpu.memory_space<hbm>>
      %dma_start3A_486 = tpu.memref_slice %arg5[%multiple_of3A_484] : memref<800768xi32, #tpu.memory_space<hbm>> -> memref<128xi32, #tpu.memory_space<hbm>>
      tpu.enqueue_dma source(%dma_start3A_486 : memref<128xi32, #tpu.memory_space<hbm>>) target(%arg8 : memref<128xi32, #tpu.memory_space<vmem>>) target_semaphore(%arg22 : memref<!tpu.dma_semaphore, #tpu.memory_space<semaphore_mem>>)
      %dma_start3A_487 = tpu.memref_slice %arg6[%multiple_of3A_484] : memref<800768xi32, #tpu.memory_space<hbm>> -> memref<128xi32, #tpu.memory_space<hbm>>
      %dma_start3A_488 = tpu.memref_slice %arg6[%multiple_of3A_484] : memref<800768xi32, #tpu.memory_space<hbm>> -> memref<128xi32, #tpu.memory_space<hbm>>
      tpu.enqueue_dma source(%dma_start3A_488 : memref<128xi32, #tpu.memory_space<hbm>>) target(%arg10 : memref<128xi32, #tpu.memory_space<vmem>>) target_semaphore(%arg23 : memref<!tpu.dma_semaphore, #tpu.memory_space<semaphore_mem>>)
      %mul3A_489 = arith.constant 2 : i32
      %mul3A_490 = arith.muli %mul3A_489, %scan3A_280 : i32
      %add3A_491 = arith.constant 2 : i32
      %add3A_492 = arith.addi %mul3A_490, %add3A_491 : i32
      %dma_wait3A_493 = arith.constant 0 : i32
      %dma_wait3A_494 = tpu.memref_slice %arg5[%dma_wait3A_493] : memref<800768xi32, #tpu.memory_space<hbm>> -> memref<128xi32, #tpu.memory_space<hbm>>
      %dma_wait3A_495 = arith.constant 0 : i32
      %dma_wait3A_496 = tpu.memref_slice %arg5[%dma_wait3A_495] : memref<800768xi32, #tpu.memory_space<hbm>> -> memref<128xi32, #tpu.memory_space<hbm>>
      tpu.wait_dma2 semaphore(%arg22 : memref<!tpu.dma_semaphore, #tpu.memory_space<semaphore_mem>>) src(%dma_wait3A_496 : memref<128xi32, #tpu.memory_space<hbm>>) dst(%arg8 : memref<128xi32, #tpu.memory_space<vmem>>)
      %dma_wait3A_497 = arith.constant 0 : i32
      %dma_wait3A_498 = tpu.memref_slice %arg6[%dma_wait3A_497] : memref<800768xi32, #tpu.memory_space<hbm>> -> memref<128xi32, #tpu.memory_space<hbm>>
      %dma_wait3A_499 = arith.constant 0 : i32
      %dma_wait3A_500 = tpu.memref_slice %arg6[%dma_wait3A_499] : memref<800768xi32, #tpu.memory_space<hbm>> -> memref<128xi32, #tpu.memory_space<hbm>>
      tpu.wait_dma2 semaphore(%arg23 : memref<!tpu.dma_semaphore, #tpu.memory_space<semaphore_mem>>) src(%dma_wait3A_500 : memref<128xi32, #tpu.memory_space<hbm>>) dst(%arg10 : memref<128xi32, #tpu.memory_space<vmem>>)
      %get3A_501 = arith.constant 0 : index
      %get3A_502 = tpu.vector_load %arg8[%get3A_501] {strides = array<i32>} : memref<128xi32, #tpu.memory_space<vmem>>, vector<16xi32>,
      %get3A_503 = vector.shape_cast %get3A_502 : vector<16xi32> to vector<16xi32>
      %add3A_504 = vector.broadcast %mul3A_0 : i32 to vector<16xi32>
      %add3A_505 = arith.addi %get3A_503, %add3A_504 : vector<16xi32>
      %swap3A_506 = arith.constant 0 : index
      %swap3A_507 = tpu.vector_load %arg8[%swap3A_506] {strides = array<i32>} : memref<128xi32, #tpu.memory_space<vmem>>, vector<16xi32>,
      %swap3A_508 = vector.shape_cast %swap3A_507 : vector<16xi32> to vector<16xi32>
      %swap3A_509 = vector.shape_cast %add3A_505 : vector<16xi32> to vector<16xi32>
      tpu.vector_store %arg8[%swap3A_506], %swap3A_509 {strides = array<i32>} : memref<128xi32, #tpu.memory_space<vmem>>, vector<16xi32>,
      %get3A_510 = arith.constant 0 : index
      %get3A_511 = tpu.vector_load %arg10[%get3A_510] {strides = array<i32>} : memref<128xi32, #tpu.memory_space<vmem>>, vector<16xi32>,
      %get3A_512 = vector.shape_cast %get3A_511 : vector<16xi32> to vector<16xi32>
      %add3A_513 = vector.broadcast %mul3A_0 : i32 to vector<16xi32>
      %add3A_514 = arith.addi %get3A_512, %add3A_513 : vector<16xi32>
      %swap3A_515 = arith.constant 0 : index
      %swap3A_516 = tpu.vector_load %arg9[%swap3A_515] {strides = array<i32>} : memref<128xi32, #tpu.memory_space<vmem>>, vector<16xi32>,
      %swap3A_517 = vector.shape_cast %swap3A_516 : vector<16xi32> to vector<16xi32>
      %swap3A_518 = vector.shape_cast %add3A_514 : vector<16xi32> to vector<16xi32>
      tpu.vector_store %arg9[%swap3A_515], %swap3A_518 {strides = array<i32>} : memref<128xi32, #tpu.memory_space<vmem>>, vector<16xi32>,
      %get3A_519 = arith.constant 16 : index
      %get3A_520 = tpu.vector_load %arg8[%get3A_519] {strides = array<i32>} : memref<128xi32, #tpu.memory_space<vmem>>, vector<16xi32>,
      %get3A_521 = vector.shape_cast %get3A_520 : vector<16xi32> to vector<16xi32>
      %add3A_522 = vector.broadcast %mul3A_0 : i32 to vector<16xi32>
      %add3A_523 = arith.addi %get3A_521, %add3A_522 : vector<16xi32>
      %swap3A_524 = arith.constant 16 : index
      %swap3A_525 = tpu.vector_load %arg8[%swap3A_524] {strides = array<i32>} : memref<128xi32, #tpu.memory_space<vmem>>, vector<16xi32>,
      %swap3A_526 = vector.shape_cast %swap3A_525 : vector<16xi32> to vector<16xi32>
      %swap3A_527 = vector.shape_cast %add3A_523 : vector<16xi32> to vector<16xi32>
      tpu.vector_store %arg8[%swap3A_524], %swap3A_527 {strides = array<i32>} : memref<128xi32, #tpu.memory_space<vmem>>, vector<16xi32>,
      %get3A_528 = arith.constant 16 : index
      %get3A_529 = tpu.vector_load %arg10[%get3A_528] {strides = array<i32>} : memref<128xi32, #tpu.memory_space<vmem>>, vector<16xi32>,
      %get3A_530 = vector.shape_cast %get3A_529 : vector<16xi32> to vector<16xi32>
      %add3A_531 = vector.broadcast %mul3A_0 : i32 to vector<16xi32>
      %add3A_532 = arith.addi %get3A_530, %add3A_531 : vector<16xi32>
      %swap3A_533 = arith.constant 16 : index
      %swap3A_534 = tpu.vector_load %arg9[%swap3A_533] {strides = array<i32>} : memref<128xi32, #tpu.memory_space<vmem>>, vector<16xi32>,
      %swap3A_535 = vector.shape_cast %swap3A_534 : vector<16xi32> to vector<16xi32>
      %swap3A_536 = vector.shape_cast %add3A_532 : vector<16xi32> to vector<16xi32>
      tpu.vector_store %arg9[%swap3A_533], %swap3A_536 {strides = array<i32>} : memref<128xi32, #tpu.memory_space<vmem>>, vector<16xi32>,
      %get3A_537 = arith.constant 32 : index
      %get3A_538 = tpu.vector_load %arg8[%get3A_537] {strides = array<i32>} : memref<128xi32, #tpu.memory_space<vmem>>, vector<16xi32>,
      %get3A_539 = vector.shape_cast %get3A_538 : vector<16xi32> to vector<16xi32>
      %add3A_540 = vector.broadcast %mul3A_0 : i32 to vector<16xi32>
      %add3A_541 = arith.addi %get3A_539, %add3A_540 : vector<16xi32>
      %swap3A_542 = arith.constant 32 : index
      %swap3A_543 = tpu.vector_load %arg8[%swap3A_542] {strides = array<i32>} : memref<128xi32, #tpu.memory_space<vmem>>, vector<16xi32>,
      %swap3A_544 = vector.shape_cast %swap3A_543 : vector<16xi32> to vector<16xi32>
      %swap3A_545 = vector.shape_cast %add3A_541 : vector<16xi32> to vector<16xi32>
      tpu.vector_store %arg8[%swap3A_542], %swap3A_545 {strides = array<i32>} : memref<128xi32, #tpu.memory_space<vmem>>, vector<16xi32>,
      %get3A_546 = arith.constant 32 : index
      %get3A_547 = tpu.vector_load %arg10[%get3A_546] {strides = array<i32>} : memref<128xi32, #tpu.memory_space<vmem>>, vector<16xi32>,
      %get3A_548 = vector.shape_cast %get3A_547 : vector<16xi32> to vector<16xi32>
      %add3A_549 = vector.broadcast %mul3A_0 : i32 to vector<16xi32>
      %add3A_550 = arith.addi %get3A_548, %add3A_549 : vector<16xi32>
      %swap3A_551 = arith.constant 32 : index
      %swap3A_552 = tpu.vector_load %arg9[%swap3A_551] {strides = array<i32>} : memref<128xi32, #tpu.memory_space<vmem>>, vector<16xi32>,
      %swap3A_553 = vector.shape_cast %swap3A_552 : vector<16xi32> to vector<16xi32>
      %swap3A_554 = vector.shape_cast %add3A_550 : vector<16xi32> to vector<16xi32>
      tpu.vector_store %arg9[%swap3A_551], %swap3A_554 {strides = array<i32>} : memref<128xi32, #tpu.memory_space<vmem>>, vector<16xi32>,
      %get3A_555 = arith.constant 48 : index
      %get3A_556 = tpu.vector_load %arg8[%get3A_555] {strides = array<i32>} : memref<128xi32, #tpu.memory_space<vmem>>, vector<16xi32>,
      %get3A_557 = vector.shape_cast %get3A_556 : vector<16xi32> to vector<16xi32>
      %add3A_558 = vector.broadcast %mul3A_0 : i32 to vector<16xi32>
      %add3A_559 = arith.addi %get3A_557, %add3A_558 : vector<16xi32>
      %swap3A_560 = arith.constant 48 : index
      %swap3A_561 = tpu.vector_load %arg8[%swap3A_560] {strides = array<i32>} : memref<128xi32, #tpu.memory_space<vmem>>, vector<16xi32>,
      %swap3A_562 = vector.shape_cast %swap3A_561 : vector<16xi32> to vector<16xi32>
      %swap3A_563 = vector.shape_cast %add3A_559 : vector<16xi32> to vector<16xi32>
      tpu.vector_store %arg8[%swap3A_560], %swap3A_563 {strides = array<i32>} : memref<128xi32, #tpu.memory_space<vmem>>, vector<16xi32>,
      %get3A_564 = arith.constant 48 : index
      %get3A_565 = tpu.vector_load %arg10[%get3A_564] {strides = array<i32>} : memref<128xi32, #tpu.memory_space<vmem>>, vector<16xi32>,
      %get3A_566 = vector.shape_cast %get3A_565 : vector<16xi32> to vector<16xi32>
      %add3A_567 = vector.broadcast %mul3A_0 : i32 to vector<16xi32>
      %add3A_568 = arith.addi %get3A_566, %add3A_567 : vector<16xi32>
      %swap3A_569 = arith.constant 48 : index
      %swap3A_570 = tpu.vector_load %arg9[%swap3A_569] {strides = array<i32>} : memref<128xi32, #tpu.memory_space<vmem>>, vector<16xi32>,
      %swap3A_571 = vector.shape_cast %swap3A_570 : vector<16xi32> to vector<16xi32>
      %swap3A_572 = vector.shape_cast %add3A_568 : vector<16xi32> to vector<16xi32>
      tpu.vector_store %arg9[%swap3A_569], %swap3A_572 {strides = array<i32>} : memref<128xi32, #tpu.memory_space<vmem>>, vector<16xi32>,
      %get3A_573 = arith.constant 64 : index
      %get3A_574 = tpu.vector_load %arg8[%get3A_573] {strides = array<i32>} : memref<128xi32, #tpu.memory_space<vmem>>, vector<16xi32>,
      %get3A_575 = vector.shape_cast %get3A_574 : vector<16xi32> to vector<16xi32>
      %add3A_576 = vector.broadcast %mul3A_0 : i32 to vector<16xi32>
      %add3A_577 = arith.addi %get3A_575, %add3A_576 : vector<16xi32>
      %swap3A_578 = arith.constant 64 : index
      %swap3A_579 = tpu.vector_load %arg8[%swap3A_578] {strides = array<i32>} : memref<128xi32, #tpu.memory_space<vmem>>, vector<16xi32>,
      %swap3A_580 = vector.shape_cast %swap3A_579 : vector<16xi32> to vector<16xi32>
      %swap3A_581 = vector.shape_cast %add3A_577 : vector<16xi32> to vector<16xi32>
      tpu.vector_store %arg8[%swap3A_578], %swap3A_581 {strides = array<i32>} : memref<128xi32, #tpu.memory_space<vmem>>, vector<16xi32>,
      %get3A_582 = arith.constant 64 : index
      %get3A_583 = tpu.vector_load %arg10[%get3A_582] {strides = array<i32>} : memref<128xi32, #tpu.memory_space<vmem>>, vector<16xi32>,
      %get3A_584 = vector.shape_cast %get3A_583 : vector<16xi32> to vector<16xi32>
      %add3A_585 = vector.broadcast %mul3A_0 : i32 to vector<16xi32>
      %add3A_586 = arith.addi %get3A_584, %add3A_585 : vector<16xi32>
      %swap3A_587 = arith.constant 64 : index
      %swap3A_588 = tpu.vector_load %arg9[%swap3A_587] {strides = array<i32>} : memref<128xi32, #tpu.memory_space<vmem>>, vector<16xi32>,
      %swap3A_589 = vector.shape_cast %swap3A_588 : vector<16xi32> to vector<16xi32>
      %swap3A_590 = vector.shape_cast %add3A_586 : vector<16xi32> to vector<16xi32>
      tpu.vector_store %arg9[%swap3A_587], %swap3A_590 {strides = array<i32>} : memref<128xi32, #tpu.memory_space<vmem>>, vector<16xi32>,
      %get3A_591 = arith.constant 80 : index
      %get3A_592 = tpu.vector_load %arg8[%get3A_591] {strides = array<i32>} : memref<128xi32, #tpu.memory_space<vmem>>, vector<16xi32>,
      %get3A_593 = vector.shape_cast %get3A_592 : vector<16xi32> to vector<16xi32>
      %add3A_594 = vector.broadcast %mul3A_0 : i32 to vector<16xi32>
      %add3A_595 = arith.addi %get3A_593, %add3A_594 : vector<16xi32>
      %swap3A_596 = arith.constant 80 : index
      %swap3A_597 = tpu.vector_load %arg8[%swap3A_596] {strides = array<i32>} : memref<128xi32, #tpu.memory_space<vmem>>, vector<16xi32>,
      %swap3A_598 = vector.shape_cast %swap3A_597 : vector<16xi32> to vector<16xi32>
      %swap3A_599 = vector.shape_cast %add3A_595 : vector<16xi32> to vector<16xi32>
      tpu.vector_store %arg8[%swap3A_596], %swap3A_599 {strides = array<i32>} : memref<128xi32, #tpu.memory_space<vmem>>, vector<16xi32>,
      %get3A_600 = arith.constant 80 : index
      %get3A_601 = tpu.vector_load %arg10[%get3A_600] {strides = array<i32>} : memref<128xi32, #tpu.memory_space<vmem>>, vector<16xi32>,
      %get3A_602 = vector.shape_cast %get3A_601 : vector<16xi32> to vector<16xi32>
      %add3A_603 = vector.broadcast %mul3A_0 : i32 to vector<16xi32>
      %add3A_604 = arith.addi %get3A_602, %add3A_603 : vector<16xi32>
      %swap3A_605 = arith.constant 80 : index
      %swap3A_606 = tpu.vector_load %arg9[%swap3A_605] {strides = array<i32>} : memref<128xi32, #tpu.memory_space<vmem>>, vector<16xi32>,
      %swap3A_607 = vector.shape_cast %swap3A_606 : vector<16xi32> to vector<16xi32>
      %swap3A_608 = vector.shape_cast %add3A_604 : vector<16xi32> to vector<16xi32>
      tpu.vector_store %arg9[%swap3A_605], %swap3A_608 {strides = array<i32>} : memref<128xi32, #tpu.memory_space<vmem>>, vector<16xi32>,
      %get3A_609 = arith.constant 96 : index
      %get3A_610 = tpu.vector_load %arg8[%get3A_609] {strides = array<i32>} : memref<128xi32, #tpu.memory_space<vmem>>, vector<16xi32>,
      %get3A_611 = vector.shape_cast %get3A_610 : vector<16xi32> to vector<16xi32>
      %add3A_612 = vector.broadcast %mul3A_0 : i32 to vector<16xi32>
      %add3A_613 = arith.addi %get3A_611, %add3A_612 : vector<16xi32>
      %swap3A_614 = arith.constant 96 : index
      %swap3A_615 = tpu.vector_load %arg8[%swap3A_614] {strides = array<i32>} : memref<128xi32, #tpu.memory_space<vmem>>, vector<16xi32>,
      %swap3A_616 = vector.shape_cast %swap3A_615 : vector<16xi32> to vector<16xi32>
      %swap3A_617 = vector.shape_cast %add3A_613 : vector<16xi32> to vector<16xi32>
      tpu.vector_store %arg8[%swap3A_614], %swap3A_617 {strides = array<i32>} : memref<128xi32, #tpu.memory_space<vmem>>, vector<16xi32>,
      %get3A_618 = arith.constant 96 : index
      %get3A_619 = tpu.vector_load %arg10[%get3A_618] {strides = array<i32>} : memref<128xi32, #tpu.memory_space<vmem>>, vector<16xi32>,
      %get3A_620 = vector.shape_cast %get3A_619 : vector<16xi32> to vector<16xi32>
      %add3A_621 = vector.broadcast %mul3A_0 : i32 to vector<16xi32>
      %add3A_622 = arith.addi %get3A_620, %add3A_621 : vector<16xi32>
      %swap3A_623 = arith.constant 96 : index
      %swap3A_624 = tpu.vector_load %arg9[%swap3A_623] {strides = array<i32>} : memref<128xi32, #tpu.memory_space<vmem>>, vector<16xi32>,
      %swap3A_625 = vector.shape_cast %swap3A_624 : vector<16xi32> to vector<16xi32>
      %swap3A_626 = vector.shape_cast %add3A_622 : vector<16xi32> to vector<16xi32>
      tpu.vector_store %arg9[%swap3A_623], %swap3A_626 {strides = array<i32>} : memref<128xi32, #tpu.memory_space<vmem>>, vector<16xi32>,
      %get3A_627 = arith.constant 112 : index
      %get3A_628 = tpu.vector_load %arg8[%get3A_627] {strides = array<i32>} : memref<128xi32, #tpu.memory_space<vmem>>, vector<16xi32>,
      %get3A_629 = vector.shape_cast %get3A_628 : vector<16xi32> to vector<16xi32>
      %add3A_630 = vector.broadcast %mul3A_0 : i32 to vector<16xi32>
      %add3A_631 = arith.addi %get3A_629, %add3A_630 : vector<16xi32>
      %swap3A_632 = arith.constant 112 : index
      %swap3A_633 = tpu.vector_load %arg8[%swap3A_632] {strides = array<i32>} : memref<128xi32, #tpu.memory_space<vmem>>, vector<16xi32>,
      %swap3A_634 = vector.shape_cast %swap3A_633 : vector<16xi32> to vector<16xi32>
      %swap3A_635 = vector.shape_cast %add3A_631 : vector<16xi32> to vector<16xi32>
      tpu.vector_store %arg8[%swap3A_632], %swap3A_635 {strides = array<i32>} : memref<128xi32, #tpu.memory_space<vmem>>, vector<16xi32>,
      %get3A_636 = arith.constant 112 : index
      %get3A_637 = tpu.vector_load %arg10[%get3A_636] {strides = array<i32>} : memref<128xi32, #tpu.memory_space<vmem>>, vector<16xi32>,
      %get3A_638 = vector.shape_cast %get3A_637 : vector<16xi32> to vector<16xi32>
      %add3A_639 = vector.broadcast %mul3A_0 : i32 to vector<16xi32>
      %add3A_640 = arith.addi %get3A_638, %add3A_639 : vector<16xi32>
      %swap3A_641 = arith.constant 112 : index
      %swap3A_642 = tpu.vector_load %arg9[%swap3A_641] {strides = array<i32>} : memref<128xi32, #tpu.memory_space<vmem>>, vector<16xi32>,
      %swap3A_643 = vector.shape_cast %swap3A_642 : vector<16xi32> to vector<16xi32>
      %swap3A_644 = vector.shape_cast %add3A_640 : vector<16xi32> to vector<16xi32>
      tpu.vector_store %arg9[%swap3A_641], %swap3A_644 {strides = array<i32>} : memref<128xi32, #tpu.memory_space<vmem>>, vector<16xi32>,
      %dma_start3A_645 = arith.constant 0 : i32
      %dma_start3A_646 = arith.constant 0 : i32
      %dma_start3A_647 = tpu.memref_slice %arg2[%dma_start3A_645, %dma_start3A_646] : memref<100096x32xf32, #tpu.memory_space<hbm>> -> memref<100096x32xf32, #tpu.memory_space<hbm>>
      tpu.enqueue_indirect_dma source(%dma_start3A_647 : memref<100096x32xf32, #tpu.memory_space<hbm>>) target(%arg14 : memref<128x32xf32, #tpu.memory_space<vmem>>) offsets(%arg8 : memref<128xi32, #tpu.memory_space<vmem>>) semaphore(%arg24 : memref<!tpu.dma_semaphore, #tpu.memory_space<semaphore_mem>>)
      %dma_start3A_648 = arith.constant 0 : i32
      %dma_start3A_649 = arith.constant 0 : i32
      %dma_start3A_650 = tpu.memref_slice %arg3[%dma_start3A_648, %dma_start3A_649] : memref<100096x32xf32, #tpu.memory_space<hbm>> -> memref<100096x32xf32, #tpu.memory_space<hbm>>
      tpu.enqueue_indirect_dma source(%dma_start3A_650 : memref<100096x32xf32, #tpu.memory_space<hbm>>) target(%arg15 : memref<128x32xf32, #tpu.memory_space<vmem>>) offsets(%arg9 : memref<128xi32, #tpu.memory_space<vmem>>) semaphore(%arg25 : memref<!tpu.dma_semaphore, #tpu.memory_space<semaphore_mem>>)
      %mul3A_651 = arith.constant 32 : i32
      %mul3A_652 = arith.muli %add3A_492, %mul3A_651 : i32
      %add3A_653 = arith.addi %add3A, %mul3A_652 : i32
      %dma_start3A_654 = arith.constant 0 : i32
      %dma_start3A_655 = tpu.memref_slice %arg4[%add3A_653, %dma_start3A_654] : memref<400384x128xf32, #tpu.memory_space<hbm>> -> memref<32x128xf32, #tpu.memory_space<hbm>>
      %dma_start3A_656 = arith.constant 0 : i32
      %dma_start3A_657 = tpu.memref_slice %arg4[%add3A_653, %dma_start3A_656] : memref<400384x128xf32, #tpu.memory_space<hbm>> -> memref<32x128xf32, #tpu.memory_space<hbm>>
      tpu.enqueue_dma source(%dma_start3A_657 : memref<32x128xf32, #tpu.memory_space<hbm>>) target(%arg16 : memref<32x128xf32, #tpu.memory_space<vmem>>) target_semaphore(%arg26 : memref<!tpu.dma_semaphore, #tpu.memory_space<semaphore_mem>>)
      %dma_wait3A_658 = arith.constant 0 : i32
      %dma_wait3A_659 = arith.constant 0 : i32
      %dma_wait3A_660 = tpu.memref_slice %arg2[%dma_wait3A_658, %dma_wait3A_659] : memref<100096x32xf32, #tpu.memory_space<hbm>> -> memref<128x32xf32, #tpu.memory_space<hbm>>
      %dma_wait3A_661 = arith.constant 0 : i32
      %dma_wait3A_662 = arith.constant 0 : i32
      %dma_wait3A_663 = tpu.memref_slice %arg2[%dma_wait3A_661, %dma_wait3A_662] : memref<100096x32xf32, #tpu.memory_space<hbm>> -> memref<128x32xf32, #tpu.memory_space<hbm>>
      tpu.wait_dma2 semaphore(%arg29 : memref<!tpu.dma_semaphore, #tpu.memory_space<semaphore_mem>>) src(%dma_wait3A_663 : memref<128x32xf32, #tpu.memory_space<hbm>>) dst(%arg17 : memref<128x32xf32, #tpu.memory_space<vmem>>)
      %dma_wait3A_664 = arith.constant 0 : i32
      %dma_wait3A_665 = arith.constant 0 : i32
      %dma_wait3A_666 = tpu.memref_slice %arg3[%dma_wait3A_664, %dma_wait3A_665] : memref<100096x32xf32, #tpu.memory_space<hbm>> -> memref<128x32xf32, #tpu.memory_space<hbm>>
      %dma_wait3A_667 = arith.constant 0 : i32
      %dma_wait3A_668 = arith.constant 0 : i32
      %dma_wait3A_669 = tpu.memref_slice %arg3[%dma_wait3A_667, %dma_wait3A_668] : memref<100096x32xf32, #tpu.memory_space<hbm>> -> memref<128x32xf32, #tpu.memory_space<hbm>>
      tpu.wait_dma2 semaphore(%arg30 : memref<!tpu.dma_semaphore, #tpu.memory_space<semaphore_mem>>) src(%dma_wait3A_669 : memref<128x32xf32, #tpu.memory_space<hbm>>) dst(%arg18 : memref<128x32xf32, #tpu.memory_space<vmem>>)
      %dma_wait3A_670 = arith.constant 0 : i32
      %dma_wait3A_671 = arith.constant 0 : i32
      %dma_wait3A_672 = tpu.memref_slice %arg4[%dma_wait3A_670, %dma_wait3A_671] : memref<400384x128xf32, #tpu.memory_space<hbm>> -> memref<32x128xf32, #tpu.memory_space<hbm>>
      %dma_wait3A_673 = arith.constant 0 : i32
      %dma_wait3A_674 = arith.constant 0 : i32
      %dma_wait3A_675 = tpu.memref_slice %arg4[%dma_wait3A_673, %dma_wait3A_674] : memref<400384x128xf32, #tpu.memory_space<hbm>> -> memref<32x128xf32, #tpu.memory_space<hbm>>
      tpu.wait_dma2 semaphore(%arg31 : memref<!tpu.dma_semaphore, #tpu.memory_space<semaphore_mem>>) src(%dma_wait3A_675 : memref<32x128xf32, #tpu.memory_space<hbm>>) dst(%arg19 : memref<32x128xf32, #tpu.memory_space<vmem>>)
      %scan3A_676 = arith.constant 0 : i32
      %scan3A_677 = arith.constant 0 : i32
      %scan3A_678 = arith.constant 32 : i32
      %scan3A_679 = arith.addi %scan3A_677, %scan3A_678 : i32
      %scan3A_680 = arith.constant 1 : i32
      %scan3A_681 = scf.for %scan3A_698 = %scan3A_677 to %scan3A_679 step %scan3A_680 iter_args(%scan3A_699 = %scan3A_676) -> (i32)  : i32 {
        %mul3A_700 = arith.constant 4 : i32
        %mul3A_701 = arith.muli %scan3A_698, %mul3A_700 : i32
        %add3A_702 = arith.constant 0 : i32
        %add3A_703 = arith.addi %mul3A_701, %add3A_702 : i32
        %get3A_704 = arith.index_cast %add3A_703 : i32 to index
        %get3A_705 = arith.constant 0 : index
        %get3A_706 = tpu.vector_load %arg17[%get3A_704, %get3A_705] {strides = array<i32>} : memref<128x32xf32, #tpu.memory_space<vmem>>, vector<1x16xf32>,
        %get3A_707 = vector.shape_cast %get3A_706 : vector<1x16xf32> to vector<16xf32>
        %mul3A_708 = arith.constant 4 : i32
        %mul3A_709 = arith.muli %scan3A_698, %mul3A_708 : i32
        %add3A_710 = arith.constant 0 : i32
        %add3A_711 = arith.addi %mul3A_709, %add3A_710 : i32
        %get3A_712 = arith.index_cast %add3A_711 : i32 to index
        %get3A_713 = arith.constant 0 : index
        %get3A_714 = tpu.vector_load %arg18[%get3A_712, %get3A_713] {strides = array<i32>} : memref<128x32xf32, #tpu.memory_space<vmem>>, vector<1x16xf32>,
        %get3A_715 = vector.shape_cast %get3A_714 : vector<1x16xf32> to vector<16xf32>
        %add3A_716 = arith.addf %get3A_707, %get3A_715 : vector<16xf32>
        %get3A_717 = arith.index_cast %scan3A_698 : i32 to index
        %get3A_718 = arith.constant 0 : index
        %get3A_719 = tpu.vector_load %arg19[%get3A_717, %get3A_718] {strides = array<i32>} : memref<32x128xf32, #tpu.memory_space<vmem>>, vector<1x16xf32>,
        %get3A_720 = vector.shape_cast %get3A_719 : vector<1x16xf32> to vector<16xf32>
        %add3A_721 = arith.addf %add3A_716, %get3A_720 : vector<16xf32>
        %max3A = arith.constant -3.800000e+00 : f32
        %max3A_722 = vector.broadcast %max3A : f32 to vector<16xf32>
        %max3A_723 = arith.maximumf %add3A_721, %max3A_722 : vector<16xf32>
        %min3A_724 = arith.constant 3.800000e+00 : f32
        %min3A_725 = vector.broadcast %min3A_724 : f32 to vector<16xf32>
        %min3A_726 = arith.minimumf %max3A_723, %min3A_725 : vector<16xf32>
        %mul3A_727 = arith.mulf %min3A_726, %min3A_726 : vector<16xf32>
        %mul3A_728 = arith.constant 3.1365726E-8 : f32
        %mul3A_729 = vector.broadcast %mul3A_728 : f32 to vector<16xf32>
        %mul3A_730 = arith.mulf %mul3A_729, %mul3A_727 : vector<16xf32>
        %add3A_731 = arith.constant -2.00707677E-6 : f32
        %add3A_732 = vector.broadcast %add3A_731 : f32 to vector<16xf32>
        %add3A_733 = arith.addf %mul3A_730, %add3A_732 : vector<16xf32>
        %mul3A_734 = arith.mulf %add3A_733, %mul3A_727 : vector<16xf32>
        %add3A_735 = arith.constant 5.54906037E-5 : f32
        %add3A_736 = vector.broadcast %add3A_735 : f32 to vector<16xf32>
        %add3A_737 = arith.addf %mul3A_734, %add3A_736 : vector<16xf32>
        %mul3A_738 = arith.mulf %add3A_737, %mul3A_727 : vector<16xf32>
        %add3A_739 = arith.constant -8.81657063E-4 : f32
        %add3A_740 = vector.broadcast %add3A_739 : f32 to vector<16xf32>
        %add3A_741 = arith.addf %mul3A_738, %add3A_740 : vector<16xf32>
        %mul3A_742 = arith.mulf %add3A_741, %mul3A_727 : vector<16xf32>
        %add3A_743 = arith.constant 0.00907511822 : f32
        %add3A_744 = vector.broadcast %add3A_743 : f32 to vector<16xf32>
        %add3A_745 = arith.addf %mul3A_742, %add3A_744 : vector<16xf32>
        %mul3A_746 = arith.mulf %add3A_745, %mul3A_727 : vector<16xf32>
        %add3A_747 = arith.constant -0.0651844144 : f32
        %add3A_748 = vector.broadcast %add3A_747 : f32 to vector<16xf32>
        %add3A_749 = arith.addf %mul3A_746, %add3A_748 : vector<16xf32>
        %mul3A_750 = arith.mulf %add3A_749, %mul3A_727 : vector<16xf32>
        %add3A_751 = arith.constant 0.398283422 : f32
        %add3A_752 = vector.broadcast %add3A_751 : f32 to vector<16xf32>
        %add3A_753 = arith.addf %mul3A_750, %add3A_752 : vector<16xf32>
        %mul3A_754 = arith.mulf %min3A_726, %add3A_753 : vector<16xf32>
        %add3A_755 = arith.constant 5.000000e-01 : f32
        %add3A_756 = vector.broadcast %add3A_755 : f32 to vector<16xf32>
        %add3A_757 = arith.addf %add3A_756, %mul3A_754 : vector<16xf32>
        %mul3A_758 = arith.mulf %add3A_721, %add3A_757 : vector<16xf32>
        %mul3A_759 = arith.constant 4 : i32
        %mul3A_760 = arith.muli %scan3A_698, %mul3A_759 : i32
        %add3A_761 = arith.constant 0 : i32
        %add3A_762 = arith.addi %mul3A_760, %add3A_761 : i32
        %swap3A_763 = arith.index_cast %add3A_762 : i32 to index
        %swap3A_764 = arith.constant 0 : index
        %swap3A_765 = tpu.vector_load %arg20[%swap3A_763, %swap3A_764] {strides = array<i32>} : memref<128x32xf32, #tpu.memory_space<vmem>>, vector<1x16xf32>,
        %swap3A_766 = vector.shape_cast %swap3A_765 : vector<1x16xf32> to vector<16xf32>
        %swap3A_767 = vector.shape_cast %mul3A_758 : vector<16xf32> to vector<1x16xf32>
        tpu.vector_store %arg20[%swap3A_763, %swap3A_764], %swap3A_767 {strides = array<i32>} : memref<128x32xf32, #tpu.memory_space<vmem>>, vector<1x16xf32>,
        %mul3A_768 = arith.constant 4 : i32
        %mul3A_769 = arith.muli %scan3A_698, %mul3A_768 : i32
        %add3A_770 = arith.constant 0 : i32
        %add3A_771 = arith.addi %mul3A_769, %add3A_770 : i32
        %get3A_772 = arith.index_cast %add3A_771 : i32 to index
        %get3A_773 = arith.constant 16 : index
        %get3A_774 = tpu.vector_load %arg17[%get3A_772, %get3A_773] {strides = array<i32>} : memref<128x32xf32, #tpu.memory_space<vmem>>, vector<1x16xf32>,
        %get3A_775 = vector.shape_cast %get3A_774 : vector<1x16xf32> to vector<16xf32>
        %mul3A_776 = arith.constant 4 : i32
        %mul3A_777 = arith.muli %scan3A_698, %mul3A_776 : i32
        %add3A_778 = arith.constant 0 : i32
        %add3A_779 = arith.addi %mul3A_777, %add3A_778 : i32
        %get3A_780 = arith.index_cast %add3A_779 : i32 to index
        %get3A_781 = arith.constant 16 : index
        %get3A_782 = tpu.vector_load %arg18[%get3A_780, %get3A_781] {strides = array<i32>} : memref<128x32xf32, #tpu.memory_space<vmem>>, vector<1x16xf32>,
        %get3A_783 = vector.shape_cast %get3A_782 : vector<1x16xf32> to vector<16xf32>
        %add3A_784 = arith.addf %get3A_775, %get3A_783 : vector<16xf32>
        %get3A_785 = arith.index_cast %scan3A_698 : i32 to index
        %get3A_786 = arith.constant 16 : index
        %get3A_787 = tpu.vector_load %arg19[%get3A_785, %get3A_786] {strides = array<i32>} : memref<32x128xf32, #tpu.memory_space<vmem>>, vector<1x16xf32>,
        %get3A_788 = vector.shape_cast %get3A_787 : vector<1x16xf32> to vector<16xf32>
        %add3A_789 = arith.addf %add3A_784, %get3A_788 : vector<16xf32>
        %max3A_790 = arith.constant -3.800000e+00 : f32
        %max3A_791 = vector.broadcast %max3A_790 : f32 to vector<16xf32>
        %max3A_792 = arith.maximumf %add3A_789, %max3A_791 : vector<16xf32>
        %min3A_793 = arith.constant 3.800000e+00 : f32
        %min3A_794 = vector.broadcast %min3A_793 : f32 to vector<16xf32>
        %min3A_795 = arith.minimumf %max3A_792, %min3A_794 : vector<16xf32>
        %mul3A_796 = arith.mulf %min3A_795, %min3A_795 : vector<16xf32>
        %mul3A_797 = arith.constant 3.1365726E-8 : f32
        %mul3A_798 = vector.broadcast %mul3A_797 : f32 to vector<16xf32>
        %mul3A_799 = arith.mulf %mul3A_798, %mul3A_796 : vector<16xf32>
        %add3A_800 = arith.constant -2.00707677E-6 : f32
        %add3A_801 = vector.broadcast %add3A_800 : f32 to vector<16xf32>
        %add3A_802 = arith.addf %mul3A_799, %add3A_801 : vector<16xf32>
        %mul3A_803 = arith.mulf %add3A_802, %mul3A_796 : vector<16xf32>
        %add3A_804 = arith.constant 5.54906037E-5 : f32
        %add3A_805 = vector.broadcast %add3A_804 : f32 to vector<16xf32>
        %add3A_806 = arith.addf %mul3A_803, %add3A_805 : vector<16xf32>
        %mul3A_807 = arith.mulf %add3A_806, %mul3A_796 : vector<16xf32>
        %add3A_808 = arith.constant -8.81657063E-4 : f32
        %add3A_809 = vector.broadcast %add3A_808 : f32 to vector<16xf32>
        %add3A_810 = arith.addf %mul3A_807, %add3A_809 : vector<16xf32>
        %mul3A_811 = arith.mulf %add3A_810, %mul3A_796 : vector<16xf32>
        %add3A_812 = arith.constant 0.00907511822 : f32
        %add3A_813 = vector.broadcast %add3A_812 : f32 to vector<16xf32>
        %add3A_814 = arith.addf %mul3A_811, %add3A_813 : vector<16xf32>
        %mul3A_815 = arith.mulf %add3A_814, %mul3A_796 : vector<16xf32>
        %add3A_816 = arith.constant -0.0651844144 : f32
        %add3A_817 = vector.broadcast %add3A_816 : f32 to vector<16xf32>
        %add3A_818 = arith.addf %mul3A_815, %add3A_817 : vector<16xf32>
        %mul3A_819 = arith.mulf %add3A_818, %mul3A_796 : vector<16xf32>
        %add3A_820 = arith.constant 0.398283422 : f32
        %add3A_821 = vector.broadcast %add3A_820 : f32 to vector<16xf32>
        %add3A_822 = arith.addf %mul3A_819, %add3A_821 : vector<16xf32>
        %mul3A_823 = arith.mulf %min3A_795, %add3A_822 : vector<16xf32>
        %add3A_824 = arith.constant 5.000000e-01 : f32
        %add3A_825 = vector.broadcast %add3A_824 : f32 to vector<16xf32>
        %add3A_826 = arith.addf %add3A_825, %mul3A_823 : vector<16xf32>
        %mul3A_827 = arith.mulf %add3A_789, %add3A_826 : vector<16xf32>
        %mul3A_828 = arith.constant 4 : i32
        %mul3A_829 = arith.muli %scan3A_698, %mul3A_828 : i32
        %add3A_830 = arith.constant 0 : i32
        %add3A_831 = arith.addi %mul3A_829, %add3A_830 : i32
        %swap3A_832 = arith.index_cast %add3A_831 : i32 to index
        %swap3A_833 = arith.constant 16 : index
        %swap3A_834 = tpu.vector_load %arg20[%swap3A_832, %swap3A_833] {strides = array<i32>} : memref<128x32xf32, #tpu.memory_space<vmem>>, vector<1x16xf32>,
        %swap3A_835 = vector.shape_cast %swap3A_834 : vector<1x16xf32> to vector<16xf32>
        %swap3A_836 = vector.shape_cast %mul3A_827 : vector<16xf32> to vector<1x16xf32>
        tpu.vector_store %arg20[%swap3A_832, %swap3A_833], %swap3A_836 {strides = array<i32>} : memref<128x32xf32, #tpu.memory_space<vmem>>, vector<1x16xf32>,
        %mul3A_837 = arith.constant 4 : i32
        %mul3A_838 = arith.muli %scan3A_698, %mul3A_837 : i32
        %add3A_839 = arith.constant 1 : i32
        %add3A_840 = arith.addi %mul3A_838, %add3A_839 : i32
        %get3A_841 = arith.index_cast %add3A_840 : i32 to index
        %get3A_842 = arith.constant 0 : index
        %get3A_843 = tpu.vector_load %arg17[%get3A_841, %get3A_842] {strides = array<i32>} : memref<128x32xf32, #tpu.memory_space<vmem>>, vector<1x16xf32>,
        %get3A_844 = vector.shape_cast %get3A_843 : vector<1x16xf32> to vector<16xf32>
        %mul3A_845 = arith.constant 4 : i32
        %mul3A_846 = arith.muli %scan3A_698, %mul3A_845 : i32
        %add3A_847 = arith.constant 1 : i32
        %add3A_848 = arith.addi %mul3A_846, %add3A_847 : i32
        %get3A_849 = arith.index_cast %add3A_848 : i32 to index
        %get3A_850 = arith.constant 0 : index
        %get3A_851 = tpu.vector_load %arg18[%get3A_849, %get3A_850] {strides = array<i32>} : memref<128x32xf32, #tpu.memory_space<vmem>>, vector<1x16xf32>,
        %get3A_852 = vector.shape_cast %get3A_851 : vector<1x16xf32> to vector<16xf32>
        %add3A_853 = arith.addf %get3A_844, %get3A_852 : vector<16xf32>
        %get3A_854 = arith.index_cast %scan3A_698 : i32 to index
        %get3A_855 = arith.constant 32 : index
        %get3A_856 = tpu.vector_load %arg19[%get3A_854, %get3A_855] {strides = array<i32>} : memref<32x128xf32, #tpu.memory_space<vmem>>, vector<1x16xf32>,
        %get3A_857 = vector.shape_cast %get3A_856 : vector<1x16xf32> to vector<16xf32>
        %add3A_858 = arith.addf %add3A_853, %get3A_857 : vector<16xf32>
        %max3A_859 = arith.constant -3.800000e+00 : f32
        %max3A_860 = vector.broadcast %max3A_859 : f32 to vector<16xf32>
        %max3A_861 = arith.maximumf %add3A_858, %max3A_860 : vector<16xf32>
        %min3A_862 = arith.constant 3.800000e+00 : f32
        %min3A_863 = vector.broadcast %min3A_862 : f32 to vector<16xf32>
        %min3A_864 = arith.minimumf %max3A_861, %min3A_863 : vector<16xf32>
        %mul3A_865 = arith.mulf %min3A_864, %min3A_864 : vector<16xf32>
        %mul3A_866 = arith.constant 3.1365726E-8 : f32
        %mul3A_867 = vector.broadcast %mul3A_866 : f32 to vector<16xf32>
        %mul3A_868 = arith.mulf %mul3A_867, %mul3A_865 : vector<16xf32>
        %add3A_869 = arith.constant -2.00707677E-6 : f32
        %add3A_870 = vector.broadcast %add3A_869 : f32 to vector<16xf32>
        %add3A_871 = arith.addf %mul3A_868, %add3A_870 : vector<16xf32>
        %mul3A_872 = arith.mulf %add3A_871, %mul3A_865 : vector<16xf32>
        %add3A_873 = arith.constant 5.54906037E-5 : f32
        %add3A_874 = vector.broadcast %add3A_873 : f32 to vector<16xf32>
        %add3A_875 = arith.addf %mul3A_872, %add3A_874 : vector<16xf32>
        %mul3A_876 = arith.mulf %add3A_875, %mul3A_865 : vector<16xf32>
        %add3A_877 = arith.constant -8.81657063E-4 : f32
        %add3A_878 = vector.broadcast %add3A_877 : f32 to vector<16xf32>
        %add3A_879 = arith.addf %mul3A_876, %add3A_878 : vector<16xf32>
        %mul3A_880 = arith.mulf %add3A_879, %mul3A_865 : vector<16xf32>
        %add3A_881 = arith.constant 0.00907511822 : f32
        %add3A_882 = vector.broadcast %add3A_881 : f32 to vector<16xf32>
        %add3A_883 = arith.addf %mul3A_880, %add3A_882 : vector<16xf32>
        %mul3A_884 = arith.mulf %add3A_883, %mul3A_865 : vector<16xf32>
        %add3A_885 = arith.constant -0.0651844144 : f32
        %add3A_886 = vector.broadcast %add3A_885 : f32 to vector<16xf32>
        %add3A_887 = arith.addf %mul3A_884, %add3A_886 : vector<16xf32>
        %mul3A_888 = arith.mulf %add3A_887, %mul3A_865 : vector<16xf32>
        %add3A_889 = arith.constant 0.398283422 : f32
        %add3A_890 = vector.broadcast %add3A_889 : f32 to vector<16xf32>
        %add3A_891 = arith.addf %mul3A_888, %add3A_890 : vector<16xf32>
        %mul3A_892 = arith.mulf %min3A_864, %add3A_891 : vector<16xf32>
        %add3A_893 = arith.constant 5.000000e-01 : f32
        %add3A_894 = vector.broadcast %add3A_893 : f32 to vector<16xf32>
        %add3A_895 = arith.addf %add3A_894, %mul3A_892 : vector<16xf32>
        %mul3A_896 = arith.mulf %add3A_858, %add3A_895 : vector<16xf32>
        %mul3A_897 = arith.constant 4 : i32
        %mul3A_898 = arith.muli %scan3A_698, %mul3A_897 : i32
        %add3A_899 = arith.constant 1 : i32
        %add3A_900 = arith.addi %mul3A_898, %add3A_899 : i32
        %swap3A_901 = arith.index_cast %add3A_900 : i32 to index
        %swap3A_902 = arith.constant 0 : index
        %swap3A_903 = tpu.vector_load %arg20[%swap3A_901, %swap3A_902] {strides = array<i32>} : memref<128x32xf32, #tpu.memory_space<vmem>>, vector<1x16xf32>,
        %swap3A_904 = vector.shape_cast %swap3A_903 : vector<1x16xf32> to vector<16xf32>
        %swap3A_905 = vector.shape_cast %mul3A_896 : vector<16xf32> to vector<1x16xf32>
        tpu.vector_store %arg20[%swap3A_901, %swap3A_902], %swap3A_905 {strides = array<i32>} : memref<128x32xf32, #tpu.memory_space<vmem>>, vector<1x16xf32>,
        %mul3A_906 = arith.constant 4 : i32
        %mul3A_907 = arith.muli %scan3A_698, %mul3A_906 : i32
        %add3A_908 = arith.constant 1 : i32
        %add3A_909 = arith.addi %mul3A_907, %add3A_908 : i32
        %get3A_910 = arith.index_cast %add3A_909 : i32 to index
        %get3A_911 = arith.constant 16 : index
        %get3A_912 = tpu.vector_load %arg17[%get3A_910, %get3A_911] {strides = array<i32>} : memref<128x32xf32, #tpu.memory_space<vmem>>, vector<1x16xf32>,
        %get3A_913 = vector.shape_cast %get3A_912 : vector<1x16xf32> to vector<16xf32>
        %mul3A_914 = arith.constant 4 : i32
        %mul3A_915 = arith.muli %scan3A_698, %mul3A_914 : i32
        %add3A_916 = arith.constant 1 : i32
        %add3A_917 = arith.addi %mul3A_915, %add3A_916 : i32
        %get3A_918 = arith.index_cast %add3A_917 : i32 to index
        %get3A_919 = arith.constant 16 : index
        %get3A_920 = tpu.vector_load %arg18[%get3A_918, %get3A_919] {strides = array<i32>} : memref<128x32xf32, #tpu.memory_space<vmem>>, vector<1x16xf32>,
        %get3A_921 = vector.shape_cast %get3A_920 : vector<1x16xf32> to vector<16xf32>
        %add3A_922 = arith.addf %get3A_913, %get3A_921 : vector<16xf32>
        %get3A_923 = arith.index_cast %scan3A_698 : i32 to index
        %get3A_924 = arith.constant 48 : index
        %get3A_925 = tpu.vector_load %arg19[%get3A_923, %get3A_924] {strides = array<i32>} : memref<32x128xf32, #tpu.memory_space<vmem>>, vector<1x16xf32>,
        %get3A_926 = vector.shape_cast %get3A_925 : vector<1x16xf32> to vector<16xf32>
        %add3A_927 = arith.addf %add3A_922, %get3A_926 : vector<16xf32>
        %max3A_928 = arith.constant -3.800000e+00 : f32
        %max3A_929 = vector.broadcast %max3A_928 : f32 to vector<16xf32>
        %max3A_930 = arith.maximumf %add3A_927, %max3A_929 : vector<16xf32>
        %min3A_931 = arith.constant 3.800000e+00 : f32
        %min3A_932 = vector.broadcast %min3A_931 : f32 to vector<16xf32>
        %min3A_933 = arith.minimumf %max3A_930, %min3A_932 : vector<16xf32>
        %mul3A_934 = arith.mulf %min3A_933, %min3A_933 : vector<16xf32>
        %mul3A_935 = arith.constant 3.1365726E-8 : f32
        %mul3A_936 = vector.broadcast %mul3A_935 : f32 to vector<16xf32>
        %mul3A_937 = arith.mulf %mul3A_936, %mul3A_934 : vector<16xf32>
        %add3A_938 = arith.constant -2.00707677E-6 : f32
        %add3A_939 = vector.broadcast %add3A_938 : f32 to vector<16xf32>
        %add3A_940 = arith.addf %mul3A_937, %add3A_939 : vector<16xf32>
        %mul3A_941 = arith.mulf %add3A_940, %mul3A_934 : vector<16xf32>
        %add3A_942 = arith.constant 5.54906037E-5 : f32
        %add3A_943 = vector.broadcast %add3A_942 : f32 to vector<16xf32>
        %add3A_944 = arith.addf %mul3A_941, %add3A_943 : vector<16xf32>
        %mul3A_945 = arith.mulf %add3A_944, %mul3A_934 : vector<16xf32>
        %add3A_946 = arith.constant -8.81657063E-4 : f32
        %add3A_947 = vector.broadcast %add3A_946 : f32 to vector<16xf32>
        %add3A_948 = arith.addf %mul3A_945, %add3A_947 : vector<16xf32>
        %mul3A_949 = arith.mulf %add3A_948, %mul3A_934 : vector<16xf32>
        %add3A_950 = arith.constant 0.00907511822 : f32
        %add3A_951 = vector.broadcast %add3A_950 : f32 to vector<16xf32>
        %add3A_952 = arith.addf %mul3A_949, %add3A_951 : vector<16xf32>
        %mul3A_953 = arith.mulf %add3A_952, %mul3A_934 : vector<16xf32>
        %add3A_954 = arith.constant -0.0651844144 : f32
        %add3A_955 = vector.broadcast %add3A_954 : f32 to vector<16xf32>
        %add3A_956 = arith.addf %mul3A_953, %add3A_955 : vector<16xf32>
        %mul3A_957 = arith.mulf %add3A_956, %mul3A_934 : vector<16xf32>
        %add3A_958 = arith.constant 0.398283422 : f32
        %add3A_959 = vector.broadcast %add3A_958 : f32 to vector<16xf32>
        %add3A_960 = arith.addf %mul3A_957, %add3A_959 : vector<16xf32>
        %mul3A_961 = arith.mulf %min3A_933, %add3A_960 : vector<16xf32>
        %add3A_962 = arith.constant 5.000000e-01 : f32
        %add3A_963 = vector.broadcast %add3A_962 : f32 to vector<16xf32>
        %add3A_964 = arith.addf %add3A_963, %mul3A_961 : vector<16xf32>
        %mul3A_965 = arith.mulf %add3A_927, %add3A_964 : vector<16xf32>
        %mul3A_966 = arith.constant 4 : i32
        %mul3A_967 = arith.muli %scan3A_698, %mul3A_966 : i32
        %add3A_968 = arith.constant 1 : i32
        %add3A_969 = arith.addi %mul3A_967, %add3A_968 : i32
        %swap3A_970 = arith.index_cast %add3A_969 : i32 to index
        %swap3A_971 = arith.constant 16 : index
        %swap3A_972 = tpu.vector_load %arg20[%swap3A_970, %swap3A_971] {strides = array<i32>} : memref<128x32xf32, #tpu.memory_space<vmem>>, vector<1x16xf32>,
        %swap3A_973 = vector.shape_cast %swap3A_972 : vector<1x16xf32> to vector<16xf32>
        %swap3A_974 = vector.shape_cast %mul3A_965 : vector<16xf32> to vector<1x16xf32>
        tpu.vector_store %arg20[%swap3A_970, %swap3A_971], %swap3A_974 {strides = array<i32>} : memref<128x32xf32, #tpu.memory_space<vmem>>, vector<1x16xf32>,
        %mul3A_975 = arith.constant 4 : i32
        %mul3A_976 = arith.muli %scan3A_698, %mul3A_975 : i32
        %add3A_977 = arith.constant 2 : i32
        %add3A_978 = arith.addi %mul3A_976, %add3A_977 : i32
        %get3A_979 = arith.index_cast %add3A_978 : i32 to index
        %get3A_980 = arith.constant 0 : index
        %get3A_981 = tpu.vector_load %arg17[%get3A_979, %get3A_980] {strides = array<i32>} : memref<128x32xf32, #tpu.memory_space<vmem>>, vector<1x16xf32>,
        %get3A_982 = vector.shape_cast %get3A_981 : vector<1x16xf32> to vector<16xf32>
        %mul3A_983 = arith.constant 4 : i32
        %mul3A_984 = arith.muli %scan3A_698, %mul3A_983 : i32
        %add3A_985 = arith.constant 2 : i32
        %add3A_986 = arith.addi %mul3A_984, %add3A_985 : i32
        %get3A_987 = arith.index_cast %add3A_986 : i32 to index
        %get3A_988 = arith.constant 0 : index
        %get3A_989 = tpu.vector_load %arg18[%get3A_987, %get3A_988] {strides = array<i32>} : memref<128x32xf32, #tpu.memory_space<vmem>>, vector<1x16xf32>,
        %get3A_990 = vector.shape_cast %get3A_989 : vector<1x16xf32> to vector<16xf32>
        %add3A_991 = arith.addf %get3A_982, %get3A_990 : vector<16xf32>
        %get3A_992 = arith.index_cast %scan3A_698 : i32 to index
        %get3A_993 = arith.constant 64 : index
        %get3A_994 = tpu.vector_load %arg19[%get3A_992, %get3A_993] {strides = array<i32>} : memref<32x128xf32, #tpu.memory_space<vmem>>, vector<1x16xf32>,
        %get3A_995 = vector.shape_cast %get3A_994 : vector<1x16xf32> to vector<16xf32>
        %add3A_996 = arith.addf %add3A_991, %get3A_995 : vector<16xf32>
        %max3A_997 = arith.constant -3.800000e+00 : f32
        %max3A_998 = vector.broadcast %max3A_997 : f32 to vector<16xf32>
        %max3A_999 = arith.maximumf %add3A_996, %max3A_998 : vector<16xf32>
        %min3A_1000 = arith.constant 3.800000e+00 : f32
        %min3A_1001 = vector.broadcast %min3A_1000 : f32 to vector<16xf32>
        %min3A_1002 = arith.minimumf %max3A_999, %min3A_1001 : vector<16xf32>
        %mul3A_1003 = arith.mulf %min3A_1002, %min3A_1002 : vector<16xf32>
        %mul3A_1004 = arith.constant 3.1365726E-8 : f32
        %mul3A_1005 = vector.broadcast %mul3A_1004 : f32 to vector<16xf32>
        %mul3A_1006 = arith.mulf %mul3A_1005, %mul3A_1003 : vector<16xf32>
        %add3A_1007 = arith.constant -2.00707677E-6 : f32
        %add3A_1008 = vector.broadcast %add3A_1007 : f32 to vector<16xf32>
        %add3A_1009 = arith.addf %mul3A_1006, %add3A_1008 : vector<16xf32>
        %mul3A_1010 = arith.mulf %add3A_1009, %mul3A_1003 : vector<16xf32>
        %add3A_1011 = arith.constant 5.54906037E-5 : f32
        %add3A_1012 = vector.broadcast %add3A_1011 : f32 to vector<16xf32>
        %add3A_1013 = arith.addf %mul3A_1010, %add3A_1012 : vector<16xf32>
        %mul3A_1014 = arith.mulf %add3A_1013, %mul3A_1003 : vector<16xf32>
        %add3A_1015 = arith.constant -8.81657063E-4 : f32
        %add3A_1016 = vector.broadcast %add3A_1015 : f32 to vector<16xf32>
        %add3A_1017 = arith.addf %mul3A_1014, %add3A_1016 : vector<16xf32>
        %mul3A_1018 = arith.mulf %add3A_1017, %mul3A_1003 : vector<16xf32>
        %add3A_1019 = arith.constant 0.00907511822 : f32
        %add3A_1020 = vector.broadcast %add3A_1019 : f32 to vector<16xf32>
        %add3A_1021 = arith.addf %mul3A_1018, %add3A_1020 : vector<16xf32>
        %mul3A_1022 = arith.mulf %add3A_1021, %mul3A_1003 : vector<16xf32>
        %add3A_1023 = arith.constant -0.0651844144 : f32
        %add3A_1024 = vector.broadcast %add3A_1023 : f32 to vector<16xf32>
        %add3A_1025 = arith.addf %mul3A_1022, %add3A_1024 : vector<16xf32>
        %mul3A_1026 = arith.mulf %add3A_1025, %mul3A_1003 : vector<16xf32>
        %add3A_1027 = arith.constant 0.398283422 : f32
        %add3A_1028 = vector.broadcast %add3A_1027 : f32 to vector<16xf32>
        %add3A_1029 = arith.addf %mul3A_1026, %add3A_1028 : vector<16xf32>
        %mul3A_1030 = arith.mulf %min3A_1002, %add3A_1029 : vector<16xf32>
        %add3A_1031 = arith.constant 5.000000e-01 : f32
        %add3A_1032 = vector.broadcast %add3A_1031 : f32 to vector<16xf32>
        %add3A_1033 = arith.addf %add3A_1032, %mul3A_1030 : vector<16xf32>
        %mul3A_1034 = arith.mulf %add3A_996, %add3A_1033 : vector<16xf32>
        %mul3A_1035 = arith.constant 4 : i32
        %mul3A_1036 = arith.muli %scan3A_698, %mul3A_1035 : i32
        %add3A_1037 = arith.constant 2 : i32
        %add3A_1038 = arith.addi %mul3A_1036, %add3A_1037 : i32
        %swap3A_1039 = arith.index_cast %add3A_1038 : i32 to index
        %swap3A_1040 = arith.constant 0 : index
        %swap3A_1041 = tpu.vector_load %arg20[%swap3A_1039, %swap3A_1040] {strides = array<i32>} : memref<128x32xf32, #tpu.memory_space<vmem>>, vector<1x16xf32>,
        %swap3A_1042 = vector.shape_cast %swap3A_1041 : vector<1x16xf32> to vector<16xf32>
        %swap3A_1043 = vector.shape_cast %mul3A_1034 : vector<16xf32> to vector<1x16xf32>
        tpu.vector_store %arg20[%swap3A_1039, %swap3A_1040], %swap3A_1043 {strides = array<i32>} : memref<128x32xf32, #tpu.memory_space<vmem>>, vector<1x16xf32>,
        %mul3A_1044 = arith.constant 4 : i32
        %mul3A_1045 = arith.muli %scan3A_698, %mul3A_1044 : i32
        %add3A_1046 = arith.constant 2 : i32
        %add3A_1047 = arith.addi %mul3A_1045, %add3A_1046 : i32
        %get3A_1048 = arith.index_cast %add3A_1047 : i32 to index
        %get3A_1049 = arith.constant 16 : index
        %get3A_1050 = tpu.vector_load %arg17[%get3A_1048, %get3A_1049] {strides = array<i32>} : memref<128x32xf32, #tpu.memory_space<vmem>>, vector<1x16xf32>,
        %get3A_1051 = vector.shape_cast %get3A_1050 : vector<1x16xf32> to vector<16xf32>
        %mul3A_1052 = arith.constant 4 : i32
        %mul3A_1053 = arith.muli %scan3A_698, %mul3A_1052 : i32
        %add3A_1054 = arith.constant 2 : i32
        %add3A_1055 = arith.addi %mul3A_1053, %add3A_1054 : i32
        %get3A_1056 = arith.index_cast %add3A_1055 : i32 to index
        %get3A_1057 = arith.constant 16 : index
        %get3A_1058 = tpu.vector_load %arg18[%get3A_1056, %get3A_1057] {strides = array<i32>} : memref<128x32xf32, #tpu.memory_space<vmem>>, vector<1x16xf32>,
        %get3A_1059 = vector.shape_cast %get3A_1058 : vector<1x16xf32> to vector<16xf32>
        %add3A_1060 = arith.addf %get3A_1051, %get3A_1059 : vector<16xf32>
        %get3A_1061 = arith.index_cast %scan3A_698 : i32 to index
        %get3A_1062 = arith.constant 80 : index
        %get3A_1063 = tpu.vector_load %arg19[%get3A_1061, %get3A_1062] {strides = array<i32>} : memref<32x128xf32, #tpu.memory_space<vmem>>, vector<1x16xf32>,
        %get3A_1064 = vector.shape_cast %get3A_1063 : vector<1x16xf32> to vector<16xf32>
        %add3A_1065 = arith.addf %add3A_1060, %get3A_1064 : vector<16xf32>
        %max3A_1066 = arith.constant -3.800000e+00 : f32
        %max3A_1067 = vector.broadcast %max3A_1066 : f32 to vector<16xf32>
        %max3A_1068 = arith.maximumf %add3A_1065, %max3A_1067 : vector<16xf32>
        %min3A_1069 = arith.constant 3.800000e+00 : f32
        %min3A_1070 = vector.broadcast %min3A_1069 : f32 to vector<16xf32>
        %min3A_1071 = arith.minimumf %max3A_1068, %min3A_1070 : vector<16xf32>
        %mul3A_1072 = arith.mulf %min3A_1071, %min3A_1071 : vector<16xf32>
        %mul3A_1073 = arith.constant 3.1365726E-8 : f32
        %mul3A_1074 = vector.broadcast %mul3A_1073 : f32 to vector<16xf32>
        %mul3A_1075 = arith.mulf %mul3A_1074, %mul3A_1072 : vector<16xf32>
        %add3A_1076 = arith.constant -2.00707677E-6 : f32
        %add3A_1077 = vector.broadcast %add3A_1076 : f32 to vector<16xf32>
        %add3A_1078 = arith.addf %mul3A_1075, %add3A_1077 : vector<16xf32>
        %mul3A_1079 = arith.mulf %add3A_1078, %mul3A_1072 : vector<16xf32>
        %add3A_1080 = arith.constant 5.54906037E-5 : f32
        %add3A_1081 = vector.broadcast %add3A_1080 : f32 to vector<16xf32>
        %add3A_1082 = arith.addf %mul3A_1079, %add3A_1081 : vector<16xf32>
        %mul3A_1083 = arith.mulf %add3A_1082, %mul3A_1072 : vector<16xf32>
        %add3A_1084 = arith.constant -8.81657063E-4 : f32
        %add3A_1085 = vector.broadcast %add3A_1084 : f32 to vector<16xf32>
        %add3A_1086 = arith.addf %mul3A_1083, %add3A_1085 : vector<16xf32>
        %mul3A_1087 = arith.mulf %add3A_1086, %mul3A_1072 : vector<16xf32>
        %add3A_1088 = arith.constant 0.00907511822 : f32
        %add3A_1089 = vector.broadcast %add3A_1088 : f32 to vector<16xf32>
        %add3A_1090 = arith.addf %mul3A_1087, %add3A_1089 : vector<16xf32>
        %mul3A_1091 = arith.mulf %add3A_1090, %mul3A_1072 : vector<16xf32>
        %add3A_1092 = arith.constant -0.0651844144 : f32
        %add3A_1093 = vector.broadcast %add3A_1092 : f32 to vector<16xf32>
        %add3A_1094 = arith.addf %mul3A_1091, %add3A_1093 : vector<16xf32>
        %mul3A_1095 = arith.mulf %add3A_1094, %mul3A_1072 : vector<16xf32>
        %add3A_1096 = arith.constant 0.398283422 : f32
        %add3A_1097 = vector.broadcast %add3A_1096 : f32 to vector<16xf32>
        %add3A_1098 = arith.addf %mul3A_1095, %add3A_1097 : vector<16xf32>
        %mul3A_1099 = arith.mulf %min3A_1071, %add3A_1098 : vector<16xf32>
        %add3A_1100 = arith.constant 5.000000e-01 : f32
        %add3A_1101 = vector.broadcast %add3A_1100 : f32 to vector<16xf32>
        %add3A_1102 = arith.addf %add3A_1101, %mul3A_1099 : vector<16xf32>
        %mul3A_1103 = arith.mulf %add3A_1065, %add3A_1102 : vector<16xf32>
        %mul3A_1104 = arith.constant 4 : i32
        %mul3A_1105 = arith.muli %scan3A_698, %mul3A_1104 : i32
        %add3A_1106 = arith.constant 2 : i32
        %add3A_1107 = arith.addi %mul3A_1105, %add3A_1106 : i32
        %swap3A_1108 = arith.index_cast %add3A_1107 : i32 to index
        %swap3A_1109 = arith.constant 16 : index
        %swap3A_1110 = tpu.vector_load %arg20[%swap3A_1108, %swap3A_1109] {strides = array<i32>} : memref<128x32xf32, #tpu.memory_space<vmem>>, vector<1x16xf32>,
        %swap3A_1111 = vector.shape_cast %swap3A_1110 : vector<1x16xf32> to vector<16xf32>
        %swap3A_1112 = vector.shape_cast %mul3A_1103 : vector<16xf32> to vector<1x16xf32>
        tpu.vector_store %arg20[%swap3A_1108, %swap3A_1109], %swap3A_1112 {strides = array<i32>} : memref<128x32xf32, #tpu.memory_space<vmem>>, vector<1x16xf32>,
        %mul3A_1113 = arith.constant 4 : i32
        %mul3A_1114 = arith.muli %scan3A_698, %mul3A_1113 : i32
        %add3A_1115 = arith.constant 3 : i32
        %add3A_1116 = arith.addi %mul3A_1114, %add3A_1115 : i32
        %get3A_1117 = arith.index_cast %add3A_1116 : i32 to index
        %get3A_1118 = arith.constant 0 : index
        %get3A_1119 = tpu.vector_load %arg17[%get3A_1117, %get3A_1118] {strides = array<i32>} : memref<128x32xf32, #tpu.memory_space<vmem>>, vector<1x16xf32>,
        %get3A_1120 = vector.shape_cast %get3A_1119 : vector<1x16xf32> to vector<16xf32>
        %mul3A_1121 = arith.constant 4 : i32
        %mul3A_1122 = arith.muli %scan3A_698, %mul3A_1121 : i32
        %add3A_1123 = arith.constant 3 : i32
        %add3A_1124 = arith.addi %mul3A_1122, %add3A_1123 : i32
        %get3A_1125 = arith.index_cast %add3A_1124 : i32 to index
        %get3A_1126 = arith.constant 0 : index
        %get3A_1127 = tpu.vector_load %arg18[%get3A_1125, %get3A_1126] {strides = array<i32>} : memref<128x32xf32, #tpu.memory_space<vmem>>, vector<1x16xf32>,
        %get3A_1128 = vector.shape_cast %get3A_1127 : vector<1x16xf32> to vector<16xf32>
        %add3A_1129 = arith.addf %get3A_1120, %get3A_1128 : vector<16xf32>
        %get3A_1130 = arith.index_cast %scan3A_698 : i32 to index
        %get3A_1131 = arith.constant 96 : index
        %get3A_1132 = tpu.vector_load %arg19[%get3A_1130, %get3A_1131] {strides = array<i32>} : memref<32x128xf32, #tpu.memory_space<vmem>>, vector<1x16xf32>,
        %get3A_1133 = vector.shape_cast %get3A_1132 : vector<1x16xf32> to vector<16xf32>
        %add3A_1134 = arith.addf %add3A_1129, %get3A_1133 : vector<16xf32>
        %max3A_1135 = arith.constant -3.800000e+00 : f32
        %max3A_1136 = vector.broadcast %max3A_1135 : f32 to vector<16xf32>
        %max3A_1137 = arith.maximumf %add3A_1134, %max3A_1136 : vector<16xf32>
        %min3A_1138 = arith.constant 3.800000e+00 : f32
        %min3A_1139 = vector.broadcast %min3A_1138 : f32 to vector<16xf32>
        %min3A_1140 = arith.minimumf %max3A_1137, %min3A_1139 : vector<16xf32>
        %mul3A_1141 = arith.mulf %min3A_1140, %min3A_1140 : vector<16xf32>
        %mul3A_1142 = arith.constant 3.1365726E-8 : f32
        %mul3A_1143 = vector.broadcast %mul3A_1142 : f32 to vector<16xf32>
        %mul3A_1144 = arith.mulf %mul3A_1143, %mul3A_1141 : vector<16xf32>
        %add3A_1145 = arith.constant -2.00707677E-6 : f32
        %add3A_1146 = vector.broadcast %add3A_1145 : f32 to vector<16xf32>
        %add3A_1147 = arith.addf %mul3A_1144, %add3A_1146 : vector<16xf32>
        %mul3A_1148 = arith.mulf %add3A_1147, %mul3A_1141 : vector<16xf32>
        %add3A_1149 = arith.constant 5.54906037E-5 : f32
        %add3A_1150 = vector.broadcast %add3A_1149 : f32 to vector<16xf32>
        %add3A_1151 = arith.addf %mul3A_1148, %add3A_1150 : vector<16xf32>
        %mul3A_1152 = arith.mulf %add3A_1151, %mul3A_1141 : vector<16xf32>
        %add3A_1153 = arith.constant -8.81657063E-4 : f32
        %add3A_1154 = vector.broadcast %add3A_1153 : f32 to vector<16xf32>
        %add3A_1155 = arith.addf %mul3A_1152, %add3A_1154 : vector<16xf32>
        %mul3A_1156 = arith.mulf %add3A_1155, %mul3A_1141 : vector<16xf32>
        %add3A_1157 = arith.constant 0.00907511822 : f32
        %add3A_1158 = vector.broadcast %add3A_1157 : f32 to vector<16xf32>
        %add3A_1159 = arith.addf %mul3A_1156, %add3A_1158 : vector<16xf32>
        %mul3A_1160 = arith.mulf %add3A_1159, %mul3A_1141 : vector<16xf32>
        %add3A_1161 = arith.constant -0.0651844144 : f32
        %add3A_1162 = vector.broadcast %add3A_1161 : f32 to vector<16xf32>
        %add3A_1163 = arith.addf %mul3A_1160, %add3A_1162 : vector<16xf32>
        %mul3A_1164 = arith.mulf %add3A_1163, %mul3A_1141 : vector<16xf32>
        %add3A_1165 = arith.constant 0.398283422 : f32
        %add3A_1166 = vector.broadcast %add3A_1165 : f32 to vector<16xf32>
        %add3A_1167 = arith.addf %mul3A_1164, %add3A_1166 : vector<16xf32>
        %mul3A_1168 = arith.mulf %min3A_1140, %add3A_1167 : vector<16xf32>
        %add3A_1169 = arith.constant 5.000000e-01 : f32
        %add3A_1170 = vector.broadcast %add3A_1169 : f32 to vector<16xf32>
        %add3A_1171 = arith.addf %add3A_1170, %mul3A_1168 : vector<16xf32>
        %mul3A_1172 = arith.mulf %add3A_1134, %add3A_1171 : vector<16xf32>
        %mul3A_1173 = arith.constant 4 : i32
        %mul3A_1174 = arith.muli %scan3A_698, %mul3A_1173 : i32
        %add3A_1175 = arith.constant 3 : i32
        %add3A_1176 = arith.addi %mul3A_1174, %add3A_1175 : i32
        %swap3A_1177 = arith.index_cast %add3A_1176 : i32 to index
        %swap3A_1178 = arith.constant 0 : index
        %swap3A_1179 = tpu.vector_load %arg20[%swap3A_1177, %swap3A_1178] {strides = array<i32>} : memref<128x32xf32, #tpu.memory_space<vmem>>, vector<1x16xf32>,
        %swap3A_1180 = vector.shape_cast %swap3A_1179 : vector<1x16xf32> to vector<16xf32>
        %swap3A_1181 = vector.shape_cast %mul3A_1172 : vector<16xf32> to vector<1x16xf32>
        tpu.vector_store %arg20[%swap3A_1177, %swap3A_1178], %swap3A_1181 {strides = array<i32>} : memref<128x32xf32, #tpu.memory_space<vmem>>, vector<1x16xf32>,
        %mul3A_1182 = arith.constant 4 : i32
        %mul3A_1183 = arith.muli %scan3A_698, %mul3A_1182 : i32
        %add3A_1184 = arith.constant 3 : i32
        %add3A_1185 = arith.addi %mul3A_1183, %add3A_1184 : i32
        %get3A_1186 = arith.index_cast %add3A_1185 : i32 to index
        %get3A_1187 = arith.constant 16 : index
        %get3A_1188 = tpu.vector_load %arg17[%get3A_1186, %get3A_1187] {strides = array<i32>} : memref<128x32xf32, #tpu.memory_space<vmem>>, vector<1x16xf32>,
        %get3A_1189 = vector.shape_cast %get3A_1188 : vector<1x16xf32> to vector<16xf32>
        %mul3A_1190 = arith.constant 4 : i32
        %mul3A_1191 = arith.muli %scan3A_698, %mul3A_1190 : i32
        %add3A_1192 = arith.constant 3 : i32
        %add3A_1193 = arith.addi %mul3A_1191, %add3A_1192 : i32
        %get3A_1194 = arith.index_cast %add3A_1193 : i32 to index
        %get3A_1195 = arith.constant 16 : index
        %get3A_1196 = tpu.vector_load %arg18[%get3A_1194, %get3A_1195] {strides = array<i32>} : memref<128x32xf32, #tpu.memory_space<vmem>>, vector<1x16xf32>,
        %get3A_1197 = vector.shape_cast %get3A_1196 : vector<1x16xf32> to vector<16xf32>
        %add3A_1198 = arith.addf %get3A_1189, %get3A_1197 : vector<16xf32>
        %get3A_1199 = arith.index_cast %scan3A_698 : i32 to index
        %get3A_1200 = arith.constant 112 : index
        %get3A_1201 = tpu.vector_load %arg19[%get3A_1199, %get3A_1200] {strides = array<i32>} : memref<32x128xf32, #tpu.memory_space<vmem>>, vector<1x16xf32>,
        %get3A_1202 = vector.shape_cast %get3A_1201 : vector<1x16xf32> to vector<16xf32>
        %add3A_1203 = arith.addf %add3A_1198, %get3A_1202 : vector<16xf32>
        %max3A_1204 = arith.constant -3.800000e+00 : f32
        %max3A_1205 = vector.broadcast %max3A_1204 : f32 to vector<16xf32>
        %max3A_1206 = arith.maximumf %add3A_1203, %max3A_1205 : vector<16xf32>
        %min3A_1207 = arith.constant 3.800000e+00 : f32
        %min3A_1208 = vector.broadcast %min3A_1207 : f32 to vector<16xf32>
        %min3A_1209 = arith.minimumf %max3A_1206, %min3A_1208 : vector<16xf32>
        %mul3A_1210 = arith.mulf %min3A_1209, %min3A_1209 : vector<16xf32>
        %mul3A_1211 = arith.constant 3.1365726E-8 : f32
        %mul3A_1212 = vector.broadcast %mul3A_1211 : f32 to vector<16xf32>
        %mul3A_1213 = arith.mulf %mul3A_1212, %mul3A_1210 : vector<16xf32>
        %add3A_1214 = arith.constant -2.00707677E-6 : f32
        %add3A_1215 = vector.broadcast %add3A_1214 : f32 to vector<16xf32>
        %add3A_1216 = arith.addf %mul3A_1213, %add3A_1215 : vector<16xf32>
        %mul3A_1217 = arith.mulf %add3A_1216, %mul3A_1210 : vector<16xf32>
        %add3A_1218 = arith.constant 5.54906037E-5 : f32
        %add3A_1219 = vector.broadcast %add3A_1218 : f32 to vector<16xf32>
        %add3A_1220 = arith.addf %mul3A_1217, %add3A_1219 : vector<16xf32>
        %mul3A_1221 = arith.mulf %add3A_1220, %mul3A_1210 : vector<16xf32>
        %add3A_1222 = arith.constant -8.81657063E-4 : f32
        %add3A_1223 = vector.broadcast %add3A_1222 : f32 to vector<16xf32>
        %add3A_1224 = arith.addf %mul3A_1221, %add3A_1223 : vector<16xf32>
        %mul3A_1225 = arith.mulf %add3A_1224, %mul3A_1210 : vector<16xf32>
        %add3A_1226 = arith.constant 0.00907511822 : f32
        %add3A_1227 = vector.broadcast %add3A_1226 : f32 to vector<16xf32>
        %add3A_1228 = arith.addf %mul3A_1225, %add3A_1227 : vector<16xf32>
        %mul3A_1229 = arith.mulf %add3A_1228, %mul3A_1210 : vector<16xf32>
        %add3A_1230 = arith.constant -0.0651844144 : f32
        %add3A_1231 = vector.broadcast %add3A_1230 : f32 to vector<16xf32>
        %add3A_1232 = arith.addf %mul3A_1229, %add3A_1231 : vector<16xf32>
        %mul3A_1233 = arith.mulf %add3A_1232, %mul3A_1210 : vector<16xf32>
        %add3A_1234 = arith.constant 0.398283422 : f32
        %add3A_1235 = vector.broadcast %add3A_1234 : f32 to vector<16xf32>
        %add3A_1236 = arith.addf %mul3A_1233, %add3A_1235 : vector<16xf32>
        %mul3A_1237 = arith.mulf %min3A_1209, %add3A_1236 : vector<16xf32>
        %add3A_1238 = arith.constant 5.000000e-01 : f32
        %add3A_1239 = vector.broadcast %add3A_1238 : f32 to vector<16xf32>
        %add3A_1240 = arith.addf %add3A_1239, %mul3A_1237 : vector<16xf32>
        %mul3A_1241 = arith.mulf %add3A_1203, %add3A_1240 : vector<16xf32>
        %mul3A_1242 = arith.constant 4 : i32
        %mul3A_1243 = arith.muli %scan3A_698, %mul3A_1242 : i32
        %add3A_1244 = arith.constant 3 : i32
        %add3A_1245 = arith.addi %mul3A_1243, %add3A_1244 : i32
        %swap3A_1246 = arith.index_cast %add3A_1245 : i32 to index
        %swap3A_1247 = arith.constant 16 : index
        %swap3A_1248 = tpu.vector_load %arg20[%swap3A_1246, %swap3A_1247] {strides = array<i32>} : memref<128x32xf32, #tpu.memory_space<vmem>>, vector<1x16xf32>,
        %swap3A_1249 = vector.shape_cast %swap3A_1248 : vector<1x16xf32> to vector<16xf32>
        %swap3A_1250 = vector.shape_cast %mul3A_1241 : vector<16xf32> to vector<1x16xf32>
        tpu.vector_store %arg20[%swap3A_1246, %swap3A_1247], %swap3A_1250 {strides = array<i32>} : memref<128x32xf32, #tpu.memory_space<vmem>>, vector<1x16xf32>,
        %scan3A_1251 = arith.constant 0 : i32
        scf.yield %scan3A_1251 : i32
      }
      %scan3A_682 = arith.constant 32 : i32
      "tpu.region"() ({
        %run_scoped3A = tpu.sem_alloc : memref<!tpu.dma_semaphore, #tpu.memory_space<semaphore_mem>>
        %dma_start3A_698 = arith.constant 0 : i32
        %dma_start3A_699 = arith.constant 0 : i32
        %dma_start3A_700 = tpu.memref_slice %arg21[%dma_start3A_698, %dma_start3A_699] : memref<50048x32xf32, #tpu.memory_space<vmem_shared>> -> memref<50048x32xf32, #tpu.memory_space<vmem_shared>>
        tpu.enqueue_indirect_dma source(%arg20 : memref<128x32xf32, #tpu.memory_space<vmem>>) target(%dma_start3A_700 : memref<50048x32xf32, #tpu.memory_space<vmem_shared>>) offsets(%arg13 : memref<128xi32, #tpu.memory_space<vmem>>) semaphore(%run_scoped3A : memref<!tpu.dma_semaphore, #tpu.memory_space<semaphore_mem>>) {add = true}
        %dma_wait3A_701 = arith.constant 0 : i32
        %dma_wait3A_702 = arith.constant 0 : i32
        %dma_wait3A_703 = tpu.memref_slice %arg21[%dma_wait3A_701, %dma_wait3A_702] : memref<50048x32xf32, #tpu.memory_space<vmem_shared>> -> memref<50048x32xf32, #tpu.memory_space<vmem_shared>>
        tpu.wait_indirect_dma semaphore(%run_scoped3A : memref<!tpu.dma_semaphore, #tpu.memory_space<semaphore_mem>>) src(%arg20 : memref<128x32xf32, #tpu.memory_space<vmem>>) dst(%dma_wait3A_703 : memref<50048x32xf32, #tpu.memory_space<vmem_shared>>)
        tpu.yield
      }) : () -> ()
      %mul3A_683 = arith.constant 2 : i32
      %mul3A_684 = arith.muli %mul3A_683, %scan3A_280 : i32
      %add3A_685 = arith.constant 3 : i32
      %add3A_686 = arith.addi %mul3A_684, %add3A_685 : i32
      %min3A_687 = arith.constant 390 : i32
      %min3A_688 = arith.minsi %add3A_686, %min3A_687 : i32
      %mul3A_689 = arith.constant 128 : i32
      %mul3A_690 = arith.muli %min3A_688, %mul3A_689 : i32
      %add3A_691 = arith.addi %mul3A_4, %mul3A_690 : i32
      %multiple_of3A_692 = tpu.assume_multiple %add3A_691, 128 : i32
      %dma_start3A_693 = tpu.memref_slice %arg5[%multiple_of3A_692] : memref<800768xi32, #tpu.memory_space<hbm>> -> memref<128xi32, #tpu.memory_space<hbm>>
      %dma_start3A_694 = tpu.memref_slice %arg5[%multiple_of3A_692] : memref<800768xi32, #tpu.memory_space<hbm>> -> memref<128xi32, #tpu.memory_space<hbm>>
      tpu.enqueue_dma source(%dma_start3A_694 : memref<128xi32, #tpu.memory_space<hbm>>) target(%arg11 : memref<128xi32, #tpu.memory_space<vmem>>) target_semaphore(%arg27 : memref<!tpu.dma_semaphore, #tpu.memory_space<semaphore_mem>>)
      %dma_start3A_695 = tpu.memref_slice %arg6[%multiple_of3A_692] : memref<800768xi32, #tpu.memory_space<hbm>> -> memref<128xi32, #tpu.memory_space<hbm>>
      %dma_start3A_696 = tpu.memref_slice %arg6[%multiple_of3A_692] : memref<800768xi32, #tpu.memory_space<hbm>> -> memref<128xi32, #tpu.memory_space<hbm>>
      tpu.enqueue_dma source(%dma_start3A_696 : memref<128xi32, #tpu.memory_space<hbm>>) target(%arg13 : memref<128xi32, #tpu.memory_space<vmem>>) target_semaphore(%arg28 : memref<!tpu.dma_semaphore, #tpu.memory_space<semaphore_mem>>)
      %scan3A_697 = arith.constant 0 : i32
      scf.yield %scan3A_697 : i32
    }
    %scan3A_245 = arith.constant 195 : i32
    %dma_wait3A_246 = arith.constant 0 : i32
    %dma_wait3A_247 = arith.constant 0 : i32
    %dma_wait3A_248 = tpu.memref_slice %arg2[%dma_wait3A_246, %dma_wait3A_247] : memref<100096x32xf32, #tpu.memory_space<hbm>> -> memref<128x32xf32, #tpu.memory_space<hbm>>
    %dma_wait3A_249 = arith.constant 0 : i32
    %dma_wait3A_250 = arith.constant 0 : i32
    %dma_wait3A_251 = tpu.memref_slice %arg2[%dma_wait3A_249, %dma_wait3A_250] : memref<100096x32xf32, #tpu.memory_space<hbm>> -> memref<128x32xf32, #tpu.memory_space<hbm>>
    tpu.wait_dma2 semaphore(%arg24 : memref<!tpu.dma_semaphore, #tpu.memory_space<semaphore_mem>>) src(%dma_wait3A_251 : memref<128x32xf32, #tpu.memory_space<hbm>>) dst(%arg14 : memref<128x32xf32, #tpu.memory_space<vmem>>)
    %dma_wait3A_252 = arith.constant 0 : i32
    %dma_wait3A_253 = arith.constant 0 : i32
    %dma_wait3A_254 = tpu.memref_slice %arg3[%dma_wait3A_252, %dma_wait3A_253] : memref<100096x32xf32, #tpu.memory_space<hbm>> -> memref<128x32xf32, #tpu.memory_space<hbm>>
    %dma_wait3A_255 = arith.constant 0 : i32
    %dma_wait3A_256 = arith.constant 0 : i32
    %dma_wait3A_257 = tpu.memref_slice %arg3[%dma_wait3A_255, %dma_wait3A_256] : memref<100096x32xf32, #tpu.memory_space<hbm>> -> memref<128x32xf32, #tpu.memory_space<hbm>>
    tpu.wait_dma2 semaphore(%arg25 : memref<!tpu.dma_semaphore, #tpu.memory_space<semaphore_mem>>) src(%dma_wait3A_257 : memref<128x32xf32, #tpu.memory_space<hbm>>) dst(%arg15 : memref<128x32xf32, #tpu.memory_space<vmem>>)
    %dma_wait3A_258 = arith.constant 0 : i32
    %dma_wait3A_259 = arith.constant 0 : i32
    %dma_wait3A_260 = tpu.memref_slice %arg4[%dma_wait3A_258, %dma_wait3A_259] : memref<400384x128xf32, #tpu.memory_space<hbm>> -> memref<32x128xf32, #tpu.memory_space<hbm>>
    %dma_wait3A_261 = arith.constant 0 : i32
    %dma_wait3A_262 = arith.constant 0 : i32
    %dma_wait3A_263 = tpu.memref_slice %arg4[%dma_wait3A_261, %dma_wait3A_262] : memref<400384x128xf32, #tpu.memory_space<hbm>> -> memref<32x128xf32, #tpu.memory_space<hbm>>
    tpu.wait_dma2 semaphore(%arg26 : memref<!tpu.dma_semaphore, #tpu.memory_space<semaphore_mem>>) src(%dma_wait3A_263 : memref<32x128xf32, #tpu.memory_space<hbm>>) dst(%arg16 : memref<32x128xf32, #tpu.memory_space<vmem>>)
    %scan3A_264 = arith.constant 0 : i32
    %scan3A_265 = arith.constant 0 : i32
    %scan3A_266 = arith.constant 32 : i32
    %scan3A_267 = arith.addi %scan3A_265, %scan3A_266 : i32
    %scan3A_268 = arith.constant 1 : i32
    %scan3A_269 = scf.for %scan3A_280 = %scan3A_265 to %scan3A_267 step %scan3A_268 iter_args(%scan3A_281 = %scan3A_264) -> (i32)  : i32 {
      %mul3A_282 = arith.constant 4 : i32
      %mul3A_283 = arith.muli %scan3A_280, %mul3A_282 : i32
      %add3A_284 = arith.constant 0 : i32
      %add3A_285 = arith.addi %mul3A_283, %add3A_284 : i32
      %get3A_286 = arith.index_cast %add3A_285 : i32 to index
      %get3A_287 = arith.constant 0 : index
      %get3A_288 = tpu.vector_load %arg14[%get3A_286, %get3A_287] {strides = array<i32>} : memref<128x32xf32, #tpu.memory_space<vmem>>, vector<1x16xf32>,
      %get3A_289 = vector.shape_cast %get3A_288 : vector<1x16xf32> to vector<16xf32>
      %mul3A_290 = arith.constant 4 : i32
      %mul3A_291 = arith.muli %scan3A_280, %mul3A_290 : i32
      %add3A_292 = arith.constant 0 : i32
      %add3A_293 = arith.addi %mul3A_291, %add3A_292 : i32
      %get3A_294 = arith.index_cast %add3A_293 : i32 to index
      %get3A_295 = arith.constant 0 : index
      %get3A_296 = tpu.vector_load %arg15[%get3A_294, %get3A_295] {strides = array<i32>} : memref<128x32xf32, #tpu.memory_space<vmem>>, vector<1x16xf32>,
      %get3A_297 = vector.shape_cast %get3A_296 : vector<1x16xf32> to vector<16xf32>
      %add3A_298 = arith.addf %get3A_289, %get3A_297 : vector<16xf32>
      %get3A_299 = arith.index_cast %scan3A_280 : i32 to index
      %get3A_300 = arith.constant 0 : index
      %get3A_301 = tpu.vector_load %arg16[%get3A_299, %get3A_300] {strides = array<i32>} : memref<32x128xf32, #tpu.memory_space<vmem>>, vector<1x16xf32>,
      %get3A_302 = vector.shape_cast %get3A_301 : vector<1x16xf32> to vector<16xf32>
      %add3A_303 = arith.addf %add3A_298, %get3A_302 : vector<16xf32>
      %max3A = arith.constant -3.800000e+00 : f32
      %max3A_304 = vector.broadcast %max3A : f32 to vector<16xf32>
      %max3A_305 = arith.maximumf %add3A_303, %max3A_304 : vector<16xf32>
      %min3A = arith.constant 3.800000e+00 : f32
      %min3A_306 = vector.broadcast %min3A : f32 to vector<16xf32>
      %min3A_307 = arith.minimumf %max3A_305, %min3A_306 : vector<16xf32>
      %mul3A_308 = arith.mulf %min3A_307, %min3A_307 : vector<16xf32>
      %mul3A_309 = arith.constant 3.1365726E-8 : f32
      %mul3A_310 = vector.broadcast %mul3A_309 : f32 to vector<16xf32>
      %mul3A_311 = arith.mulf %mul3A_310, %mul3A_308 : vector<16xf32>
      %add3A_312 = arith.constant -2.00707677E-6 : f32
      %add3A_313 = vector.broadcast %add3A_312 : f32 to vector<16xf32>
      %add3A_314 = arith.addf %mul3A_311, %add3A_313 : vector<16xf32>
      %mul3A_315 = arith.mulf %add3A_314, %mul3A_308 : vector<16xf32>
      %add3A_316 = arith.constant 5.54906037E-5 : f32
      %add3A_317 = vector.broadcast %add3A_316 : f32 to vector<16xf32>
      %add3A_318 = arith.addf %mul3A_315, %add3A_317 : vector<16xf32>
      %mul3A_319 = arith.mulf %add3A_318, %mul3A_308 : vector<16xf32>
      %add3A_320 = arith.constant -8.81657063E-4 : f32
      %add3A_321 = vector.broadcast %add3A_320 : f32 to vector<16xf32>
      %add3A_322 = arith.addf %mul3A_319, %add3A_321 : vector<16xf32>
      %mul3A_323 = arith.mulf %add3A_322, %mul3A_308 : vector<16xf32>
      %add3A_324 = arith.constant 0.00907511822 : f32
      %add3A_325 = vector.broadcast %add3A_324 : f32 to vector<16xf32>
      %add3A_326 = arith.addf %mul3A_323, %add3A_325 : vector<16xf32>
      %mul3A_327 = arith.mulf %add3A_326, %mul3A_308 : vector<16xf32>
      %add3A_328 = arith.constant -0.0651844144 : f32
      %add3A_329 = vector.broadcast %add3A_328 : f32 to vector<16xf32>
      %add3A_330 = arith.addf %mul3A_327, %add3A_329 : vector<16xf32>
      %mul3A_331 = arith.mulf %add3A_330, %mul3A_308 : vector<16xf32>
      %add3A_332 = arith.constant 0.398283422 : f32
      %add3A_333 = vector.broadcast %add3A_332 : f32 to vector<16xf32>
      %add3A_334 = arith.addf %mul3A_331, %add3A_333 : vector<16xf32>
      %mul3A_335 = arith.mulf %min3A_307, %add3A_334 : vector<16xf32>
      %add3A_336 = arith.constant 5.000000e-01 : f32
      %add3A_337 = vector.broadcast %add3A_336 : f32 to vector<16xf32>
      %add3A_338 = arith.addf %add3A_337, %mul3A_335 : vector<16xf32>
      %mul3A_339 = arith.mulf %add3A_303, %add3A_338 : vector<16xf32>
      %mul3A_340 = arith.constant 4 : i32
      %mul3A_341 = arith.muli %scan3A_280, %mul3A_340 : i32
      %add3A_342 = arith.constant 0 : i32
      %add3A_343 = arith.addi %mul3A_341, %add3A_342 : i32
      %swap3A_344 = arith.index_cast %add3A_343 : i32 to index
      %swap3A_345 = arith.constant 0 : index
      %swap3A_346 = tpu.vector_load %arg20[%swap3A_344, %swap3A_345] {strides = array<i32>} : memref<128x32xf32, #tpu.memory_space<vmem>>, vector<1x16xf32>,
      %swap3A_347 = vector.shape_cast %swap3A_346 : vector<1x16xf32> to vector<16xf32>
      %swap3A_348 = vector.shape_cast %mul3A_339 : vector<16xf32> to vector<1x16xf32>
      tpu.vector_store %arg20[%swap3A_344, %swap3A_345], %swap3A_348 {strides = array<i32>} : memref<128x32xf32, #tpu.memory_space<vmem>>, vector<1x16xf32>,
      %mul3A_349 = arith.constant 4 : i32
      %mul3A_350 = arith.muli %scan3A_280, %mul3A_349 : i32
      %add3A_351 = arith.constant 0 : i32
      %add3A_352 = arith.addi %mul3A_350, %add3A_351 : i32
      %get3A_353 = arith.index_cast %add3A_352 : i32 to index
      %get3A_354 = arith.constant 16 : index
      %get3A_355 = tpu.vector_load %arg14[%get3A_353, %get3A_354] {strides = array<i32>} : memref<128x32xf32, #tpu.memory_space<vmem>>, vector<1x16xf32>,
      %get3A_356 = vector.shape_cast %get3A_355 : vector<1x16xf32> to vector<16xf32>
      %mul3A_357 = arith.constant 4 : i32
      %mul3A_358 = arith.muli %scan3A_280, %mul3A_357 : i32
      %add3A_359 = arith.constant 0 : i32
      %add3A_360 = arith.addi %mul3A_358, %add3A_359 : i32
      %get3A_361 = arith.index_cast %add3A_360 : i32 to index
      %get3A_362 = arith.constant 16 : index
      %get3A_363 = tpu.vector_load %arg15[%get3A_361, %get3A_362] {strides = array<i32>} : memref<128x32xf32, #tpu.memory_space<vmem>>, vector<1x16xf32>,
      %get3A_364 = vector.shape_cast %get3A_363 : vector<1x16xf32> to vector<16xf32>
      %add3A_365 = arith.addf %get3A_356, %get3A_364 : vector<16xf32>
      %get3A_366 = arith.index_cast %scan3A_280 : i32 to index
      %get3A_367 = arith.constant 16 : index
      %get3A_368 = tpu.vector_load %arg16[%get3A_366, %get3A_367] {strides = array<i32>} : memref<32x128xf32, #tpu.memory_space<vmem>>, vector<1x16xf32>,
      %get3A_369 = vector.shape_cast %get3A_368 : vector<1x16xf32> to vector<16xf32>
      %add3A_370 = arith.addf %add3A_365, %get3A_369 : vector<16xf32>
      %max3A_371 = arith.constant -3.800000e+00 : f32
      %max3A_372 = vector.broadcast %max3A_371 : f32 to vector<16xf32>
      %max3A_373 = arith.maximumf %add3A_370, %max3A_372 : vector<16xf32>
      %min3A_374 = arith.constant 3.800000e+00 : f32
      %min3A_375 = vector.broadcast %min3A_374 : f32 to vector<16xf32>
      %min3A_376 = arith.minimumf %max3A_373, %min3A_375 : vector<16xf32>
      %mul3A_377 = arith.mulf %min3A_376, %min3A_376 : vector<16xf32>
      %mul3A_378 = arith.constant 3.1365726E-8 : f32
      %mul3A_379 = vector.broadcast %mul3A_378 : f32 to vector<16xf32>
      %mul3A_380 = arith.mulf %mul3A_379, %mul3A_377 : vector<16xf32>
      %add3A_381 = arith.constant -2.00707677E-6 : f32
      %add3A_382 = vector.broadcast %add3A_381 : f32 to vector<16xf32>
      %add3A_383 = arith.addf %mul3A_380, %add3A_382 : vector<16xf32>
      %mul3A_384 = arith.mulf %add3A_383, %mul3A_377 : vector<16xf32>
      %add3A_385 = arith.constant 5.54906037E-5 : f32
      %add3A_386 = vector.broadcast %add3A_385 : f32 to vector<16xf32>
      %add3A_387 = arith.addf %mul3A_384, %add3A_386 : vector<16xf32>
      %mul3A_388 = arith.mulf %add3A_387, %mul3A_377 : vector<16xf32>
      %add3A_389 = arith.constant -8.81657063E-4 : f32
      %add3A_390 = vector.broadcast %add3A_389 : f32 to vector<16xf32>
      %add3A_391 = arith.addf %mul3A_388, %add3A_390 : vector<16xf32>
      %mul3A_392 = arith.mulf %add3A_391, %mul3A_377 : vector<16xf32>
      %add3A_393 = arith.constant 0.00907511822 : f32
      %add3A_394 = vector.broadcast %add3A_393 : f32 to vector<16xf32>
      %add3A_395 = arith.addf %mul3A_392, %add3A_394 : vector<16xf32>
      %mul3A_396 = arith.mulf %add3A_395, %mul3A_377 : vector<16xf32>
      %add3A_397 = arith.constant -0.0651844144 : f32
      %add3A_398 = vector.broadcast %add3A_397 : f32 to vector<16xf32>
      %add3A_399 = arith.addf %mul3A_396, %add3A_398 : vector<16xf32>
      %mul3A_400 = arith.mulf %add3A_399, %mul3A_377 : vector<16xf32>
      %add3A_401 = arith.constant 0.398283422 : f32
      %add3A_402 = vector.broadcast %add3A_401 : f32 to vector<16xf32>
      %add3A_403 = arith.addf %mul3A_400, %add3A_402 : vector<16xf32>
      %mul3A_404 = arith.mulf %min3A_376, %add3A_403 : vector<16xf32>
      %add3A_405 = arith.constant 5.000000e-01 : f32
      %add3A_406 = vector.broadcast %add3A_405 : f32 to vector<16xf32>
      %add3A_407 = arith.addf %add3A_406, %mul3A_404 : vector<16xf32>
      %mul3A_408 = arith.mulf %add3A_370, %add3A_407 : vector<16xf32>
      %mul3A_409 = arith.constant 4 : i32
      %mul3A_410 = arith.muli %scan3A_280, %mul3A_409 : i32
      %add3A_411 = arith.constant 0 : i32
      %add3A_412 = arith.addi %mul3A_410, %add3A_411 : i32
      %swap3A_413 = arith.index_cast %add3A_412 : i32 to index
      %swap3A_414 = arith.constant 16 : index
      %swap3A_415 = tpu.vector_load %arg20[%swap3A_413, %swap3A_414] {strides = array<i32>} : memref<128x32xf32, #tpu.memory_space<vmem>>, vector<1x16xf32>,
      %swap3A_416 = vector.shape_cast %swap3A_415 : vector<1x16xf32> to vector<16xf32>
      %swap3A_417 = vector.shape_cast %mul3A_408 : vector<16xf32> to vector<1x16xf32>
      tpu.vector_store %arg20[%swap3A_413, %swap3A_414], %swap3A_417 {strides = array<i32>} : memref<128x32xf32, #tpu.memory_space<vmem>>, vector<1x16xf32>,
      %mul3A_418 = arith.constant 4 : i32
      %mul3A_419 = arith.muli %scan3A_280, %mul3A_418 : i32
      %add3A_420 = arith.constant 1 : i32
      %add3A_421 = arith.addi %mul3A_419, %add3A_420 : i32
      %get3A_422 = arith.index_cast %add3A_421 : i32 to index
      %get3A_423 = arith.constant 0 : index
      %get3A_424 = tpu.vector_load %arg14[%get3A_422, %get3A_423] {strides = array<i32>} : memref<128x32xf32, #tpu.memory_space<vmem>>, vector<1x16xf32>,
      %get3A_425 = vector.shape_cast %get3A_424 : vector<1x16xf32> to vector<16xf32>
      %mul3A_426 = arith.constant 4 : i32
      %mul3A_427 = arith.muli %scan3A_280, %mul3A_426 : i32
      %add3A_428 = arith.constant 1 : i32
      %add3A_429 = arith.addi %mul3A_427, %add3A_428 : i32
      %get3A_430 = arith.index_cast %add3A_429 : i32 to index
      %get3A_431 = arith.constant 0 : index
      %get3A_432 = tpu.vector_load %arg15[%get3A_430, %get3A_431] {strides = array<i32>} : memref<128x32xf32, #tpu.memory_space<vmem>>, vector<1x16xf32>,
      %get3A_433 = vector.shape_cast %get3A_432 : vector<1x16xf32> to vector<16xf32>
      %add3A_434 = arith.addf %get3A_425, %get3A_433 : vector<16xf32>
      %get3A_435 = arith.index_cast %scan3A_280 : i32 to index
      %get3A_436 = arith.constant 32 : index
      %get3A_437 = tpu.vector_load %arg16[%get3A_435, %get3A_436] {strides = array<i32>} : memref<32x128xf32, #tpu.memory_space<vmem>>, vector<1x16xf32>,
      %get3A_438 = vector.shape_cast %get3A_437 : vector<1x16xf32> to vector<16xf32>
      %add3A_439 = arith.addf %add3A_434, %get3A_438 : vector<16xf32>
      %max3A_440 = arith.constant -3.800000e+00 : f32
      %max3A_441 = vector.broadcast %max3A_440 : f32 to vector<16xf32>
      %max3A_442 = arith.maximumf %add3A_439, %max3A_441 : vector<16xf32>
      %min3A_443 = arith.constant 3.800000e+00 : f32
      %min3A_444 = vector.broadcast %min3A_443 : f32 to vector<16xf32>
      %min3A_445 = arith.minimumf %max3A_442, %min3A_444 : vector<16xf32>
      %mul3A_446 = arith.mulf %min3A_445, %min3A_445 : vector<16xf32>
      %mul3A_447 = arith.constant 3.1365726E-8 : f32
      %mul3A_448 = vector.broadcast %mul3A_447 : f32 to vector<16xf32>
      %mul3A_449 = arith.mulf %mul3A_448, %mul3A_446 : vector<16xf32>
      %add3A_450 = arith.constant -2.00707677E-6 : f32
      %add3A_451 = vector.broadcast %add3A_450 : f32 to vector<16xf32>
      %add3A_452 = arith.addf %mul3A_449, %add3A_451 : vector<16xf32>
      %mul3A_453 = arith.mulf %add3A_452, %mul3A_446 : vector<16xf32>
      %add3A_454 = arith.constant 5.54906037E-5 : f32
      %add3A_455 = vector.broadcast %add3A_454 : f32 to vector<16xf32>
      %add3A_456 = arith.addf %mul3A_453, %add3A_455 : vector<16xf32>
      %mul3A_457 = arith.mulf %add3A_456, %mul3A_446 : vector<16xf32>
      %add3A_458 = arith.constant -8.81657063E-4 : f32
      %add3A_459 = vector.broadcast %add3A_458 : f32 to vector<16xf32>
      %add3A_460 = arith.addf %mul3A_457, %add3A_459 : vector<16xf32>
      %mul3A_461 = arith.mulf %add3A_460, %mul3A_446 : vector<16xf32>
      %add3A_462 = arith.constant 0.00907511822 : f32
      %add3A_463 = vector.broadcast %add3A_462 : f32 to vector<16xf32>
      %add3A_464 = arith.addf %mul3A_461, %add3A_463 : vector<16xf32>
      %mul3A_465 = arith.mulf %add3A_464, %mul3A_446 : vector<16xf32>
      %add3A_466 = arith.constant -0.0651844144 : f32
      %add3A_467 = vector.broadcast %add3A_466 : f32 to vector<16xf32>
      %add3A_468 = arith.addf %mul3A_465, %add3A_467 : vector<16xf32>
      %mul3A_469 = arith.mulf %add3A_468, %mul3A_446 : vector<16xf32>
      %add3A_470 = arith.constant 0.398283422 : f32
      %add3A_471 = vector.broadcast %add3A_470 : f32 to vector<16xf32>
      %add3A_472 = arith.addf %mul3A_469, %add3A_471 : vector<16xf32>
      %mul3A_473 = arith.mulf %min3A_445, %add3A_472 : vector<16xf32>
      %add3A_474 = arith.constant 5.000000e-01 : f32
      %add3A_475 = vector.broadcast %add3A_474 : f32 to vector<16xf32>
      %add3A_476 = arith.addf %add3A_475, %mul3A_473 : vector<16xf32>
      %mul3A_477 = arith.mulf %add3A_439, %add3A_476 : vector<16xf32>
      %mul3A_478 = arith.constant 4 : i32
      %mul3A_479 = arith.muli %scan3A_280, %mul3A_478 : i32
      %add3A_480 = arith.constant 1 : i32
      %add3A_481 = arith.addi %mul3A_479, %add3A_480 : i32
      %swap3A_482 = arith.index_cast %add3A_481 : i32 to index
      %swap3A_483 = arith.constant 0 : index
      %swap3A_484 = tpu.vector_load %arg20[%swap3A_482, %swap3A_483] {strides = array<i32>} : memref<128x32xf32, #tpu.memory_space<vmem>>, vector<1x16xf32>,
      %swap3A_485 = vector.shape_cast %swap3A_484 : vector<1x16xf32> to vector<16xf32>
      %swap3A_486 = vector.shape_cast %mul3A_477 : vector<16xf32> to vector<1x16xf32>
      tpu.vector_store %arg20[%swap3A_482, %swap3A_483], %swap3A_486 {strides = array<i32>} : memref<128x32xf32, #tpu.memory_space<vmem>>, vector<1x16xf32>,
      %mul3A_487 = arith.constant 4 : i32
      %mul3A_488 = arith.muli %scan3A_280, %mul3A_487 : i32
      %add3A_489 = arith.constant 1 : i32
      %add3A_490 = arith.addi %mul3A_488, %add3A_489 : i32
      %get3A_491 = arith.index_cast %add3A_490 : i32 to index
      %get3A_492 = arith.constant 16 : index
      %get3A_493 = tpu.vector_load %arg14[%get3A_491, %get3A_492] {strides = array<i32>} : memref<128x32xf32, #tpu.memory_space<vmem>>, vector<1x16xf32>,
      %get3A_494 = vector.shape_cast %get3A_493 : vector<1x16xf32> to vector<16xf32>
      %mul3A_495 = arith.constant 4 : i32
      %mul3A_496 = arith.muli %scan3A_280, %mul3A_495 : i32
      %add3A_497 = arith.constant 1 : i32
      %add3A_498 = arith.addi %mul3A_496, %add3A_497 : i32
      %get3A_499 = arith.index_cast %add3A_498 : i32 to index
      %get3A_500 = arith.constant 16 : index
      %get3A_501 = tpu.vector_load %arg15[%get3A_499, %get3A_500] {strides = array<i32>} : memref<128x32xf32, #tpu.memory_space<vmem>>, vector<1x16xf32>,
      %get3A_502 = vector.shape_cast %get3A_501 : vector<1x16xf32> to vector<16xf32>
      %add3A_503 = arith.addf %get3A_494, %get3A_502 : vector<16xf32>
      %get3A_504 = arith.index_cast %scan3A_280 : i32 to index
      %get3A_505 = arith.constant 48 : index
      %get3A_506 = tpu.vector_load %arg16[%get3A_504, %get3A_505] {strides = array<i32>} : memref<32x128xf32, #tpu.memory_space<vmem>>, vector<1x16xf32>,
      %get3A_507 = vector.shape_cast %get3A_506 : vector<1x16xf32> to vector<16xf32>
      %add3A_508 = arith.addf %add3A_503, %get3A_507 : vector<16xf32>
      %max3A_509 = arith.constant -3.800000e+00 : f32
      %max3A_510 = vector.broadcast %max3A_509 : f32 to vector<16xf32>
      %max3A_511 = arith.maximumf %add3A_508, %max3A_510 : vector<16xf32>
      %min3A_512 = arith.constant 3.800000e+00 : f32
      %min3A_513 = vector.broadcast %min3A_512 : f32 to vector<16xf32>
      %min3A_514 = arith.minimumf %max3A_511, %min3A_513 : vector<16xf32>
      %mul3A_515 = arith.mulf %min3A_514, %min3A_514 : vector<16xf32>
      %mul3A_516 = arith.constant 3.1365726E-8 : f32
      %mul3A_517 = vector.broadcast %mul3A_516 : f32 to vector<16xf32>
      %mul3A_518 = arith.mulf %mul3A_517, %mul3A_515 : vector<16xf32>
      %add3A_519 = arith.constant -2.00707677E-6 : f32
      %add3A_520 = vector.broadcast %add3A_519 : f32 to vector<16xf32>
      %add3A_521 = arith.addf %mul3A_518, %add3A_520 : vector<16xf32>
      %mul3A_522 = arith.mulf %add3A_521, %mul3A_515 : vector<16xf32>
      %add3A_523 = arith.constant 5.54906037E-5 : f32
      %add3A_524 = vector.broadcast %add3A_523 : f32 to vector<16xf32>
      %add3A_525 = arith.addf %mul3A_522, %add3A_524 : vector<16xf32>
      %mul3A_526 = arith.mulf %add3A_525, %mul3A_515 : vector<16xf32>
      %add3A_527 = arith.constant -8.81657063E-4 : f32
      %add3A_528 = vector.broadcast %add3A_527 : f32 to vector<16xf32>
      %add3A_529 = arith.addf %mul3A_526, %add3A_528 : vector<16xf32>
      %mul3A_530 = arith.mulf %add3A_529, %mul3A_515 : vector<16xf32>
      %add3A_531 = arith.constant 0.00907511822 : f32
      %add3A_532 = vector.broadcast %add3A_531 : f32 to vector<16xf32>
      %add3A_533 = arith.addf %mul3A_530, %add3A_532 : vector<16xf32>
      %mul3A_534 = arith.mulf %add3A_533, %mul3A_515 : vector<16xf32>
      %add3A_535 = arith.constant -0.0651844144 : f32
      %add3A_536 = vector.broadcast %add3A_535 : f32 to vector<16xf32>
      %add3A_537 = arith.addf %mul3A_534, %add3A_536 : vector<16xf32>
      %mul3A_538 = arith.mulf %add3A_537, %mul3A_515 : vector<16xf32>
      %add3A_539 = arith.constant 0.398283422 : f32
      %add3A_540 = vector.broadcast %add3A_539 : f32 to vector<16xf32>
      %add3A_541 = arith.addf %mul3A_538, %add3A_540 : vector<16xf32>
      %mul3A_542 = arith.mulf %min3A_514, %add3A_541 : vector<16xf32>
      %add3A_543 = arith.constant 5.000000e-01 : f32
      %add3A_544 = vector.broadcast %add3A_543 : f32 to vector<16xf32>
      %add3A_545 = arith.addf %add3A_544, %mul3A_542 : vector<16xf32>
      %mul3A_546 = arith.mulf %add3A_508, %add3A_545 : vector<16xf32>
      %mul3A_547 = arith.constant 4 : i32
      %mul3A_548 = arith.muli %scan3A_280, %mul3A_547 : i32
      %add3A_549 = arith.constant 1 : i32
      %add3A_550 = arith.addi %mul3A_548, %add3A_549 : i32
      %swap3A_551 = arith.index_cast %add3A_550 : i32 to index
      %swap3A_552 = arith.constant 16 : index
      %swap3A_553 = tpu.vector_load %arg20[%swap3A_551, %swap3A_552] {strides = array<i32>} : memref<128x32xf32, #tpu.memory_space<vmem>>, vector<1x16xf32>,
      %swap3A_554 = vector.shape_cast %swap3A_553 : vector<1x16xf32> to vector<16xf32>
      %swap3A_555 = vector.shape_cast %mul3A_546 : vector<16xf32> to vector<1x16xf32>
      tpu.vector_store %arg20[%swap3A_551, %swap3A_552], %swap3A_555 {strides = array<i32>} : memref<128x32xf32, #tpu.memory_space<vmem>>, vector<1x16xf32>,
      %mul3A_556 = arith.constant 4 : i32
      %mul3A_557 = arith.muli %scan3A_280, %mul3A_556 : i32
      %add3A_558 = arith.constant 2 : i32
      %add3A_559 = arith.addi %mul3A_557, %add3A_558 : i32
      %get3A_560 = arith.index_cast %add3A_559 : i32 to index
      %get3A_561 = arith.constant 0 : index
      %get3A_562 = tpu.vector_load %arg14[%get3A_560, %get3A_561] {strides = array<i32>} : memref<128x32xf32, #tpu.memory_space<vmem>>, vector<1x16xf32>,
      %get3A_563 = vector.shape_cast %get3A_562 : vector<1x16xf32> to vector<16xf32>
      %mul3A_564 = arith.constant 4 : i32
      %mul3A_565 = arith.muli %scan3A_280, %mul3A_564 : i32
      %add3A_566 = arith.constant 2 : i32
      %add3A_567 = arith.addi %mul3A_565, %add3A_566 : i32
      %get3A_568 = arith.index_cast %add3A_567 : i32 to index
      %get3A_569 = arith.constant 0 : index
      %get3A_570 = tpu.vector_load %arg15[%get3A_568, %get3A_569] {strides = array<i32>} : memref<128x32xf32, #tpu.memory_space<vmem>>, vector<1x16xf32>,
      %get3A_571 = vector.shape_cast %get3A_570 : vector<1x16xf32> to vector<16xf32>
      %add3A_572 = arith.addf %get3A_563, %get3A_571 : vector<16xf32>
      %get3A_573 = arith.index_cast %scan3A_280 : i32 to index
      %get3A_574 = arith.constant 64 : index
      %get3A_575 = tpu.vector_load %arg16[%get3A_573, %get3A_574] {strides = array<i32>} : memref<32x128xf32, #tpu.memory_space<vmem>>, vector<1x16xf32>,
      %get3A_576 = vector.shape_cast %get3A_575 : vector<1x16xf32> to vector<16xf32>
      %add3A_577 = arith.addf %add3A_572, %get3A_576 : vector<16xf32>
      %max3A_578 = arith.constant -3.800000e+00 : f32
      %max3A_579 = vector.broadcast %max3A_578 : f32 to vector<16xf32>
      %max3A_580 = arith.maximumf %add3A_577, %max3A_579 : vector<16xf32>
      %min3A_581 = arith.constant 3.800000e+00 : f32
      %min3A_582 = vector.broadcast %min3A_581 : f32 to vector<16xf32>
      %min3A_583 = arith.minimumf %max3A_580, %min3A_582 : vector<16xf32>
      %mul3A_584 = arith.mulf %min3A_583, %min3A_583 : vector<16xf32>
      %mul3A_585 = arith.constant 3.1365726E-8 : f32
      %mul3A_586 = vector.broadcast %mul3A_585 : f32 to vector<16xf32>
      %mul3A_587 = arith.mulf %mul3A_586, %mul3A_584 : vector<16xf32>
      %add3A_588 = arith.constant -2.00707677E-6 : f32
      %add3A_589 = vector.broadcast %add3A_588 : f32 to vector<16xf32>
      %add3A_590 = arith.addf %mul3A_587, %add3A_589 : vector<16xf32>
      %mul3A_591 = arith.mulf %add3A_590, %mul3A_584 : vector<16xf32>
      %add3A_592 = arith.constant 5.54906037E-5 : f32
      %add3A_593 = vector.broadcast %add3A_592 : f32 to vector<16xf32>
      %add3A_594 = arith.addf %mul3A_591, %add3A_593 : vector<16xf32>
      %mul3A_595 = arith.mulf %add3A_594, %mul3A_584 : vector<16xf32>
      %add3A_596 = arith.constant -8.81657063E-4 : f32
      %add3A_597 = vector.broadcast %add3A_596 : f32 to vector<16xf32>
      %add3A_598 = arith.addf %mul3A_595, %add3A_597 : vector<16xf32>
      %mul3A_599 = arith.mulf %add3A_598, %mul3A_584 : vector<16xf32>
      %add3A_600 = arith.constant 0.00907511822 : f32
      %add3A_601 = vector.broadcast %add3A_600 : f32 to vector<16xf32>
      %add3A_602 = arith.addf %mul3A_599, %add3A_601 : vector<16xf32>
      %mul3A_603 = arith.mulf %add3A_602, %mul3A_584 : vector<16xf32>
      %add3A_604 = arith.constant -0.0651844144 : f32
      %add3A_605 = vector.broadcast %add3A_604 : f32 to vector<16xf32>
      %add3A_606 = arith.addf %mul3A_603, %add3A_605 : vector<16xf32>
      %mul3A_607 = arith.mulf %add3A_606, %mul3A_584 : vector<16xf32>
      %add3A_608 = arith.constant 0.398283422 : f32
      %add3A_609 = vector.broadcast %add3A_608 : f32 to vector<16xf32>
      %add3A_610 = arith.addf %mul3A_607, %add3A_609 : vector<16xf32>
      %mul3A_611 = arith.mulf %min3A_583, %add3A_610 : vector<16xf32>
      %add3A_612 = arith.constant 5.000000e-01 : f32
      %add3A_613 = vector.broadcast %add3A_612 : f32 to vector<16xf32>
      %add3A_614 = arith.addf %add3A_613, %mul3A_611 : vector<16xf32>
      %mul3A_615 = arith.mulf %add3A_577, %add3A_614 : vector<16xf32>
      %mul3A_616 = arith.constant 4 : i32
      %mul3A_617 = arith.muli %scan3A_280, %mul3A_616 : i32
      %add3A_618 = arith.constant 2 : i32
      %add3A_619 = arith.addi %mul3A_617, %add3A_618 : i32
      %swap3A_620 = arith.index_cast %add3A_619 : i32 to index
      %swap3A_621 = arith.constant 0 : index
      %swap3A_622 = tpu.vector_load %arg20[%swap3A_620, %swap3A_621] {strides = array<i32>} : memref<128x32xf32, #tpu.memory_space<vmem>>, vector<1x16xf32>,
      %swap3A_623 = vector.shape_cast %swap3A_622 : vector<1x16xf32> to vector<16xf32>
      %swap3A_624 = vector.shape_cast %mul3A_615 : vector<16xf32> to vector<1x16xf32>
      tpu.vector_store %arg20[%swap3A_620, %swap3A_621], %swap3A_624 {strides = array<i32>} : memref<128x32xf32, #tpu.memory_space<vmem>>, vector<1x16xf32>,
      %mul3A_625 = arith.constant 4 : i32
      %mul3A_626 = arith.muli %scan3A_280, %mul3A_625 : i32
      %add3A_627 = arith.constant 2 : i32
      %add3A_628 = arith.addi %mul3A_626, %add3A_627 : i32
      %get3A_629 = arith.index_cast %add3A_628 : i32 to index
      %get3A_630 = arith.constant 16 : index
      %get3A_631 = tpu.vector_load %arg14[%get3A_629, %get3A_630] {strides = array<i32>} : memref<128x32xf32, #tpu.memory_space<vmem>>, vector<1x16xf32>,
      %get3A_632 = vector.shape_cast %get3A_631 : vector<1x16xf32> to vector<16xf32>
      %mul3A_633 = arith.constant 4 : i32
      %mul3A_634 = arith.muli %scan3A_280, %mul3A_633 : i32
      %add3A_635 = arith.constant 2 : i32
      %add3A_636 = arith.addi %mul3A_634, %add3A_635 : i32
      %get3A_637 = arith.index_cast %add3A_636 : i32 to index
      %get3A_638 = arith.constant 16 : index
      %get3A_639 = tpu.vector_load %arg15[%get3A_637, %get3A_638] {strides = array<i32>} : memref<128x32xf32, #tpu.memory_space<vmem>>, vector<1x16xf32>,
      %get3A_640 = vector.shape_cast %get3A_639 : vector<1x16xf32> to vector<16xf32>
      %add3A_641 = arith.addf %get3A_632, %get3A_640 : vector<16xf32>
      %get3A_642 = arith.index_cast %scan3A_280 : i32 to index
      %get3A_643 = arith.constant 80 : index
      %get3A_644 = tpu.vector_load %arg16[%get3A_642, %get3A_643] {strides = array<i32>} : memref<32x128xf32, #tpu.memory_space<vmem>>, vector<1x16xf32>,
      %get3A_645 = vector.shape_cast %get3A_644 : vector<1x16xf32> to vector<16xf32>
      %add3A_646 = arith.addf %add3A_641, %get3A_645 : vector<16xf32>
      %max3A_647 = arith.constant -3.800000e+00 : f32
      %max3A_648 = vector.broadcast %max3A_647 : f32 to vector<16xf32>
      %max3A_649 = arith.maximumf %add3A_646, %max3A_648 : vector<16xf32>
      %min3A_650 = arith.constant 3.800000e+00 : f32
      %min3A_651 = vector.broadcast %min3A_650 : f32 to vector<16xf32>
      %min3A_652 = arith.minimumf %max3A_649, %min3A_651 : vector<16xf32>
      %mul3A_653 = arith.mulf %min3A_652, %min3A_652 : vector<16xf32>
      %mul3A_654 = arith.constant 3.1365726E-8 : f32
      %mul3A_655 = vector.broadcast %mul3A_654 : f32 to vector<16xf32>
      %mul3A_656 = arith.mulf %mul3A_655, %mul3A_653 : vector<16xf32>
      %add3A_657 = arith.constant -2.00707677E-6 : f32
      %add3A_658 = vector.broadcast %add3A_657 : f32 to vector<16xf32>
      %add3A_659 = arith.addf %mul3A_656, %add3A_658 : vector<16xf32>
      %mul3A_660 = arith.mulf %add3A_659, %mul3A_653 : vector<16xf32>
      %add3A_661 = arith.constant 5.54906037E-5 : f32
      %add3A_662 = vector.broadcast %add3A_661 : f32 to vector<16xf32>
      %add3A_663 = arith.addf %mul3A_660, %add3A_662 : vector<16xf32>
      %mul3A_664 = arith.mulf %add3A_663, %mul3A_653 : vector<16xf32>
      %add3A_665 = arith.constant -8.81657063E-4 : f32
      %add3A_666 = vector.broadcast %add3A_665 : f32 to vector<16xf32>
      %add3A_667 = arith.addf %mul3A_664, %add3A_666 : vector<16xf32>
      %mul3A_668 = arith.mulf %add3A_667, %mul3A_653 : vector<16xf32>
      %add3A_669 = arith.constant 0.00907511822 : f32
      %add3A_670 = vector.broadcast %add3A_669 : f32 to vector<16xf32>
      %add3A_671 = arith.addf %mul3A_668, %add3A_670 : vector<16xf32>
      %mul3A_672 = arith.mulf %add3A_671, %mul3A_653 : vector<16xf32>
      %add3A_673 = arith.constant -0.0651844144 : f32
      %add3A_674 = vector.broadcast %add3A_673 : f32 to vector<16xf32>
      %add3A_675 = arith.addf %mul3A_672, %add3A_674 : vector<16xf32>
      %mul3A_676 = arith.mulf %add3A_675, %mul3A_653 : vector<16xf32>
      %add3A_677 = arith.constant 0.398283422 : f32
      %add3A_678 = vector.broadcast %add3A_677 : f32 to vector<16xf32>
      %add3A_679 = arith.addf %mul3A_676, %add3A_678 : vector<16xf32>
      %mul3A_680 = arith.mulf %min3A_652, %add3A_679 : vector<16xf32>
      %add3A_681 = arith.constant 5.000000e-01 : f32
      %add3A_682 = vector.broadcast %add3A_681 : f32 to vector<16xf32>
      %add3A_683 = arith.addf %add3A_682, %mul3A_680 : vector<16xf32>
      %mul3A_684 = arith.mulf %add3A_646, %add3A_683 : vector<16xf32>
      %mul3A_685 = arith.constant 4 : i32
      %mul3A_686 = arith.muli %scan3A_280, %mul3A_685 : i32
      %add3A_687 = arith.constant 2 : i32
      %add3A_688 = arith.addi %mul3A_686, %add3A_687 : i32
      %swap3A_689 = arith.index_cast %add3A_688 : i32 to index
      %swap3A_690 = arith.constant 16 : index
      %swap3A_691 = tpu.vector_load %arg20[%swap3A_689, %swap3A_690] {strides = array<i32>} : memref<128x32xf32, #tpu.memory_space<vmem>>, vector<1x16xf32>,
      %swap3A_692 = vector.shape_cast %swap3A_691 : vector<1x16xf32> to vector<16xf32>
      %swap3A_693 = vector.shape_cast %mul3A_684 : vector<16xf32> to vector<1x16xf32>
      tpu.vector_store %arg20[%swap3A_689, %swap3A_690], %swap3A_693 {strides = array<i32>} : memref<128x32xf32, #tpu.memory_space<vmem>>, vector<1x16xf32>,
      %mul3A_694 = arith.constant 4 : i32
      %mul3A_695 = arith.muli %scan3A_280, %mul3A_694 : i32
      %add3A_696 = arith.constant 3 : i32
      %add3A_697 = arith.addi %mul3A_695, %add3A_696 : i32
      %get3A_698 = arith.index_cast %add3A_697 : i32 to index
      %get3A_699 = arith.constant 0 : index
      %get3A_700 = tpu.vector_load %arg14[%get3A_698, %get3A_699] {strides = array<i32>} : memref<128x32xf32, #tpu.memory_space<vmem>>, vector<1x16xf32>,
      %get3A_701 = vector.shape_cast %get3A_700 : vector<1x16xf32> to vector<16xf32>
      %mul3A_702 = arith.constant 4 : i32
      %mul3A_703 = arith.muli %scan3A_280, %mul3A_702 : i32
      %add3A_704 = arith.constant 3 : i32
      %add3A_705 = arith.addi %mul3A_703, %add3A_704 : i32
      %get3A_706 = arith.index_cast %add3A_705 : i32 to index
      %get3A_707 = arith.constant 0 : index
      %get3A_708 = tpu.vector_load %arg15[%get3A_706, %get3A_707] {strides = array<i32>} : memref<128x32xf32, #tpu.memory_space<vmem>>, vector<1x16xf32>,
      %get3A_709 = vector.shape_cast %get3A_708 : vector<1x16xf32> to vector<16xf32>
      %add3A_710 = arith.addf %get3A_701, %get3A_709 : vector<16xf32>
      %get3A_711 = arith.index_cast %scan3A_280 : i32 to index
      %get3A_712 = arith.constant 96 : index
      %get3A_713 = tpu.vector_load %arg16[%get3A_711, %get3A_712] {strides = array<i32>} : memref<32x128xf32, #tpu.memory_space<vmem>>, vector<1x16xf32>,
      %get3A_714 = vector.shape_cast %get3A_713 : vector<1x16xf32> to vector<16xf32>
      %add3A_715 = arith.addf %add3A_710, %get3A_714 : vector<16xf32>
      %max3A_716 = arith.constant -3.800000e+00 : f32
      %max3A_717 = vector.broadcast %max3A_716 : f32 to vector<16xf32>
      %max3A_718 = arith.maximumf %add3A_715, %max3A_717 : vector<16xf32>
      %min3A_719 = arith.constant 3.800000e+00 : f32
      %min3A_720 = vector.broadcast %min3A_719 : f32 to vector<16xf32>
      %min3A_721 = arith.minimumf %max3A_718, %min3A_720 : vector<16xf32>
      %mul3A_722 = arith.mulf %min3A_721, %min3A_721 : vector<16xf32>
      %mul3A_723 = arith.constant 3.1365726E-8 : f32
      %mul3A_724 = vector.broadcast %mul3A_723 : f32 to vector<16xf32>
      %mul3A_725 = arith.mulf %mul3A_724, %mul3A_722 : vector<16xf32>
      %add3A_726 = arith.constant -2.00707677E-6 : f32
      %add3A_727 = vector.broadcast %add3A_726 : f32 to vector<16xf32>
      %add3A_728 = arith.addf %mul3A_725, %add3A_727 : vector<16xf32>
      %mul3A_729 = arith.mulf %add3A_728, %mul3A_722 : vector<16xf32>
      %add3A_730 = arith.constant 5.54906037E-5 : f32
      %add3A_731 = vector.broadcast %add3A_730 : f32 to vector<16xf32>
      %add3A_732 = arith.addf %mul3A_729, %add3A_731 : vector<16xf32>
      %mul3A_733 = arith.mulf %add3A_732, %mul3A_722 : vector<16xf32>
      %add3A_734 = arith.constant -8.81657063E-4 : f32
      %add3A_735 = vector.broadcast %add3A_734 : f32 to vector<16xf32>
      %add3A_736 = arith.addf %mul3A_733, %add3A_735 : vector<16xf32>
      %mul3A_737 = arith.mulf %add3A_736, %mul3A_722 : vector<16xf32>
      %add3A_738 = arith.constant 0.00907511822 : f32
      %add3A_739 = vector.broadcast %add3A_738 : f32 to vector<16xf32>
      %add3A_740 = arith.addf %mul3A_737, %add3A_739 : vector<16xf32>
      %mul3A_741 = arith.mulf %add3A_740, %mul3A_722 : vector<16xf32>
      %add3A_742 = arith.constant -0.0651844144 : f32
      %add3A_743 = vector.broadcast %add3A_742 : f32 to vector<16xf32>
      %add3A_744 = arith.addf %mul3A_741, %add3A_743 : vector<16xf32>
      %mul3A_745 = arith.mulf %add3A_744, %mul3A_722 : vector<16xf32>
      %add3A_746 = arith.constant 0.398283422 : f32
      %add3A_747 = vector.broadcast %add3A_746 : f32 to vector<16xf32>
      %add3A_748 = arith.addf %mul3A_745, %add3A_747 : vector<16xf32>
      %mul3A_749 = arith.mulf %min3A_721, %add3A_748 : vector<16xf32>
      %add3A_750 = arith.constant 5.000000e-01 : f32
      %add3A_751 = vector.broadcast %add3A_750 : f32 to vector<16xf32>
      %add3A_752 = arith.addf %add3A_751, %mul3A_749 : vector<16xf32>
      %mul3A_753 = arith.mulf %add3A_715, %add3A_752 : vector<16xf32>
      %mul3A_754 = arith.constant 4 : i32
      %mul3A_755 = arith.muli %scan3A_280, %mul3A_754 : i32
      %add3A_756 = arith.constant 3 : i32
      %add3A_757 = arith.addi %mul3A_755, %add3A_756 : i32
      %swap3A_758 = arith.index_cast %add3A_757 : i32 to index
      %swap3A_759 = arith.constant 0 : index
      %swap3A_760 = tpu.vector_load %arg20[%swap3A_758, %swap3A_759] {strides = array<i32>} : memref<128x32xf32, #tpu.memory_space<vmem>>, vector<1x16xf32>,
      %swap3A_761 = vector.shape_cast %swap3A_760 : vector<1x16xf32> to vector<16xf32>
      %swap3A_762 = vector.shape_cast %mul3A_753 : vector<16xf32> to vector<1x16xf32>
      tpu.vector_store %arg20[%swap3A_758, %swap3A_759], %swap3A_762 {strides = array<i32>} : memref<128x32xf32, #tpu.memory_space<vmem>>, vector<1x16xf32>,
      %mul3A_763 = arith.constant 4 : i32
      %mul3A_764 = arith.muli %scan3A_280, %mul3A_763 : i32
      %add3A_765 = arith.constant 3 : i32
      %add3A_766 = arith.addi %mul3A_764, %add3A_765 : i32
      %get3A_767 = arith.index_cast %add3A_766 : i32 to index
      %get3A_768 = arith.constant 16 : index
      %get3A_769 = tpu.vector_load %arg14[%get3A_767, %get3A_768] {strides = array<i32>} : memref<128x32xf32, #tpu.memory_space<vmem>>, vector<1x16xf32>,
      %get3A_770 = vector.shape_cast %get3A_769 : vector<1x16xf32> to vector<16xf32>
      %mul3A_771 = arith.constant 4 : i32
      %mul3A_772 = arith.muli %scan3A_280, %mul3A_771 : i32
      %add3A_773 = arith.constant 3 : i32
      %add3A_774 = arith.addi %mul3A_772, %add3A_773 : i32
      %get3A_775 = arith.index_cast %add3A_774 : i32 to index
      %get3A_776 = arith.constant 16 : index
      %get3A_777 = tpu.vector_load %arg15[%get3A_775, %get3A_776] {strides = array<i32>} : memref<128x32xf32, #tpu.memory_space<vmem>>, vector<1x16xf32>,
      %get3A_778 = vector.shape_cast %get3A_777 : vector<1x16xf32> to vector<16xf32>
      %add3A_779 = arith.addf %get3A_770, %get3A_778 : vector<16xf32>
      %get3A_780 = arith.index_cast %scan3A_280 : i32 to index
      %get3A_781 = arith.constant 112 : index
      %get3A_782 = tpu.vector_load %arg16[%get3A_780, %get3A_781] {strides = array<i32>} : memref<32x128xf32, #tpu.memory_space<vmem>>, vector<1x16xf32>,
      %get3A_783 = vector.shape_cast %get3A_782 : vector<1x16xf32> to vector<16xf32>
      %add3A_784 = arith.addf %add3A_779, %get3A_783 : vector<16xf32>
      %max3A_785 = arith.constant -3.800000e+00 : f32
      %max3A_786 = vector.broadcast %max3A_785 : f32 to vector<16xf32>
      %max3A_787 = arith.maximumf %add3A_784, %max3A_786 : vector<16xf32>
      %min3A_788 = arith.constant 3.800000e+00 : f32
      %min3A_789 = vector.broadcast %min3A_788 : f32 to vector<16xf32>
      %min3A_790 = arith.minimumf %max3A_787, %min3A_789 : vector<16xf32>
      %mul3A_791 = arith.mulf %min3A_790, %min3A_790 : vector<16xf32>
      %mul3A_792 = arith.constant 3.1365726E-8 : f32
      %mul3A_793 = vector.broadcast %mul3A_792 : f32 to vector<16xf32>
      %mul3A_794 = arith.mulf %mul3A_793, %mul3A_791 : vector<16xf32>
      %add3A_795 = arith.constant -2.00707677E-6 : f32
      %add3A_796 = vector.broadcast %add3A_795 : f32 to vector<16xf32>
      %add3A_797 = arith.addf %mul3A_794, %add3A_796 : vector<16xf32>
      %mul3A_798 = arith.mulf %add3A_797, %mul3A_791 : vector<16xf32>
      %add3A_799 = arith.constant 5.54906037E-5 : f32
      %add3A_800 = vector.broadcast %add3A_799 : f32 to vector<16xf32>
      %add3A_801 = arith.addf %mul3A_798, %add3A_800 : vector<16xf32>
      %mul3A_802 = arith.mulf %add3A_801, %mul3A_791 : vector<16xf32>
      %add3A_803 = arith.constant -8.81657063E-4 : f32
      %add3A_804 = vector.broadcast %add3A_803 : f32 to vector<16xf32>
      %add3A_805 = arith.addf %mul3A_802, %add3A_804 : vector<16xf32>
      %mul3A_806 = arith.mulf %add3A_805, %mul3A_791 : vector<16xf32>
      %add3A_807 = arith.constant 0.00907511822 : f32
      %add3A_808 = vector.broadcast %add3A_807 : f32 to vector<16xf32>
      %add3A_809 = arith.addf %mul3A_806, %add3A_808 : vector<16xf32>
      %mul3A_810 = arith.mulf %add3A_809, %mul3A_791 : vector<16xf32>
      %add3A_811 = arith.constant -0.0651844144 : f32
      %add3A_812 = vector.broadcast %add3A_811 : f32 to vector<16xf32>
      %add3A_813 = arith.addf %mul3A_810, %add3A_812 : vector<16xf32>
      %mul3A_814 = arith.mulf %add3A_813, %mul3A_791 : vector<16xf32>
      %add3A_815 = arith.constant 0.398283422 : f32
      %add3A_816 = vector.broadcast %add3A_815 : f32 to vector<16xf32>
      %add3A_817 = arith.addf %mul3A_814, %add3A_816 : vector<16xf32>
      %mul3A_818 = arith.mulf %min3A_790, %add3A_817 : vector<16xf32>
      %add3A_819 = arith.constant 5.000000e-01 : f32
      %add3A_820 = vector.broadcast %add3A_819 : f32 to vector<16xf32>
      %add3A_821 = arith.addf %add3A_820, %mul3A_818 : vector<16xf32>
      %mul3A_822 = arith.mulf %add3A_784, %add3A_821 : vector<16xf32>
      %mul3A_823 = arith.constant 4 : i32
      %mul3A_824 = arith.muli %scan3A_280, %mul3A_823 : i32
      %add3A_825 = arith.constant 3 : i32
      %add3A_826 = arith.addi %mul3A_824, %add3A_825 : i32
      %swap3A_827 = arith.index_cast %add3A_826 : i32 to index
      %swap3A_828 = arith.constant 16 : index
      %swap3A_829 = tpu.vector_load %arg20[%swap3A_827, %swap3A_828] {strides = array<i32>} : memref<128x32xf32, #tpu.memory_space<vmem>>, vector<1x16xf32>,
      %swap3A_830 = vector.shape_cast %swap3A_829 : vector<1x16xf32> to vector<16xf32>
      %swap3A_831 = vector.shape_cast %mul3A_822 : vector<16xf32> to vector<1x16xf32>
      tpu.vector_store %arg20[%swap3A_827, %swap3A_828], %swap3A_831 {strides = array<i32>} : memref<128x32xf32, #tpu.memory_space<vmem>>, vector<1x16xf32>,
      %scan3A_832 = arith.constant 0 : i32
      scf.yield %scan3A_832 : i32
    }
    %scan3A_270 = arith.constant 32 : i32
    "tpu.region"() ({
      %run_scoped3A = tpu.sem_alloc : memref<!tpu.dma_semaphore, #tpu.memory_space<semaphore_mem>>
      %dma_start3A_280 = arith.constant 0 : i32
      %dma_start3A_281 = arith.constant 0 : i32
      %dma_start3A_282 = tpu.memref_slice %arg21[%dma_start3A_280, %dma_start3A_281] : memref<50048x32xf32, #tpu.memory_space<vmem_shared>> -> memref<50048x32xf32, #tpu.memory_space<vmem_shared>>
      tpu.enqueue_indirect_dma source(%arg20 : memref<128x32xf32, #tpu.memory_space<vmem>>) target(%dma_start3A_282 : memref<50048x32xf32, #tpu.memory_space<vmem_shared>>) offsets(%arg10 : memref<128xi32, #tpu.memory_space<vmem>>) semaphore(%run_scoped3A : memref<!tpu.dma_semaphore, #tpu.memory_space<semaphore_mem>>) {add = true}
      %dma_wait3A_283 = arith.constant 0 : i32
      %dma_wait3A_284 = arith.constant 0 : i32
      %dma_wait3A_285 = tpu.memref_slice %arg21[%dma_wait3A_283, %dma_wait3A_284] : memref<50048x32xf32, #tpu.memory_space<vmem_shared>> -> memref<50048x32xf32, #tpu.memory_space<vmem_shared>>
      tpu.wait_indirect_dma semaphore(%run_scoped3A : memref<!tpu.dma_semaphore, #tpu.memory_space<semaphore_mem>>) src(%arg20 : memref<128x32xf32, #tpu.memory_space<vmem>>) dst(%dma_wait3A_285 : memref<50048x32xf32, #tpu.memory_space<vmem_shared>>)
      tpu.yield
    }) : () -> ()
    %dma_wait3A_271 = arith.constant 0 : i32
    %dma_wait3A_272 = tpu.memref_slice %arg5[%dma_wait3A_271] : memref<800768xi32, #tpu.memory_space<hbm>> -> memref<128xi32, #tpu.memory_space<hbm>>
    %dma_wait3A_273 = arith.constant 0 : i32
    %dma_wait3A_274 = tpu.memref_slice %arg5[%dma_wait3A_273] : memref<800768xi32, #tpu.memory_space<hbm>> -> memref<128xi32, #tpu.memory_space<hbm>>
    tpu.wait_dma2 semaphore(%arg27 : memref<!tpu.dma_semaphore, #tpu.memory_space<semaphore_mem>>) src(%dma_wait3A_274 : memref<128xi32, #tpu.memory_space<hbm>>) dst(%arg11 : memref<128xi32, #tpu.memory_space<vmem>>)
    %dma_wait3A_275 = arith.constant 0 : i32
    %dma_wait3A_276 = tpu.memref_slice %arg6[%dma_wait3A_275] : memref<800768xi32, #tpu.memory_space<hbm>> -> memref<128xi32, #tpu.memory_space<hbm>>
    %dma_wait3A_277 = arith.constant 0 : i32
    %dma_wait3A_278 = tpu.memref_slice %arg6[%dma_wait3A_277] : memref<800768xi32, #tpu.memory_space<hbm>> -> memref<128xi32, #tpu.memory_space<hbm>>
    tpu.wait_dma2 semaphore(%arg28 : memref<!tpu.dma_semaphore, #tpu.memory_space<semaphore_mem>>) src(%dma_wait3A_278 : memref<128xi32, #tpu.memory_space<hbm>>) dst(%arg13 : memref<128xi32, #tpu.memory_space<vmem>>)
    %barrier3A_279 = arith.constant 0 : index
    tpu.barrier barrier_id(%barrier3A_279)
    "tpu.region"() ({
      %run_scoped3A = tpu.sem_alloc : memref<!tpu.dma_semaphore, #tpu.memory_space<semaphore_mem>>
      %dma_start3A_280 = arith.constant 0 : i32
      %dma_start3A_281 = tpu.memref_slice %arg7[%arg0, %mul3A_2, %dma_start3A_280] : memref<2x50048x32xf32, #tpu.memory_space<hbm>> -> memref<1x3128x32xf32, #tpu.memory_space<hbm>>
      %dma_start3A_282 = tpu.memref_squeeze %dma_start3A_281 : memref<1x3128x32xf32, #tpu.memory_space<hbm>> -> memref<3128x32xf32, #tpu.memory_space<hbm>>
      %dma_start3A_283 = arith.constant 0 : i32
      %dma_start3A_284 = tpu.memref_slice %arg21[%mul3A_2, %dma_start3A_283] : memref<50048x32xf32, #tpu.memory_space<vmem_shared>> -> memref<3128x32xf32, #tpu.memory_space<vmem_shared>>
      tpu.enqueue_dma source(%dma_start3A_284 : memref<3128x32xf32, #tpu.memory_space<vmem_shared>>) target(%dma_start3A_282 : memref<3128x32xf32, #tpu.memory_space<hbm>>) target_semaphore(%run_scoped3A : memref<!tpu.dma_semaphore, #tpu.memory_space<semaphore_mem>>)
      %dma_wait3A_285 = arith.constant 0 : i32
      %dma_wait3A_286 = tpu.memref_slice %arg7[%arg0, %mul3A_2, %dma_wait3A_285] : memref<2x50048x32xf32, #tpu.memory_space<hbm>> -> memref<1x3128x32xf32, #tpu.memory_space<hbm>>
      %dma_wait3A_287 = tpu.memref_squeeze %dma_wait3A_286 : memref<1x3128x32xf32, #tpu.memory_space<hbm>> -> memref<3128x32xf32, #tpu.memory_space<hbm>>
      %dma_wait3A_288 = arith.constant 0 : i32
      %dma_wait3A_289 = tpu.memref_slice %arg21[%mul3A_2, %dma_wait3A_288] : memref<50048x32xf32, #tpu.memory_space<vmem_shared>> -> memref<3128x32xf32, #tpu.memory_space<vmem_shared>>
      tpu.wait_dma2 semaphore(%run_scoped3A : memref<!tpu.dma_semaphore, #tpu.memory_space<semaphore_mem>>) src(%dma_wait3A_289 : memref<3128x32xf32, #tpu.memory_space<vmem_shared>>) dst(%dma_wait3A_287 : memref<3128x32xf32, #tpu.memory_space<hbm>>)
      tpu.yield
    }) : () -> ()
    return
  }
}

module attributes {stable_mosaic.version = 14 : i64} {
  func.func @_pre_body(%arg0: i32, %arg1: memref<3128x7xf32, #tpu.memory_space<vmem>>, %arg2: memref<7x64xf32, #tpu.memory_space<vmem>>, %arg3: memref<1x64xf32, #tpu.memory_space<vmem>>, %arg4: memref<1x64xf32, #tpu.memory_space<vmem>>, %arg5: memref<1x64xf32, #tpu.memory_space<vmem>>, %arg6: memref<64x64xf32, #tpu.memory_space<vmem>>, %arg7: memref<64x64xf32, #tpu.memory_space<vmem>>, %arg8: memref<3128x64xf32, #tpu.memory_space<vmem>>, %arg9: memref<2x3128x32xf32, #tpu.memory_space<vmem>>, %arg10: memref<2x3128x32xf32, #tpu.memory_space<vmem>>) attributes {dimension_semantics = [#tpu.dimension_semantics<arbitrary>], iteration_bounds = array<i64: 16>, scalar_prefetch = 0 : i64, scratch_operands = 0 : i64, tpu.core_type = #tpu.core_type<tc>, window_params = [{transform_indices = @transform_0, window_bounds = array<i64: 3128, 7>}, {pipeline_mode = #tpu.pipeline_mode<synchronous>, transform_indices = @transform_1, window_bounds = array<i64: 7, 64>}, {pipeline_mode = #tpu.pipeline_mode<synchronous>, transform_indices = @transform_2, window_bounds = array<i64: 1, 64>}, {pipeline_mode = #tpu.pipeline_mode<synchronous>, transform_indices = @transform_3, window_bounds = array<i64: 1, 64>}, {pipeline_mode = #tpu.pipeline_mode<synchronous>, transform_indices = @transform_4, window_bounds = array<i64: 1, 64>}, {pipeline_mode = #tpu.pipeline_mode<synchronous>, transform_indices = @transform_5, window_bounds = array<i64: 64, 64>}, {pipeline_mode = #tpu.pipeline_mode<synchronous>, transform_indices = @transform_6, window_bounds = array<i64: 64, 64>}, {transform_indices = @transform_7, window_bounds = array<i64: 3128, 64>}, {transform_indices = @transform_8, window_bounds = array<i64: 2, 3128, 32>}, {transform_indices = @transform_9, window_bounds = array<i64: 2, 3128, 32>}]} {
    %get3A = arith.constant 0 : index
    %get3A_0 = arith.constant 0 : index
    %get3A_1 = vector.load %arg1[%get3A, %get3A_0] : memref<3128x7xf32, #tpu.memory_space<vmem>>, vector<3128x7xf32>
    %get3A_2 = arith.constant 0 : index
    %get3A_3 = arith.constant 0 : index
    %get3A_4 = vector.load %arg2[%get3A_2, %get3A_3] : memref<7x64xf32, #tpu.memory_space<vmem>>, vector<7x64xf32>
    %dot_general3A = arith.constant dense<0.000000e+00> : vector<3128x64xf32>
    %dot_general3A_5 = tpu.matmul %get3A_1, %get3A_4, %dot_general3A {dimension_numbers = #tpu.dot_dimension_numbers<[1], [0], [0], [1], [0, 0, 1, 1], [], []>, transpose_lhs_hint = false} : vector<3128x7xf32>, vector<7x64xf32>, vector<3128x64xf32> -> vector<3128x64xf32>
    %get3A_6 = arith.constant 0 : index
    %get3A_7 = arith.constant 0 : index
    %get3A_8 = vector.load %arg3[%get3A_6, %get3A_7] : memref<1x64xf32, #tpu.memory_space<vmem>>, vector<1x64xf32>
    %add3A = vector.broadcast %get3A_8 : vector<1x64xf32> to vector<3128x64xf32>
    %add3A_9 = arith.addf %dot_general3A_5, %add3A : vector<3128x64xf32>
    %get3A_10 = arith.constant 0 : index
    %get3A_11 = arith.constant 0 : index
    %get3A_12 = vector.load %arg4[%get3A_10, %get3A_11] : memref<1x64xf32, #tpu.memory_space<vmem>>, vector<1x64xf32>
    %get3A_13 = arith.constant 0 : index
    %get3A_14 = arith.constant 0 : index
    %get3A_15 = vector.load %arg5[%get3A_13, %get3A_14] : memref<1x64xf32, #tpu.memory_space<vmem>>, vector<1x64xf32>
    %reduce_sum3A = arith.constant dense<0.000000e+00> : vector<3128xf32>
    %reduce_sum3A_16 = vector.multi_reduction <add>, %add3A_9, %reduce_sum3A [1] : vector<3128x64xf32> to vector<3128xf32>
    %broadcast_in_dim3A = vector.shape_cast %reduce_sum3A_16 : vector<3128xf32> to vector<3128x1xf32>
    %div3A = arith.constant 6.400000e+01 : f32
    %div3A_17 = vector.broadcast %div3A : f32 to vector<3128x1xf32>
    %div3A_18 = arith.divf %broadcast_in_dim3A, %div3A_17 : vector<3128x1xf32>
    %sub3A = vector.broadcast %div3A_18 : vector<3128x1xf32> to vector<3128x64xf32>
    %sub3A_19 = arith.subf %add3A_9, %sub3A : vector<3128x64xf32>
    %integer_pow3A = arith.mulf %sub3A_19, %sub3A_19 : vector<3128x64xf32>
    %reduce_sum3A_20 = arith.constant dense<0.000000e+00> : vector<3128xf32>
    %reduce_sum3A_21 = vector.multi_reduction <add>, %integer_pow3A, %reduce_sum3A_20 [1] : vector<3128x64xf32> to vector<3128xf32>
    %broadcast_in_dim3A_22 = vector.shape_cast %reduce_sum3A_21 : vector<3128xf32> to vector<3128x1xf32>
    %div3A_23 = arith.constant 6.400000e+01 : f32
    %div3A_24 = vector.broadcast %div3A_23 : f32 to vector<3128x1xf32>
    %div3A_25 = arith.divf %broadcast_in_dim3A_22, %div3A_24 : vector<3128x1xf32>
    %sub3A_26 = vector.broadcast %div3A_18 : vector<3128x1xf32> to vector<3128x64xf32>
    %sub3A_27 = arith.subf %add3A_9, %sub3A_26 : vector<3128x64xf32>
    %add3A_28 = arith.constant 9.99999974E-6 : f32
    %add3A_29 = vector.broadcast %add3A_28 : f32 to vector<3128x1xf32>
    %add3A_30 = arith.addf %div3A_25, %add3A_29 : vector<3128x1xf32>
    %sqrt3A = math.sqrt %add3A_30 : vector<3128x1xf32>
    %div3A_31 = vector.broadcast %sqrt3A : vector<3128x1xf32> to vector<3128x64xf32>
    %div3A_32 = arith.divf %sub3A_27, %div3A_31 : vector<3128x64xf32>
    %mul3A = vector.broadcast %get3A_12 : vector<1x64xf32> to vector<3128x64xf32>
    %mul3A_33 = arith.mulf %div3A_32, %mul3A : vector<3128x64xf32>
    %add3A_34 = vector.broadcast %get3A_15 : vector<1x64xf32> to vector<3128x64xf32>
    %add3A_35 = arith.addf %mul3A_33, %add3A_34 : vector<3128x64xf32>
    %mul3A_36 = arith.constant 5.000000e-01 : f32
    %mul3A_37 = vector.broadcast %mul3A_36 : f32 to vector<3128x64xf32>
    %mul3A_38 = arith.mulf %mul3A_37, %add3A_35 : vector<3128x64xf32>
    %mul3A_39 = arith.constant 0.707106769 : f32
    %mul3A_40 = vector.broadcast %mul3A_39 : f32 to vector<3128x64xf32>
    %mul3A_41 = arith.mulf %add3A_35, %mul3A_40 : vector<3128x64xf32>
    %erf3A = math.erf %mul3A_41 : vector<3128x64xf32>
    %add3A_42 = arith.constant 1.000000e+00 : f32
    %add3A_43 = vector.broadcast %add3A_42 : f32 to vector<3128x64xf32>
    %add3A_44 = arith.addf %add3A_43, %erf3A : vector<3128x64xf32>
    %mul3A_45 = arith.mulf %mul3A_38, %add3A_44 : vector<3128x64xf32>
    %swap3A = arith.constant 0 : index
    %swap3A_46 = arith.constant 0 : index
    %swap3A_47 = vector.load %arg8[%swap3A, %swap3A_46] : memref<3128x64xf32, #tpu.memory_space<vmem>>, vector<3128x64xf32>
    tpu.vector_store %arg8[%swap3A, %swap3A_46], %mul3A_45 {strides = array<i32>} : memref<3128x64xf32, #tpu.memory_space<vmem>>, vector<3128x64xf32>,
    %get3A_48 = arith.constant 0 : index
    %get3A_49 = arith.constant 0 : index
    %get3A_50 = vector.load %arg6[%get3A_48, %get3A_49] : memref<64x64xf32, #tpu.memory_space<vmem>>, vector<64x64xf32>
    %dot_general3A_51 = arith.constant dense<0.000000e+00> : vector<3128x64xf32>
    %dot_general3A_52 = tpu.matmul %mul3A_45, %get3A_50, %dot_general3A_51 {dimension_numbers = #tpu.dot_dimension_numbers<[1], [0], [0], [1], [0, 0, 1, 1], [], []>, transpose_lhs_hint = false} : vector<3128x64xf32>, vector<64x64xf32>, vector<3128x64xf32> -> vector<3128x64xf32>
    %get3A_53 = arith.constant 0 : index
    %get3A_54 = arith.constant 0 : index
    %get3A_55 = vector.load %arg7[%get3A_53, %get3A_54] : memref<64x64xf32, #tpu.memory_space<vmem>>, vector<64x64xf32>
    %dot_general3A_56 = arith.constant dense<0.000000e+00> : vector<3128x64xf32>
    %dot_general3A_57 = tpu.matmul %mul3A_45, %get3A_55, %dot_general3A_56 {dimension_numbers = #tpu.dot_dimension_numbers<[1], [0], [0], [1], [0, 0, 1, 1], [], []>, transpose_lhs_hint = false} : vector<3128x64xf32>, vector<64x64xf32>, vector<3128x64xf32> -> vector<3128x64xf32>
    %slice3A = vector.extract_strided_slice %dot_general3A_52 {offsets = [0, 0], sizes = [3128, 32], strides = [1, 1]} : vector<3128x64xf32> to vector<3128x32xf32>
    %swap3A_58 = arith.constant 0 : index
    %swap3A_59 = arith.constant 0 : index
    %swap3A_60 = arith.constant 0 : index
    %swap3A_61 = vector.load %arg9[%swap3A_58, %swap3A_59, %swap3A_60] : memref<2x3128x32xf32, #tpu.memory_space<vmem>>, vector<1x3128x32xf32>
    %swap3A_62 = vector.shape_cast %swap3A_61 : vector<1x3128x32xf32> to vector<3128x32xf32>
    %swap3A_63 = vector.shape_cast %slice3A : vector<3128x32xf32> to vector<1x3128x32xf32>
    tpu.vector_store %arg9[%swap3A_58, %swap3A_59, %swap3A_60], %swap3A_63 {strides = array<i32>} : memref<2x3128x32xf32, #tpu.memory_space<vmem>>, vector<1x3128x32xf32>,
    %slice3A_64 = vector.extract_strided_slice %dot_general3A_52 {offsets = [0, 32], sizes = [3128, 32], strides = [1, 1]} : vector<3128x64xf32> to vector<3128x32xf32>
    %swap3A_65 = arith.constant 1 : index
    %swap3A_66 = arith.constant 0 : index
    %swap3A_67 = arith.constant 0 : index
    %swap3A_68 = vector.load %arg9[%swap3A_65, %swap3A_66, %swap3A_67] : memref<2x3128x32xf32, #tpu.memory_space<vmem>>, vector<1x3128x32xf32>
    %swap3A_69 = vector.shape_cast %swap3A_68 : vector<1x3128x32xf32> to vector<3128x32xf32>
    %swap3A_70 = vector.shape_cast %slice3A_64 : vector<3128x32xf32> to vector<1x3128x32xf32>
    tpu.vector_store %arg9[%swap3A_65, %swap3A_66, %swap3A_67], %swap3A_70 {strides = array<i32>} : memref<2x3128x32xf32, #tpu.memory_space<vmem>>, vector<1x3128x32xf32>,
    %slice3A_71 = vector.extract_strided_slice %dot_general3A_57 {offsets = [0, 0], sizes = [3128, 32], strides = [1, 1]} : vector<3128x64xf32> to vector<3128x32xf32>
    %swap3A_72 = arith.constant 0 : index
    %swap3A_73 = arith.constant 0 : index
    %swap3A_74 = arith.constant 0 : index
    %swap3A_75 = vector.load %arg10[%swap3A_72, %swap3A_73, %swap3A_74] : memref<2x3128x32xf32, #tpu.memory_space<vmem>>, vector<1x3128x32xf32>
    %swap3A_76 = vector.shape_cast %swap3A_75 : vector<1x3128x32xf32> to vector<3128x32xf32>
    %swap3A_77 = vector.shape_cast %slice3A_71 : vector<3128x32xf32> to vector<1x3128x32xf32>
    tpu.vector_store %arg10[%swap3A_72, %swap3A_73, %swap3A_74], %swap3A_77 {strides = array<i32>} : memref<2x3128x32xf32, #tpu.memory_space<vmem>>, vector<1x3128x32xf32>,
    %slice3A_78 = vector.extract_strided_slice %dot_general3A_57 {offsets = [0, 32], sizes = [3128, 32], strides = [1, 1]} : vector<3128x64xf32> to vector<3128x32xf32>
    %swap3A_79 = arith.constant 1 : index
    %swap3A_80 = arith.constant 0 : index
    %swap3A_81 = arith.constant 0 : index
    %swap3A_82 = vector.load %arg10[%swap3A_79, %swap3A_80, %swap3A_81] : memref<2x3128x32xf32, #tpu.memory_space<vmem>>, vector<1x3128x32xf32>
    %swap3A_83 = vector.shape_cast %swap3A_82 : vector<1x3128x32xf32> to vector<3128x32xf32>
    %swap3A_84 = vector.shape_cast %slice3A_78 : vector<3128x32xf32> to vector<1x3128x32xf32>
    tpu.vector_store %arg10[%swap3A_79, %swap3A_80, %swap3A_81], %swap3A_84 {strides = array<i32>} : memref<2x3128x32xf32, #tpu.memory_space<vmem>>, vector<1x3128x32xf32>,
    return
  }
  func.func @transform_0(%arg0: i32) -> (i32, i32) {
    %c0_i32 = arith.constant 0 : i32
    %c0_i32_0 = arith.constant 0 : i32
    return %arg0, %c0_i32 : i32, i32
  }
  func.func @transform_1(%arg0: i32) -> (i32, i32) {
    %c0_i32 = arith.constant 0 : i32
    %c0_i32_0 = arith.constant 0 : i32
    %c0_i32_1 = arith.constant 0 : i32
    return %c0_i32, %c0_i32_0 : i32, i32
  }
  func.func @transform_2(%arg0: i32) -> (i32, i32) {
    %c0_i32 = arith.constant 0 : i32
    %c0_i32_0 = arith.constant 0 : i32
    %c0_i32_1 = arith.constant 0 : i32
    return %c0_i32, %c0_i32_0 : i32, i32
  }
  func.func @transform_3(%arg0: i32) -> (i32, i32) {
    %c0_i32 = arith.constant 0 : i32
    %c0_i32_0 = arith.constant 0 : i32
    %c0_i32_1 = arith.constant 0 : i32
    return %c0_i32, %c0_i32_0 : i32, i32
  }
  func.func @transform_4(%arg0: i32) -> (i32, i32) {
    %c0_i32 = arith.constant 0 : i32
    %c0_i32_0 = arith.constant 0 : i32
    %c0_i32_1 = arith.constant 0 : i32
    return %c0_i32, %c0_i32_0 : i32, i32
  }
  func.func @transform_5(%arg0: i32) -> (i32, i32) {
    %c0_i32 = arith.constant 0 : i32
    %c0_i32_0 = arith.constant 0 : i32
    %c0_i32_1 = arith.constant 0 : i32
    return %c0_i32, %c0_i32_0 : i32, i32
  }
  func.func @transform_6(%arg0: i32) -> (i32, i32) {
    %c0_i32 = arith.constant 0 : i32
    %c0_i32_0 = arith.constant 0 : i32
    %c0_i32_1 = arith.constant 0 : i32
    return %c0_i32, %c0_i32_0 : i32, i32
  }
  func.func @transform_7(%arg0: i32) -> (i32, i32) {
    %c0_i32 = arith.constant 0 : i32
    %c0_i32_0 = arith.constant 0 : i32
    return %arg0, %c0_i32 : i32, i32
  }
  func.func @transform_8(%arg0: i32) -> (i32, i32, i32) {
    %c0_i32 = arith.constant 0 : i32
    %c0_i32_0 = arith.constant 0 : i32
    %c0_i32_1 = arith.constant 0 : i32
    return %c0_i32, %arg0, %c0_i32_0 : i32, i32, i32
  }
  func.func @transform_9(%arg0: i32) -> (i32, i32, i32) {
    %c0_i32 = arith.constant 0 : i32
    %c0_i32_0 = arith.constant 0 : i32
    %c0_i32_1 = arith.constant 0 : i32
    return %c0_i32, %arg0, %c0_i32_0 : i32, i32, i32
  }
}

module attributes {stable_mosaic.version = 14 : i64} {
  func.func @_cproj_body(%arg0: i32, %arg1: memref<2000x20xf32, #tpu.memory_space<vmem>>, %arg2: memref<20x128xf32, #tpu.memory_space<vmem>>, %arg3: memref<20x128xf32, #tpu.memory_space<vmem>>, %arg4: memref<1x128xf32, #tpu.memory_space<vmem>>, %arg5: memref<1x128xf32, #tpu.memory_space<vmem>>, %arg6: memref<2x2000x128xf32, #tpu.memory_space<vmem>>) attributes {dimension_semantics = [#tpu.dimension_semantics<arbitrary>], iteration_bounds = array<i64: 100>, scalar_prefetch = 0 : i64, scratch_operands = 0 : i64, tpu.core_type = #tpu.core_type<tc>, window_params = [{transform_indices = @transform_0, window_bounds = array<i64: 2000, 20>}, {pipeline_mode = #tpu.pipeline_mode<synchronous>, transform_indices = @transform_1, window_bounds = array<i64: 20, 128>}, {pipeline_mode = #tpu.pipeline_mode<synchronous>, transform_indices = @transform_2, window_bounds = array<i64: 20, 128>}, {pipeline_mode = #tpu.pipeline_mode<synchronous>, transform_indices = @transform_3, window_bounds = array<i64: 1, 128>}, {pipeline_mode = #tpu.pipeline_mode<synchronous>, transform_indices = @transform_4, window_bounds = array<i64: 1, 128>}, {transform_indices = @transform_5, window_bounds = array<i64: 2, 2000, 128>}]} {
    %get3A = arith.constant 0 : index
    %get3A_0 = arith.constant 0 : index
    %get3A_1 = vector.load %arg1[%get3A, %get3A_0] : memref<2000x20xf32, #tpu.memory_space<vmem>>, vector<2000x20xf32>
    %get3A_2 = arith.constant 0 : index
    %get3A_3 = arith.constant 0 : index
    %get3A_4 = vector.load %arg2[%get3A_2, %get3A_3] : memref<20x128xf32, #tpu.memory_space<vmem>>, vector<20x128xf32>
    %dot_general3A = arith.constant dense<0.000000e+00> : vector<2000x128xf32>
    %dot_general3A_5 = tpu.matmul %get3A_1, %get3A_4, %dot_general3A {dimension_numbers = #tpu.dot_dimension_numbers<[1], [0], [0], [1], [0, 0, 1, 1], [], []>, transpose_lhs_hint = false} : vector<2000x20xf32>, vector<20x128xf32>, vector<2000x128xf32> -> vector<2000x128xf32>
    %get3A_6 = arith.constant 0 : index
    %get3A_7 = arith.constant 0 : index
    %get3A_8 = vector.load %arg4[%get3A_6, %get3A_7] : memref<1x128xf32, #tpu.memory_space<vmem>>, vector<1x128xf32>
    %add3A = vector.broadcast %get3A_8 : vector<1x128xf32> to vector<2000x128xf32>
    %add3A_9 = arith.addf %dot_general3A_5, %add3A : vector<2000x128xf32>
    %swap3A = arith.constant 0 : index
    %swap3A_10 = arith.constant 0 : index
    %swap3A_11 = arith.constant 0 : index
    %swap3A_12 = vector.load %arg6[%swap3A, %swap3A_10, %swap3A_11] : memref<2x2000x128xf32, #tpu.memory_space<vmem>>, vector<1x2000x128xf32>
    %swap3A_13 = vector.shape_cast %swap3A_12 : vector<1x2000x128xf32> to vector<2000x128xf32>
    %swap3A_14 = vector.shape_cast %add3A_9 : vector<2000x128xf32> to vector<1x2000x128xf32>
    tpu.vector_store %arg6[%swap3A, %swap3A_10, %swap3A_11], %swap3A_14 {strides = array<i32>} : memref<2x2000x128xf32, #tpu.memory_space<vmem>>, vector<1x2000x128xf32>,
    %get3A_15 = arith.constant 0 : index
    %get3A_16 = arith.constant 0 : index
    %get3A_17 = vector.load %arg3[%get3A_15, %get3A_16] : memref<20x128xf32, #tpu.memory_space<vmem>>, vector<20x128xf32>
    %dot_general3A_18 = arith.constant dense<0.000000e+00> : vector<2000x128xf32>
    %dot_general3A_19 = tpu.matmul %get3A_1, %get3A_17, %dot_general3A_18 {dimension_numbers = #tpu.dot_dimension_numbers<[1], [0], [0], [1], [0, 0, 1, 1], [], []>, transpose_lhs_hint = false} : vector<2000x20xf32>, vector<20x128xf32>, vector<2000x128xf32> -> vector<2000x128xf32>
    %get3A_20 = arith.constant 0 : index
    %get3A_21 = arith.constant 0 : index
    %get3A_22 = vector.load %arg5[%get3A_20, %get3A_21] : memref<1x128xf32, #tpu.memory_space<vmem>>, vector<1x128xf32>
    %add3A_23 = vector.broadcast %get3A_22 : vector<1x128xf32> to vector<2000x128xf32>
    %add3A_24 = arith.addf %dot_general3A_19, %add3A_23 : vector<2000x128xf32>
    %swap3A_25 = arith.constant 1 : index
    %swap3A_26 = arith.constant 0 : index
    %swap3A_27 = arith.constant 0 : index
    %swap3A_28 = vector.load %arg6[%swap3A_25, %swap3A_26, %swap3A_27] : memref<2x2000x128xf32, #tpu.memory_space<vmem>>, vector<1x2000x128xf32>
    %swap3A_29 = vector.shape_cast %swap3A_28 : vector<1x2000x128xf32> to vector<2000x128xf32>
    %swap3A_30 = vector.shape_cast %add3A_24 : vector<2000x128xf32> to vector<1x2000x128xf32>
    tpu.vector_store %arg6[%swap3A_25, %swap3A_26, %swap3A_27], %swap3A_30 {strides = array<i32>} : memref<2x2000x128xf32, #tpu.memory_space<vmem>>, vector<1x2000x128xf32>,
    return
  }
  func.func @transform_0(%arg0: i32) -> (i32, i32) {
    %c0_i32 = arith.constant 0 : i32
    %c0_i32_0 = arith.constant 0 : i32
    return %arg0, %c0_i32 : i32, i32
  }
  func.func @transform_1(%arg0: i32) -> (i32, i32) {
    %c0_i32 = arith.constant 0 : i32
    %c0_i32_0 = arith.constant 0 : i32
    %c0_i32_1 = arith.constant 0 : i32
    return %c0_i32, %c0_i32_0 : i32, i32
  }
  func.func @transform_2(%arg0: i32) -> (i32, i32) {
    %c0_i32 = arith.constant 0 : i32
    %c0_i32_0 = arith.constant 0 : i32
    %c0_i32_1 = arith.constant 0 : i32
    return %c0_i32, %c0_i32_0 : i32, i32
  }
  func.func @transform_3(%arg0: i32) -> (i32, i32) {
    %c0_i32 = arith.constant 0 : i32
    %c0_i32_0 = arith.constant 0 : i32
    %c0_i32_1 = arith.constant 0 : i32
    return %c0_i32, %c0_i32_0 : i32, i32
  }
  func.func @transform_4(%arg0: i32) -> (i32, i32) {
    %c0_i32 = arith.constant 0 : i32
    %c0_i32_0 = arith.constant 0 : i32
    %c0_i32_1 = arith.constant 0 : i32
    return %c0_i32, %c0_i32_0 : i32, i32
  }
  func.func @transform_5(%arg0: i32) -> (i32, i32, i32) {
    %c0_i32 = arith.constant 0 : i32
    %c0_i32_0 = arith.constant 0 : i32
    %c0_i32_1 = arith.constant 0 : i32
    return %c0_i32, %arg0, %c0_i32_0 : i32, i32, i32
  }
}

module attributes {stable_mosaic.version = 14 : i64} {
  func.func @_post_body(%arg0: i32, %arg1: memref<2000x64xf32, #tpu.memory_space<vmem>>, %arg2: memref<1x2000x32xf32, #tpu.memory_space<vmem>>, %arg3: memref<1x2000x32xf32, #tpu.memory_space<vmem>>, %arg4: memref<64x64xf32, #tpu.memory_space<vmem>>, %arg5: memref<1x64xf32, #tpu.memory_space<vmem>>, %arg6: memref<1x64xf32, #tpu.memory_space<vmem>>, %arg7: memref<1x64xf32, #tpu.memory_space<vmem>>, %arg8: memref<2000x64xf32, #tpu.memory_space<vmem>>) attributes {dimension_semantics = [#tpu.dimension_semantics<arbitrary>], iteration_bounds = array<i64: 25>, scalar_prefetch = 0 : i64, scratch_operands = 0 : i64, tpu.core_type = #tpu.core_type<tc>, window_params = [{transform_indices = @transform_0, window_bounds = array<i64: 2000, 64>}, {transform_indices = @transform_1, window_bounds = array<i64: 1, 2000, 32>}, {transform_indices = @transform_2, window_bounds = array<i64: 1, 2000, 32>}, {pipeline_mode = #tpu.pipeline_mode<synchronous>, transform_indices = @transform_3, window_bounds = array<i64: 64, 64>}, {pipeline_mode = #tpu.pipeline_mode<synchronous>, transform_indices = @transform_4, window_bounds = array<i64: 1, 64>}, {pipeline_mode = #tpu.pipeline_mode<synchronous>, transform_indices = @transform_5, window_bounds = array<i64: 1, 64>}, {pipeline_mode = #tpu.pipeline_mode<synchronous>, transform_indices = @transform_6, window_bounds = array<i64: 1, 64>}, {transform_indices = @transform_7, window_bounds = array<i64: 2000, 64>}]} {
    %get3A = arith.constant 0 : index
    %get3A_0 = arith.constant 0 : index
    %get3A_1 = vector.load %arg4[%get3A, %get3A_0] : memref<64x64xf32, #tpu.memory_space<vmem>>, vector<64x64xf32>
    %get3A_2 = arith.constant 0 : index
    %get3A_3 = arith.constant 0 : index
    %get3A_4 = arith.constant 0 : index
    %get3A_5 = vector.load %arg2[%get3A_2, %get3A_3, %get3A_4] : memref<1x2000x32xf32, #tpu.memory_space<vmem>>, vector<1x2000x32xf32>
    %get3A_6 = vector.shape_cast %get3A_5 : vector<1x2000x32xf32> to vector<2000x32xf32>
    %slice3A = vector.extract_strided_slice %get3A_1 {offsets = [0, 0], sizes = [32, 64], strides = [1, 1]} : vector<64x64xf32> to vector<32x64xf32>
    %dot_general3A = arith.constant dense<0.000000e+00> : vector<2000x64xf32>
    %dot_general3A_7 = tpu.matmul %get3A_6, %slice3A, %dot_general3A {dimension_numbers = #tpu.dot_dimension_numbers<[1], [0], [0], [1], [0, 0, 1, 1], [], []>, transpose_lhs_hint = false} : vector<2000x32xf32>, vector<32x64xf32>, vector<2000x64xf32> -> vector<2000x64xf32>
    %get3A_8 = arith.constant 0 : index
    %get3A_9 = arith.constant 0 : index
    %get3A_10 = arith.constant 0 : index
    %get3A_11 = vector.load %arg3[%get3A_8, %get3A_9, %get3A_10] : memref<1x2000x32xf32, #tpu.memory_space<vmem>>, vector<1x2000x32xf32>
    %get3A_12 = vector.shape_cast %get3A_11 : vector<1x2000x32xf32> to vector<2000x32xf32>
    %slice3A_13 = vector.extract_strided_slice %get3A_1 {offsets = [32, 0], sizes = [32, 64], strides = [1, 1]} : vector<64x64xf32> to vector<32x64xf32>
    %dot_general3A_14 = arith.constant dense<0.000000e+00> : vector<2000x64xf32>
    %dot_general3A_15 = tpu.matmul %get3A_12, %slice3A_13, %dot_general3A_14 {dimension_numbers = #tpu.dot_dimension_numbers<[1], [0], [0], [1], [0, 0, 1, 1], [], []>, transpose_lhs_hint = false} : vector<2000x32xf32>, vector<32x64xf32>, vector<2000x64xf32> -> vector<2000x64xf32>
    %add3A = arith.addf %dot_general3A_7, %dot_general3A_15 : vector<2000x64xf32>
    %get3A_16 = arith.constant 0 : index
    %get3A_17 = arith.constant 0 : index
    %get3A_18 = vector.load %arg5[%get3A_16, %get3A_17] : memref<1x64xf32, #tpu.memory_space<vmem>>, vector<1x64xf32>
    %add3A_19 = vector.broadcast %get3A_18 : vector<1x64xf32> to vector<2000x64xf32>
    %add3A_20 = arith.addf %add3A, %add3A_19 : vector<2000x64xf32>
    %get3A_21 = arith.constant 0 : index
    %get3A_22 = arith.constant 0 : index
    %get3A_23 = vector.load %arg1[%get3A_21, %get3A_22] : memref<2000x64xf32, #tpu.memory_space<vmem>>, vector<2000x64xf32>
    %add3A_24 = arith.addf %get3A_23, %add3A_20 : vector<2000x64xf32>
    %get3A_25 = arith.constant 0 : index
    %get3A_26 = arith.constant 0 : index
    %get3A_27 = vector.load %arg6[%get3A_25, %get3A_26] : memref<1x64xf32, #tpu.memory_space<vmem>>, vector<1x64xf32>
    %get3A_28 = arith.constant 0 : index
    %get3A_29 = arith.constant 0 : index
    %get3A_30 = vector.load %arg7[%get3A_28, %get3A_29] : memref<1x64xf32, #tpu.memory_space<vmem>>, vector<1x64xf32>
    %reduce_sum3A = arith.constant dense<0.000000e+00> : vector<2000xf32>
    %reduce_sum3A_31 = vector.multi_reduction <add>, %add3A_24, %reduce_sum3A [1] : vector<2000x64xf32> to vector<2000xf32>
    %broadcast_in_dim3A = vector.shape_cast %reduce_sum3A_31 : vector<2000xf32> to vector<2000x1xf32>
    %div3A = arith.constant 6.400000e+01 : f32
    %div3A_32 = vector.broadcast %div3A : f32 to vector<2000x1xf32>
    %div3A_33 = arith.divf %broadcast_in_dim3A, %div3A_32 : vector<2000x1xf32>
    %sub3A = vector.broadcast %div3A_33 : vector<2000x1xf32> to vector<2000x64xf32>
    %sub3A_34 = arith.subf %add3A_24, %sub3A : vector<2000x64xf32>
    %integer_pow3A = arith.mulf %sub3A_34, %sub3A_34 : vector<2000x64xf32>
    %reduce_sum3A_35 = arith.constant dense<0.000000e+00> : vector<2000xf32>
    %reduce_sum3A_36 = vector.multi_reduction <add>, %integer_pow3A, %reduce_sum3A_35 [1] : vector<2000x64xf32> to vector<2000xf32>
    %broadcast_in_dim3A_37 = vector.shape_cast %reduce_sum3A_36 : vector<2000xf32> to vector<2000x1xf32>
    %div3A_38 = arith.constant 6.400000e+01 : f32
    %div3A_39 = vector.broadcast %div3A_38 : f32 to vector<2000x1xf32>
    %div3A_40 = arith.divf %broadcast_in_dim3A_37, %div3A_39 : vector<2000x1xf32>
    %sub3A_41 = vector.broadcast %div3A_33 : vector<2000x1xf32> to vector<2000x64xf32>
    %sub3A_42 = arith.subf %add3A_24, %sub3A_41 : vector<2000x64xf32>
    %add3A_43 = arith.constant 9.99999974E-6 : f32
    %add3A_44 = vector.broadcast %add3A_43 : f32 to vector<2000x1xf32>
    %add3A_45 = arith.addf %div3A_40, %add3A_44 : vector<2000x1xf32>
    %sqrt3A = math.sqrt %add3A_45 : vector<2000x1xf32>
    %div3A_46 = vector.broadcast %sqrt3A : vector<2000x1xf32> to vector<2000x64xf32>
    %div3A_47 = arith.divf %sub3A_42, %div3A_46 : vector<2000x64xf32>
    %mul3A = vector.broadcast %get3A_27 : vector<1x64xf32> to vector<2000x64xf32>
    %mul3A_48 = arith.mulf %div3A_47, %mul3A : vector<2000x64xf32>
    %add3A_49 = vector.broadcast %get3A_30 : vector<1x64xf32> to vector<2000x64xf32>
    %add3A_50 = arith.addf %mul3A_48, %add3A_49 : vector<2000x64xf32>
    %swap3A = arith.constant 0 : index
    %swap3A_51 = arith.constant 0 : index
    %swap3A_52 = vector.load %arg8[%swap3A, %swap3A_51] : memref<2000x64xf32, #tpu.memory_space<vmem>>, vector<2000x64xf32>
    tpu.vector_store %arg8[%swap3A, %swap3A_51], %add3A_50 {strides = array<i32>} : memref<2000x64xf32, #tpu.memory_space<vmem>>, vector<2000x64xf32>,
    return
  }
  func.func @transform_0(%arg0: i32) -> (i32, i32) {
    %c0_i32 = arith.constant 0 : i32
    %c0_i32_0 = arith.constant 0 : i32
    return %arg0, %c0_i32 : i32, i32
  }
  func.func @transform_1(%arg0: i32) -> (i32, i32, i32) {
    %c0_i32 = arith.constant 0 : i32
    %c0_i32_0 = arith.constant 0 : i32
    %c0_i32_1 = arith.constant 0 : i32
    return %c0_i32, %arg0, %c0_i32_0 : i32, i32, i32
  }
  func.func @transform_2(%arg0: i32) -> (i32, i32, i32) {
    %c1_i32 = arith.constant 1 : i32
    %c0_i32 = arith.constant 0 : i32
    %c0_i32_0 = arith.constant 0 : i32
    return %c1_i32, %arg0, %c0_i32 : i32, i32, i32
  }
  func.func @transform_3(%arg0: i32) -> (i32, i32) {
    %c0_i32 = arith.constant 0 : i32
    %c0_i32_0 = arith.constant 0 : i32
    %c0_i32_1 = arith.constant 0 : i32
    return %c0_i32, %c0_i32_0 : i32, i32
  }
  func.func @transform_4(%arg0: i32) -> (i32, i32) {
    %c0_i32 = arith.constant 0 : i32
    %c0_i32_0 = arith.constant 0 : i32
    %c0_i32_1 = arith.constant 0 : i32
    return %c0_i32, %c0_i32_0 : i32, i32
  }
  func.func @transform_5(%arg0: i32) -> (i32, i32) {
    %c0_i32 = arith.constant 0 : i32
    %c0_i32_0 = arith.constant 0 : i32
    %c0_i32_1 = arith.constant 0 : i32
    return %c0_i32, %c0_i32_0 : i32, i32
  }
  func.func @transform_6(%arg0: i32) -> (i32, i32) {
    %c0_i32 = arith.constant 0 : i32
    %c0_i32_0 = arith.constant 0 : i32
    %c0_i32_1 = arith.constant 0 : i32
    return %c0_i32, %c0_i32_0 : i32, i32
  }
  func.func @transform_7(%arg0: i32) -> (i32, i32) {
    %c0_i32 = arith.constant 0 : i32
    %c0_i32_0 = arith.constant 0 : i32
    return %arg0, %c0_i32 : i32, i32
  }
}

</mosaic_0001>

<sc_bundles>
// kernel: kernel.6.cloned.1.call-start
scs
__scs_entry_jumppad:
0x0: {  	(pc) =	sbr.rel $0x88, $3  }
0x1: {  	(tag) =	ssettag $0x0;
	lr =	simm.s32 $0x1  }
0x2: {  	[smem:$0x3F94] =	sst lr;
	_ =	strace $0xD0000000  }
0x3: {  	_ = 	snop  }
0x4: {  	_ = 	snop  }
0x5: {  	_ = 	snop  }
0x6: {  	_ = 	snop  }
0x7: {  	_ = 	snop  }
__scs_overlays_trampoline_lowered:
0x8: {  	[smem:$0x3FA3] =	sst s0  }
0x9: {  	[smem:$0x3FA4] =	sst s1  }
0xa: {  	[smem:$0x3FA5] =	sst s2  }
0xb: {  	[smem:$0x3FA6] =	sst s3  }
0xc: {  	[smem:$0x3FA7] =	sst s4  }
0xd: {  	[smem:$0x3FA8] =	sst s5  }
0xe: {  	[smem:$0x3FA9] =	sst s6  }
0xf: {  	[smem:$0x3FAA] =	sst s7  }
0x10: {  	[smem:$0x3FAB] =	sst s8  }
0x11: {  	[smem:$0x3FAC] =	sst s9;
	s0 =	simm.s32 @!p0 $0x0  }
0x12: {  	s1 =	sld [smem:$0x3F92];
	s0 =	simm.s32 @p0 $0x1  }
0x13: {  	[smem:$0x3FAD] =	sst s0;
	s0 =	simm.s32 @!p1 $0x0  }
0x14: {  	s2 =	sld [smem:$0x3F91];
	s0 =	simm.s32 @p1 $0x1  }
0x15: {  	[smem:$0x3FAE] =	sst s0;
	s0 =	simm.s32 @!p2 $0x0  }
0x16: {  	s3 =	sld [smem:$0x3FDB];
	s0 =	simm.s32 @p2 $0x1  }
0x17: {  	s4 =	simm.s32 $0x1BF5;
	[smem:$0x3FB0] =	sst s0  }
0x18: {  	s0 =	sld [smem:$0x3F93];
	_ =	swait.ge [sflag:s4], $0x0  }
0x19: {  	s7 =	sld [smem:$0x3F94]  }
0x1a: {  	s8 =	sadd.s32 $0xFFFFE003, lr  }
0x1b: {  	s9 =	sadd.s32 $0xFFFFFEF7, lr;
	s5 =	simm.s32 $0xFFFFFFFF;
	p2 =	slt.u32 s8, $0xFFFFF086  }
0x1c: {  	p1 =	slt.u32 s9, $0xF7A;
	s5 =	simm.s32 @!p2 $0x0  }
0x1d: {  	s5 =	simm.s32 @p1 $0x1;
	p0 =	seq.s32 s7, s2  }
0x1e: {  	s7 =	smul.u32 @!p0 $0xF7A, s2;
	p2 =	seq.s32 @!p0 s5, $0x0  }
0x1f: {  	s9 =	smul.u32 $0xF7A, s1;
	s8 =	simm.s32 @!p0 $0x1BF5;
	p2 =	por !p2, p0  }
0x20: {  	[sflag:s8] =	ssyncset.s32 @!p0 $0xFFFFF086;
	s6 =	sadd.s32 @!p0 s3, s7;
	s7 =	simm.s32 @!p0 $0x108  }
0x21: {  	s3 =	sadd.s32 s3, s9;
	s6 =	sadd.s32 @!p0 $0x88, s6;
	s7 =	simm.s32 @p2 $0x1082  }
0x22: {  	[simem:s7], [sflag:s8] =	dma.local @!p0 [hbm:s6], $0xF7A  }
0x23: {  	s9 =	sor.u32 $0xD0000000, s2;
	s6 =	simm.s32 $0x108;
	_ =	swait.ge @!p0 [sflag:s8], $0x0  }
0x24: {  	s3 =	sadd.s32 $0x88, s3;
	s6 =	simm.s32 @!p1 $0x1082;
	[sflag:s4] =	ssyncset.s32 $0xFFFFF086  }
0x25: {  	[simem:s6], [sflag:s4] =	dma.local [hbm:s3], $0xF7A  }
0x26: {  	[smem:$0x3F94] =	sst s1;
	(tag) =	ssettag s2;
	_ =	strace s9  }
0x27: {  	s1 =	sld [smem:$0x3FA4]  }
0x28: {  	s2 =	sld [smem:$0x3FA5]  }
0x29: {  	s4 =	sld [smem:$0x3FA7]  }
0x2a: {  	p0 =	seq.s32 s5, $0x0;
	s5 =	sld [smem:$0x3FA8]  }
0x2b: {  	s6 =	sld [smem:$0x3FA9]  }
0x2c: {  	s7 =	sld [smem:$0x3FAA]  }
0x2d: {  	s3 =	simm.s32 $0x108;
	s8 =	sld [smem:$0x3FAB]  }
0x2e: {  	s3 =	simm.s32 @!p0 $0x1082;
	s9 =	sld [smem:$0x3FAC]  }
0x2f: {  	lr =	sadd.s32 s0, s3;
	s0 =	sld [smem:$0x3FA3]  }
0x30: {  	s3 =	sld [smem:$0x3FA6]  }
0x31: {  	[smem:$0x3FAF] =	sst s10  }
0x32: {  	s10 =	sld [smem:$0x3FAD];
	_ =	sdelay $0x3  }
0x33: {  	p0 =	seq.s32 s10, $0x1;
	s10 =	sld [smem:$0x3FAF];
	_ =	sdelay $0x3  }
0x34: {  	[smem:$0x3FAF] =	sst s10  }
0x35: {  	s10 =	sld [smem:$0x3FAE];
	_ =	sdelay $0x3  }
0x36: {  	p1 =	seq.s32 s10, $0x1;
	s10 =	sld [smem:$0x3FAF];
	_ =	sdelay $0x3  }
0x37: {  	[smem:$0x3FAF] =	sst s10  }
0x38: {  	s10 =	sld [smem:$0x3FB0]  }
0x39: {  	_ = 	snop;
	(pc) =	sbr.ind lr, $3  }
0x3a: {  	_ = 	snop  }
0x3b: {  	_ = 	snop  }
0x3c: {  	p2 =	seq.s32 s10, $0x1;
	s10 =	sld [smem:$0x3FAF]  }
0x3d: {  	_ =	shalt  }
0x3e: {  	_ =	shalt  }
0x3f: {  	_ =	shalt  }
0x40: {  	_ =	shalt  }
0x41: {  	_ =	shalt  }
0x42: {  	_ =	shalt  }
0x43: {  	_ =	shalt  }
0x44: {  	_ =	shalt  }
0x45: {  	_ =	shalt  }
0x46: {  	_ =	shalt  }
0x47: {  	_ =	shalt  }
0x48: {  	_ =	shalt  }
0x49: {  	_ =	shalt  }
0x4a: {  	_ =	shalt  }
0x4b: {  	_ =	shalt  }
0x4c: {  	_ =	shalt  }
0x4d: {  	_ =	shalt  }
0x4e: {  	_ =	shalt  }
0x4f: {  	_ =	shalt  }
0x50: {  	_ =	shalt  }
0x51: {  	_ =	shalt  }
0x52: {  	_ =	shalt  }
0x53: {  	_ =	shalt  }
0x54: {  	_ =	shalt  }
0x55: {  	_ =	shalt  }
0x56: {  	_ =	shalt  }
0x57: {  	_ =	shalt  }
0x58: {  	_ =	shalt  }
0x59: {  	_ =	shalt  }
0x5a: {  	_ =	shalt  }
0x5b: {  	_ =	shalt  }
0x5c: {  	_ =	shalt  }
0x5d: {  	_ =	shalt  }
0x5e: {  	_ =	shalt  }
0x5f: {  	_ =	shalt  }
0x60: {  	_ =	shalt  }
0x61: {  	_ =	shalt  }
0x62: {  	_ =	shalt  }
0x63: {  	_ =	shalt  }
0x64: {  	_ =	shalt  }
0x65: {  	_ =	shalt  }
0x66: {  	_ =	shalt  }
0x67: {  	_ =	shalt  }
0x68: {  	_ =	shalt  }
0x69: {  	_ =	shalt  }
0x6a: {  	_ =	shalt  }
0x6b: {  	_ =	shalt  }
0x6c: {  	_ =	shalt  }
0x6d: {  	_ =	shalt  }
0x6e: {  	_ =	shalt  }
0x6f: {  	_ =	shalt  }
0x70: {  	_ =	shalt  }
0x71: {  	_ =	shalt  }
0x72: {  	_ =	shalt  }
0x73: {  	_ =	shalt  }
0x74: {  	_ =	shalt  }
0x75: {  	_ =	shalt  }
0x76: {  	_ =	shalt  }
0x77: {  	_ =	shalt  }
0x78: {  	_ =	shalt  }
0x79: {  	_ =	shalt  }
0x7a: {  	_ =	shalt  }
0x7b: {  	_ =	shalt  }
0x7c: {  	_ =	shalt  }
0x7d: {  	_ =	shalt  }
0x7e: {  	_ =	shalt  }
0x7f: {  	_ =	shalt  }
0x80: {  	_ =	shalt  }
0x81: {  	_ =	shalt  }
0x82: {  	_ =	shalt  }
0x83: {  	_ =	shalt  }
0x84: {  	_ =	shalt  }
0x85: {  	_ =	shalt  }
0x86: {  	_ =	shalt  }
0x87: {  	_ =	shalt  }
.Lfunc_end0:
.L_simem_size_0:
called_computation_lowered:
.L_overlay_start_0:
0x88: {  	s2 =	sld [smem:$0x3FD9]  }
0x89: {  	s3 =	sld [smem:$0x3FFE];
	_ =	sdelay $0x1  }
0x8a: {  	s1 =	srdreg.scid  }
0x8b: {  	s0 =	sand.u32 $0x1, s1  }
0x8c: {  	s17 =	sshll.u32 s0, $0xA;
	s2 =	sadd.s32 s3, s2  }
0x8d: {  	s2 =	sadd.s32 s2, s17  }
0x8e: {  	[smem:$0x3FBB] =	sst s2  }
0x8f: {  	_ = 	snop  }
0x90: {  	s2 =	sld [smem:$0x3FD0];
	(tm) =	ssettm $0x1  }
0x91: {  	s18 =	sld [smem:$0x3FFB];
	_ =	sdelay $0x3  }
0x92: {  	_ =	strace s18  }
0x93: {  	s3 =	sld [smem:$0x3FFC];
	_ =	sdelay $0x3  }
0x94: {  	_ =	strace s3  }
0x95: {  	s3 =	sld [smem:$0x3FFD];
	_ =	sdelay $0x3  }
0x96: {  	_ =	strace s3  }
0x97: {  	_ =	strace $0x8FFFFFFF  }
0x98: {  	s19 =	sld [smem:$0x3FDB];
	_ =	sdelay $0x1  }
0x99: {  	s4 =	simm.s32 $_scs_section_size  }
0x9a: {  	s5 =	simm.s32 $_size__tile_overlayer_lowered;
	s6 =	simm.s32 $_tile_overlayer_lowered  }
0x9b: {  	s22 =	simm.s32 $0x1BFF;
	s21 =	sshll.u32 s6, $0x1;
	s3 =	sadd.s32 s4, s19  }
0x9c: {  	s7 =	simm.s32 $0x0;
	s20 =	sshll.u32 s5, $0x1;
	s5 =	sadd.s32 s21, s3  }
0x9d: {  	[timem:s7], [sflag:s22] =	dma.local [hbm:s5], s20  }
0x9e: {  	_ =	swait.ge [sflag:s22], s20  }
0x9f: {  	s4 =	ssub.s32 $0x0, s20;
	[sflag:s22] =	ssyncset.done $0x0  }
0xa0: {  	[sflag:s22] =	ssyncadd.s32 s4;
	_ =	sdelay $0x1  }
0xa1: {  	s23 =	simm.s32 $0x1B8B  }
0xa2: {  	_ =	swait.ge [sflag:s23], $0x1  }
0xa3: {  	[sflag:s23] =	ssyncset.done $0x0  }
0xa4: {  	s25 =	simm.s32 $0x1B8E;
	s24 =	sld [smem:$0x3FFE];
	[sflag:s23] =	ssyncadd.s32 $0xFFFFFFFF  }
0xa5: {  	s26 =	simm.s32 $execute0_lowered;
	[smem:$0x3FD2] =	sst s25  }
0xa6: {  	s5 =	sshll.u32 s26, $0x1;
	_ =	strace $0x80000046;
	[dreg:$0x1] =	wrdreg $0xFFFFFFFF  }
0xa7: {  	s28 =	simm.s32 $_size_execute0_lowered;
	s3 =	sadd.s32 s3, s5;
	[dreg:$0x0] =	wrdreg $0x0  }
0xa8: {  	s5 =	sshll.u32 s28, $0x1;
	[dreg:$0x2] =	wrdreg s3  }
0xa9: {  	[dreg:$0x3] =	wrdreg s5  }
0xaa: {  	[dreg:$0x4] =	wrdreg $0xC0  }
0xab: {  	_ =	task [dreg:s7], $0x5FFFF  }
0xac: {  	[dreg:$0x1] =	wrdreg $0xFFFFFFFF  }
0xad: {  	[dreg:$0x0] =	wrdreg $0x60  }
0xae: {  	[dreg:$0x2] =	wrdreg s2  }
0xaf: {  	[dreg:$0x3] =	wrdreg s24  }
0xb0: {  	[dreg:$0x4] =	wrdreg $0x73000  }
0xb1: {  	[dreg:$0x5] =	wrdreg $0x9  }
0xb2: {  	_ =	task.clear_ibuf [dreg:s7], $0x6FFFF;
	_ =	strace $0x90000046  }
0xb3: {  	s29 =	simm.s32 $0x9;
	_ =	strace $0x80000048  }
0xb4: {  	_ =	swait.ge [sflag:s29], $0x1  }
0xb5: {  	[sflag:s29] =	ssyncadd.s32 $0xFFFFFFFF  }
0xb6: {  	_ =	strace $0x90000048  }
0xb7: {  	_ =	sfence  }
0xb8: {  	s30 =	sld [smem:$0x0];
	_ =	sdelay $0x2  }
0xb9: {  	s31 =	sshll.u32 s1, $0xD;
	s1 =	sshrl.u32 s1, $0x2  }
0xba: {  	s3 =	sand.u32 $0x4000, s31;
	s1 =	sadd.s32 s1, s30  }
0xbb: {  	s0 =	sor.u32 s3, s0;
	s1 =	sshll.u32 s1, $0x11  }
0xbc: {  	s0 =	sor.u32 s1, s0  }
0xbd: {  	s0 =	sadd.s32 $0x8F2B, s0  }
0xbe: {  	[sflag:s0] =	ssyncadd.remote.s32 $0x1  }
0xbf: {  	_ =	sfence.sel $0xFFFF  }
0xc0: {  	[dreg:$0x0] =	wrdreg $0xFFFFFFFF;
	(pc) =	sbr.abs _section_cstart, $3  }
0xc1: {  	[dreg:$0x1] =	wrdreg $0xFFFFFFFF  }
0xc2: {  	_ =	task.clear_ibuf [dreg:s7], $0x2FFFF;
	_ =	strace $0x9FFFFFFF  }
0xc3: {  	(tm) =	ssettm $0x7FFFFFFF  }
tec
execute0_lowered:
.L_overlay_start_1:
0x0: {  	(tag) =	ssettag $0x1  }
0x1: {  	s1 =	rddreg [dreg:$0x0];
	s0 =	srdreg.scid  }
0x2: {  	s2 =	rddreg [dreg:$0x1];
	s4 =	stileid.u32  }
0x3: {  	s3 =	rddreg [dreg:$0x2];
	s9 =	smul.u32 $0x18700, s4  }
0x4: {  	s7 =	simm.s32 $0x0;
	s0 =	sand.u32 $0x1, s0;
	s11 =	smul.u32 $0x61C00, s4  }
0x5: {  	[smem:$0x7FF] =	sst s7;
	s5 =	smul.u32 $0x30E00, s0  }
0x6: {  	s23 =	smul.u32 $0x187000, s0;
	s26 =	ssub.s32 $0x2, s0;
	s29 =	sshrl.u32 s11, $0x2  }
0x7: {  	s13 =	smul.u32 $0xC380, s0;
	s28 =	sadd.s32 s9, s3;
	s0 =	sadd.s32 s29, s3  }
0x8: {  	_ =	strace $0x80000047;
	[dreg:$0x4] =	wrdreg s28;
	s14 =	sadd.s32 $0x1000, s0  }
0x9: {  	s15 =	sadd.s32 $0x2000, s0;
	[dreg:$0x5] =	wrdreg s14  }
0xa: {  	s16 =	sadd.s32 $0x3000, s0;
	[dreg:$0x6] =	wrdreg s15  }
0xb: {  	s17 =	sadd.s32 $0x4000, s0;
	[dreg:$0x7] =	wrdreg s16  }
0xc: {  	s18 =	sadd.s32 $0x5000, s0;
	[dreg:$0x8] =	wrdreg s17  }
0xd: {  	s19 =	sadd.s32 $0x6000, s0;
	[dreg:$0x9] =	wrdreg s18  }
0xe: {  	s30 =	simm.s32 $0x180;
	s20 =	sadd.s32 $0x7000, s0;
	[dreg:$0xa] =	wrdreg s19  }
0xf: {  	s6 =	smul.u32 $0x30E0, s4;
	s21 =	sadd.s32 $0x8000, s0;
	[dreg:$0xb] =	wrdreg s20  }
0x10: {  	s12 =	sshrl.u32 s26, $0x1;
	s22 =	sadd.s32 $0x9000, s0;
	[dreg:$0xc] =	wrdreg s21  }
0x11: {  	s25 =	sadd.s32 s9, s23;
	s23 =	sadd.s32 $0xA000, s0;
	[dreg:$0xd] =	wrdreg s22  }
0x12: {  	s8 =	sshrl.u32 s25, $0x3;
	s25 =	sadd.s32 $0xC000, s0;
	[dreg:$0xe] =	wrdreg s23  }
0x13: {  	s11 =	ssub.s32 s26, s12;
	s26 =	sadd.s32 $0xD000, s0;
	[dreg:$0x10] =	wrdreg s25  }
0x14: {  	s31 =	simm.s32 $0x280;
	s29 =	sadd.s32 $0xE000, s0;
	[dreg:$0x11] =	wrdreg s26  }
0x15: {  	s5 =	sadd.s32 s6, s5;
	s9 =	sadd.s32 $0xF000, s0;
	[dreg:$0x12] =	wrdreg s29  }
0x16: {  	s24 =	sshll.u32 s5, $0x4;
	s12 =	sadd.s32 $0x10000, s0;
	[dreg:$0x13] =	wrdreg s9  }
0x17: {  	s10 =	sadd.s32 s24, s2;
	s24 =	sadd.s32 $0xB000, s0;
	[dreg:$0x14] =	wrdreg s12  }
0x18: {  	s7 =	sadd.s32 $0x65400, s2;
	s14 =	sadd.s32 $0x11000, s0;
	[dreg:$0xf] =	wrdreg s24  }
0x19: {  	s6 =	sadd.s32 $0x7DC00, s2;
	s15 =	sadd.s32 $0x12000, s0;
	[dreg:$0x15] =	wrdreg s14  }
0x1a: {  	s5 =	sadd.s32 $0x3800, s2;
	s16 =	sadd.s32 $0x13000, s0;
	[dreg:$0x16] =	wrdreg s15  }
0x1b: {  	s2 =	sadd.s32 s8, s2;
	s17 =	sadd.s32 $0x14000, s0;
	[dreg:$0x17] =	wrdreg s16  }
0x1c: {  	s8 =	smul.u32 $0xC380, s4;
	s18 =	sadd.s32 $0x15000, s0;
	[dreg:$0x18] =	wrdreg s17  }
0x1d: {  	s19 =	sadd.s32 $0x16000, s0;
	s21 =	sadd.s32 $0x17000, s0;
	[dreg:$0x19] =	wrdreg s18  }
0x1e: {  	s0 =	sadd.s32 $0x18000, s0;
	s29 =	smax.u32 s11, $0x1;
	[dreg:$0x1a] =	wrdreg s19  }
0x1f: {  	s9 =	simm.s32 $0x8;
	s11 =	simm.s32 $0xA;
	[dreg:$0x1b] =	wrdreg s21  }
0x20: {  	s12 =	simm.s32 $0x0;
	[dreg:$0x1c] =	wrdreg s0;
	s16 =	sadd.s32 $0x498800, s10  }
0x21: {  	s26 =	sadd.s32 $0x96400, s2;
	[smem:$0x7FD] =	sst s29;
	s18 =	sadd.s32 $0x498A00, s10  }
0x22: {  	s21 =	simm.s32 $0xB;
	s2 =	simm.s32 $0x6;
	s14 =	simm.s32 $0x3  }
0x23: {  	s15 =	simm.s32 $0x4;
	s17 =	simm.s32 $0x5;
	s20 =	sshrl.u32 s8, $0x3  }
0x24: {  	s10 =	simm.s32 $0x9;
	[smem:$0x7FC] =	sst s26;
	s23 =	sadd.s32 s6, s20  }
0x25: {  	s19 =	sadd.s32 $0x180, s8;
	s24 =	sadd.s32 s7, s20;
	[dreg:$0x1d] =	wrdreg s23  }
0x26: {  	s22 =	sadd.s32 $0x10, s20;
	s20 =	simm.s32 $0x6300;
	[dreg:$0x1e] =	wrdreg s24  }
0x27: {  	s25 =	sadd.s32 s6, s22;
	s0 =	sadd.s32 s7, s22;
	s22 =	simm.s32 $0x100  }
0x28: {  	s23 =	simm.s32 $0x1;
	s24 =	simm.s32 $0x2;
	[dreg:$0x1f] =	wrdreg s25  }
0x29: {  	v1 =	vimm.f32 $0.0e+00;
	v0 =	vmov s13;
	[smem:$0x7FB] =	sst s0;
	s25 =	simm.s32 $0x80;
	s0 =	simm.s32 $0x7  }
.LBB2_1:
0x2a: {  	[smem:$0x7FA] =	sst s12;
	s12 =	simm.s32 $0x80;
	s13 =	simm.s32 $0x0  }
.LBB2_2:
0x2b: {  	p0 =	sne.s32 s12, $0x3F80;
	[tilespmem:s13+$0x6300] =	vst v1;
	s26 =	smov.u32 s12;
	s12 =	sadd.s32 $0x80, s12  }
.Ltmp0:
0x2c: {  	[tilespmem:s13+$0x6310] =	vst v1;
	(pc) =	sbr.rel @p0 .LBB2_2-.Ltmp0, $2  }
0x2d: {  	_ =	sdelay $0x2  }
0x2e: {  	s13 =	sshra.s32 s26, $0x2  }
0x2f: {  	[tilespmem:s13+$0x6300] =	vst v1  }
0x30: {  	[tilespmem:s13+$0x6310] =	vst v1  }
0x31: {  	[spmem:s28] =	stream.linear.scatter [tilespmem:s20], [sflag:$0xB], $0x1000, $0x38;
	[tilespmem:$0x1FA00] =	vst v63  }
0x32: {  	_ =	swait.ge [sflag:s21], $0x1000  }
0x33: {  	[sflag:s21] =	ssyncset.done $0x0  }
0x34: {  	s4 =	rddreg [dreg:$0x5];
	[sflag:s21] =	ssyncadd.s32 $0xFFFFF000  }
0x35: {  	[spmem:s4] =	stream.linear.scatter [tilespmem:s20], [sflag:$0xB], $0x1000, $0x38;
	[tilespmem:$0x1FA00] =	vst v63  }
0x36: {  	_ =	swait.ge [sflag:s21], $0x1000  }
0x37: {  	[sflag:s21] =	ssyncset.done $0x0  }
0x38: {  	s29 =	rddreg [dreg:$0x6];
	[sflag:s21] =	ssyncadd.s32 $0xFFFFF000  }
0x39: {  	[spmem:s29] =	stream.linear.scatter [tilespmem:s20], [sflag:$0xB], $0x1000, $0x38;
	[tilespmem:$0x1FA00] =	vst v63  }
0x3a: {  	_ =	swait.ge [sflag:s21], $0x1000  }
0x3b: {  	[sflag:s21] =	ssyncset.done $0x0  }
0x3c: {  	s12 =	rddreg [dreg:$0x7];
	[sflag:s21] =	ssyncadd.s32 $0xFFFFF000  }
0x3d: {  	[spmem:s12] =	stream.linear.scatter [tilespmem:s20], [sflag:$0xB], $0x1000, $0x38;
	[tilespmem:$0x1FA00] =	vst v63  }
0x3e: {  	_ =	swait.ge [sflag:s21], $0x1000  }
0x3f: {  	[sflag:s21] =	ssyncset.done $0x0  }
0x40: {  	s13 =	rddreg [dreg:$0x8];
	[sflag:s21] =	ssyncadd.s32 $0xFFFFF000  }
0x41: {  	[spmem:s13] =	stream.linear.scatter [tilespmem:s20], [sflag:$0xB], $0x1000, $0x38;
	[tilespmem:$0x1FA00] =	vst v63  }
0x42: {  	_ =	swait.ge [sflag:s21], $0x1000  }
0x43: {  	[sflag:s21] =	ssyncset.done $0x0  }
0x44: {  	s26 =	rddreg [dreg:$0x9];
	[sflag:s21] =	ssyncadd.s32 $0xFFFFF000  }
0x45: {  	[spmem:s26] =	stream.linear.scatter [tilespmem:s20], [sflag:$0xB], $0x1000, $0x38;
	[tilespmem:$0x1FA00] =	vst v63  }
0x46: {  	_ =	swait.ge [sflag:s21], $0x1000  }
0x47: {  	[sflag:s21] =	ssyncset.done $0x0  }
0x48: {  	s28 =	rddreg [dreg:$0xa];
	[sflag:s21] =	ssyncadd.s32 $0xFFFFF000  }
0x49: {  	[spmem:s28] =	stream.linear.scatter [tilespmem:s20], [sflag:$0xB], $0x1000, $0x38;
	[tilespmem:$0x1FA00] =	vst v63  }
0x4a: {  	_ =	swait.ge [sflag:s21], $0x1000  }
0x4b: {  	[sflag:s21] =	ssyncset.done $0x0  }
0x4c: {  	s29 =	rddreg [dreg:$0xb];
	[sflag:s21] =	ssyncadd.s32 $0xFFFFF000  }
0x4d: {  	[spmem:s29] =	stream.linear.scatter [tilespmem:s20], [sflag:$0xB], $0x1000, $0x38;
	[tilespmem:$0x1FA00] =	vst v63  }
0x4e: {  	_ =	swait.ge [sflag:s21], $0x1000  }
0x4f: {  	[sflag:s21] =	ssyncset.done $0x0  }
0x50: {  	s12 =	rddreg [dreg:$0xc];
	[sflag:s21] =	ssyncadd.s32 $0xFFFFF000  }
0x51: {  	[spmem:s12] =	stream.linear.scatter [tilespmem:s20], [sflag:$0xB], $0x1000, $0x38;
	[tilespmem:$0x1FA00] =	vst v63  }
0x52: {  	_ =	swait.ge [sflag:s21], $0x1000  }
0x53: {  	[sflag:s21] =	ssyncset.done $0x0  }
0x54: {  	s13 =	rddreg [dreg:$0xd];
	[sflag:s21] =	ssyncadd.s32 $0xFFFFF000  }
0x55: {  	[spmem:s13] =	stream.linear.scatter [tilespmem:s20], [sflag:$0xB], $0x1000, $0x38;
	[tilespmem:$0x1FA00] =	vst v63  }
0x56: {  	_ =	swait.ge [sflag:s21], $0x1000  }
0x57: {  	[sflag:s21] =	ssyncset.done $0x0  }
0x58: {  	s26 =	rddreg [dreg:$0xe];
	[sflag:s21] =	ssyncadd.s32 $0xFFFFF000  }
0x59: {  	[spmem:s26] =	stream.linear.scatter [tilespmem:s20], [sflag:$0xB], $0x1000, $0x38;
	[tilespmem:$0x1FA00] =	vst v63  }
0x5a: {  	_ =	swait.ge [sflag:s21], $0x1000  }
0x5b: {  	[sflag:s21] =	ssyncset.done $0x0  }
0x5c: {  	s28 =	rddreg [dreg:$0xf];
	[sflag:s21] =	ssyncadd.s32 $0xFFFFF000  }
0x5d: {  	[spmem:s28] =	stream.linear.scatter [tilespmem:s20], [sflag:$0xB], $0x1000, $0x38;
	[tilespmem:$0x1FA00] =	vst v63  }
0x5e: {  	_ =	swait.ge [sflag:s21], $0x1000  }
0x5f: {  	[sflag:s21] =	ssyncset.done $0x0  }
0x60: {  	s29 =	rddreg [dreg:$0x10];
	[sflag:s21] =	ssyncadd.s32 $0xFFFFF000  }
0x61: {  	[spmem:s29] =	stream.linear.scatter [tilespmem:s20], [sflag:$0xB], $0x1000, $0x38;
	[tilespmem:$0x1FA00] =	vst v63  }
0x62: {  	_ =	swait.ge [sflag:s21], $0x1000  }
0x63: {  	[sflag:s21] =	ssyncset.done $0x0  }
0x64: {  	s12 =	rddreg [dreg:$0x11];
	[sflag:s21] =	ssyncadd.s32 $0xFFFFF000  }
0x65: {  	[spmem:s12] =	stream.linear.scatter [tilespmem:s20], [sflag:$0xB], $0x1000, $0x38;
	[tilespmem:$0x1FA00] =	vst v63  }
0x66: {  	_ =	swait.ge [sflag:s21], $0x1000  }
0x67: {  	[sflag:s21] =	ssyncset.done $0x0  }
0x68: {  	s13 =	rddreg [dreg:$0x12];
	[sflag:s21] =	ssyncadd.s32 $0xFFFFF000  }
0x69: {  	[spmem:s13] =	stream.linear.scatter [tilespmem:s20], [sflag:$0xB], $0x1000, $0x38;
	[tilespmem:$0x1FA00] =	vst v63  }
0x6a: {  	_ =	swait.ge [sflag:s21], $0x1000  }
0x6b: {  	[sflag:s21] =	ssyncset.done $0x0  }
0x6c: {  	s26 =	rddreg [dreg:$0x13];
	[sflag:s21] =	ssyncadd.s32 $0xFFFFF000  }
0x6d: {  	[spmem:s26] =	stream.linear.scatter [tilespmem:s20], [sflag:$0xB], $0x1000, $0x38;
	[tilespmem:$0x1FA00] =	vst v63  }
0x6e: {  	_ =	swait.ge [sflag:s21], $0x1000  }
0x6f: {  	[sflag:s21] =	ssyncset.done $0x0  }
0x70: {  	s28 =	rddreg [dreg:$0x14];
	[sflag:s21] =	ssyncadd.s32 $0xFFFFF000  }
0x71: {  	[spmem:s28] =	stream.linear.scatter [tilespmem:s20], [sflag:$0xB], $0x1000, $0x38;
	[tilespmem:$0x1FA00] =	vst v63  }
0x72: {  	_ =	swait.ge [sflag:s21], $0x1000  }
0x73: {  	[sflag:s21] =	ssyncset.done $0x0  }
0x74: {  	s29 =	rddreg [dreg:$0x15];
	[sflag:s21] =	ssyncadd.s32 $0xFFFFF000  }
0x75: {  	[spmem:s29] =	stream.linear.scatter [tilespmem:s20], [sflag:$0xB], $0x1000, $0x38;
	[tilespmem:$0x1FA00] =	vst v63  }
0x76: {  	_ =	swait.ge [sflag:s21], $0x1000  }
0x77: {  	[sflag:s21] =	ssyncset.done $0x0  }
0x78: {  	s12 =	rddreg [dreg:$0x16];
	[sflag:s21] =	ssyncadd.s32 $0xFFFFF000  }
0x79: {  	[spmem:s12] =	stream.linear.scatter [tilespmem:s20], [sflag:$0xB], $0x1000, $0x38;
	[tilespmem:$0x1FA00] =	vst v63  }
0x7a: {  	_ =	swait.ge [sflag:s21], $0x1000  }
0x7b: {  	[sflag:s21] =	ssyncset.done $0x0  }
0x7c: {  	s13 =	rddreg [dreg:$0x17];
	[sflag:s21] =	ssyncadd.s32 $0xFFFFF000  }
0x7d: {  	[spmem:s13] =	stream.linear.scatter [tilespmem:s20], [sflag:$0xB], $0x1000, $0x38;
	[tilespmem:$0x1FA00] =	vst v63  }
0x7e: {  	_ =	swait.ge [sflag:s21], $0x1000  }
0x7f: {  	[sflag:s21] =	ssyncset.done $0x0  }
0x80: {  	s26 =	rddreg [dreg:$0x18];
	[sflag:s21] =	ssyncadd.s32 $0xFFFFF000  }
0x81: {  	[spmem:s26] =	stream.linear.scatter [tilespmem:s20], [sflag:$0xB], $0x1000, $0x38;
	[tilespmem:$0x1FA00] =	vst v63  }
0x82: {  	_ =	swait.ge [sflag:s21], $0x1000  }
0x83: {  	[sflag:s21] =	ssyncset.done $0x0  }
0x84: {  	s28 =	rddreg [dreg:$0x19];
	[sflag:s21] =	ssyncadd.s32 $0xFFFFF000  }
0x85: {  	[spmem:s28] =	stream.linear.scatter [tilespmem:s20], [sflag:$0xB], $0x1000, $0x38;
	[tilespmem:$0x1FA00] =	vst v63  }
0x86: {  	_ =	swait.ge [sflag:s21], $0x1000  }
0x87: {  	[sflag:s21] =	ssyncset.done $0x0  }
0x88: {  	s29 =	rddreg [dreg:$0x1a];
	[sflag:s21] =	ssyncadd.s32 $0xFFFFF000  }
0x89: {  	[spmem:s29] =	stream.linear.scatter [tilespmem:s20], [sflag:$0xB], $0x1000, $0x38;
	[tilespmem:$0x1FA00] =	vst v63  }
0x8a: {  	_ =	swait.ge [sflag:s21], $0x1000  }
0x8b: {  	[sflag:s21] =	ssyncset.done $0x0  }
0x8c: {  	s12 =	rddreg [dreg:$0x1b];
	[sflag:s21] =	ssyncadd.s32 $0xFFFFF000  }
0x8d: {  	[spmem:s12] =	stream.linear.scatter [tilespmem:s20], [sflag:$0xB], $0x1000, $0x38;
	[tilespmem:$0x1FA00] =	vst v63  }
0x8e: {  	_ =	swait.ge [sflag:s21], $0x1000  }
0x8f: {  	[sflag:s21] =	ssyncset.done $0x0  }
0x90: {  	s13 =	rddreg [dreg:$0x1c];
	[sflag:s21] =	ssyncadd.s32 $0xFFFFF000  }
0x91: {  	[spmem:s13] =	stream.linear.scatter [tilespmem:s20], [sflag:$0xB], $0x700, $0x38;
	[tilespmem:$0x1FA00] =	vst v63  }
0x92: {  	_ =	swait.ge [sflag:s21], $0x700  }
0x93: {  	[sflag:s21] =	ssyncset.done $0x0  }
0x94: {  	[sflag:s21] =	ssyncadd.s32 $0xFFFFF900  }
0x95: {  	[bflag:$0x0] =	sbarrier.arrive $0xFFFF  }
0x96: {  	s12 =	simm.s32 $0x0;
	s26 =	rddreg [dreg:$0x1d]  }
0x97: {  	[tilespmem:s12], [sflag:$0x1] =	stream.linear.gather [hbm4b:s26+s12], $0x80, $0x38;
	[tilespmem:$0x1FA00] =	vst v63  }
0x98: {  	s28 =	rddreg [dreg:$0x1e]  }
0x99: {  	[tilespmem:s22], [sflag:$0x2] =	stream.linear.gather [hbm4b:s28+s12], $0x80, $0x38;
	[tilespmem:$0x1FA00] =	vst v63  }
0x9a: {  	_ =	swait.ge [sflag:s23], $0x80  }
0x9b: {  	[sflag:s23] =	ssyncset.done $0x0  }
0x9c: {  	[sflag:s23] =	ssyncadd.s32 $0xFFFFFF80  }
0x9d: {  	_ =	swait.ge [sflag:s24], $0x80  }
0x9e: {  	[sflag:s24] =	ssyncset.done $0x0  }
0x9f: {  	[sflag:s24] =	ssyncadd.s32 $0xFFFFFF80  }
0xa0: {  	v2 =	vld [tilespmem:$0x0]  }
0xa1: {  	v3 =	vld [tilespmem:$0x100]  }
0xa2: {  	v4 =	vld [tilespmem:$0x10]  }
0xa3: {  	v5 =	vld [tilespmem:$0x110]  }
0xa4: {  	v6 =	vld [tilespmem:$0x20]  }
0xa5: {  	v7 =	vld [tilespmem:$0x120];
	v2 =	vadd.s32 v0, v2  }
0xa6: {  	[tilespmem:$0x0] =	vst v2;
	v2 =	vadd.s32 v0, v3;
	v3 =	vld [tilespmem:$0x30]  }
0xa7: {  	v56 =	vld [tilespmem:$0x130];
	[tilespmem:$0x80] =	vst v2;
	v2 =	vadd.s32 v0, v4  }
0xa8: {  	v57 =	vld [tilespmem:$0x40];
	[tilespmem:$0x10] =	vst v2;
	v2 =	vadd.s32 v0, v5  }
0xa9: {  	v58 =	vld [tilespmem:$0x140];
	[tilespmem:$0x90] =	vst v2;
	v2 =	vadd.s32 v0, v6  }
0xaa: {  	v59 =	vld [tilespmem:$0x50];
	[tilespmem:$0x20] =	vst v2;
	v2 =	vadd.s32 v0, v7  }
0xab: {  	[tilespmem:$0xA0] =	vst v2;
	v2 =	vadd.s32 v0, v3;
	v3 =	vld [tilespmem:$0x150]  }
0xac: {  	v60 =	vld [tilespmem:$0x60];
	[tilespmem:$0x30] =	vst v2;
	v2 =	vadd.s32 v0, v56  }
0xad: {  	v61 =	vld [tilespmem:$0x160];
	[tilespmem:$0xB0] =	vst v2;
	v2 =	vadd.s32 v0, v57  }
0xae: {  	v62 =	vld [tilespmem:$0x70];
	[tilespmem:$0x40] =	vst v2;
	v2 =	vadd.s32 v0, v58  }
0xaf: {  	v63 =	vld [tilespmem:$0x170];
	[tilespmem:$0xC0] =	vst v2;
	v2 =	vadd.s32 v0, v59  }
0xb0: {  	[tilespmem:$0x50] =	vst v2;
	v2 =	vadd.s32 v0, v3  }
0xb1: {  	[tilespmem:$0xD0] =	vst v2;
	v2 =	vadd.s32 v0, v60  }
0xb2: {  	[tilespmem:$0x60] =	vst v2;
	v2 =	vadd.s32 v0, v61  }
0xb3: {  	[tilespmem:$0xE0] =	vst v2;
	v2 =	vadd.s32 v0, v62  }
0xb4: {  	[tilespmem:$0x70] =	vst v2;
	v2 =	vadd.s32 v0, v63  }
0xb5: {  	s29 =	simm.s32 $0x300;
	[tilespmem:$0xF0] =	vst v2  }
0xb6: {  	[tilespmem:s29], [sflag:$0x3] =	stream.indirect.gather [hbm4b:s1+s25], $0x20, s12, s25, $0xb8;
	[tilespmem:$0x1FA00] =	vst v63  }
0xb7: {  	s13 =	simm.s32 $0x1300  }
0xb8: {  	[tilespmem:s13], [sflag:$0x4] =	stream.indirect.gather [hbm4b:s5+s25], $0x20, s25, s25, $0xb8;
	[tilespmem:$0x1FA00] =	vst v63  }
0xb9: {  	s26 =	simm.s32 $0x2300;
	s28 =	rddreg [dreg:$0x1f]  }
0xba: {  	[tilespmem:s26], [sflag:$0x5] =	stream.linear.gather [hbm4b:s16+s12], $0x1000, $0x38;
	[tilespmem:$0x1FA00] =	vst v63  }
0xbb: {  	s29 =	sld [smem:$0x7FB]  }
0xbc: {  	[tilespmem:s30], [sflag:$0x6] =	stream.linear.gather [hbm4b:s28+s12], $0x80, $0x38;
	[tilespmem:$0x1FA00] =	vst v63  }
0xbd: {  	s13 =	simm.s32 $0x0  }
0xbe: {  	[tilespmem:s31], [sflag:$0x7] =	stream.linear.gather [hbm4b:s29+s12], $0x80, $0x38;
	[tilespmem:$0x1FA00] =	vst v63  }
.LBB2_4:
0xbf: {  	_ =	swait.ge [sflag:s2], $0x80  }
0xc0: {  	[sflag:s2] =	ssyncset.done $0x0  }
0xc1: {  	[sflag:s2] =	ssyncadd.s32 $0xFFFFFF80  }
0xc2: {  	_ =	swait.ge [sflag:s0], $0x80  }
0xc3: {  	[sflag:s0] =	ssyncset.done $0x0  }
0xc4: {  	[sflag:s0] =	ssyncadd.s32 $0xFFFFFF80  }
0xc5: {  	v2 =	vld [tilespmem:$0x180]  }
0xc6: {  	v3 =	vld [tilespmem:$0x280]  }
0xc7: {  	v4 =	vld [tilespmem:$0x190]  }
0xc8: {  	v5 =	vld [tilespmem:$0x290]  }
0xc9: {  	v6 =	vld [tilespmem:$0x1A0]  }
0xca: {  	v7 =	vld [tilespmem:$0x2A0];
	v2 =	vadd.s32 v0, v2  }
0xcb: {  	[tilespmem:$0x180] =	vst v2;
	v2 =	vadd.s32 v0, v3;
	v3 =	vld [tilespmem:$0x1B0]  }
0xcc: {  	[tilespmem:$0x200] =	vst v2;
	v2 =	vadd.s32 v0, v4;
	v4 =	vld [tilespmem:$0x2B0]  }
0xcd: {  	[tilespmem:$0x190] =	vst v2;
	v2 =	vadd.s32 v0, v5;
	v5 =	vld [tilespmem:$0x1C0]  }
0xce: {  	[tilespmem:$0x210] =	vst v2;
	v2 =	vadd.s32 v0, v6;
	v6 =	vld [tilespmem:$0x2C0]  }
0xcf: {  	[tilespmem:$0x1A0] =	vst v2;
	v2 =	vadd.s32 v0, v7;
	v7 =	vld [tilespmem:$0x1D0]  }
0xd0: {  	[tilespmem:$0x220] =	vst v2;
	v2 =	vadd.s32 v0, v3;
	v3 =	vld [tilespmem:$0x2D0]  }
0xd1: {  	[tilespmem:$0x1B0] =	vst v2;
	v2 =	vadd.s32 v0, v4;
	v4 =	vld [tilespmem:$0x1E0]  }
0xd2: {  	[tilespmem:$0x230] =	vst v2;
	v2 =	vadd.s32 v0, v5;
	v5 =	vld [tilespmem:$0x2E0]  }
0xd3: {  	[tilespmem:$0x1C0] =	vst v2;
	v2 =	vadd.s32 v0, v6;
	v6 =	vld [tilespmem:$0x1F0]  }
0xd4: {  	[tilespmem:$0x240] =	vst v2;
	v2 =	vadd.s32 v0, v7;
	v7 =	vld [tilespmem:$0x2F0]  }
0xd5: {  	[tilespmem:$0x1D0] =	vst v2;
	v2 =	vadd.s32 v0, v3  }
0xd6: {  	[tilespmem:$0x250] =	vst v2;
	v2 =	vadd.s32 v0, v4  }
0xd7: {  	[tilespmem:$0x1E0] =	vst v2;
	v2 =	vadd.s32 v0, v5  }
0xd8: {  	[tilespmem:$0x260] =	vst v2;
	v2 =	vadd.s32 v0, v6  }
0xd9: {  	[tilespmem:$0x1F0] =	vst v2;
	v2 =	vadd.s32 v0, v7  }
0xda: {  	s4 =	simm.s32 $0x3300;
	[tilespmem:$0x270] =	vst v2  }
0xdb: {  	[tilespmem:s4], [sflag:$0x8] =	stream.indirect.gather [hbm4b:s1+s25], $0x20, s30, s25, $0xb8;
	[tilespmem:$0x1FA00] =	vst v63  }
0xdc: {  	s26 =	simm.s32 $0x200;
	s12 =	simm.s32 $0x4300  }
0xdd: {  	[tilespmem:s12], [sflag:$0x9] =	stream.indirect.gather [hbm4b:s5+s25], $0x20, s26, s25, $0xb8;
	[tilespmem:$0x1FA00] =	vst v63  }
0xde: {  	s26 =	sshll.u32 s13, $0xA  }
0xdf: {  	s4 =	simm.s32 $0x5300;
	s12 =	sadd.s32 s18, s26;
	s26 =	simm.s32 $0x0  }
0xe0: {  	[tilespmem:s4], [sflag:$0xA] =	stream.linear.gather [hbm4b:s12+s26], $0x1000, $0x38;
	[tilespmem:$0x1FA00] =	vst v63  }
0xe1: {  	_ =	swait.ge [sflag:s14], $0x1000  }
0xe2: {  	[sflag:s14] =	ssyncset.done $0x0  }
0xe3: {  	[sflag:s14] =	ssyncadd.s32 $0xFFFFF000  }
0xe4: {  	_ =	swait.ge [sflag:s15], $0x1000  }
0xe5: {  	[sflag:s15] =	ssyncset.done $0x0  }
0xe6: {  	[sflag:s15] =	ssyncadd.s32 $0xFFFFF000  }
0xe7: {  	_ =	swait.ge [sflag:s17], $0x1000  }
0xe8: {  	[sflag:s17] =	ssyncset.done $0x0  }
0xe9: {  	s26 =	simm.s32 $0x0;
	[sflag:s17] =	ssyncadd.s32 $0xFFFFF000  }
0xea: {  	v2 =	vld [tilespmem:s26+$0x2360]  }
0xeb: {  	v3 =	vld [tilespmem:s26+$0x2300]  }
0xec: {  	v4 =	vld [tilespmem:s26+$0x2370]  }
0xed: {  	v5 =	vld [tilespmem:s26+$0x1370]  }
0xee: {  	v6 =	vld [tilespmem:s26+$0x1340]  }
0xef: {  	v7 =	vld [tilespmem:s26+$0x1310]  }
0xf0: {  	v8 =	vld [tilespmem:s26+$0x1360]  }
0xf1: {  	v9 =	vld [tilespmem:s26+$0x370]  }
0xf2: {  	v10 =	vld [tilespmem:s26+$0x360]  }
0xf3: {  	v11 =	vld [tilespmem:s26+$0x1350]  }
0xf4: {  	v12 =	vld [tilespmem:s26+$0x340]  }
0xf5: {  	v13 =	vld [tilespmem:s26+$0x1300]  }
0xf6: {  	v14 =	vld [tilespmem:s26+$0x300]  }
0xf7: {  	v15 =	vld [tilespmem:s26+$0x310]  }
0xf8: {  	v16 =	vld [tilespmem:s26+$0x320]  }
0xf9: {  	v17 =	vld [tilespmem:s26+$0x2310]  }
0xfa: {  	v5 =	vadd.f32 v5, v9;
	v9 =	vld [tilespmem:s26+$0x1320]  }
0xfb: {  	v18 =	vld [tilespmem:s26+$0x350];
	v8 =	vadd.f32 v8, v10  }
0xfc: {  	v4 =	vadd.f32 v4, v5;
	v5 =	vadd.f32 v7, v15;
	v7 =	vld [tilespmem:s26+$0x2320]  }
0xfd: {  	v21 =	vadd.f32 v2, v8;
	v2 =	vadd.f32 v13, v14  }
0xfe: {  	v10 =	vld [tilespmem:s26+$0x2350];
	v6 =	vadd.f32 v6, v12;
	v24 =	vadd.f32 v17, v5  }
0xff: {  	v5 =	vmax.f32 v4, $-3.799999950e+00;
	v13 =	vadd.f32 v3, v2;
	v2 =	vadd.f32 v9, v16  }
0x100: {  	v3 =	vadd.f32 v11, v18;
	v14 =	vmin.f32 v5, $3.799999950e+00;
	v9 =	vld [tilespmem:s26+$0x2340];
	v5 =	vmax.f32 v24, $-3.799999950e+00  }
0x101: {  	v11 =	vmax.f32 v13, $-3.799999950e+00;
	v7 =	vadd.f32 v7, v2;
	v8 =	vmin.f32 v5, $3.799999950e+00  }
0x102: {  	v15 =	vmul.f32 v14, v14;
	v11 =	vmin.f32 v11, $3.799999950e+00;
	v5 =	vmul.f32 v8, v8  }
0x103: {  	v19 =	vld [tilespmem:s26+$0x330];
	v2 =	vadd.f32 v10, v3;
	v16 =	vmul.f32 v11, v11;
	v3 =	vmax.f32 v7, $-3.799999950e+00  }
0x104: {  	v10 =	vld [tilespmem:s26+$0x1330];
	v12 =	vmul.f32 $3.136572600e-08, v15;
	v17 =	vmul.f32 $3.136572600e-08, v5;
	v18 =	vmin.f32 v3, $3.799999950e+00  }
0x105: {  	v3 =	vmax.f32 v21, $-3.799999950e+00;
	v22 =	vmul.f32 $3.136572600e-08, v16;
	v9 =	vadd.f32 v9, v6  }
0x106: {  	v6 =	vadd.f32 $-2.007076770e-06, v12;
	v12 =	vmax.f32 v2, $-3.799999950e+00;
	v20 =	vmul.f32 v18, v18  }
0x107: {  	v26 =	vmin.f32 v12, $3.799999950e+00;
	v28 =	vmin.f32 v3, $3.799999950e+00  }
0x108: {  	v17 =	vadd.f32 $-2.007076770e-06, v17;
	v22 =	vadd.f32 $-2.007076770e-06, v22;
	v23 =	vmul.f32 $3.136572600e-08, v20  }
0x109: {  	v25 =	vmax.f32 v9, $-3.799999950e+00;
	v6 =	vmul.f32 v6, v15;
	v19 =	vadd.f32 v10, v19  }
0x10a: {  	v12 =	vld [tilespmem:s26+$0x2330];
	v27 =	vmul.f32 v26, v26;
	v17 =	vmul.f32 v17, v5;
	v23 =	vadd.f32 $-2.007076770e-06, v23  }
0x10b: {  	v10 =	vmin.f32 v25, $3.799999950e+00;
	v22 =	vmul.f32 v22, v16;
	v6 =	vadd.f32 $5.549060370e-05, v6  }
0x10c: {  	v32 =	vmul.f32 v10, v10;
	v3 =	vadd.f32 $5.549060370e-05, v17;
	v17 =	vmul.f32 v23, v20  }
0x10d: {  	v29 =	vmul.f32 v28, v28;
	v22 =	vadd.f32 $5.549060370e-05, v22;
	v6 =	vmul.f32 v6, v15  }
0x10e: {  	v31 =	vmul.f32 $3.136572600e-08, v32;
	v23 =	vmul.f32 v3, v5;
	v17 =	vadd.f32 $5.549060370e-05, v17  }
0x10f: {  	v22 =	vmul.f32 v22, v16;
	v3 =	vadd.f32 v12, v19;
	v12 =	vmul.f32 $3.136572600e-08, v29  }
0x110: {  	v6 =	vadd.f32 $-8.816570630e-04, v6;
	v36 =	vadd.f32 $-2.007076770e-06, v31;
	v17 =	vmul.f32 v17, v20  }
0x111: {  	v19 =	vadd.f32 $-8.816570630e-04, v23;
	v22 =	vadd.f32 $-8.816570630e-04, v22;
	v23 =	vmul.f32 $3.136572600e-08, v27  }
0x112: {  	v25 =	vadd.f32 $-2.007076770e-06, v12;
	v6 =	vmul.f32 v6, v15;
	v17 =	vadd.f32 $-8.816570630e-04, v17  }
0x113: {  	s28 =	simm.s32 $0x80;
	v30 =	vmax.f32 v3, $-3.799999950e+00;
	v36 =	vmul.f32 v36, v32;
	v22 =	vmul.f32 v22, v16  }
0x114: {  	v33 =	vld [tilespmem:s28+$0x2350];
	v30 =	vmin.f32 v30, $3.799999950e+00;
	v19 =	vmul.f32 v19, v5;
	v17 =	vmul.f32 v17, v20  }
0x115: {  	v34 =	vld [tilespmem:s28+$0x2340];
	v23 =	vadd.f32 $-2.007076770e-06, v23;
	v25 =	vmul.f32 v25, v29;
	v22 =	vadd.f32 $9.075118220e-03, v22  }
0x116: {  	v35 =	vld [tilespmem:s28+$0x2360];
	v31 =	vmul.f32 v30, v30;
	v6 =	vadd.f32 $9.075118220e-03, v6;
	v17 =	vadd.f32 $9.075118220e-03, v17  }
0x117: {  	v37 =	vld [tilespmem:s28+$0x2300];
	v36 =	vadd.f32 $5.549060370e-05, v36;
	v23 =	vmul.f32 v23, v27;
	v22 =	vmul.f32 v22, v16  }
0x118: {  	v38 =	vld [tilespmem:s28+$0x2370];
	v19 =	vadd.f32 $9.075118220e-03, v19;
	v6 =	vmul.f32 v6, v15;
	v17 =	vmul.f32 v17, v20  }
0x119: {  	v40 =	vmul.f32 $3.136572600e-08, v31;
	v23 =	vadd.f32 $5.549060370e-05, v23;
	v22 =	vadd.f32 $-6.518441440e-02, v22  }
0x11a: {  	v39 =	vld [tilespmem:s28+$0x1370];
	v36 =	vmul.f32 v36, v32;
	v6 =	vadd.f32 $-6.518441440e-02, v6;
	v17 =	vadd.f32 $-6.518441440e-02, v17  }
0x11b: {  	v41 =	vld [tilespmem:s28+$0x1310];
	v25 =	vadd.f32 $5.549060370e-05, v25;
	v23 =	vmul.f32 v23, v27;
	v16 =	vmul.f32 v22, v16  }
0x11c: {  	v42 =	vld [tilespmem:s28+$0x1330];
	v6 =	vmul.f32 v6, v15;
	v15 =	vadd.f32 $-8.816570630e-04, v36;
	v17 =	vmul.f32 v17, v20  }
0x11d: {  	v60 =	vld [tilespmem:s28+$0x360];
	v19 =	vmul.f32 v19, v5;
	v23 =	vadd.f32 $-8.816570630e-04, v23;
	v16 =	vadd.f32 $3.982834220e-01, v16  }
0x11e: {  	v43 =	vld [tilespmem:s28+$0x340];
	v40 =	vadd.f32 $-2.007076770e-06, v40;
	v15 =	vmul.f32 v15, v32;
	v17 =	vadd.f32 $3.982834220e-01, v17  }
0x11f: {  	v12 =	vld [tilespmem:s28+$0x2330];
	v6 =	vadd.f32 $3.982834220e-01, v6;
	v23 =	vmul.f32 v23, v27;
	v11 =	vmul.f32 v16, v11  }
0x120: {  	v40 =	vmul.f32 v40, v31;
	v22 =	vld [tilespmem:s28+$0x1340];
	v15 =	vadd.f32 $9.075118220e-03, v15;
	v17 =	vmul.f32 v17, v18  }
0x121: {  	v6 =	vmul.f32 v6, v14;
	v16 =	vld [tilespmem:s28+$0x370];
	v23 =	vadd.f32 $9.075118220e-03, v23;
	v11 =	vadd.f32 $5.000000000e-01, v11  }
0x122: {  	v40 =	vadd.f32 $5.549060370e-05, v40;
	v20 =	vld [tilespmem:s28+$0x1360];
	v15 =	vmul.f32 v15, v32;
	v17 =	vadd.f32 $5.000000000e-01, v17  }
0x123: {  	v14 =	vld [tilespmem:s28+$0x300];
	v6 =	vadd.f32 $5.000000000e-01, v6;
	v23 =	vmul.f32 v23, v27;
	v11 =	vmul.f32 v11, v13  }
0x124: {  	v40 =	vmul.f32 v40, v31;
	v15 =	vadd.f32 $-6.518441440e-02, v15;
	v13 =	vld [tilespmem:s28+$0x1300];
	v7 =	vmul.f32 v17, v7  }
0x125: {  	v6 =	vmul.f32 v6, v4;
	v18 =	vld [tilespmem:s28+$0x1350];
	[tilespmem:s26+$0x6300] =	vst v11;
	v11 =	vadd.f32 $-6.518441440e-02, v23;
	v17 =	vadd.f32 $-6.518441440e-02, v19  }
0x126: {  	v15 =	vmul.f32 v15, v32;
	v16 =	vadd.f32 v39, v16;
	v19 =	vadd.f32 $-8.816570630e-04, v40;
	v23 =	vld [tilespmem:s28+$0x350];
	[tilespmem:s26+$0x6320] =	vst v7  }
0x127: {  	v11 =	vmul.f32 v11, v27;
	v7 =	vmul.f32 v17, v5;
	v17 =	vadd.f32 v20, v60;
	v20 =	vld [tilespmem:s28+$0x310]  }
0x128: {  	v61 =	vmul.f32 v25, v29;
	v15 =	vadd.f32 $3.982834220e-01, v15;
	v5 =	vadd.f32 v38, v16;
	v16 =	vld [tilespmem:s28+$0x320]  }
0x129: {  	v62 =	vmul.f32 v19, v31;
	v19 =	vld [tilespmem:s28+$0x1320];
	[tilespmem:s26+$0x6370] =	vst v6;
	v6 =	vadd.f32 v13, v14;
	v63 =	vadd.f32 $3.982834220e-01, v11  }
0x12a: {  	v4 =	vadd.f32 v35, v17;
	v25 =	vadd.f32 $3.982834220e-01, v7;
	v17 =	vmax.f32 v5, $-3.799999950e+00  }
0x12b: {  	v7 =	vadd.f32 v22, v43;
	v52 =	vadd.f32 $9.075118220e-03, v62;
	v13 =	vmin.f32 v17, $3.799999950e+00  }
0x12c: {  	v22 =	vld [tilespmem:s28+$0x2310];
	v18 =	vadd.f32 v18, v23;
	v14 =	vadd.f32 v37, v6;
	v63 =	vmul.f32 v63, v26  }
0x12d: {  	v17 =	vmul.f32 v13, v13;
	v27 =	vmax.f32 v4, $-3.799999950e+00;
	v6 =	vadd.f32 v34, v7  }
0x12e: {  	v23 =	vld [tilespmem:s28+$0x2320];
	v46 =	vmul.f32 v25, v8;
	v25 =	vmul.f32 v15, v10;
	v18 =	vadd.f32 v33, v18  }
0x12f: {  	v45 =	vmax.f32 v14, $-3.799999950e+00;
	v33 =	vmul.f32 v52, v31;
	v11 =	vadd.f32 v41, v20  }
0x130: {  	v44 =	vld [tilespmem:s28+$0x330];
	v20 =	vmul.f32 $3.136572600e-08, v17;
	v16 =	vadd.f32 v19, v16;
	v25 =	vadd.f32 $5.000000000e-01, v25  }
0x131: {  	v34 =	vadd.f32 $5.000000000e-01, v46;
	v8 =	vmax.f32 v18, $-3.799999950e+00;
	v7 =	vadd.f32 v22, v11  }
0x132: {  	v33 =	vadd.f32 $-6.518441440e-02, v33;
	v11 =	vadd.f32 $-2.007076770e-06, v20;
	v20 =	vmin.f32 v45, $3.799999950e+00  }
0x133: {  	v22 =	vmax.f32 v6, $-3.799999950e+00;
	v16 =	vadd.f32 v23, v16;
	v19 =	vmax.f32 v7, $-3.799999950e+00  }
0x134: {  	v8 =	vmin.f32 v8, $3.799999950e+00;
	v11 =	vmul.f32 v11, v17;
	v10 =	vmin.f32 v19, $3.799999950e+00  }
0x135: {  	v23 =	vadd.f32 v42, v44;
	v51 =	vmul.f32 v25, v9;
	v19 =	vmul.f32 v10, v10  }
0x136: {  	v9 =	vmin.f32 v27, $3.799999950e+00;
	v47 =	vadd.f32 $5.549060370e-05, v11;
	v11 =	vmin.f32 v22, $3.799999950e+00  }
0x137: {  	v22 =	vadd.f32 v12, v23;
	v12 =	vadd.f32 $-8.816570630e-04, v61;
	v50 =	vmul.f32 $3.136572600e-08, v19  }
0x138: {  	v24 =	vmul.f32 v34, v24;
	v34 =	vadd.f32 $5.000000000e-01, v63;
	v25 =	vmul.f32 v20, v20  }
0x139: {  	v15 =	vmul.f32 v8, v8;
	v53 =	vmul.f32 v12, v29;
	v38 =	vadd.f32 $-2.007076770e-06, v50  }
0x13a: {  	v31 =	vmul.f32 v33, v31;
	v48 =	vmax.f32 v16, $-3.799999950e+00;
	v54 =	vmul.f32 $3.136572600e-08, v25  }
0x13b: {  	v23 =	vmin.f32 v48, $3.799999950e+00;
	v36 =	vadd.f32 $9.075118220e-03, v53;
	v38 =	vmul.f32 v38, v19  }
0x13c: {  	v49 =	vmul.f32 $3.136572600e-08, v15;
	v31 =	vadd.f32 $3.982834220e-01, v31;
	v27 =	vmul.f32 v23, v23  }
0x13d: {  	v40 =	vadd.f32 $-2.007076770e-06, v54;
	v36 =	vmul.f32 v36, v29;
	v38 =	vadd.f32 $5.549060370e-05, v38  }
0x13e: {  	v33 =	vadd.f32 $-2.007076770e-06, v49;
	v30 =	vmul.f32 v31, v30;
	v55 =	vmul.f32 $3.136572600e-08, v27  }
0x13f: {  	v12 =	vmul.f32 v9, v9;
	v36 =	vadd.f32 $-6.518441440e-02, v36;
	v38 =	vmul.f32 v38, v19  }
0x140: {  	v26 =	vmul.f32 v11, v11;
	v40 =	vmul.f32 v40, v25;
	v41 =	vadd.f32 $-2.007076770e-06, v55  }
0x141: {  	v56 =	vmul.f32 $3.136572600e-08, v12;
	v29 =	vmul.f32 v36, v29;
	v38 =	vadd.f32 $-8.816570630e-04, v38  }
0x142: {  	v32 =	vmul.f32 v47, v17;
	v40 =	vadd.f32 $5.549060370e-05, v40;
	v41 =	vmul.f32 v41, v27  }
0x143: {  	v42 =	vadd.f32 $-2.007076770e-06, v56;
	v29 =	vadd.f32 $3.982834220e-01, v29;
	v57 =	vmul.f32 v38, v19  }
0x144: {  	v37 =	vadd.f32 $5.000000000e-01, v30;
	v40 =	vmul.f32 v40, v25;
	v58 =	vadd.f32 $5.549060370e-05, v41  }
0x145: {  	v59 =	vmul.f32 v42, v12;
	v28 =	vmul.f32 v29, v28;
	v60 =	vadd.f32 $9.075118220e-03, v57  }
0x146: {  	v32 =	vadd.f32 $-8.816570630e-04, v32;
	v62 =	vadd.f32 $-8.816570630e-04, v40;
	v61 =	vmul.f32 v58, v27  }
0x147: {  	v38 =	vadd.f32 $5.549060370e-05, v59;
	v28 =	vadd.f32 $5.000000000e-01, v28;
	v29 =	vmul.f32 v60, v19  }
0x148: {  	[tilespmem:s26+$0x6340] =	vst v51;
	v32 =	vmul.f32 v32, v17;
	v35 =	vmul.f32 v62, v25;
	v36 =	vadd.f32 $-8.816570630e-04, v61  }
0x149: {  	s29 =	simm.s32 $0x400;
	[tilespmem:s26+$0x6310] =	vst v24;
	v24 =	vmul.f32 v38, v12;
	v28 =	vmul.f32 v28, v21;
	v29 =	vadd.f32 $-6.518441440e-02, v29  }
.LBB2_5:
0x14a: {  	v21 =	vmul.f32 v36, v27  }
0x14b: {  	s12 =	sshra.s32 s29, $0x2;
	p0 =	sne.s32 s29, $0x3E00;
	s29 =	sadd.s32 $0x200, s29;
	v31 =	vmax.f32 v22, $-3.799999950e+00;
	v33 =	vmul.f32 v33, v15;
	v35 =	vadd.f32 $9.075118220e-03, v35  }
0x14c: {  	v36 =	vmul.f32 $3.136572600e-08, v26;
	v32 =	vadd.f32 $9.075118220e-03, v32;
	v30 =	vld [tilespmem:s12+$0x2330];
	v37 =	vmul.f32 v37, v3;
	v3 =	vmovc v22  }
0x14d: {  	v22 =	vld [tilespmem:s12+$0x2350];
	v38 =	vadd.f32 $9.075118220e-03, v21;
	v21 =	vmin.f32 v31, $3.799999950e+00;
	v31 =	vmul.f32 v34, v2;
	[tilespmem:s26+$0x6360] =	vst v28;
	v2 =	vmovc v18  }
0x14e: {  	v34 =	vmul.f32 v35, v25;
	v35 =	vadd.f32 $-2.007076770e-06, v36;
	v33 =	vadd.f32 $5.549060370e-05, v33;
	v18 =	vld [tilespmem:s12+$0x2340];
	[tilespmem:s26+$0x6330] =	vst v37  }
0x14f: {  	v24 =	vadd.f32 $-8.816570630e-04, v24;
	v28 =	vmul.f32 v21, v21;
	v36 =	vld [tilespmem:s12+$0x2360];
	v37 =	vmul.f32 v38, v27;
	[tilespmem:s26+$0x6350] =	vst v31;
	s26 =	smov.u32 s28;
	s28 =	smov.u32 s12  }
0x150: {  	v31 =	vadd.f32 $-6.518441440e-02, v34;
	v34 =	vmul.f32 v35, v26;
	v33 =	vmul.f32 v33, v15;
	v38 =	vld [tilespmem:s28+$0x2300]  }
0x151: {  	v32 =	vmul.f32 v32, v17;
	v39 =	vmul.f32 $3.136572600e-08, v28;
	v35 =	vld [tilespmem:s28+$0x2370];
	v37 =	vadd.f32 $-6.518441440e-02, v37  }
0x152: {  	v25 =	vmul.f32 v31, v25;
	v31 =	vadd.f32 $5.549060370e-05, v34;
	v33 =	vadd.f32 $-8.816570630e-04, v33;
	v40 =	vld [tilespmem:s28+$0x1370]  }
0x153: {  	v32 =	vadd.f32 $-6.518441440e-02, v32;
	v34 =	vld [tilespmem:s28+$0x1340];
	v27 =	vmul.f32 v37, v27;
	v37 =	vadd.f32 $-2.007076770e-06, v39  }
0x154: {  	v25 =	vadd.f32 $3.982834220e-01, v25;
	v31 =	vmul.f32 v31, v26;
	v33 =	vmul.f32 v33, v15;
	v39 =	vld [tilespmem:s28+$0x1310]  }
0x155: {  	v17 =	vmul.f32 v32, v17;
	v41 =	vld [tilespmem:s28+$0x1360];
	v27 =	vadd.f32 $3.982834220e-01, v27;
	v37 =	vmul.f32 v37, v28  }
0x156: {  	v20 =	vmul.f32 v25, v20;
	v25 =	vadd.f32 $-8.816570630e-04, v31;
	v31 =	vadd.f32 $9.075118220e-03, v33;
	v32 =	vld [tilespmem:s28+$0x1330]  }
0x157: {  	v17 =	vadd.f32 $3.982834220e-01, v17;
	v33 =	vld [tilespmem:s28+$0x370];
	v23 =	vmul.f32 v27, v23;
	v27 =	vadd.f32 $5.549060370e-05, v37  }
0x158: {  	v20 =	vadd.f32 $5.000000000e-01, v20;
	v25 =	vmul.f32 v25, v26;
	v31 =	vmul.f32 v31, v15;
	v37 =	vld [tilespmem:s28+$0x360]  }
0x159: {  	v13 =	vmul.f32 v17, v13;
	v42 =	vld [tilespmem:s28+$0x1350];
	v23 =	vadd.f32 $5.000000000e-01, v23;
	v27 =	vmul.f32 v27, v28  }
0x15a: {  	v14 =	vmul.f32 v20, v14;
	v20 =	vadd.f32 $9.075118220e-03, v25;
	v25 =	vadd.f32 $-6.518441440e-02, v31;
	v17 =	vld [tilespmem:s28+$0x340]  }
0x15b: {  	v13 =	vadd.f32 $5.000000000e-01, v13;
	v43 =	vld [tilespmem:s28+$0x1300];
	v16 =	vmul.f32 v23, v16;
	v23 =	vadd.f32 $-8.816570630e-04, v27  }
0x15c: {  	v27 =	vld [tilespmem:s28+$0x300];
	v31 =	vadd.f32 v40, v33;
	[tilespmem:s26+$0x6300] =	vst v14;
	v14 =	vmul.f32 v29, v19;
	v19 =	vmul.f32 v20, v26  }
0x15d: {  	v15 =	vmul.f32 v25, v15;
	v20 =	vld [tilespmem:s28+$0x350];
	v29 =	vadd.f32 v41, v37;
	[tilespmem:s26+$0x6320] =	vst v16;
	v33 =	vmul.f32 v23, v28  }
0x15e: {  	v13 =	vmul.f32 v13, v5;
	v16 =	vld [tilespmem:s28+$0x310];
	v19 =	vadd.f32 $-6.518441440e-02, v19;
	v5 =	vadd.f32 v35, v31  }
0x15f: {  	v25 =	vadd.f32 $3.982834220e-01, v14;
	v23 =	vld [tilespmem:s28+$0x320];
	v31 =	vadd.f32 v36, v29  }
0x160: {  	v34 =	vadd.f32 v34, v17;
	v29 =	vld [tilespmem:s28+$0x1320];
	v14 =	vmax.f32 v5, $-3.799999950e+00;
	v19 =	vmul.f32 v19, v26;
	[tilespmem:s26+$0x6370] =	vst v13  }
0x161: {  	v26 =	vadd.f32 v43, v27;
	v27 =	vld [tilespmem:s28+$0x2310];
	v35 =	vmax.f32 v31, $-3.799999950e+00;
	v13 =	vmin.f32 v14, $3.799999950e+00  }
0x162: {  	v37 =	vadd.f32 $3.982834220e-01, v15;
	v20 =	vadd.f32 v42, v20;
	v17 =	vmul.f32 v13, v13  }
0x163: {  	v24 =	vmul.f32 v24, v12;
	v14 =	vadd.f32 v38, v26;
	v15 =	vadd.f32 v39, v16;
	v16 =	vld [tilespmem:s28+$0x2320]  }
0x164: {  	v34 =	vadd.f32 v18, v34;
	v26 =	vld [tilespmem:s28+$0x330];
	v18 =	vadd.f32 v22, v20;
	v20 =	vmul.f32 $3.136572600e-08, v17  }
0x165: {  	v19 =	vadd.f32 $3.982834220e-01, v19;
	v22 =	vmax.f32 v14, $-3.799999950e+00;
	v23 =	vadd.f32 v29, v23  }
0x166: {  	v36 =	vmul.f32 v25, v10;
	v29 =	vadd.f32 v27, v15;
	v15 =	vadd.f32 $-2.007076770e-06, v20  }
0x167: {  	v20 =	vmin.f32 v22, $3.799999950e+00;
	v22 =	vmax.f32 v34, $-3.799999950e+00;
	v10 =	vmax.f32 v18, $-3.799999950e+00  }
0x168: {  	v38 =	vmin.f32 v10, $3.799999950e+00;
	v16 =	vadd.f32 v16, v23;
	v23 =	vmul.f32 v15, v17  }
0x169: {  	v11 =	vmul.f32 v19, v11;
	v10 =	vmax.f32 v29, $-3.799999950e+00;
	v25 =	vadd.f32 v32, v26  }
0x16a: {  	v15 =	vmul.f32 v38, v38;
	v10 =	vmin.f32 v10, $3.799999950e+00;
	v23 =	vadd.f32 $5.549060370e-05, v23  }
0x16b: {  	v27 =	vadd.f32 $5.000000000e-01, v11;
	v19 =	vmul.f32 v10, v10;
	v26 =	vmax.f32 v16, $-3.799999950e+00  }
0x16c: {  	v11 =	vmin.f32 v22, $3.799999950e+00;
	v39 =	vmul.f32 $3.136572600e-08, v15;
	v23 =	vmul.f32 v23, v17  }
0x16d: {  	v27 =	vmul.f32 v27, v6;
	v6 =	vmovc v34;
	v22 =	vadd.f32 v30, v25;
	v32 =	vmul.f32 $3.136572600e-08, v19  }
0x16e: {  	v24 =	vadd.f32 $9.075118220e-03, v24;
	v25 =	vmul.f32 v20, v20;
	v30 =	vadd.f32 $-8.816570630e-04, v23  }
0x16f: {  	v32 =	vadd.f32 $-2.007076770e-06, v32;
	v23 =	vmin.f32 v26, $3.799999950e+00;
	v26 =	vmin.f32 v35, $3.799999950e+00;
	[tilespmem:s26+$0x6340] =	vst v27  }
0x170: {  	v24 =	vmul.f32 v24, v12;
	v33 =	vadd.f32 $9.075118220e-03, v33;
	v27 =	vmul.f32 v23, v23  }
0x171: {  	v35 =	vadd.f32 $5.000000000e-01, v36;
	v34 =	vmul.f32 v26, v26;
	v32 =	vmul.f32 v32, v19  }
0x172: {  	v24 =	vadd.f32 $-6.518441440e-02, v24;
	v33 =	vmul.f32 v33, v28;
	v36 =	vmul.f32 $3.136572600e-08, v25  }
0x173: {  	v40 =	vmul.f32 $3.136572600e-08, v27;
	v41 =	vmul.f32 $3.136572600e-08, v34;
	v32 =	vadd.f32 $5.549060370e-05, v32  }
0x174: {  	v24 =	vmul.f32 v24, v12;
	v33 =	vadd.f32 $-6.518441440e-02, v33;
	v36 =	vadd.f32 $-2.007076770e-06, v36  }
0x175: {  	v40 =	vadd.f32 $-2.007076770e-06, v40;
	v41 =	vadd.f32 $-2.007076770e-06, v41;
	v32 =	vmul.f32 v32, v19  }
0x176: {  	v24 =	vadd.f32 $3.982834220e-01, v24;
	v28 =	vmul.f32 v33, v28;
	v36 =	vmul.f32 v36, v25  }
0x177: {  	v40 =	vmul.f32 v40, v27;
	v42 =	vadd.f32 $-8.816570630e-04, v32;
	v32 =	vmul.f32 v30, v17  }
0x178: {  	v33 =	vadd.f32 $-2.007076770e-06, v39;
	v12 =	vmov v34;
	v30 =	vadd.f32 $5.549060370e-05, v36  }
0x179: {  	v39 =	vmul.f32 v41, v12;
	v36 =	vadd.f32 $5.549060370e-05, v40;
	v34 =	vmul.f32 v42, v19  }
0x17a: {  	v28 =	vadd.f32 $3.982834220e-01, v28;
	v35 =	vmul.f32 v35, v7;
	v7 =	vmovc v29;
	v30 =	vmul.f32 v30, v25  }
0x17b: {  	v39 =	vadd.f32 $5.549060370e-05, v39;
	v29 =	vadd.f32 $9.075118220e-03, v34;
	v34 =	vmul.f32 v36, v27  }
.Ltmp1:
0x17c: {  	v24 =	vmul.f32 v24, v9;
	v9 =	vmov v26;
	v30 =	vadd.f32 $-8.816570630e-04, v30;
	[tilespmem:s26+$0x6310] =	vst v35;
	(pc) =	sbr.rel @p0 .LBB2_5-.Ltmp1, $4  }
0x17d: {  	v26 =	vmul.f32 v29, v19;
	v36 =	vadd.f32 $-8.816570630e-04, v34;
	v34 =	vmul.f32 v37, v8;
	v8 =	vmovc v38  }
0x17e: {  	v21 =	vmul.f32 v28, v21;
	v28 =	vadd.f32 $5.000000000e-01, v24;
	v35 =	vmul.f32 v30, v25  }
0x17f: {  	v29 =	vadd.f32 $-6.518441440e-02, v26;
	v26 =	vmul.f32 v11, v11;
	v34 =	vadd.f32 $5.000000000e-01, v34  }
0x180: {  	v28 =	vmul.f32 v28, v4;
	v4 =	vmovc v31;
	v24 =	vmul.f32 v39, v12;
	v37 =	vadd.f32 $5.000000000e-01, v21  }
0x181: {  	v21 =	vmax.f32 v22, $-3.799999950e+00  }
0x182: {  	v21 =	vmin.f32 v21, $3.799999950e+00  }
0x183: {  	v30 =	vmul.f32 $3.136572600e-08, v26;
	v31 =	vmul.f32 v21, v21;
	_ =	sdelay $0x1  }
0x184: {  	v36 =	vmul.f32 v36, v27;
	v30 =	vadd.f32 $-2.007076770e-06, v30;
	v38 =	vmul.f32 $3.136572600e-08, v31  }
0x185: {  	v33 =	vmul.f32 v33, v15;
	v35 =	vadd.f32 $9.075118220e-03, v35;
	v2 =	vmul.f32 v34, v2  }
0x186: {  	v32 =	vadd.f32 $9.075118220e-03, v32;
	v30 =	vmul.f32 v30, v26;
	v47 =	vadd.f32 $-2.007076770e-06, v38  }
0x187: {  	v19 =	vmul.f32 v29, v19;
	v3 =	vmul.f32 v37, v3;
	v36 =	vadd.f32 $9.075118220e-03, v36  }
0x188: {  	v48 =	vmul.f32 v35, v25;
	v30 =	vadd.f32 $5.549060370e-05, v30;
	v50 =	vmul.f32 v47, v31  }
0x189: {  	v24 =	vadd.f32 $-8.816570630e-04, v24;
	v33 =	vadd.f32 $5.549060370e-05, v33;
	v49 =	vmul.f32 v36, v27  }
0x18a: {  	v34 =	vadd.f32 $-6.518441440e-02, v48;
	v30 =	vmul.f32 v30, v26;
	v36 =	vadd.f32 $5.549060370e-05, v50  }
0x18b: {  	v32 =	vmul.f32 v32, v17;
	v19 =	vadd.f32 $3.982834220e-01, v19;
	v24 =	vmul.f32 v24, v12  }
0x18c: {  	v25 =	vmul.f32 v34, v25;
	v30 =	vadd.f32 $-8.816570630e-04, v30;
	v51 =	vmul.f32 v36, v31  }
0x18d: {  	v33 =	vmul.f32 v33, v15;
	v32 =	vadd.f32 $-6.518441440e-02, v32;
	v35 =	vadd.f32 $-6.518441440e-02, v49  }
0x18e: {  	v25 =	vadd.f32 $3.982834220e-01, v25;
	v30 =	vmul.f32 v30, v26;
	v34 =	vadd.f32 $-8.816570630e-04, v51  }
0x18f: {  	v24 =	vadd.f32 $9.075118220e-03, v24;
	v33 =	vadd.f32 $-8.816570630e-04, v33;
	v27 =	vmul.f32 v35, v27  }
0x190: {  	v20 =	vmul.f32 v25, v20;
	v30 =	vadd.f32 $9.075118220e-03, v30;
	v25 =	vmul.f32 v34, v31  }
0x191: {  	v17 =	vmul.f32 v32, v17;
	v33 =	vmul.f32 v33, v15;
	v27 =	vadd.f32 $3.982834220e-01, v27  }
0x192: {  	v24 =	vmul.f32 v24, v12;
	v30 =	vmul.f32 v30, v26;
	v25 =	vadd.f32 $9.075118220e-03, v25  }
0x193: {  	v17 =	vadd.f32 $3.982834220e-01, v17;
	v52 =	vadd.f32 $9.075118220e-03, v33;
	v23 =	vmul.f32 v27, v23  }
0x194: {  	v20 =	vadd.f32 $5.000000000e-01, v20;
	v27 =	vadd.f32 $-6.518441440e-02, v30;
	v25 =	vmul.f32 v25, v31  }
0x195: {  	v24 =	vadd.f32 $-6.518441440e-02, v24;
	v13 =	vmul.f32 v17, v13;
	v30 =	vmul.f32 v52, v15  }
0x196: {  	v14 =	vmul.f32 v20, v14;
	v17 =	vmul.f32 v27, v26;
	v20 =	vadd.f32 $-6.518441440e-02, v25  }
0x197: {  	v10 =	vmul.f32 v19, v10;
	v12 =	vmul.f32 v24, v12;
	v25 =	vadd.f32 $-6.518441440e-02, v30  }
0x198: {  	[tilespmem:s26+$0x6330] =	vst v3;
	v3 =	vadd.f32 $5.000000000e-01, v13;
	v17 =	vadd.f32 $3.982834220e-01, v17;
	v20 =	vmul.f32 v20, v31  }
0x199: {  	v12 =	vadd.f32 $3.982834220e-01, v12;
	v23 =	vadd.f32 $5.000000000e-01, v23;
	v15 =	vmul.f32 v25, v15  }
0x19a: {  	[tilespmem:s26+$0x6360] =	vst v28;
	v3 =	vmul.f32 v3, v5;
	v11 =	vmul.f32 v17, v11;
	v13 =	vadd.f32 $3.982834220e-01, v20  }
0x19b: {  	[tilespmem:s26+$0x6350] =	vst v2;
	v5 =	vadd.f32 $5.000000000e-01, v10;
	v9 =	vmul.f32 v12, v9;
	v2 =	vadd.f32 $3.982834220e-01, v15  }
0x19c: {  	v16 =	vmul.f32 v23, v16;
	[tilespmem:s28+$0x6300] =	vst v14;
	v11 =	vadd.f32 $5.000000000e-01, v11;
	v10 =	vmul.f32 v13, v21  }
0x19d: {  	[tilespmem:s28+$0x6370] =	vst v3;
	v3 =	vmul.f32 v5, v7;
	v2 =	vmul.f32 v2, v8;
	v8 =	vadd.f32 $5.000000000e-01, v9  }
0x19e: {  	[tilespmem:s28+$0x6320] =	vst v16;
	v6 =	vmul.f32 v11, v6;
	v5 =	vadd.f32 $5.000000000e-01, v10  }
0x19f: {  	[tilespmem:s28+$0x6310] =	vst v3;
	v2 =	vadd.f32 $5.000000000e-01, v2;
	v4 =	vmul.f32 v8, v4  }
0x1a0: {  	[tilespmem:s28+$0x6340] =	vst v6;
	v3 =	vmul.f32 v5, v22  }
0x1a1: {  	s26 =	sshll.u32 s13, $0x1;
	v2 =	vmul.f32 v2, v18;
	[tilespmem:s28+$0x6360] =	vst v4  }
0x1a2: {  	s12 =	sadd.s32 $0x2, s26;
	[tilespmem:s28+$0x6330] =	vst v3  }
0x1a3: {  	[tilespmem:s28+$0x6350] =	vst v2;
	s28 =	sshll.u32 s12, $0x7  }
0x1a4: {  	[spmem:s3] =	stream.indirect.scatter.add.f32 [tilespmem:s20], [sflag:$0xB], $0x20, s22, s25, $0xb8;
	[tilespmem:$0x1FA00] =	vst v63  }
0x1a5: {  	s28 =	sadd.s32 s8, s28;
	_ =	swait.ge [sflag:s21], $0x1000  }
0x1a6: {  	s28 =	sshrl.u32 s28, $0x3;
	[sflag:s21] =	ssyncset.done $0x0  }
0x1a7: {  	s4 =	simm.s32 $0x0;
	s29 =	sadd.s32 s6, s28;
	[sflag:s21] =	ssyncadd.s32 $0xFFFFF000  }
0x1a8: {  	[tilespmem:s4], [sflag:$0x1] =	stream.linear.gather [hbm4b:s29+s4], $0x80, $0x38;
	[tilespmem:$0x1FA00] =	vst v63  }
0x1a9: {  	s28 =	sadd.s32 s7, s28  }
0x1aa: {  	[tilespmem:s22], [sflag:$0x2] =	stream.linear.gather [hbm4b:s28+s4], $0x80, $0x38;
	[tilespmem:$0x1FA00] =	vst v63  }
0x1ab: {  	_ =	swait.ge [sflag:s23], $0x80  }
0x1ac: {  	[sflag:s23] =	ssyncset.done $0x0  }
0x1ad: {  	[sflag:s23] =	ssyncadd.s32 $0xFFFFFF80  }
0x1ae: {  	_ =	swait.ge [sflag:s24], $0x80  }
0x1af: {  	[sflag:s24] =	ssyncset.done $0x0  }
0x1b0: {  	[sflag:s24] =	ssyncadd.s32 $0xFFFFFF80  }
0x1b1: {  	v2 =	vld [tilespmem:$0x0]  }
0x1b2: {  	v3 =	vld [tilespmem:$0x100]  }
0x1b3: {  	v4 =	vld [tilespmem:$0x10]  }
0x1b4: {  	v5 =	vld [tilespmem:$0x110]  }
0x1b5: {  	v6 =	vld [tilespmem:$0x20]  }
0x1b6: {  	v7 =	vld [tilespmem:$0x120];
	v2 =	vadd.s32 v0, v2  }
0x1b7: {  	[tilespmem:$0x0] =	vst v2;
	v2 =	vadd.s32 v0, v3;
	v3 =	vld [tilespmem:$0x30]  }
0x1b8: {  	[tilespmem:$0x80] =	vst v2;
	v2 =	vadd.s32 v0, v4;
	v4 =	vld [tilespmem:$0x130]  }
0x1b9: {  	[tilespmem:$0x10] =	vst v2;
	v2 =	vadd.s32 v0, v5;
	v5 =	vld [tilespmem:$0x40]  }
0x1ba: {  	[tilespmem:$0x90] =	vst v2;
	v2 =	vadd.s32 v0, v6;
	v6 =	vld [tilespmem:$0x140]  }
0x1bb: {  	[tilespmem:$0x20] =	vst v2;
	v2 =	vadd.s32 v0, v7;
	v7 =	vld [tilespmem:$0x50]  }
0x1bc: {  	[tilespmem:$0xA0] =	vst v2;
	v2 =	vadd.s32 v0, v3;
	v3 =	vld [tilespmem:$0x150]  }
0x1bd: {  	[tilespmem:$0x30] =	vst v2;
	v2 =	vadd.s32 v0, v4;
	v4 =	vld [tilespmem:$0x60]  }
0x1be: {  	[tilespmem:$0xB0] =	vst v2;
	v2 =	vadd.s32 v0, v5;
	v5 =	vld [tilespmem:$0x160]  }
0x1bf: {  	[tilespmem:$0x40] =	vst v2;
	v2 =	vadd.s32 v0, v6;
	v6 =	vld [tilespmem:$0x70]  }
0x1c0: {  	[tilespmem:$0xC0] =	vst v2;
	v2 =	vadd.s32 v0, v7;
	v7 =	vld [tilespmem:$0x170]  }
0x1c1: {  	[tilespmem:$0x50] =	vst v2;
	v2 =	vadd.s32 v0, v3  }
0x1c2: {  	[tilespmem:$0xD0] =	vst v2;
	v2 =	vadd.s32 v0, v4  }
0x1c3: {  	[tilespmem:$0x60] =	vst v2;
	v2 =	vadd.s32 v0, v5  }
0x1c4: {  	[tilespmem:$0xE0] =	vst v2;
	v2 =	vadd.s32 v0, v6  }
0x1c5: {  	[tilespmem:$0x70] =	vst v2;
	v2 =	vadd.s32 v0, v7  }
0x1c6: {  	s28 =	simm.s32 $0x300;
	[tilespmem:$0xF0] =	vst v2  }
0x1c7: {  	[tilespmem:s28], [sflag:$0x3] =	stream.indirect.gather [hbm4b:s1+s25], $0x20, s4, s25, $0xb8;
	[tilespmem:$0x1FA00] =	vst v63  }
0x1c8: {  	s12 =	sshll.u32 s12, $0x9;
	s28 =	simm.s32 $0x1300  }
0x1c9: {  	[tilespmem:s28], [sflag:$0x4] =	stream.indirect.gather [hbm4b:s5+s25], $0x20, s25, s25, $0xb8;
	[tilespmem:$0x1FA00] =	vst v63  }
0x1ca: {  	s12 =	sadd.s32 s12, s16;
	s28 =	simm.s32 $0x2300  }
0x1cb: {  	[tilespmem:s28], [sflag:$0x5] =	stream.linear.gather [hbm4b:s12+s4], $0x1000, $0x38;
	[tilespmem:$0x1FA00] =	vst v63  }
0x1cc: {  	_ =	swait.ge [sflag:s9], $0x1000  }
0x1cd: {  	[sflag:s9] =	ssyncset.done $0x0  }
0x1ce: {  	[sflag:s9] =	ssyncadd.s32 $0xFFFFF000  }
0x1cf: {  	_ =	swait.ge [sflag:s10], $0x1000  }
0x1d0: {  	[sflag:s10] =	ssyncset.done $0x0  }
0x1d1: {  	[sflag:s10] =	ssyncadd.s32 $0xFFFFF000  }
0x1d2: {  	_ =	swait.ge [sflag:s11], $0x1000  }
0x1d3: {  	[sflag:s11] =	ssyncset.done $0x0  }
0x1d4: {  	s28 =	simm.s32 $0x0;
	[sflag:s11] =	ssyncadd.s32 $0xFFFFF000  }
0x1d5: {  	v2 =	vld [tilespmem:s28+$0x5360]  }
0x1d6: {  	v3 =	vld [tilespmem:s28+$0x5300]  }
0x1d7: {  	v4 =	vld [tilespmem:s28+$0x5370]  }
0x1d8: {  	v5 =	vld [tilespmem:s28+$0x4370]  }
0x1d9: {  	v6 =	vld [tilespmem:s28+$0x4340]  }
0x1da: {  	v7 =	vld [tilespmem:s28+$0x4310]  }
0x1db: {  	v8 =	vld [tilespmem:s28+$0x4360]  }
0x1dc: {  	v9 =	vld [tilespmem:s28+$0x3370]  }
0x1dd: {  	v10 =	vld [tilespmem:s28+$0x3360]  }
0x1de: {  	v11 =	vld [tilespmem:s28+$0x4350]  }
0x1df: {  	v12 =	vld [tilespmem:s28+$0x3340]  }
0x1e0: {  	v13 =	vld [tilespmem:s28+$0x4300]  }
0x1e1: {  	v14 =	vld [tilespmem:s28+$0x3300]  }
0x1e2: {  	v15 =	vld [tilespmem:s28+$0x3310]  }
0x1e3: {  	v16 =	vld [tilespmem:s28+$0x3320]  }
0x1e4: {  	v17 =	vld [tilespmem:s28+$0x5310]  }
0x1e5: {  	v5 =	vadd.f32 v5, v9;
	v9 =	vld [tilespmem:s28+$0x4320]  }
0x1e6: {  	v18 =	vld [tilespmem:s28+$0x3350];
	v8 =	vadd.f32 v8, v10  }
0x1e7: {  	v4 =	vadd.f32 v4, v5;
	v5 =	vadd.f32 v7, v15;
	v7 =	vld [tilespmem:s28+$0x5320]  }
0x1e8: {  	v21 =	vadd.f32 v2, v8;
	v2 =	vadd.f32 v13, v14  }
0x1e9: {  	v10 =	vld [tilespmem:s28+$0x5350];
	v6 =	vadd.f32 v6, v12;
	v24 =	vadd.f32 v17, v5  }
0x1ea: {  	v5 =	vmax.f32 v4, $-3.799999950e+00;
	v13 =	vadd.f32 v3, v2;
	v2 =	vadd.f32 v9, v16  }
0x1eb: {  	v3 =	vadd.f32 v11, v18;
	v14 =	vmin.f32 v5, $3.799999950e+00;
	v9 =	vld [tilespmem:s28+$0x5340];
	v5 =	vmax.f32 v24, $-3.799999950e+00  }
0x1ec: {  	v11 =	vmax.f32 v13, $-3.799999950e+00;
	v7 =	vadd.f32 v7, v2;
	v8 =	vmin.f32 v5, $3.799999950e+00  }
0x1ed: {  	v15 =	vmul.f32 v14, v14;
	v11 =	vmin.f32 v11, $3.799999950e+00;
	v5 =	vmul.f32 v8, v8  }
0x1ee: {  	v19 =	vld [tilespmem:s28+$0x3330];
	v2 =	vadd.f32 v10, v3;
	v16 =	vmul.f32 v11, v11;
	v3 =	vmax.f32 v7, $-3.799999950e+00  }
0x1ef: {  	v10 =	vld [tilespmem:s28+$0x4330];
	v12 =	vmul.f32 $3.136572600e-08, v15;
	v17 =	vmul.f32 $3.136572600e-08, v5;
	v18 =	vmin.f32 v3, $3.799999950e+00  }
0x1f0: {  	v3 =	vmax.f32 v21, $-3.799999950e+00;
	v22 =	vmul.f32 $3.136572600e-08, v16;
	v9 =	vadd.f32 v9, v6  }
0x1f1: {  	v6 =	vadd.f32 $-2.007076770e-06, v12;
	v12 =	vmax.f32 v2, $-3.799999950e+00;
	v20 =	vmul.f32 v18, v18  }
0x1f2: {  	v26 =	vmin.f32 v12, $3.799999950e+00;
	v28 =	vmin.f32 v3, $3.799999950e+00  }
0x1f3: {  	v17 =	vadd.f32 $-2.007076770e-06, v17;
	v22 =	vadd.f32 $-2.007076770e-06, v22;
	v23 =	vmul.f32 $3.136572600e-08, v20  }
0x1f4: {  	v25 =	vmax.f32 v9, $-3.799999950e+00;
	v6 =	vmul.f32 v6, v15;
	v19 =	vadd.f32 v10, v19  }
0x1f5: {  	v12 =	vld [tilespmem:s28+$0x5330];
	v27 =	vmul.f32 v26, v26;
	v17 =	vmul.f32 v17, v5;
	v23 =	vadd.f32 $-2.007076770e-06, v23  }
0x1f6: {  	v10 =	vmin.f32 v25, $3.799999950e+00;
	v22 =	vmul.f32 v22, v16;
	v6 =	vadd.f32 $5.549060370e-05, v6  }
0x1f7: {  	v53 =	vmul.f32 v10, v10;
	v3 =	vadd.f32 $5.549060370e-05, v17;
	v17 =	vmul.f32 v23, v20  }
0x1f8: {  	v29 =	vmul.f32 v28, v28;
	v22 =	vadd.f32 $5.549060370e-05, v22;
	v6 =	vmul.f32 v6, v15  }
0x1f9: {  	v31 =	vmul.f32 $3.136572600e-08, v53;
	v23 =	vmul.f32 v3, v5;
	v17 =	vadd.f32 $5.549060370e-05, v17  }
0x1fa: {  	v22 =	vmul.f32 v22, v16;
	v3 =	vadd.f32 v12, v19;
	v12 =	vmul.f32 $3.136572600e-08, v29  }
0x1fb: {  	v6 =	vadd.f32 $-8.816570630e-04, v6;
	v57 =	vadd.f32 $-2.007076770e-06, v31;
	v17 =	vmul.f32 v17, v20  }
0x1fc: {  	v19 =	vadd.f32 $-8.816570630e-04, v23;
	v22 =	vadd.f32 $-8.816570630e-04, v22;
	v23 =	vmul.f32 $3.136572600e-08, v27  }
0x1fd: {  	v25 =	vadd.f32 $-2.007076770e-06, v12;
	v6 =	vmul.f32 v6, v15;
	v17 =	vadd.f32 $-8.816570630e-04, v17  }
0x1fe: {  	s29 =	simm.s32 $0x80;
	v30 =	vmax.f32 v3, $-3.799999950e+00;
	v36 =	vmul.f32 v57, v53;
	v22 =	vmul.f32 v22, v16  }
0x1ff: {  	v54 =	vld [tilespmem:s29+$0x5350];
	v30 =	vmin.f32 v30, $3.799999950e+00;
	v19 =	vmul.f32 v19, v5;
	v17 =	vmul.f32 v17, v20  }
0x200: {  	v55 =	vld [tilespmem:s29+$0x5340];
	v23 =	vadd.f32 $-2.007076770e-06, v23;
	v25 =	vmul.f32 v25, v29;
	v22 =	vadd.f32 $9.075118220e-03, v22  }
0x201: {  	v56 =	vld [tilespmem:s29+$0x5360];
	v31 =	vmul.f32 v30, v30;
	v6 =	vadd.f32 $9.075118220e-03, v6;
	v17 =	vadd.f32 $9.075118220e-03, v17  }
0x202: {  	v58 =	vld [tilespmem:s29+$0x5300];
	v36 =	vadd.f32 $5.549060370e-05, v36;
	v23 =	vmul.f32 v23, v27;
	v22 =	vmul.f32 v22, v16  }
0x203: {  	v59 =	vld [tilespmem:s29+$0x5370];
	v19 =	vadd.f32 $9.075118220e-03, v19;
	v6 =	vmul.f32 v6, v15;
	v17 =	vmul.f32 v17, v20  }
0x204: {  	v40 =	vmul.f32 $3.136572600e-08, v31;
	v23 =	vadd.f32 $5.549060370e-05, v23;
	v22 =	vadd.f32 $-6.518441440e-02, v22  }
0x205: {  	v39 =	vld [tilespmem:s29+$0x4370];
	v36 =	vmul.f32 v36, v53;
	v6 =	vadd.f32 $-6.518441440e-02, v6;
	v17 =	vadd.f32 $-6.518441440e-02, v17  }
0x206: {  	v41 =	vld [tilespmem:s29+$0x4310];
	v25 =	vadd.f32 $5.549060370e-05, v25;
	v23 =	vmul.f32 v23, v27;
	v16 =	vmul.f32 v22, v16  }
0x207: {  	v42 =	vld [tilespmem:s29+$0x4330];
	v6 =	vmul.f32 v6, v15;
	v15 =	vadd.f32 $-8.816570630e-04, v36;
	v17 =	vmul.f32 v17, v20  }
0x208: {  	v60 =	vld [tilespmem:s29+$0x3360];
	v19 =	vmul.f32 v19, v5;
	v23 =	vadd.f32 $-8.816570630e-04, v23;
	v16 =	vadd.f32 $3.982834220e-01, v16  }
0x209: {  	v43 =	vld [tilespmem:s29+$0x3340];
	v40 =	vadd.f32 $-2.007076770e-06, v40;
	v15 =	vmul.f32 v15, v53;
	v17 =	vadd.f32 $3.982834220e-01, v17  }
0x20a: {  	v12 =	vld [tilespmem:s29+$0x5330];
	v6 =	vadd.f32 $3.982834220e-01, v6;
	v23 =	vmul.f32 v23, v27;
	v11 =	vmul.f32 v16, v11  }
0x20b: {  	v40 =	vmul.f32 v40, v31;
	v22 =	vld [tilespmem:s29+$0x4340];
	v15 =	vadd.f32 $9.075118220e-03, v15;
	v17 =	vmul.f32 v17, v18  }
0x20c: {  	v6 =	vmul.f32 v6, v14;
	v16 =	vld [tilespmem:s29+$0x3370];
	v23 =	vadd.f32 $9.075118220e-03, v23;
	v11 =	vadd.f32 $5.000000000e-01, v11  }
0x20d: {  	v40 =	vadd.f32 $5.549060370e-05, v40;
	v20 =	vld [tilespmem:s29+$0x4360];
	v15 =	vmul.f32 v15, v53;
	v17 =	vadd.f32 $5.000000000e-01, v17  }
0x20e: {  	v14 =	vld [tilespmem:s29+$0x3300];
	v6 =	vadd.f32 $5.000000000e-01, v6;
	v23 =	vmul.f32 v23, v27;
	v11 =	vmul.f32 v11, v13  }
0x20f: {  	v40 =	vmul.f32 v40, v31;
	v15 =	vadd.f32 $-6.518441440e-02, v15;
	v13 =	vld [tilespmem:s29+$0x4300];
	v7 =	vmul.f32 v17, v7  }
0x210: {  	v6 =	vmul.f32 v6, v4;
	v18 =	vld [tilespmem:s29+$0x4350];
	[tilespmem:s28+$0x6300] =	vst v11;
	v11 =	vadd.f32 $-6.518441440e-02, v23;
	v17 =	vadd.f32 $-6.518441440e-02, v19  }
0x211: {  	v15 =	vmul.f32 v15, v53;
	v16 =	vadd.f32 v39, v16;
	v19 =	vadd.f32 $-8.816570630e-04, v40;
	v23 =	vld [tilespmem:s29+$0x3350];
	[tilespmem:s28+$0x6320] =	vst v7  }
0x212: {  	v11 =	vmul.f32 v11, v27;
	v7 =	vmul.f32 v17, v5;
	v17 =	vadd.f32 v20, v60;
	v20 =	vld [tilespmem:s29+$0x3310]  }
0x213: {  	v61 =	vmul.f32 v25, v29;
	v15 =	vadd.f32 $3.982834220e-01, v15;
	v5 =	vadd.f32 v59, v16;
	v16 =	vld [tilespmem:s29+$0x3320]  }
0x214: {  	v62 =	vmul.f32 v19, v31;
	v19 =	vld [tilespmem:s29+$0x4320];
	[tilespmem:s28+$0x6370] =	vst v6;
	v6 =	vadd.f32 v13, v14;
	v63 =	vadd.f32 $3.982834220e-01, v11  }
0x215: {  	v4 =	vadd.f32 v56, v17;
	v25 =	vadd.f32 $3.982834220e-01, v7;
	v17 =	vmax.f32 v5, $-3.799999950e+00  }
0x216: {  	v7 =	vadd.f32 v22, v43;
	v52 =	vadd.f32 $9.075118220e-03, v62;
	v13 =	vmin.f32 v17, $3.799999950e+00  }
0x217: {  	v22 =	vld [tilespmem:s29+$0x5310];
	v18 =	vadd.f32 v18, v23;
	v14 =	vadd.f32 v58, v6;
	v63 =	vmul.f32 v63, v26  }
0x218: {  	v17 =	vmul.f32 v13, v13;
	v27 =	vmax.f32 v4, $-3.799999950e+00;
	v6 =	vadd.f32 v55, v7  }
0x219: {  	v23 =	vld [tilespmem:s29+$0x5320];
	v46 =	vmul.f32 v25, v8;
	v25 =	vmul.f32 v15, v10;
	v18 =	vadd.f32 v54, v18  }
0x21a: {  	v33 =	vmul.f32 v52, v31;
	v11 =	vadd.f32 v41, v20;
	v16 =	vadd.f32 v19, v16  }
0x21b: {  	v44 =	vld [tilespmem:s29+$0x3330];
	v20 =	vmul.f32 $3.136572600e-08, v17;
	v25 =	vadd.f32 $5.000000000e-01, v25;
	v34 =	vadd.f32 $5.000000000e-01, v46  }
0x21c: {  	v45 =	vmax.f32 v14, $-3.799999950e+00;
	v33 =	vadd.f32 $-6.518441440e-02, v33;
	v7 =	vadd.f32 v22, v11  }
0x21d: {  	v8 =	vmax.f32 v18, $-3.799999950e+00;
	v11 =	vadd.f32 $-2.007076770e-06, v20;
	v20 =	vmin.f32 v45, $3.799999950e+00  }
0x21e: {  	v22 =	vmax.f32 v6, $-3.799999950e+00;
	v16 =	vadd.f32 v23, v16;
	v19 =	vmax.f32 v7, $-3.799999950e+00  }
0x21f: {  	v8 =	vmin.f32 v8, $3.799999950e+00;
	v11 =	vmul.f32 v11, v17;
	v10 =	vmin.f32 v19, $3.799999950e+00  }
0x220: {  	v23 =	vadd.f32 v42, v44;
	v51 =	vmul.f32 v25, v9;
	v19 =	vmul.f32 v10, v10  }
0x221: {  	v31 =	vmul.f32 v33, v31;
	v47 =	vadd.f32 $5.549060370e-05, v11;
	v11 =	vmin.f32 v22, $3.799999950e+00  }
0x222: {  	v22 =	vadd.f32 v12, v23;
	v12 =	vadd.f32 $-8.816570630e-04, v61;
	v50 =	vmul.f32 $3.136572600e-08, v19  }
0x223: {  	v9 =	vmin.f32 v27, $3.799999950e+00;
	v24 =	vmul.f32 v34, v24;
	v15 =	vmul.f32 v8, v8  }
0x224: {  	v25 =	vmul.f32 v20, v20;
	v53 =	vmul.f32 v12, v29;
	v38 =	vadd.f32 $-2.007076770e-06, v50  }
0x225: {  	v48 =	vmax.f32 v16, $-3.799999950e+00;
	v31 =	vadd.f32 $3.982834220e-01, v31;
	v49 =	vmul.f32 $3.136572600e-08, v15  }
0x226: {  	v23 =	vmin.f32 v48, $3.799999950e+00;
	v36 =	vadd.f32 $9.075118220e-03, v53;
	v38 =	vmul.f32 v38, v19  }
0x227: {  	v34 =	vadd.f32 $5.000000000e-01, v63;
	v54 =	vmul.f32 $3.136572600e-08, v25;
	v27 =	vmul.f32 v23, v23  }
0x228: {  	v30 =	vmul.f32 v31, v30;
	v36 =	vmul.f32 v36, v29;
	v38 =	vadd.f32 $5.549060370e-05, v38  }
0x229: {  	v40 =	vadd.f32 $-2.007076770e-06, v54;
	v33 =	vadd.f32 $-2.007076770e-06, v49;
	v55 =	vmul.f32 $3.136572600e-08, v27  }
0x22a: {  	v12 =	vmul.f32 v9, v9;
	v36 =	vadd.f32 $-6.518441440e-02, v36;
	v38 =	vmul.f32 v38, v19  }
0x22b: {  	v26 =	vmul.f32 v11, v11;
	v40 =	vmul.f32 v40, v25;
	v41 =	vadd.f32 $-2.007076770e-06, v55  }
0x22c: {  	v56 =	vmul.f32 $3.136572600e-08, v12;
	v29 =	vmul.f32 v36, v29;
	v38 =	vadd.f32 $-8.816570630e-04, v38  }
0x22d: {  	v32 =	vmul.f32 v47, v17;
	v40 =	vadd.f32 $5.549060370e-05, v40;
	v41 =	vmul.f32 v41, v27  }
0x22e: {  	v42 =	vadd.f32 $-2.007076770e-06, v56;
	v29 =	vadd.f32 $3.982834220e-01, v29;
	v57 =	vmul.f32 v38, v19  }
0x22f: {  	v37 =	vadd.f32 $5.000000000e-01, v30;
	v40 =	vmul.f32 v40, v25;
	v58 =	vadd.f32 $5.549060370e-05, v41  }
0x230: {  	v59 =	vmul.f32 v42, v12;
	v28 =	vmul.f32 v29, v28;
	v60 =	vadd.f32 $9.075118220e-03, v57  }
0x231: {  	v32 =	vadd.f32 $-8.816570630e-04, v32;
	v62 =	vadd.f32 $-8.816570630e-04, v40;
	v61 =	vmul.f32 v58, v27  }
0x232: {  	v38 =	vadd.f32 $5.549060370e-05, v59;
	v28 =	vadd.f32 $5.000000000e-01, v28;
	v29 =	vmul.f32 v60, v19  }
0x233: {  	[tilespmem:s28+$0x6340] =	vst v51;
	v32 =	vmul.f32 v32, v17;
	v35 =	vmul.f32 v62, v25;
	v36 =	vadd.f32 $-8.816570630e-04, v61  }
0x234: {  	s12 =	simm.s32 $0x400;
	[tilespmem:s28+$0x6310] =	vst v24;
	v24 =	vmul.f32 v38, v12;
	v28 =	vmul.f32 v28, v21;
	v29 =	vadd.f32 $-6.518441440e-02, v29  }
.LBB2_7:
0x235: {  	v21 =	vmul.f32 v36, v27  }
0x236: {  	s4 =	sshra.s32 s12, $0x2;
	p0 =	sne.s32 s12, $0x3E00;
	s12 =	sadd.s32 $0x200, s12;
	v31 =	vmax.f32 v22, $-3.799999950e+00;
	v33 =	vmul.f32 v33, v15;
	v35 =	vadd.f32 $9.075118220e-03, v35  }
0x237: {  	v36 =	vmul.f32 $3.136572600e-08, v26;
	v32 =	vadd.f32 $9.075118220e-03, v32;
	v30 =	vld [tilespmem:s4+$0x5330];
	v37 =	vmul.f32 v37, v3;
	v3 =	vmovc v22  }
0x238: {  	v22 =	vld [tilespmem:s4+$0x5350];
	v38 =	vadd.f32 $9.075118220e-03, v21;
	v21 =	vmin.f32 v31, $3.799999950e+00;
	v31 =	vmul.f32 v34, v2;
	[tilespmem:s28+$0x6360] =	vst v28;
	v2 =	vmovc v18  }
0x239: {  	v34 =	vmul.f32 v35, v25;
	v35 =	vadd.f32 $-2.007076770e-06, v36;
	v33 =	vadd.f32 $5.549060370e-05, v33;
	v18 =	vld [tilespmem:s4+$0x5340];
	[tilespmem:s28+$0x6330] =	vst v37  }
0x23a: {  	v24 =	vadd.f32 $-8.816570630e-04, v24;
	v28 =	vmul.f32 v21, v21;
	v36 =	vld [tilespmem:s4+$0x5360];
	v37 =	vmul.f32 v38, v27;
	[tilespmem:s28+$0x6350] =	vst v31;
	s28 =	smov.u32 s29;
	s29 =	smov.u32 s4  }
0x23b: {  	v31 =	vadd.f32 $-6.518441440e-02, v34;
	v34 =	vmul.f32 v35, v26;
	v33 =	vmul.f32 v33, v15;
	v38 =	vld [tilespmem:s29+$0x5300]  }
0x23c: {  	v32 =	vmul.f32 v32, v17;
	v39 =	vmul.f32 $3.136572600e-08, v28;
	v35 =	vld [tilespmem:s29+$0x5370];
	v37 =	vadd.f32 $-6.518441440e-02, v37  }
0x23d: {  	v25 =	vmul.f32 v31, v25;
	v31 =	vadd.f32 $5.549060370e-05, v34;
	v33 =	vadd.f32 $-8.816570630e-04, v33;
	v40 =	vld [tilespmem:s29+$0x4370]  }
0x23e: {  	v32 =	vadd.f32 $-6.518441440e-02, v32;
	v34 =	vld [tilespmem:s29+$0x4340];
	v27 =	vmul.f32 v37, v27;
	v37 =	vadd.f32 $-2.007076770e-06, v39  }
0x23f: {  	v25 =	vadd.f32 $3.982834220e-01, v25;
	v31 =	vmul.f32 v31, v26;
	v33 =	vmul.f32 v33, v15;
	v39 =	vld [tilespmem:s29+$0x4310]  }
0x240: {  	v17 =	vmul.f32 v32, v17;
	v41 =	vld [tilespmem:s29+$0x4360];
	v27 =	vadd.f32 $3.982834220e-01, v27;
	v37 =	vmul.f32 v37, v28  }
0x241: {  	v20 =	vmul.f32 v25, v20;
	v25 =	vadd.f32 $-8.816570630e-04, v31;
	v31 =	vadd.f32 $9.075118220e-03, v33;
	v32 =	vld [tilespmem:s29+$0x4330]  }
0x242: {  	v17 =	vadd.f32 $3.982834220e-01, v17;
	v33 =	vld [tilespmem:s29+$0x3370];
	v23 =	vmul.f32 v27, v23;
	v27 =	vadd.f32 $5.549060370e-05, v37  }
0x243: {  	v20 =	vadd.f32 $5.000000000e-01, v20;
	v25 =	vmul.f32 v25, v26;
	v31 =	vmul.f32 v31, v15;
	v37 =	vld [tilespmem:s29+$0x3360]  }
0x244: {  	v13 =	vmul.f32 v17, v13;
	v42 =	vld [tilespmem:s29+$0x4350];
	v23 =	vadd.f32 $5.000000000e-01, v23;
	v27 =	vmul.f32 v27, v28  }
0x245: {  	v14 =	vmul.f32 v20, v14;
	v20 =	vadd.f32 $9.075118220e-03, v25;
	v25 =	vadd.f32 $-6.518441440e-02, v31;
	v17 =	vld [tilespmem:s29+$0x3340]  }
0x246: {  	v13 =	vadd.f32 $5.000000000e-01, v13;
	v43 =	vld [tilespmem:s29+$0x4300];
	v16 =	vmul.f32 v23, v16;
	v23 =	vadd.f32 $-8.816570630e-04, v27  }
0x247: {  	v27 =	vld [tilespmem:s29+$0x3300];
	v31 =	vadd.f32 v40, v33;
	[tilespmem:s28+$0x6300] =	vst v14;
	v14 =	vmul.f32 v29, v19;
	v19 =	vmul.f32 v20, v26  }
0x248: {  	v15 =	vmul.f32 v25, v15;
	v20 =	vld [tilespmem:s29+$0x3350];
	v29 =	vadd.f32 v41, v37;
	[tilespmem:s28+$0x6320] =	vst v16;
	v33 =	vmul.f32 v23, v28  }
0x249: {  	v13 =	vmul.f32 v13, v5;
	v16 =	vld [tilespmem:s29+$0x3310];
	v19 =	vadd.f32 $-6.518441440e-02, v19;
	v5 =	vadd.f32 v35, v31  }
0x24a: {  	v25 =	vadd.f32 $3.982834220e-01, v14;
	v23 =	vld [tilespmem:s29+$0x3320];
	v31 =	vadd.f32 v36, v29  }
0x24b: {  	v34 =	vadd.f32 v34, v17;
	v29 =	vld [tilespmem:s29+$0x4320];
	v14 =	vmax.f32 v5, $-3.799999950e+00;
	v19 =	vmul.f32 v19, v26;
	[tilespmem:s28+$0x6370] =	vst v13  }
0x24c: {  	v26 =	vadd.f32 v43, v27;
	v27 =	vld [tilespmem:s29+$0x5310];
	v35 =	vmax.f32 v31, $-3.799999950e+00;
	v13 =	vmin.f32 v14, $3.799999950e+00  }
0x24d: {  	v37 =	vadd.f32 $3.982834220e-01, v15;
	v20 =	vadd.f32 v42, v20;
	v17 =	vmul.f32 v13, v13  }
0x24e: {  	v24 =	vmul.f32 v24, v12;
	v14 =	vadd.f32 v38, v26;
	v15 =	vadd.f32 v39, v16;
	v16 =	vld [tilespmem:s29+$0x5320]  }
0x24f: {  	v34 =	vadd.f32 v18, v34;
	v26 =	vld [tilespmem:s29+$0x3330];
	v18 =	vadd.f32 v22, v20;
	v20 =	vmul.f32 $3.136572600e-08, v17  }
0x250: {  	v19 =	vadd.f32 $3.982834220e-01, v19;
	v22 =	vmax.f32 v14, $-3.799999950e+00;
	v23 =	vadd.f32 v29, v23  }
0x251: {  	v36 =	vmul.f32 v25, v10;
	v29 =	vadd.f32 v27, v15;
	v15 =	vadd.f32 $-2.007076770e-06, v20  }
0x252: {  	v20 =	vmin.f32 v22, $3.799999950e+00;
	v22 =	vmax.f32 v34, $-3.799999950e+00;
	v10 =	vmax.f32 v18, $-3.799999950e+00  }
0x253: {  	v38 =	vmin.f32 v10, $3.799999950e+00;
	v16 =	vadd.f32 v16, v23;
	v23 =	vmul.f32 v15, v17  }
0x254: {  	v11 =	vmul.f32 v19, v11;
	v10 =	vmax.f32 v29, $-3.799999950e+00;
	v25 =	vadd.f32 v32, v26  }
0x255: {  	v15 =	vmul.f32 v38, v38;
	v10 =	vmin.f32 v10, $3.799999950e+00;
	v23 =	vadd.f32 $5.549060370e-05, v23  }
0x256: {  	v27 =	vadd.f32 $5.000000000e-01, v11;
	v19 =	vmul.f32 v10, v10;
	v26 =	vmax.f32 v16, $-3.799999950e+00  }
0x257: {  	v11 =	vmin.f32 v22, $3.799999950e+00;
	v39 =	vmul.f32 $3.136572600e-08, v15;
	v23 =	vmul.f32 v23, v17  }
0x258: {  	v27 =	vmul.f32 v27, v6;
	v6 =	vmovc v34;
	v22 =	vadd.f32 v30, v25;
	v32 =	vmul.f32 $3.136572600e-08, v19  }
0x259: {  	v24 =	vadd.f32 $9.075118220e-03, v24;
	v25 =	vmul.f32 v20, v20;
	v30 =	vadd.f32 $-8.816570630e-04, v23  }
0x25a: {  	v32 =	vadd.f32 $-2.007076770e-06, v32;
	v23 =	vmin.f32 v26, $3.799999950e+00;
	v26 =	vmin.f32 v35, $3.799999950e+00;
	[tilespmem:s28+$0x6340] =	vst v27  }
0x25b: {  	v24 =	vmul.f32 v24, v12;
	v33 =	vadd.f32 $9.075118220e-03, v33;
	v27 =	vmul.f32 v23, v23  }
0x25c: {  	v35 =	vadd.f32 $5.000000000e-01, v36;
	v34 =	vmul.f32 v26, v26;
	v32 =	vmul.f32 v32, v19  }
0x25d: {  	v24 =	vadd.f32 $-6.518441440e-02, v24;
	v33 =	vmul.f32 v33, v28;
	v36 =	vmul.f32 $3.136572600e-08, v25  }
0x25e: {  	v40 =	vmul.f32 $3.136572600e-08, v27;
	v41 =	vmul.f32 $3.136572600e-08, v34;
	v32 =	vadd.f32 $5.549060370e-05, v32  }
0x25f: {  	v24 =	vmul.f32 v24, v12;
	v33 =	vadd.f32 $-6.518441440e-02, v33;
	v36 =	vadd.f32 $-2.007076770e-06, v36  }
0x260: {  	v40 =	vadd.f32 $-2.007076770e-06, v40;
	v41 =	vadd.f32 $-2.007076770e-06, v41;
	v32 =	vmul.f32 v32, v19  }
0x261: {  	v24 =	vadd.f32 $3.982834220e-01, v24;
	v28 =	vmul.f32 v33, v28;
	v36 =	vmul.f32 v36, v25  }
0x262: {  	v40 =	vmul.f32 v40, v27;
	v42 =	vadd.f32 $-8.816570630e-04, v32;
	v32 =	vmul.f32 v30, v17  }
0x263: {  	v33 =	vadd.f32 $-2.007076770e-06, v39;
	v12 =	vmov v34;
	v30 =	vadd.f32 $5.549060370e-05, v36  }
0x264: {  	v39 =	vmul.f32 v41, v12;
	v36 =	vadd.f32 $5.549060370e-05, v40;
	v34 =	vmul.f32 v42, v19  }
0x265: {  	v28 =	vadd.f32 $3.982834220e-01, v28;
	v35 =	vmul.f32 v35, v7;
	v7 =	vmovc v29;
	v30 =	vmul.f32 v30, v25  }
0x266: {  	v39 =	vadd.f32 $5.549060370e-05, v39;
	v29 =	vadd.f32 $9.075118220e-03, v34;
	v34 =	vmul.f32 v36, v27  }
.Ltmp2:
0x267: {  	v24 =	vmul.f32 v24, v9;
	v9 =	vmov v26;
	v30 =	vadd.f32 $-8.816570630e-04, v30;
	[tilespmem:s28+$0x6310] =	vst v35;
	(pc) =	sbr.rel @p0 .LBB2_7-.Ltmp2, $4  }
0x268: {  	v26 =	vmul.f32 v29, v19;
	v36 =	vadd.f32 $-8.816570630e-04, v34;
	v34 =	vmul.f32 v37, v8;
	v8 =	vmovc v38  }
0x269: {  	v21 =	vmul.f32 v28, v21;
	v28 =	vadd.f32 $5.000000000e-01, v24;
	v35 =	vmul.f32 v30, v25  }
0x26a: {  	v29 =	vadd.f32 $-6.518441440e-02, v26;
	v26 =	vmul.f32 v11, v11;
	v34 =	vadd.f32 $5.000000000e-01, v34  }
0x26b: {  	v28 =	vmul.f32 v28, v4;
	v4 =	vmovc v31;
	v24 =	vmul.f32 v39, v12;
	v37 =	vadd.f32 $5.000000000e-01, v21  }
0x26c: {  	v21 =	vmax.f32 v22, $-3.799999950e+00  }
0x26d: {  	v21 =	vmin.f32 v21, $3.799999950e+00  }
0x26e: {  	v30 =	vmul.f32 $3.136572600e-08, v26;
	v31 =	vmul.f32 v21, v21  }
0x26f: {  	v36 =	vmul.f32 v36, v27;
	v35 =	vadd.f32 $9.075118220e-03, v35;
	v33 =	vmul.f32 v33, v15  }
0x270: {  	v2 =	vmul.f32 v34, v2;
	v32 =	vadd.f32 $9.075118220e-03, v32;
	v38 =	vmul.f32 $3.136572600e-08, v31  }
0x271: {  	v19 =	vmul.f32 v29, v19;
	v24 =	vadd.f32 $-8.816570630e-04, v24;
	v30 =	vadd.f32 $-2.007076770e-06, v30  }
0x272: {  	v3 =	vmul.f32 v37, v3;
	v36 =	vadd.f32 $9.075118220e-03, v36;
	v42 =	vadd.f32 $-2.007076770e-06, v38  }
0x273: {  	v43 =	vmul.f32 v35, v25;
	v33 =	vadd.f32 $5.549060370e-05, v33;
	v30 =	vmul.f32 v30, v26  }
0x274: {  	v32 =	vmul.f32 v32, v17;
	v19 =	vadd.f32 $3.982834220e-01, v19;
	v45 =	vmul.f32 v42, v31  }
0x275: {  	v24 =	vmul.f32 v24, v12;
	v44 =	vmul.f32 v36, v27;
	v30 =	vadd.f32 $5.549060370e-05, v30  }
0x276: {  	v34 =	vadd.f32 $-6.518441440e-02, v43;
	v33 =	vmul.f32 v33, v15;
	v36 =	vadd.f32 $5.549060370e-05, v45  }
0x277: {  	v32 =	vadd.f32 $-6.518441440e-02, v32;
	v10 =	vmul.f32 v19, v10;
	v30 =	vmul.f32 v30, v26  }
0x278: {  	v24 =	vadd.f32 $9.075118220e-03, v24;
	v33 =	vadd.f32 $-8.816570630e-04, v33;
	v48 =	vmul.f32 v36, v31  }
0x279: {  	v35 =	vadd.f32 $-6.518441440e-02, v44;
	v46 =	vmul.f32 v34, v25;
	v30 =	vadd.f32 $-8.816570630e-04, v30  }
0x27a: {  	v49 =	vmul.f32 v32, v17;
	v33 =	vmul.f32 v33, v15;
	v34 =	vadd.f32 $-8.816570630e-04, v48  }
0x27b: {  	v60 =	vadd.f32 $5.000000000e-01, v10;
	v24 =	vmul.f32 v24, v12;
	v30 =	vmul.f32 v30, v26  }
0x27c: {  	v25 =	vadd.f32 $3.982834220e-01, v46;
	v51 =	vadd.f32 $9.075118220e-03, v33;
	v50 =	vmul.f32 v34, v31  }
0x27d: {  	v47 =	vmul.f32 v35, v27;
	v17 =	vadd.f32 $3.982834220e-01, v49;
	v30 =	vadd.f32 $9.075118220e-03, v30  }
0x27e: {  	v20 =	vmul.f32 v25, v20;
	v53 =	vmul.f32 v51, v15;
	v25 =	vadd.f32 $9.075118220e-03, v50  }
0x27f: {  	v24 =	vadd.f32 $-6.518441440e-02, v24;
	v27 =	vadd.f32 $3.982834220e-01, v47;
	v30 =	vmul.f32 v30, v26  }
0x280: {  	v13 =	vmul.f32 v17, v13;
	v56 =	vadd.f32 $-6.518441440e-02, v53;
	v25 =	vmul.f32 v25, v31  }
0x281: {  	v57 =	vmul.f32 v24, v12;
	v23 =	vmul.f32 v27, v23;
	v52 =	vadd.f32 $-6.518441440e-02, v30  }
0x282: {  	v20 =	vadd.f32 $5.000000000e-01, v20;
	v58 =	vmul.f32 v56, v15;
	v55 =	vadd.f32 $-6.518441440e-02, v25  }
0x283: {  	[tilespmem:s28+$0x6330] =	vst v3;
	v3 =	vadd.f32 $5.000000000e-01, v13;
	v12 =	vadd.f32 $3.982834220e-01, v57;
	v54 =	vmul.f32 v52, v26  }
0x284: {  	[tilespmem:s28+$0x6350] =	vst v2;
	v14 =	vmul.f32 v20, v14;
	v2 =	vadd.f32 $3.982834220e-01, v58;
	v20 =	vmul.f32 v55, v31  }
0x285: {  	v23 =	vadd.f32 $5.000000000e-01, v23;
	v9 =	vmul.f32 v12, v9;
	v17 =	vadd.f32 $3.982834220e-01, v54  }
0x286: {  	[tilespmem:s28+$0x6360] =	vst v28;
	v3 =	vmul.f32 v3, v5;
	v2 =	vmul.f32 v2, v8;
	v59 =	vadd.f32 $3.982834220e-01, v20  }
0x287: {  	v16 =	vmul.f32 v23, v16;
	[tilespmem:s29+$0x6300] =	vst v14;
	v62 =	vadd.f32 $5.000000000e-01, v9;
	v11 =	vmul.f32 v17, v11  }
0x288: {  	[tilespmem:s29+$0x6370] =	vst v3;
	v3 =	vmul.f32 v60, v7;
	v2 =	vadd.f32 $5.000000000e-01, v2;
	v61 =	vmul.f32 v59, v21  }
0x289: {  	[tilespmem:s29+$0x6320] =	vst v16;
	v4 =	vmul.f32 v62, v4;
	v11 =	vadd.f32 $5.000000000e-01, v11  }
0x28a: {  	[tilespmem:s29+$0x6310] =	vst v3;
	v2 =	vmul.f32 v2, v18;
	v63 =	vadd.f32 $5.000000000e-01, v61  }
0x28b: {  	[tilespmem:s29+$0x6360] =	vst v4;
	v6 =	vmul.f32 v11, v6  }
0x28c: {  	[tilespmem:s29+$0x6350] =	vst v2;
	v3 =	vmul.f32 v63, v22  }
0x28d: {  	s4 =	smin.u32 s26, $0x183;
	[tilespmem:s29+$0x6340] =	vst v6  }
0x28e: {  	s13 =	sadd.s32 $0x1, s13;
	s4 =	sshll.u32 s4, $0x7;
	[tilespmem:s29+$0x6330] =	vst v3  }
0x28f: {  	[spmem:s3] =	stream.indirect.scatter.add.f32 [tilespmem:s20], [sflag:$0xB], $0x20, s31, s25, $0xb8;
	[tilespmem:$0x1FA00] =	vst v63  }
0x290: {  	p0 =	sne.s32 s13, $0xC3;
	s4 =	sadd.s32 s4, s19;
	_ =	swait.ge [sflag:s21], $0x1000  }
.Ltmp3:
0x291: {  	s4 =	sshrl.u32 s4, $0x3;
	[sflag:s21] =	ssyncset.done $0x0;
	(pc) =	sbr.rel @p0 .LBB2_4-.Ltmp3, $4  }
0x292: {  	s12 =	sadd.s32 s6, s4;
	s29 =	simm.s32 $0x0;
	[sflag:s21] =	ssyncadd.s32 $0xFFFFF000  }
0x293: {  	[tilespmem:s30], [sflag:$0x6] =	stream.linear.gather [hbm4b:s12+s29], $0x80, $0x38;
	[tilespmem:$0x1FA00] =	vst v63  }
0x294: {  	s4 =	sadd.s32 s7, s4  }
0x295: {  	[tilespmem:s31], [sflag:$0x7] =	stream.linear.gather [hbm4b:s4+s29], $0x80, $0x38;
	[tilespmem:$0x1FA00] =	vst v63  }
0x296: {  	_ =	swait.ge [sflag:s14], $0x1000  }
0x297: {  	[sflag:s14] =	ssyncset.done $0x0  }
0x298: {  	[sflag:s14] =	ssyncadd.s32 $0xFFFFF000  }
0x299: {  	_ =	swait.ge [sflag:s15], $0x1000  }
0x29a: {  	[sflag:s15] =	ssyncset.done $0x0  }
0x29b: {  	[sflag:s15] =	ssyncadd.s32 $0xFFFFF000  }
0x29c: {  	_ =	swait.ge [sflag:s17], $0x1000  }
0x29d: {  	[sflag:s17] =	ssyncset.done $0x0  }
0x29e: {  	s12 =	simm.s32 $0x0;
	[sflag:s17] =	ssyncadd.s32 $0xFFFFF000  }
0x29f: {  	v2 =	vld [tilespmem:s12+$0x2360]  }
0x2a0: {  	v3 =	vld [tilespmem:s12+$0x2300]  }
0x2a1: {  	v4 =	vld [tilespmem:s12+$0x2370]  }
0x2a2: {  	v5 =	vld [tilespmem:s12+$0x1370]  }
0x2a3: {  	v6 =	vld [tilespmem:s12+$0x1340]  }
0x2a4: {  	v7 =	vld [tilespmem:s12+$0x1310]  }
0x2a5: {  	v8 =	vld [tilespmem:s12+$0x1360]  }
0x2a6: {  	v9 =	vld [tilespmem:s12+$0x370]  }
0x2a7: {  	v10 =	vld [tilespmem:s12+$0x360]  }
0x2a8: {  	v11 =	vld [tilespmem:s12+$0x1350]  }
0x2a9: {  	v12 =	vld [tilespmem:s12+$0x340]  }
0x2aa: {  	v13 =	vld [tilespmem:s12+$0x1300]  }
0x2ab: {  	v14 =	vld [tilespmem:s12+$0x300]  }
0x2ac: {  	v15 =	vld [tilespmem:s12+$0x310]  }
0x2ad: {  	v16 =	vld [tilespmem:s12+$0x320]  }
0x2ae: {  	v17 =	vld [tilespmem:s12+$0x2310]  }
0x2af: {  	v5 =	vadd.f32 v5, v9;
	v9 =	vld [tilespmem:s12+$0x1320]  }
0x2b0: {  	v18 =	vld [tilespmem:s12+$0x350];
	v8 =	vadd.f32 v8, v10  }
0x2b1: {  	v4 =	vadd.f32 v4, v5;
	v5 =	vadd.f32 v7, v15;
	v7 =	vld [tilespmem:s12+$0x2320]  }
0x2b2: {  	v21 =	vadd.f32 v2, v8;
	v2 =	vadd.f32 v13, v14  }
0x2b3: {  	v10 =	vld [tilespmem:s12+$0x2350];
	v6 =	vadd.f32 v6, v12;
	v24 =	vadd.f32 v17, v5  }
0x2b4: {  	v5 =	vmax.f32 v4, $-3.799999950e+00;
	v13 =	vadd.f32 v3, v2;
	v2 =	vadd.f32 v9, v16  }
0x2b5: {  	v3 =	vadd.f32 v11, v18;
	v14 =	vmin.f32 v5, $3.799999950e+00;
	v9 =	vld [tilespmem:s12+$0x2340];
	v5 =	vmax.f32 v24, $-3.799999950e+00  }
0x2b6: {  	v11 =	vmax.f32 v13, $-3.799999950e+00;
	v7 =	vadd.f32 v7, v2;
	v8 =	vmin.f32 v5, $3.799999950e+00  }
0x2b7: {  	v15 =	vmul.f32 v14, v14;
	v11 =	vmin.f32 v11, $3.799999950e+00;
	v5 =	vmul.f32 v8, v8  }
0x2b8: {  	v19 =	vld [tilespmem:s12+$0x330];
	v2 =	vadd.f32 v10, v3;
	v16 =	vmul.f32 v11, v11;
	v3 =	vmax.f32 v7, $-3.799999950e+00  }
0x2b9: {  	v10 =	vld [tilespmem:s12+$0x1330];
	v12 =	vmul.f32 $3.136572600e-08, v15;
	v17 =	vmul.f32 $3.136572600e-08, v5;
	v18 =	vmin.f32 v3, $3.799999950e+00  }
0x2ba: {  	v3 =	vmax.f32 v21, $-3.799999950e+00;
	v22 =	vmul.f32 $3.136572600e-08, v16;
	v9 =	vadd.f32 v9, v6  }
0x2bb: {  	v6 =	vadd.f32 $-2.007076770e-06, v12;
	v12 =	vmax.f32 v2, $-3.799999950e+00;
	v20 =	vmul.f32 v18, v18  }
0x2bc: {  	v26 =	vmin.f32 v12, $3.799999950e+00;
	v28 =	vmin.f32 v3, $3.799999950e+00  }
0x2bd: {  	v17 =	vadd.f32 $-2.007076770e-06, v17;
	v22 =	vadd.f32 $-2.007076770e-06, v22;
	v23 =	vmul.f32 $3.136572600e-08, v20  }
0x2be: {  	v25 =	vmax.f32 v9, $-3.799999950e+00;
	v6 =	vmul.f32 v6, v15;
	v19 =	vadd.f32 v10, v19  }
0x2bf: {  	v12 =	vld [tilespmem:s12+$0x2330];
	v27 =	vmul.f32 v26, v26;
	v17 =	vmul.f32 v17, v5;
	v23 =	vadd.f32 $-2.007076770e-06, v23  }
0x2c0: {  	v10 =	vmin.f32 v25, $3.799999950e+00;
	v22 =	vmul.f32 v22, v16;
	v6 =	vadd.f32 $5.549060370e-05, v6  }
0x2c1: {  	v32 =	vmul.f32 v10, v10;
	v3 =	vadd.f32 $5.549060370e-05, v17;
	v17 =	vmul.f32 v23, v20  }
0x2c2: {  	v29 =	vmul.f32 v28, v28;
	v22 =	vadd.f32 $5.549060370e-05, v22;
	v6 =	vmul.f32 v6, v15  }
0x2c3: {  	v31 =	vmul.f32 $3.136572600e-08, v32;
	v23 =	vmul.f32 v3, v5;
	v17 =	vadd.f32 $5.549060370e-05, v17  }
0x2c4: {  	v22 =	vmul.f32 v22, v16;
	v3 =	vadd.f32 v12, v19;
	v12 =	vmul.f32 $3.136572600e-08, v29  }
0x2c5: {  	v6 =	vadd.f32 $-8.816570630e-04, v6;
	v36 =	vadd.f32 $-2.007076770e-06, v31;
	v17 =	vmul.f32 v17, v20  }
0x2c6: {  	v19 =	vadd.f32 $-8.816570630e-04, v23;
	v22 =	vadd.f32 $-8.816570630e-04, v22;
	v23 =	vmul.f32 $3.136572600e-08, v27  }
0x2c7: {  	v25 =	vadd.f32 $-2.007076770e-06, v12;
	v6 =	vmul.f32 v6, v15;
	v17 =	vadd.f32 $-8.816570630e-04, v17  }
0x2c8: {  	s13 =	simm.s32 $0x80;
	v30 =	vmax.f32 v3, $-3.799999950e+00;
	v36 =	vmul.f32 v36, v32;
	v22 =	vmul.f32 v22, v16  }
0x2c9: {  	v33 =	vld [tilespmem:s13+$0x2350];
	v30 =	vmin.f32 v30, $3.799999950e+00;
	v19 =	vmul.f32 v19, v5;
	v17 =	vmul.f32 v17, v20  }
0x2ca: {  	v34 =	vld [tilespmem:s13+$0x2340];
	v23 =	vadd.f32 $-2.007076770e-06, v23;
	v25 =	vmul.f32 v25, v29;
	v22 =	vadd.f32 $9.075118220e-03, v22  }
0x2cb: {  	v35 =	vld [tilespmem:s13+$0x2360];
	v31 =	vmul.f32 v30, v30;
	v6 =	vadd.f32 $9.075118220e-03, v6;
	v17 =	vadd.f32 $9.075118220e-03, v17  }
0x2cc: {  	v37 =	vld [tilespmem:s13+$0x2300];
	v36 =	vadd.f32 $5.549060370e-05, v36;
	v23 =	vmul.f32 v23, v27;
	v22 =	vmul.f32 v22, v16  }
0x2cd: {  	v38 =	vld [tilespmem:s13+$0x2370];
	v19 =	vadd.f32 $9.075118220e-03, v19;
	v6 =	vmul.f32 v6, v15;
	v17 =	vmul.f32 v17, v20  }
0x2ce: {  	v40 =	vmul.f32 $3.136572600e-08, v31;
	v23 =	vadd.f32 $5.549060370e-05, v23;
	v22 =	vadd.f32 $-6.518441440e-02, v22  }
0x2cf: {  	v39 =	vld [tilespmem:s13+$0x1370];
	v36 =	vmul.f32 v36, v32;
	v6 =	vadd.f32 $-6.518441440e-02, v6;
	v17 =	vadd.f32 $-6.518441440e-02, v17  }
0x2d0: {  	v41 =	vld [tilespmem:s13+$0x1310];
	v25 =	vadd.f32 $5.549060370e-05, v25;
	v23 =	vmul.f32 v23, v27;
	v16 =	vmul.f32 v22, v16  }
0x2d1: {  	v42 =	vld [tilespmem:s13+$0x1330];
	v6 =	vmul.f32 v6, v15;
	v15 =	vadd.f32 $-8.816570630e-04, v36;
	v17 =	vmul.f32 v17, v20  }
0x2d2: {  	v60 =	vld [tilespmem:s13+$0x360];
	v19 =	vmul.f32 v19, v5;
	v23 =	vadd.f32 $-8.816570630e-04, v23;
	v16 =	vadd.f32 $3.982834220e-01, v16  }
0x2d3: {  	v43 =	vld [tilespmem:s13+$0x340];
	v40 =	vadd.f32 $-2.007076770e-06, v40;
	v15 =	vmul.f32 v15, v32;
	v17 =	vadd.f32 $3.982834220e-01, v17  }
0x2d4: {  	v12 =	vld [tilespmem:s13+$0x2330];
	v6 =	vadd.f32 $3.982834220e-01, v6;
	v23 =	vmul.f32 v23, v27;
	v11 =	vmul.f32 v16, v11  }
0x2d5: {  	v40 =	vmul.f32 v40, v31;
	v22 =	vld [tilespmem:s13+$0x1340];
	v15 =	vadd.f32 $9.075118220e-03, v15;
	v17 =	vmul.f32 v17, v18  }
0x2d6: {  	v6 =	vmul.f32 v6, v14;
	v16 =	vld [tilespmem:s13+$0x370];
	v23 =	vadd.f32 $9.075118220e-03, v23;
	v11 =	vadd.f32 $5.000000000e-01, v11  }
0x2d7: {  	v40 =	vadd.f32 $5.549060370e-05, v40;
	v20 =	vld [tilespmem:s13+$0x1360];
	v15 =	vmul.f32 v15, v32;
	v17 =	vadd.f32 $5.000000000e-01, v17  }
0x2d8: {  	v14 =	vld [tilespmem:s13+$0x300];
	v6 =	vadd.f32 $5.000000000e-01, v6;
	v23 =	vmul.f32 v23, v27;
	v11 =	vmul.f32 v11, v13  }
0x2d9: {  	v40 =	vmul.f32 v40, v31;
	v15 =	vadd.f32 $-6.518441440e-02, v15;
	v13 =	vld [tilespmem:s13+$0x1300];
	v7 =	vmul.f32 v17, v7  }
0x2da: {  	v6 =	vmul.f32 v6, v4;
	v18 =	vld [tilespmem:s13+$0x1350];
	[tilespmem:s12+$0x6300] =	vst v11;
	v11 =	vadd.f32 $-6.518441440e-02, v23;
	v17 =	vadd.f32 $-6.518441440e-02, v19  }
0x2db: {  	v15 =	vmul.f32 v15, v32;
	v16 =	vadd.f32 v39, v16;
	v19 =	vadd.f32 $-8.816570630e-04, v40;
	v23 =	vld [tilespmem:s13+$0x350];
	[tilespmem:s12+$0x6320] =	vst v7  }
0x2dc: {  	v11 =	vmul.f32 v11, v27;
	v7 =	vmul.f32 v17, v5;
	v17 =	vadd.f32 v20, v60;
	v20 =	vld [tilespmem:s13+$0x310]  }
0x2dd: {  	v61 =	vmul.f32 v25, v29;
	v15 =	vadd.f32 $3.982834220e-01, v15;
	v5 =	vadd.f32 v38, v16;
	v16 =	vld [tilespmem:s13+$0x320]  }
0x2de: {  	v62 =	vmul.f32 v19, v31;
	v19 =	vld [tilespmem:s13+$0x1320];
	[tilespmem:s12+$0x6370] =	vst v6;
	v6 =	vadd.f32 v13, v14;
	v63 =	vadd.f32 $3.982834220e-01, v11  }
0x2df: {  	v4 =	vadd.f32 v35, v17;
	v25 =	vadd.f32 $3.982834220e-01, v7;
	v17 =	vmax.f32 v5, $-3.799999950e+00  }
0x2e0: {  	v7 =	vadd.f32 v22, v43;
	v52 =	vadd.f32 $9.075118220e-03, v62;
	v13 =	vmin.f32 v17, $3.799999950e+00  }
0x2e1: {  	v22 =	vld [tilespmem:s13+$0x2310];
	v18 =	vadd.f32 v18, v23;
	v14 =	vadd.f32 v37, v6;
	v63 =	vmul.f32 v63, v26  }
0x2e2: {  	v17 =	vmul.f32 v13, v13;
	v27 =	vmax.f32 v4, $-3.799999950e+00;
	v6 =	vadd.f32 v34, v7  }
0x2e3: {  	v23 =	vld [tilespmem:s13+$0x2320];
	v46 =	vmul.f32 v25, v8;
	v25 =	vmul.f32 v15, v10;
	v18 =	vadd.f32 v33, v18  }
0x2e4: {  	v45 =	vmax.f32 v14, $-3.799999950e+00;
	v33 =	vmul.f32 v52, v31;
	v11 =	vadd.f32 v41, v20  }
0x2e5: {  	v44 =	vld [tilespmem:s13+$0x330];
	v20 =	vmul.f32 $3.136572600e-08, v17;
	v16 =	vadd.f32 v19, v16;
	v25 =	vadd.f32 $5.000000000e-01, v25  }
0x2e6: {  	v34 =	vadd.f32 $5.000000000e-01, v46;
	v8 =	vmax.f32 v18, $-3.799999950e+00;
	v7 =	vadd.f32 v22, v11  }
0x2e7: {  	v33 =	vadd.f32 $-6.518441440e-02, v33;
	v11 =	vadd.f32 $-2.007076770e-06, v20;
	v20 =	vmin.f32 v45, $3.799999950e+00  }
0x2e8: {  	v22 =	vmax.f32 v6, $-3.799999950e+00;
	v16 =	vadd.f32 v23, v16;
	v19 =	vmax.f32 v7, $-3.799999950e+00  }
0x2e9: {  	v8 =	vmin.f32 v8, $3.799999950e+00;
	v11 =	vmul.f32 v11, v17;
	v10 =	vmin.f32 v19, $3.799999950e+00  }
0x2ea: {  	v23 =	vadd.f32 v42, v44;
	v51 =	vmul.f32 v25, v9;
	v19 =	vmul.f32 v10, v10  }
0x2eb: {  	v9 =	vmin.f32 v27, $3.799999950e+00;
	v47 =	vadd.f32 $5.549060370e-05, v11;
	v11 =	vmin.f32 v22, $3.799999950e+00  }
0x2ec: {  	v22 =	vadd.f32 v12, v23;
	v12 =	vadd.f32 $-8.816570630e-04, v61;
	v50 =	vmul.f32 $3.136572600e-08, v19  }
0x2ed: {  	v24 =	vmul.f32 v34, v24;
	v34 =	vadd.f32 $5.000000000e-01, v63;
	v25 =	vmul.f32 v20, v20  }
0x2ee: {  	v15 =	vmul.f32 v8, v8;
	v53 =	vmul.f32 v12, v29;
	v38 =	vadd.f32 $-2.007076770e-06, v50  }
0x2ef: {  	v31 =	vmul.f32 v33, v31;
	v48 =	vmax.f32 v16, $-3.799999950e+00;
	v54 =	vmul.f32 $3.136572600e-08, v25  }
0x2f0: {  	v23 =	vmin.f32 v48, $3.799999950e+00;
	v36 =	vadd.f32 $9.075118220e-03, v53;
	v38 =	vmul.f32 v38, v19  }
0x2f1: {  	v49 =	vmul.f32 $3.136572600e-08, v15;
	v31 =	vadd.f32 $3.982834220e-01, v31;
	v27 =	vmul.f32 v23, v23  }
0x2f2: {  	v40 =	vadd.f32 $-2.007076770e-06, v54;
	v36 =	vmul.f32 v36, v29;
	v38 =	vadd.f32 $5.549060370e-05, v38  }
0x2f3: {  	v33 =	vadd.f32 $-2.007076770e-06, v49;
	v30 =	vmul.f32 v31, v30;
	v55 =	vmul.f32 $3.136572600e-08, v27  }
0x2f4: {  	v12 =	vmul.f32 v9, v9;
	v36 =	vadd.f32 $-6.518441440e-02, v36;
	v38 =	vmul.f32 v38, v19  }
0x2f5: {  	v26 =	vmul.f32 v11, v11;
	v40 =	vmul.f32 v40, v25;
	v41 =	vadd.f32 $-2.007076770e-06, v55  }
0x2f6: {  	v56 =	vmul.f32 $3.136572600e-08, v12;
	v29 =	vmul.f32 v36, v29;
	v38 =	vadd.f32 $-8.816570630e-04, v38  }
0x2f7: {  	v32 =	vmul.f32 v47, v17;
	v40 =	vadd.f32 $5.549060370e-05, v40;
	v41 =	vmul.f32 v41, v27  }
0x2f8: {  	v42 =	vadd.f32 $-2.007076770e-06, v56;
	v29 =	vadd.f32 $3.982834220e-01, v29;
	v57 =	vmul.f32 v38, v19  }
0x2f9: {  	v37 =	vadd.f32 $5.000000000e-01, v30;
	v40 =	vmul.f32 v40, v25;
	v58 =	vadd.f32 $5.549060370e-05, v41  }
0x2fa: {  	v59 =	vmul.f32 v42, v12;
	v28 =	vmul.f32 v29, v28;
	v60 =	vadd.f32 $9.075118220e-03, v57  }
0x2fb: {  	v32 =	vadd.f32 $-8.816570630e-04, v32;
	v62 =	vadd.f32 $-8.816570630e-04, v40;
	v61 =	vmul.f32 v58, v27  }
0x2fc: {  	v38 =	vadd.f32 $5.549060370e-05, v59;
	v28 =	vadd.f32 $5.000000000e-01, v28;
	v29 =	vmul.f32 v60, v19  }
0x2fd: {  	[tilespmem:s12+$0x6340] =	vst v51;
	v32 =	vmul.f32 v32, v17;
	v35 =	vmul.f32 v62, v25;
	v36 =	vadd.f32 $-8.816570630e-04, v61  }
0x2fe: {  	s26 =	simm.s32 $0x400;
	[tilespmem:s12+$0x6310] =	vst v24;
	v24 =	vmul.f32 v38, v12;
	v28 =	vmul.f32 v28, v21;
	v29 =	vadd.f32 $-6.518441440e-02, v29  }
.LBB2_10:
0x2ff: {  	v21 =	vmul.f32 v36, v27  }
0x300: {  	s4 =	sshra.s32 s26, $0x2;
	p0 =	sne.s32 s26, $0x3E00;
	s26 =	sadd.s32 $0x200, s26;
	v31 =	vmax.f32 v22, $-3.799999950e+00;
	v33 =	vmul.f32 v33, v15;
	v35 =	vadd.f32 $9.075118220e-03, v35  }
0x301: {  	v36 =	vmul.f32 $3.136572600e-08, v26;
	v32 =	vadd.f32 $9.075118220e-03, v32;
	v30 =	vld [tilespmem:s4+$0x2330];
	v37 =	vmul.f32 v37, v3;
	v3 =	vmovc v22  }
0x302: {  	v22 =	vld [tilespmem:s4+$0x2350];
	v38 =	vadd.f32 $9.075118220e-03, v21;
	v21 =	vmin.f32 v31, $3.799999950e+00;
	v31 =	vmul.f32 v34, v2;
	[tilespmem:s12+$0x6360] =	vst v28;
	v2 =	vmovc v18  }
0x303: {  	v34 =	vmul.f32 v35, v25;
	v35 =	vadd.f32 $-2.007076770e-06, v36;
	v33 =	vadd.f32 $5.549060370e-05, v33;
	v18 =	vld [tilespmem:s4+$0x2340];
	[tilespmem:s12+$0x6330] =	vst v37  }
0x304: {  	v24 =	vadd.f32 $-8.816570630e-04, v24;
	v28 =	vmul.f32 v21, v21;
	v36 =	vld [tilespmem:s4+$0x2360];
	v37 =	vmul.f32 v38, v27;
	[tilespmem:s12+$0x6350] =	vst v31;
	s12 =	smov.u32 s13;
	s13 =	smov.u32 s4  }
0x305: {  	v31 =	vadd.f32 $-6.518441440e-02, v34;
	v34 =	vmul.f32 v35, v26;
	v33 =	vmul.f32 v33, v15;
	v38 =	vld [tilespmem:s13+$0x2300]  }
0x306: {  	v32 =	vmul.f32 v32, v17;
	v39 =	vmul.f32 $3.136572600e-08, v28;
	v35 =	vld [tilespmem:s13+$0x2370];
	v37 =	vadd.f32 $-6.518441440e-02, v37  }
0x307: {  	v25 =	vmul.f32 v31, v25;
	v31 =	vadd.f32 $5.549060370e-05, v34;
	v33 =	vadd.f32 $-8.816570630e-04, v33;
	v40 =	vld [tilespmem:s13+$0x1370]  }
0x308: {  	v32 =	vadd.f32 $-6.518441440e-02, v32;
	v34 =	vld [tilespmem:s13+$0x1340];
	v27 =	vmul.f32 v37, v27;
	v37 =	vadd.f32 $-2.007076770e-06, v39  }
0x309: {  	v25 =	vadd.f32 $3.982834220e-01, v25;
	v31 =	vmul.f32 v31, v26;
	v33 =	vmul.f32 v33, v15;
	v39 =	vld [tilespmem:s13+$0x1310]  }
0x30a: {  	v17 =	vmul.f32 v32, v17;
	v41 =	vld [tilespmem:s13+$0x1360];
	v27 =	vadd.f32 $3.982834220e-01, v27;
	v37 =	vmul.f32 v37, v28  }
0x30b: {  	v20 =	vmul.f32 v25, v20;
	v25 =	vadd.f32 $-8.816570630e-04, v31;
	v31 =	vadd.f32 $9.075118220e-03, v33;
	v32 =	vld [tilespmem:s13+$0x1330]  }
0x30c: {  	v17 =	vadd.f32 $3.982834220e-01, v17;
	v33 =	vld [tilespmem:s13+$0x370];
	v23 =	vmul.f32 v27, v23;
	v27 =	vadd.f32 $5.549060370e-05, v37  }
0x30d: {  	v20 =	vadd.f32 $5.000000000e-01, v20;
	v25 =	vmul.f32 v25, v26;
	v31 =	vmul.f32 v31, v15;
	v37 =	vld [tilespmem:s13+$0x360]  }
0x30e: {  	v13 =	vmul.f32 v17, v13;
	v42 =	vld [tilespmem:s13+$0x1350];
	v23 =	vadd.f32 $5.000000000e-01, v23;
	v27 =	vmul.f32 v27, v28  }
0x30f: {  	v14 =	vmul.f32 v20, v14;
	v20 =	vadd.f32 $9.075118220e-03, v25;
	v25 =	vadd.f32 $-6.518441440e-02, v31;
	v17 =	vld [tilespmem:s13+$0x340]  }
0x310: {  	v13 =	vadd.f32 $5.000000000e-01, v13;
	v43 =	vld [tilespmem:s13+$0x1300];
	v16 =	vmul.f32 v23, v16;
	v23 =	vadd.f32 $-8.816570630e-04, v27  }
0x311: {  	v27 =	vld [tilespmem:s13+$0x300];
	v31 =	vadd.f32 v40, v33;
	[tilespmem:s12+$0x6300] =	vst v14;
	v14 =	vmul.f32 v29, v19;
	v19 =	vmul.f32 v20, v26  }
0x312: {  	v15 =	vmul.f32 v25, v15;
	v20 =	vld [tilespmem:s13+$0x350];
	v29 =	vadd.f32 v41, v37;
	[tilespmem:s12+$0x6320] =	vst v16;
	v33 =	vmul.f32 v23, v28  }
0x313: {  	v13 =	vmul.f32 v13, v5;
	v16 =	vld [tilespmem:s13+$0x310];
	v19 =	vadd.f32 $-6.518441440e-02, v19;
	v5 =	vadd.f32 v35, v31  }
0x314: {  	v25 =	vadd.f32 $3.982834220e-01, v14;
	v23 =	vld [tilespmem:s13+$0x320];
	v31 =	vadd.f32 v36, v29  }
0x315: {  	v34 =	vadd.f32 v34, v17;
	v29 =	vld [tilespmem:s13+$0x1320];
	v14 =	vmax.f32 v5, $-3.799999950e+00;
	v19 =	vmul.f32 v19, v26;
	[tilespmem:s12+$0x6370] =	vst v13  }
0x316: {  	v26 =	vadd.f32 v43, v27;
	v27 =	vld [tilespmem:s13+$0x2310];
	v35 =	vmax.f32 v31, $-3.799999950e+00;
	v13 =	vmin.f32 v14, $3.799999950e+00  }
0x317: {  	v37 =	vadd.f32 $3.982834220e-01, v15;
	v20 =	vadd.f32 v42, v20;
	v17 =	vmul.f32 v13, v13  }
0x318: {  	v24 =	vmul.f32 v24, v12;
	v14 =	vadd.f32 v38, v26;
	v15 =	vadd.f32 v39, v16;
	v16 =	vld [tilespmem:s13+$0x2320]  }
0x319: {  	v34 =	vadd.f32 v18, v34;
	v26 =	vld [tilespmem:s13+$0x330];
	v18 =	vadd.f32 v22, v20;
	v20 =	vmul.f32 $3.136572600e-08, v17  }
0x31a: {  	v19 =	vadd.f32 $3.982834220e-01, v19;
	v22 =	vmax.f32 v14, $-3.799999950e+00;
	v23 =	vadd.f32 v29, v23  }
0x31b: {  	v36 =	vmul.f32 v25, v10;
	v29 =	vadd.f32 v27, v15;
	v15 =	vadd.f32 $-2.007076770e-06, v20  }
0x31c: {  	v20 =	vmin.f32 v22, $3.799999950e+00;
	v22 =	vmax.f32 v34, $-3.799999950e+00;
	v10 =	vmax.f32 v18, $-3.799999950e+00  }
0x31d: {  	v38 =	vmin.f32 v10, $3.799999950e+00;
	v16 =	vadd.f32 v16, v23;
	v23 =	vmul.f32 v15, v17  }
0x31e: {  	v11 =	vmul.f32 v19, v11;
	v10 =	vmax.f32 v29, $-3.799999950e+00;
	v25 =	vadd.f32 v32, v26  }
0x31f: {  	v15 =	vmul.f32 v38, v38;
	v10 =	vmin.f32 v10, $3.799999950e+00;
	v23 =	vadd.f32 $5.549060370e-05, v23  }
0x320: {  	v27 =	vadd.f32 $5.000000000e-01, v11;
	v19 =	vmul.f32 v10, v10;
	v26 =	vmax.f32 v16, $-3.799999950e+00  }
0x321: {  	v11 =	vmin.f32 v22, $3.799999950e+00;
	v39 =	vmul.f32 $3.136572600e-08, v15;
	v23 =	vmul.f32 v23, v17  }
0x322: {  	v27 =	vmul.f32 v27, v6;
	v6 =	vmovc v34;
	v22 =	vadd.f32 v30, v25;
	v32 =	vmul.f32 $3.136572600e-08, v19  }
0x323: {  	v24 =	vadd.f32 $9.075118220e-03, v24;
	v25 =	vmul.f32 v20, v20;
	v30 =	vadd.f32 $-8.816570630e-04, v23  }
0x324: {  	v32 =	vadd.f32 $-2.007076770e-06, v32;
	v23 =	vmin.f32 v26, $3.799999950e+00;
	v26 =	vmin.f32 v35, $3.799999950e+00;
	[tilespmem:s12+$0x6340] =	vst v27  }
0x325: {  	v24 =	vmul.f32 v24, v12;
	v33 =	vadd.f32 $9.075118220e-03, v33;
	v27 =	vmul.f32 v23, v23  }
0x326: {  	v35 =	vadd.f32 $5.000000000e-01, v36;
	v34 =	vmul.f32 v26, v26;
	v32 =	vmul.f32 v32, v19  }
0x327: {  	v24 =	vadd.f32 $-6.518441440e-02, v24;
	v33 =	vmul.f32 v33, v28;
	v36 =	vmul.f32 $3.136572600e-08, v25  }
0x328: {  	v40 =	vmul.f32 $3.136572600e-08, v27;
	v41 =	vmul.f32 $3.136572600e-08, v34;
	v32 =	vadd.f32 $5.549060370e-05, v32  }
0x329: {  	v24 =	vmul.f32 v24, v12;
	v33 =	vadd.f32 $-6.518441440e-02, v33;
	v36 =	vadd.f32 $-2.007076770e-06, v36  }
0x32a: {  	v40 =	vadd.f32 $-2.007076770e-06, v40;
	v41 =	vadd.f32 $-2.007076770e-06, v41;
	v32 =	vmul.f32 v32, v19  }
0x32b: {  	v24 =	vadd.f32 $3.982834220e-01, v24;
	v28 =	vmul.f32 v33, v28;
	v36 =	vmul.f32 v36, v25  }
0x32c: {  	v40 =	vmul.f32 v40, v27;
	v42 =	vadd.f32 $-8.816570630e-04, v32;
	v32 =	vmul.f32 v30, v17  }
0x32d: {  	v33 =	vadd.f32 $-2.007076770e-06, v39;
	v12 =	vmov v34;
	v30 =	vadd.f32 $5.549060370e-05, v36  }
0x32e: {  	v39 =	vmul.f32 v41, v12;
	v36 =	vadd.f32 $5.549060370e-05, v40;
	v34 =	vmul.f32 v42, v19  }
0x32f: {  	v28 =	vadd.f32 $3.982834220e-01, v28;
	v35 =	vmul.f32 v35, v7;
	v7 =	vmovc v29;
	v30 =	vmul.f32 v30, v25  }
0x330: {  	v39 =	vadd.f32 $5.549060370e-05, v39;
	v29 =	vadd.f32 $9.075118220e-03, v34;
	v34 =	vmul.f32 v36, v27  }
.Ltmp4:
0x331: {  	v24 =	vmul.f32 v24, v9;
	v9 =	vmov v26;
	v30 =	vadd.f32 $-8.816570630e-04, v30;
	[tilespmem:s12+$0x6310] =	vst v35;
	(pc) =	sbr.rel @p0 .LBB2_10-.Ltmp4, $4  }
0x332: {  	v26 =	vmul.f32 v29, v19;
	v36 =	vadd.f32 $-8.816570630e-04, v34;
	v34 =	vmul.f32 v37, v8;
	v8 =	vmovc v38  }
0x333: {  	v21 =	vmul.f32 v28, v21;
	v28 =	vadd.f32 $5.000000000e-01, v24;
	v35 =	vmul.f32 v30, v25  }
0x334: {  	v29 =	vadd.f32 $-6.518441440e-02, v26;
	v26 =	vmul.f32 v11, v11;
	v34 =	vadd.f32 $5.000000000e-01, v34  }
0x335: {  	v28 =	vmul.f32 v28, v4;
	v4 =	vmovc v31;
	v24 =	vmul.f32 v39, v12;
	v37 =	vadd.f32 $5.000000000e-01, v21  }
0x336: {  	v21 =	vmax.f32 v22, $-3.799999950e+00  }
0x337: {  	v21 =	vmin.f32 v21, $3.799999950e+00  }
0x338: {  	v30 =	vmul.f32 $3.136572600e-08, v26;
	v31 =	vmul.f32 v21, v21  }
0x339: {  	v36 =	vmul.f32 v36, v27;
	v35 =	vadd.f32 $9.075118220e-03, v35;
	v33 =	vmul.f32 v33, v15  }
0x33a: {  	v2 =	vmul.f32 v34, v2;
	v32 =	vadd.f32 $9.075118220e-03, v32;
	v38 =	vmul.f32 $3.136572600e-08, v31  }
0x33b: {  	v19 =	vmul.f32 v29, v19;
	v24 =	vadd.f32 $-8.816570630e-04, v24;
	v30 =	vadd.f32 $-2.007076770e-06, v30  }
0x33c: {  	v3 =	vmul.f32 v37, v3;
	v36 =	vadd.f32 $9.075118220e-03, v36;
	v42 =	vadd.f32 $-2.007076770e-06, v38  }
0x33d: {  	v43 =	vmul.f32 v35, v25;
	v33 =	vadd.f32 $5.549060370e-05, v33;
	v30 =	vmul.f32 v30, v26  }
0x33e: {  	v32 =	vmul.f32 v32, v17;
	v19 =	vadd.f32 $3.982834220e-01, v19;
	v45 =	vmul.f32 v42, v31  }
0x33f: {  	v24 =	vmul.f32 v24, v12;
	v44 =	vmul.f32 v36, v27;
	v30 =	vadd.f32 $5.549060370e-05, v30  }
0x340: {  	v34 =	vadd.f32 $-6.518441440e-02, v43;
	v33 =	vmul.f32 v33, v15;
	v36 =	vadd.f32 $5.549060370e-05, v45  }
0x341: {  	v32 =	vadd.f32 $-6.518441440e-02, v32;
	v10 =	vmul.f32 v19, v10;
	v30 =	vmul.f32 v30, v26  }
0x342: {  	v24 =	vadd.f32 $9.075118220e-03, v24;
	v33 =	vadd.f32 $-8.816570630e-04, v33;
	v48 =	vmul.f32 v36, v31  }
0x343: {  	v35 =	vadd.f32 $-6.518441440e-02, v44;
	v46 =	vmul.f32 v34, v25;
	v30 =	vadd.f32 $-8.816570630e-04, v30  }
0x344: {  	v49 =	vmul.f32 v32, v17;
	v33 =	vmul.f32 v33, v15;
	v34 =	vadd.f32 $-8.816570630e-04, v48  }
0x345: {  	v60 =	vadd.f32 $5.000000000e-01, v10;
	v24 =	vmul.f32 v24, v12;
	v30 =	vmul.f32 v30, v26  }
0x346: {  	v25 =	vadd.f32 $3.982834220e-01, v46;
	v51 =	vadd.f32 $9.075118220e-03, v33;
	v50 =	vmul.f32 v34, v31  }
0x347: {  	v47 =	vmul.f32 v35, v27;
	v17 =	vadd.f32 $3.982834220e-01, v49;
	v30 =	vadd.f32 $9.075118220e-03, v30  }
0x348: {  	v20 =	vmul.f32 v25, v20;
	v53 =	vmul.f32 v51, v15;
	v25 =	vadd.f32 $9.075118220e-03, v50  }
0x349: {  	v24 =	vadd.f32 $-6.518441440e-02, v24;
	v27 =	vadd.f32 $3.982834220e-01, v47;
	v30 =	vmul.f32 v30, v26  }
0x34a: {  	v13 =	vmul.f32 v17, v13;
	v56 =	vadd.f32 $-6.518441440e-02, v53;
	v25 =	vmul.f32 v25, v31  }
0x34b: {  	v57 =	vmul.f32 v24, v12;
	v23 =	vmul.f32 v27, v23;
	v52 =	vadd.f32 $-6.518441440e-02, v30  }
0x34c: {  	v20 =	vadd.f32 $5.000000000e-01, v20;
	v58 =	vmul.f32 v56, v15;
	v55 =	vadd.f32 $-6.518441440e-02, v25  }
0x34d: {  	[tilespmem:s12+$0x6330] =	vst v3;
	v3 =	vadd.f32 $5.000000000e-01, v13;
	v12 =	vadd.f32 $3.982834220e-01, v57;
	v54 =	vmul.f32 v52, v26  }
0x34e: {  	[tilespmem:s12+$0x6350] =	vst v2;
	v14 =	vmul.f32 v20, v14;
	v2 =	vadd.f32 $3.982834220e-01, v58;
	v20 =	vmul.f32 v55, v31  }
0x34f: {  	v23 =	vadd.f32 $5.000000000e-01, v23;
	v9 =	vmul.f32 v12, v9;
	v17 =	vadd.f32 $3.982834220e-01, v54  }
0x350: {  	[tilespmem:s12+$0x6360] =	vst v28;
	v3 =	vmul.f32 v3, v5;
	v2 =	vmul.f32 v2, v8;
	v59 =	vadd.f32 $3.982834220e-01, v20  }
0x351: {  	v16 =	vmul.f32 v23, v16;
	[tilespmem:s13+$0x6300] =	vst v14;
	v62 =	vadd.f32 $5.000000000e-01, v9;
	v11 =	vmul.f32 v17, v11  }
0x352: {  	[tilespmem:s13+$0x6370] =	vst v3;
	v3 =	vmul.f32 v60, v7;
	v2 =	vadd.f32 $5.000000000e-01, v2;
	v61 =	vmul.f32 v59, v21  }
0x353: {  	[tilespmem:s13+$0x6320] =	vst v16;
	v4 =	vmul.f32 v62, v4;
	v11 =	vadd.f32 $5.000000000e-01, v11  }
0x354: {  	[tilespmem:s13+$0x6310] =	vst v3;
	v2 =	vmul.f32 v2, v18;
	v63 =	vadd.f32 $5.000000000e-01, v61  }
0x355: {  	[tilespmem:s13+$0x6360] =	vst v4;
	v6 =	vmul.f32 v11, v6  }
0x356: {  	[tilespmem:s13+$0x6350] =	vst v2;
	v3 =	vmul.f32 v63, v22  }
0x357: {  	[tilespmem:s13+$0x6340] =	vst v6  }
0x358: {  	[tilespmem:s13+$0x6330] =	vst v3  }
0x359: {  	[spmem:s3] =	stream.indirect.scatter.add.f32 [tilespmem:s20], [sflag:$0xB], $0x20, s22, s25, $0xb8;
	[tilespmem:$0x1FA00] =	vst v63  }
0x35a: {  	_ =	swait.ge [sflag:s21], $0x1000  }
0x35b: {  	[sflag:s21] =	ssyncset.done $0x0  }
0x35c: {  	[sflag:s21] =	ssyncadd.s32 $0xFFFFF000  }
0x35d: {  	_ =	swait.ge [sflag:s2], $0x80  }
0x35e: {  	[sflag:s2] =	ssyncset.done $0x0  }
0x35f: {  	[sflag:s2] =	ssyncadd.s32 $0xFFFFFF80  }
0x360: {  	_ =	swait.ge [sflag:s0], $0x80  }
0x361: {  	[sflag:s0] =	ssyncset.done $0x0  }
0x362: {  	[sflag:s0] =	ssyncadd.s32 $0xFFFFFF80  }
0x363: {  	[bflag:$0x0] =	sbarrier.arrive $0xFFFF  }
0x364: {  	s4 =	stileid.u32;
	s29 =	sld [smem:$0x7FC]  }
0x365: {  	s4 =	sshll.u32 s4, $0x6;
	s28 =	rddreg [dreg:$0x4]  }
0x366: {  	s4 =	sor.u32 $0x1C0B, s4;
	s26 =	sshrl.u32 s28, $0x3  }
0x367: {  	[hbm:s29], [sflag:s4] =	dma.local [spmem:s26], $0x30E0  }
0x368: {  	_ =	swait.ge [sflag:s21], $0x30E0  }
0x369: {  	s26 =	sld [smem:$0x7FA]  }
0x36a: {  	s29 =	sld [smem:$0x7FD];
	_ =	sdelay $0x1  }
0x36b: {  	s12 =	sadd.s32 $0x1, s26  }
0x36c: {  	p0 =	sne.s32 s12, s29  }
.Ltmp5:
0x36d: {  	_ = 	snop;
	(pc) =	sbr.rel @p0 .LBB2_1-.Ltmp5, $3  }
0x36e: {  	_ =	sdelay $0x1  }
0x36f: {  	[sflag:s21] =	ssyncset.done $0x0  }
0x370: {  	[sflag:s21] =	ssyncadd.s32 $0xFFFFCF20  }
0x371: {  	_ =	sfence.sel $0x180000  }
0x372: {  	[bflag:$0x0] =	sbarrier.arrive $0xFFFF  }
0x373: {  	_ =	strace $0x90000047  }
0x374: {  	s0 =	stileid.u32;
	[bflag:$0x2] =	sbarrier.arrive $0xFFFF  }
0x375: {  	p0 =	sne.s32 s0, $0x0;
	s0 =	rddreg [dreg:$0x3]  }
0x376: {  	s0 =	sadd.s32 @!p0 $0x100000, s0  }
0x377: {  	[sflag:s0] =	ssyncadd.tile.s32 @!p0 $0x1;
	_ =	shalt  }
.Lfunc_end2:
_tile_overlayer_lowered:
.L_overlay_start_2:
0x378: {  	(tag) =	ssettag $0x2  }
0x379: {  	s0 =	rddreg [dreg:$0x0];
	s2 =	stileid.u32  }
0x37a: {  	s1 =	rddreg [dreg:$0x1];
	p0 =	sne.s32 s2, $0x0  }
0x37b: {  	s3 =	rddreg [dreg:$0x2];
	[bflag:$0x3] =	sbarrier.arrive $0xFFFF;
	s2 =	simm.s32 @!p0 $0x1C0B  }
0x37c: {  	[timem:s3], [sflag:s2] =	dma.local @!p0 [hbm:s0], s1  }
0x37d: {  	s0 =	simm.s32 @!p0 $0xB  }
0x37e: {  	_ =	swait.ge @!p0 [sflag:s0], s1  }
0x37f: {  	s1 =	ssub.s32 @!p0 $0x0, s1;
	[sflag:s0] =	ssyncset.done @!p0 $0x0  }
0x380: {  	[sflag:s0] =	ssyncadd.s32 @!p0 s1  }
0x381: {  	[bflag:$0x3] =	sbarrier.arrive $0xFFFF  }
0x382: {  	_ =	shalt  }

</sc_bundles>
